<compile_context>
chip_gen: v7x
topology: tpu7x:2x2x1
jax: 0.10.2.dev20260603
libtpu: 0.0.44.dev20260713+nightly
codegen_flags: <defaults>
</compile_context>

<pallas_src>
import functools

import jax
import jax.numpy as jnp
from jax import lax
from jax.experimental import pallas as pl
from jax.experimental.pallas import tpu as pltpu
from jax.experimental.pallas import tpu_sc as plsc

N = 10000
NPAD = 10240
E = 320000
EPAD = 327680
NL = 100000
NLPAD = 106496
F_IN = 128
C = 64

NC = 2
NS = 16
NW = NC * NS

EPT_A = EPAD // NS
NVEC_A = EPT_A // 16
DROWS = NPAD // 16
DROWS_PT = DROWS // NS

EPT_B = EPAD // NW
BCH = 256
IDXC = 128
NCH_B = EPT_B // BCH
ROWS_PT = NPAD // NS

LPT = NLPAD // NW
NCH_D = LPT // BCH

_mesh = plsc.VectorSubcoreMesh(
    core_axis_name="c", subcore_axis_name="s", num_cores=NC, num_subcores=NS)
_sc_params = pltpu.CompilerParams(needs_layout_passes=False,
                                  use_tc_tiling_on_sc=False)


def _rsqrt_newton(d):
  i = plsc.bitcast(d, jnp.int32)
  i = jnp.int32(0x5F3759DF) - lax.shift_right_logical(i, 1)
  z = plsc.bitcast(i, jnp.float32)
  half = d * 0.5
  for _ in range(3):
    z = z * (1.5 - half * z * z)
  return z


def _sc_deg_body(src_hbm, dst_hbm, ew_hbm, zdeg_hbm, iota_hbm,
                 dis_hbm, w_hbm,
                 src_v, dst_v, ew_v, part_v, idx_v, tmp_v, w_v, acc_ref, sem):
  c = lax.axis_index("c")
  s = lax.axis_index("s")

  @pl.when(c == 0)
  def _():
    base = s * EPT_A
    pltpu.sync_copy(dst_hbm.at[pl.ds(base, EPT_A)], dst_v)
    pltpu.sync_copy(ew_hbm.at[pl.ds(base, EPT_A)], ew_v)
    pltpu.sync_copy(zdeg_hbm, part_v)
    pltpu.sync_copy(iota_hbm, idx_v)
    pltpu.sync_copy(zdeg_hbm.at[pl.ds(s * DROWS_PT, DROWS_PT)],
                    acc_ref.at[pl.ds(s * DROWS_PT, DROWS_PT)])

    @pl.loop(0, NVEC_A, unroll=4)
    def _(i):
      d16 = dst_v[pl.ds(i * 16, 16)]
      e16 = ew_v[pl.ds(i * 16, 16)]
      plsc.addupdate_scatter(
          part_v,
          [lax.shift_right_logical(d16, 4), jnp.bitwise_and(d16, 15)], e16)

    plsc.subcore_barrier()
    @pl.loop(0, DROWS // IDXC)
    def _(j):
      pltpu.async_copy(part_v.at[pl.ds(j * IDXC, IDXC)],
                       acc_ref.at[idx_v.at[j]], sem, add=True).wait()
    plsc.subcore_barrier()

    rbase = s * DROWS_PT
    pltpu.sync_copy(acc_ref.at[pl.ds(rbase, DROWS_PT)], tmp_v)

    @pl.loop(0, DROWS_PT)
    def _(r):
      tmp_v[r] = _rsqrt_newton(tmp_v[r] + 1.0)

    pltpu.sync_copy(tmp_v, acc_ref.at[pl.ds(rbase, DROWS_PT)])
    pltpu.sync_copy(tmp_v, dis_hbm.at[pl.ds(rbase, DROWS_PT)])
    plsc.subcore_barrier()
    pltpu.sync_copy(acc_ref, part_v)

    pltpu.sync_copy(src_hbm.at[pl.ds(base, EPT_A)], src_v)

    @plsc.parallel_loop(0, NVEC_A, unroll=4)
    def _(i):
      s16 = src_v[pl.ds(i * 16, 16)]
      d16 = plsc.load_gather(
          part_v,
          [lax.shift_right_logical(s16, 4), jnp.bitwise_and(s16, 15)])
      w_v[pl.ds(i * 16, 16)] = d16 * ew_v[pl.ds(i * 16, 16)]

    pltpu.sync_copy(w_v, w_hbm.at[pl.ds(base, EPT_A)])


_sc_deg = pl.kernel(
    _sc_deg_body,
    out_type=[jax.ShapeDtypeStruct((DROWS, 16), jnp.float32),
              jax.ShapeDtypeStruct((EPAD,), jnp.float32)],
    mesh=_mesh,
    compiler_params=_sc_params,
    scratch_types=[
        pltpu.VMEM((EPT_A,), jnp.int32),
        pltpu.VMEM((EPT_A,), jnp.int32),
        pltpu.VMEM((EPT_A,), jnp.float32),
        pltpu.VMEM((DROWS, 16), jnp.float32),
        pltpu.VMEM((DROWS // IDXC, IDXC), jnp.int32),
        pltpu.VMEM((DROWS_PT, 16), jnp.float32),
        pltpu.VMEM((EPT_A,), jnp.float32),
        pltpu.VMEM_SHARED((DROWS, 16), jnp.float32),
        pltpu.SemaphoreType.DMA,
    ])


def _sc_scatter_body(h_hbm, src3_hbm, dst3_hbm, w_hbm, zrows_hbm,
                     out_hbm,
                     src_v, dst_v, w_v,
                     r0, r1, r2,
                     acc_ref,
                     g0, g1, g2,
                     s0, s1, s2):
  c = lax.axis_index("c")
  s = lax.axis_index("s")
  wid = c * NS + s
  base = wid * EPT_B
  rows = [r0, r1, r2]
  gs = [g0, g1, g2]
  ss = [s0, s1, s2]

  pltpu.sync_copy(src3_hbm.at[wid], src_v)
  pltpu.sync_copy(dst3_hbm.at[wid], dst_v)
  pltpu.sync_copy(w_hbm.at[pl.ds(base, EPT_B)], w_v)
  pltpu.sync_copy(zrows_hbm, acc_ref.at[pl.ds(s * ROWS_PT, ROWS_PT)])
  plsc.subcore_barrier()

  def gather_start(ch, b):
    pltpu.async_copy(h_hbm.at[src_v.at[ch]], rows[b], gs[b])

  def gather_wait(b):
    pltpu.make_async_copy(h_hbm.at[pl.ds(0, BCH)], rows[b], gs[b]).wait()

  def scatter_start(ch, b):
    pltpu.async_copy(rows[b], acc_ref.at[dst_v.at[ch]], ss[b], add=True)

  def scatter_wait(b):
    pltpu.make_async_copy(h_hbm.at[pl.ds(0, BCH)], rows[b], ss[b]).wait()

  def scale(ch, b):
    rb = rows[b]

    @plsc.parallel_loop(0, BCH, unroll=8)
    def _(e):
      wv = plsc.load_gather(w_v, [jnp.full((16,), ch * BCH + e, jnp.int32)])
      for q in range(4):
        sl = pl.ds(q * 16, 16)
        rb[e, sl] = rb[e, sl] * wv

  NB, LA = 3, 1
  NMAIN = NCH_B - LA
  assert NMAIN % NB == 0 and NMAIN - 1 + LA < NCH_B
  gather_start(0, 0)

  @pl.loop(0, NMAIN // NB)
  def _(j):
    for b in range(NB):
      i = NB * j + b
      bn = (b + LA) % NB
      if b < 2:
        @pl.when(j > 0)
        def _():
          scatter_wait(bn)
      else:
        scatter_wait(bn)
      gather_start(i + LA, bn)
      gather_wait(b)
      scale(i, b)
      scatter_start(i, b)

  i = NCH_B - 1
  gather_wait(i % NB)
  scale(i, i % NB)
  scatter_start(i, i % NB)
  for k in range(NCH_B - NB, NCH_B):
    scatter_wait(k % NB)

  plsc.subcore_barrier()
  pltpu.sync_copy(acc_ref.at[pl.ds(s * ROWS_PT, ROWS_PT)],
                  out_hbm.at[c, pl.ds(s * ROWS_PT, ROWS_PT)])


_sc_scatter = pl.kernel(
    _sc_scatter_body,
    out_type=jax.ShapeDtypeStruct((NC, NPAD, C), jnp.float32),
    mesh=_mesh,
    compiler_params=_sc_params,
    scratch_types=[
        pltpu.VMEM((NCH_B, BCH), jnp.int32),
        pltpu.VMEM((NCH_B, BCH), jnp.int32),
        pltpu.VMEM((EPT_B,), jnp.float32),
    ] + [pltpu.VMEM((BCH, C), jnp.float32)] * 3
    + [pltpu.VMEM_SHARED((NPAD, C), jnp.float32)]
    + [pltpu.SemaphoreType.DMA] * 6)


def _sc_pairs_body(a_hbm, b_hbm, l03_hbm, l13_hbm,
                   zp3_hbm,
                   l0_v, l1_v, ra0, ra1, ra2, rb0, rb1, rb2,
                   ga0, ga1, ga2, gb0, gb1, gb2, os0, os1, os2):
  c = lax.axis_index("c")
  s = lax.axis_index("s")
  wid = c * NS + s
  ra = [ra0, ra1, ra2]
  rb = [rb0, rb1, rb2]
  ga = [ga0, ga1, ga2]
  gb = [gb0, gb1, gb2]
  os_ = [os0, os1, os2]
  pltpu.sync_copy(l03_hbm.at[wid], l0_v)
  pltpu.sync_copy(l13_hbm.at[wid], l1_v)

  def gathers_start(ch, b):
    pltpu.async_copy(a_hbm.at[l0_v.at[ch]], ra[b], ga[b])
    pltpu.async_copy(b_hbm.at[l1_v.at[ch]], rb[b], gb[b])

  def gathers_wait(b):
    pltpu.make_async_copy(a_hbm.at[pl.ds(0, BCH)], ra[b], ga[b]).wait()
    pltpu.make_async_copy(a_hbm.at[pl.ds(0, BCH)], rb[b], gb[b]).wait()

  def out_start(ch, b):
    pltpu.async_copy(ra[b], zp3_hbm.at[wid * NCH_D + ch], os_[b])

  def out_wait(b):
    pltpu.make_async_copy(ra[b], zp3_hbm.at[0], os_[b]).wait()

  def add(b):
    va, vb = ra[b], rb[b]

    @plsc.parallel_loop(0, BCH, unroll=8)
    def _(r):
      for q in range(4):
        sl = pl.ds(q * 16, 16)
        va[r, sl] = va[r, sl] + vb[r, sl]

  NB, LA = 3, 1
  NMAIN = NCH_D - LA
  assert NMAIN % NB == 0 and NMAIN - 1 + LA < NCH_D
  gathers_start(0, 0)

  @pl.loop(0, NMAIN // NB)
  def _(j):
    for b in range(NB):
      i = NB * j + b
      bn = (b + LA) % NB
      if b < 2:
        @pl.when(j > 0)
        def _():
          out_wait(bn)
      else:
        out_wait(bn)
      gathers_start(i + LA, bn)
      gathers_wait(b)
      add(b)
      out_start(i, b)

  i = NCH_D - 1
  gathers_wait(i % NB)
  add(i % NB)
  out_start(i, i % NB)
  for k in range(NCH_D - NB, NCH_D):
    out_wait(k % NB)


_sc_pairs = pl.kernel(
    _sc_pairs_body,
    out_type=jax.ShapeDtypeStruct((NW * NCH_D, BCH, C), jnp.float32),
    mesh=_mesh,
    compiler_params=_sc_params,
    scratch_types=[
        pltpu.VMEM((NCH_D, BCH), jnp.int32),
        pltpu.VMEM((NCH_D, BCH), jnp.int32),
    ] + [pltpu.VMEM((BCH, C), jnp.float32)] * 6
    + [pltpu.SemaphoreType.DMA] * 9)


_DOT = jnp.dot
_RB = 1000


def _tc_mm1_body(x_ref, w_ref, o_ref):
  o_ref[...] = _DOT(x_ref[...], w_ref[...])


def _tc_mm1(x, w1):
  return pl.pallas_call(
      _tc_mm1_body,
      grid=(N // _RB,),
      in_specs=[pl.BlockSpec((_RB, F_IN), lambda i: (i, 0)),
                pl.BlockSpec((F_IN, C), lambda i: (0, 0))],
      out_specs=pl.BlockSpec((_RB, C), lambda i: (i, 0)),
      out_shape=jax.ShapeDtypeStruct((N, C), jnp.float32),
  )(x, w1)


def _tc_mid_body(acc_ref, hp_ref, dis_ref, b_ref, a_ref, w_ref, o_ref):
  dis = dis_ref[...]
  acc = acc_ref[0] + acc_ref[1]
  pre = (acc + dis * hp_ref[...]) * dis + b_ref[...]
  h = jnp.where(pre >= 0, pre, a_ref[0, 0] * pre)
  o_ref[...] = _DOT(h, w_ref[...])


def _tc_mid(acc, hp, dis, b, a, w):
  return pl.pallas_call(
      _tc_mid_body,
      grid=(N // _RB,),
      in_specs=[pl.BlockSpec((NC, _RB, C), lambda i: (0, i, 0)),
                pl.BlockSpec((_RB, C), lambda i: (i, 0)),
                pl.BlockSpec((_RB, 1), lambda i: (i, 0)),
                pl.BlockSpec((1, C), lambda i: (0, 0)),
                pl.BlockSpec((1, 1), lambda i: (0, 0)),
                pl.BlockSpec((C, C), lambda i: (0, 0))],
      out_specs=pl.BlockSpec((_RB, C), lambda i: (i, 0)),
      out_shape=jax.ShapeDtypeStruct((N, C), jnp.float32),
  )(acc, hp, dis, b, a, w)


def _tc_head_body(acc_ref, hp_ref, dis_ref, b_ref, a_ref, wa_ref, wb_ref,
                  bd_ref, oa_ref, ob_ref):
  dis = dis_ref[...]
  acc = acc_ref[0] + acc_ref[1]
  pre = (acc + dis * hp_ref[...]) * dis + b_ref[...]
  h = jnp.where(pre >= 0, pre, a_ref[0, 0] * pre)
  oa_ref[...] = _DOT(h, wa_ref[...]) + bd_ref[...]
  ob_ref[...] = _DOT(h, wb_ref[...])


def _tc_head(acc, hp, dis, b, a, wa, wb, bd):
  return pl.pallas_call(
      _tc_head_body,
      grid=(N // _RB,),
      in_specs=[pl.BlockSpec((NC, _RB, C), lambda i: (0, i, 0)),
                pl.BlockSpec((_RB, C), lambda i: (i, 0)),
                pl.BlockSpec((_RB, 1), lambda i: (i, 0)),
                pl.BlockSpec((1, C), lambda i: (0, 0)),
                pl.BlockSpec((1, 1), lambda i: (0, 0)),
                pl.BlockSpec((C, C), lambda i: (0, 0)),
                pl.BlockSpec((C, C), lambda i: (0, 0)),
                pl.BlockSpec((1, C), lambda i: (0, 0))],
      out_specs=[pl.BlockSpec((_RB, C), lambda i: (i, 0)),
                 pl.BlockSpec((_RB, C), lambda i: (i, 0))],
      out_shape=[jax.ShapeDtypeStruct((N, C), jnp.float32),
                 jax.ShapeDtypeStruct((N, C), jnp.float32)],
  )(acc, hp, dis, b, a, wa, wb, bd)


_LB = 8192


def _tc_out_body(zp_ref, a_ref, w_ref, b_ref, o_ref):
  z = zp_ref[...]
  z = jnp.where(z >= 0, z, a_ref[0, 0] * z)
  o_ref[...] = _DOT(z, w_ref[...]) + b_ref[0, 0]


def _tc_out(zp, a, w, b):
  return pl.pallas_call(
      _tc_out_body,
      grid=(NLPAD // _LB,),
      in_specs=[pl.BlockSpec((_LB, C), lambda i: (i, 0)),
                pl.BlockSpec((1, 1), lambda i: (0, 0)),
                pl.BlockSpec((C, 1), lambda i: (0, 0)),
                pl.BlockSpec((1, 1), lambda i: (0, 0))],
      out_specs=pl.BlockSpec((_LB, 1), lambda i: (i, 0)),
      out_shape=jax.ShapeDtypeStruct((NLPAD, 1), jnp.float32),
  )(zp, a, w, b)


def kernel(x, edge_index, edge_weight, label_edge_index,
           W1, b1, a1, W2, b2, a2, Wd1, bd1, ad, Wd2, bd2):
  i32 = jnp.int32
  f32 = jnp.float32
  src = edge_index[0].astype(i32)
  dst = edge_index[1].astype(i32)
  ew = edge_weight.astype(f32)
  epad = EPAD - E
  src_p = jnp.concatenate([src, jnp.zeros((epad,), i32)])
  dst_p = jnp.concatenate([dst, jnp.zeros((epad,), i32)])
  ew_p = jnp.concatenate([ew, jnp.zeros((epad,), f32)])
  lpad = NLPAD - NL
  l0_p = jnp.concatenate([label_edge_index[0].astype(i32),
                          jnp.zeros((lpad,), i32)])
  l1_p = jnp.concatenate([label_edge_index[1].astype(i32),
                          jnp.zeros((lpad,), i32)])

  zdeg = jnp.zeros((DROWS, 16), f32)
  iota_rows = jnp.arange(DROWS, dtype=i32).reshape(DROWS // IDXC, IDXC)
  zrows = jnp.zeros((ROWS_PT, C), f32)
  src3 = src_p.reshape(NW, NCH_B, BCH)
  dst3 = dst_p.reshape(NW, NCH_B, BCH)
  l03 = l0_p.reshape(NW, NCH_D, BCH)
  l13 = l1_p.reshape(NW, NCH_D, BCH)

  dis2d, w_e = _sc_deg(src_p, dst_p, ew_p, zdeg, iota_rows)
  dis = dis2d.reshape(NPAD)[:N].reshape(N, 1)

  h1p = _tc_mm1(x, W1)
  acc1 = _sc_scatter(h1p, src3, dst3, w_e, zrows)
  h2p = _tc_mid(acc1, h1p, dis, b1.reshape(1, C), a1.reshape(1, 1), W2)

  acc2 = _sc_scatter(h2p, src3, dst3, w_e, zrows)
  A, B = _tc_head(acc2, h2p, dis, b2.reshape(1, C), a2.reshape(1, 1),
                  Wd1[:C], Wd1[C:], bd1.reshape(1, C))

  zp = _sc_pairs(A, B, l03, l13).reshape(NLPAD, C)
  out = _tc_out(zp, ad.reshape(1, 1), Wd2, bd2.reshape(1, 1))
  return out[:NL]

# --- scband reference (transcript-rebuilt; emitter-appended) ---
"""Pipeline reference for scband-gnnnet-38620345925784 (READ-ONLY COPY).

The authoritative reference and input builder live on the scoring server;
editing this copy changes nothing except your own understanding.
"""

import jax, jax.numpy as jnp
import numpy as np

N_NODES = 10000
N_EDGES = 320000
N_LABEL = 100000
F_IN = 128
C_DIM = 64
D_DIM = 64


def prelu(x, a):
    return jnp.where(x >= 0, x, a * x)


def gcn_conv(x, edge_index, edge_weight, W, b):
    # PyG GCNConv: add self-loops (weight 1), symmetric normalization, then
    # out = scatter_add(norm * (XW)[src] -> dst) + bias
    N = x.shape[0]
    loop = jnp.arange(N, dtype=edge_index.dtype)
    src = jnp.concatenate([edge_index[0], loop])
    dst = jnp.concatenate([edge_index[1], loop])
    ew = jnp.concatenate([edge_weight, jnp.ones((N,), edge_weight.dtype)])
    deg = jnp.zeros((N,), x.dtype).at[dst].add(ew)
    dis = jnp.where(deg > 0, 1.0 / jnp.sqrt(deg), 0.0)
    norm = dis[src] * ew * dis[dst]
    h = x @ W
    msg = h[src] * norm[:, None]
    out = jnp.zeros((N, W.shape[1]), x.dtype).at[dst].add(msg)
    return out + b


def setup_inputs(seed: int = 0):
    key = jax.random.key(seed)
    ks = [jax.random.fold_in(key, i) for i in range(16)]
    x = jax.random.normal(ks[0], (N_NODES, F_IN), jnp.float32)
    edge_index = jax.random.randint(ks[1], (2, N_EDGES), 0, N_NODES)
    edge_weight = jax.random.uniform(ks[2], (N_EDGES,), jnp.float32)
    label_edge_index = jax.random.randint(ks[3], (2, N_LABEL), 0, N_NODES)
    W1 = jax.random.normal(ks[4], (F_IN, C_DIM), jnp.float32) * (1.0 / np.sqrt(F_IN))
    b1 = jnp.zeros((C_DIM,), jnp.float32)
    a1 = jnp.asarray(0.25, jnp.float32)
    W2 = jax.random.normal(ks[5], (C_DIM, C_DIM), jnp.float32) * (1.0 / np.sqrt(C_DIM))
    b2 = jnp.zeros((C_DIM,), jnp.float32)
    a2 = jnp.asarray(0.25, jnp.float32)
    Wd1 = jax.random.normal(ks[6], (2 * C_DIM, D_DIM), jnp.float32) * (1.0 / np.sqrt(2 * C_DIM))
    bd1 = jnp.zeros((D_DIM,), jnp.float32)
    ad = jnp.asarray(0.25, jnp.float32)
    Wd2 = jax.random.normal(ks[7], (D_DIM, 1), jnp.float32) * (1.0 / np.sqrt(D_DIM))
    bd2 = jnp.zeros((1,), jnp.float32)
    return {"x": x, "edge_index": edge_index, "edge_weight": edge_weight,
            "label_edge_index": label_edge_index,
            "W1": W1, "b1": b1, "a1": a1, "W2": W2, "b2": b2, "a2": a2,
            "Wd1": Wd1, "bd1": bd1, "ad": ad, "Wd2": Wd2, "bd2": bd2}


def reference(x, edge_index, edge_weight, label_edge_index,
              W1, b1, a1, W2, b2, a2, Wd1, bd1, ad, Wd2, bd2):
    h = prelu(gcn_conv(x, edge_index, edge_weight, W1, b1), a1)
    h = prelu(gcn_conv(h, edge_index, edge_weight, W2, b2), a2)
    x1 = h[label_edge_index[0]]
    x2 = h[label_edge_index[1]]
    z = jnp.concatenate([x1, x2], axis=-1)
    z = prelu(z @ Wd1 + bd1, ad)
    return z @ Wd2 + bd2

if __name__ == "__main__":
    import jax
    _d = setup_inputs()
    print(jax.jit(kernel)(*tuple(_d.values())))

</pallas_src>

<mosaic_0001>
#map = affine_map<(d0, d1) -> (0, 0)>
#map1 = affine_map<(d0, d1) -> (0, 0, 0)>
#map2 = affine_map<(d0, d1) -> (0)>
module attributes {stable_mosaic.version = 14 : i64} {
  func.func @_sc_scatter_body(%arg0: i32, %arg1: i32, %arg2: memref<10000x64xf32, #tpu.memory_space<hbm>>, %arg3: memref<32x40x256xi32, #tpu.memory_space<hbm>>, %arg4: memref<32x40x256xi32, #tpu.memory_space<hbm>>, %arg5: memref<327680xf32, #tpu.memory_space<hbm>>, %arg6: memref<640x64xf32, #tpu.memory_space<hbm>>, %arg7: memref<2x10240x64xf32, #tpu.memory_space<hbm>>, %arg8: memref<40x256xi32, #tpu.memory_space<vmem>>, %arg9: memref<40x256xi32, #tpu.memory_space<vmem>>, %arg10: memref<10240xf32, #tpu.memory_space<vmem>>, %arg11: memref<256x64xf32, #tpu.memory_space<vmem>>, %arg12: memref<256x64xf32, #tpu.memory_space<vmem>>, %arg13: memref<256x64xf32, #tpu.memory_space<vmem>>, %arg14: memref<10240x64xf32, #tpu.memory_space<vmem_shared>>, %arg15: memref<!tpu.dma_semaphore, #tpu.memory_space<semaphore_mem>>, %arg16: memref<!tpu.dma_semaphore, #tpu.memory_space<semaphore_mem>>, %arg17: memref<!tpu.dma_semaphore, #tpu.memory_space<semaphore_mem>>, %arg18: memref<!tpu.dma_semaphore, #tpu.memory_space<semaphore_mem>>, %arg19: memref<!tpu.dma_semaphore, #tpu.memory_space<semaphore_mem>>, %arg20: memref<!tpu.dma_semaphore, #tpu.memory_space<semaphore_mem>>) attributes {dimension_semantics = [#tpu.dimension_semantics<core_parallel>, #tpu.dimension_semantics<subcore_parallel>], iteration_bounds = array<i64: 2, 16>, scalar_prefetch = 0 : i64, scratch_operands = 13 : i64, tpu.core_type = #tpu.core_type<sc_vector_subcore>, window_params = [{transform_indices = #map}, {transform_indices = #map1}, {transform_indices = #map1}, {transform_indices = #map2}, {transform_indices = #map}, {transform_indices = #map1}]} {
    %mul3A = arith.constant 16 : i32
    %mul3A_0 = arith.muli %arg0, %mul3A : i32
    %add3A = arith.addi %mul3A_0, %arg1 : i32
    %mul3A_1 = arith.constant 10240 : i32
    %mul3A_2 = arith.muli %add3A, %mul3A_1 : i32
    "tpu.region"() ({
      %run_scoped3A = tpu.sem_alloc : memref<!tpu.dma_semaphore, #tpu.memory_space<semaphore_mem>>
      %dma_start3A_52 = arith.constant 0 : i32
      %dma_start3A_53 = arith.constant 0 : i32
      %dma_start3A_54 = tpu.memref_slice %arg3[%add3A, %dma_start3A_52, %dma_start3A_53] : memref<32x40x256xi32, #tpu.memory_space<hbm>> -> memref<1x40x256xi32, #tpu.memory_space<hbm>>
      %dma_start3A_55 = tpu.memref_squeeze %dma_start3A_54 : memref<1x40x256xi32, #tpu.memory_space<hbm>> -> memref<40x256xi32, #tpu.memory_space<hbm>>
      %dma_start3A_56 = arith.constant 0 : i32
      %dma_start3A_57 = arith.constant 0 : i32
      %dma_start3A_58 = tpu.memref_slice %arg3[%add3A, %dma_start3A_56, %dma_start3A_57] : memref<32x40x256xi32, #tpu.memory_space<hbm>> -> memref<1x40x256xi32, #tpu.memory_space<hbm>>
      %dma_start3A_59 = tpu.memref_squeeze %dma_start3A_58 : memref<1x40x256xi32, #tpu.memory_space<hbm>> -> memref<40x256xi32, #tpu.memory_space<hbm>>
      tpu.enqueue_dma source(%dma_start3A_59 : memref<40x256xi32, #tpu.memory_space<hbm>>) target(%arg8 : memref<40x256xi32, #tpu.memory_space<vmem>>) target_semaphore(%run_scoped3A : memref<!tpu.dma_semaphore, #tpu.memory_space<semaphore_mem>>)
      %dma_wait3A_60 = arith.constant 0 : i32
      %dma_wait3A_61 = arith.constant 0 : i32
      %dma_wait3A_62 = tpu.memref_slice %arg3[%add3A, %dma_wait3A_60, %dma_wait3A_61] : memref<32x40x256xi32, #tpu.memory_space<hbm>> -> memref<1x40x256xi32, #tpu.memory_space<hbm>>
      %dma_wait3A_63 = tpu.memref_squeeze %dma_wait3A_62 : memref<1x40x256xi32, #tpu.memory_space<hbm>> -> memref<40x256xi32, #tpu.memory_space<hbm>>
      %dma_wait3A_64 = arith.constant 0 : i32
      %dma_wait3A_65 = arith.constant 0 : i32
      %dma_wait3A_66 = tpu.memref_slice %arg3[%add3A, %dma_wait3A_64, %dma_wait3A_65] : memref<32x40x256xi32, #tpu.memory_space<hbm>> -> memref<1x40x256xi32, #tpu.memory_space<hbm>>
      %dma_wait3A_67 = tpu.memref_squeeze %dma_wait3A_66 : memref<1x40x256xi32, #tpu.memory_space<hbm>> -> memref<40x256xi32, #tpu.memory_space<hbm>>
      tpu.wait_dma2 semaphore(%run_scoped3A : memref<!tpu.dma_semaphore, #tpu.memory_space<semaphore_mem>>) src(%dma_wait3A_67 : memref<40x256xi32, #tpu.memory_space<hbm>>) dst(%arg8 : memref<40x256xi32, #tpu.memory_space<vmem>>)
      tpu.yield
    }) : () -> ()
    "tpu.region"() ({
      %run_scoped3A = tpu.sem_alloc : memref<!tpu.dma_semaphore, #tpu.memory_space<semaphore_mem>>
      %dma_start3A_52 = arith.constant 0 : i32
      %dma_start3A_53 = arith.constant 0 : i32
      %dma_start3A_54 = tpu.memref_slice %arg4[%add3A, %dma_start3A_52, %dma_start3A_53] : memref<32x40x256xi32, #tpu.memory_space<hbm>> -> memref<1x40x256xi32, #tpu.memory_space<hbm>>
      %dma_start3A_55 = tpu.memref_squeeze %dma_start3A_54 : memref<1x40x256xi32, #tpu.memory_space<hbm>> -> memref<40x256xi32, #tpu.memory_space<hbm>>
      %dma_start3A_56 = arith.constant 0 : i32
      %dma_start3A_57 = arith.constant 0 : i32
      %dma_start3A_58 = tpu.memref_slice %arg4[%add3A, %dma_start3A_56, %dma_start3A_57] : memref<32x40x256xi32, #tpu.memory_space<hbm>> -> memref<1x40x256xi32, #tpu.memory_space<hbm>>
      %dma_start3A_59 = tpu.memref_squeeze %dma_start3A_58 : memref<1x40x256xi32, #tpu.memory_space<hbm>> -> memref<40x256xi32, #tpu.memory_space<hbm>>
      tpu.enqueue_dma source(%dma_start3A_59 : memref<40x256xi32, #tpu.memory_space<hbm>>) target(%arg9 : memref<40x256xi32, #tpu.memory_space<vmem>>) target_semaphore(%run_scoped3A : memref<!tpu.dma_semaphore, #tpu.memory_space<semaphore_mem>>)
      %dma_wait3A_60 = arith.constant 0 : i32
      %dma_wait3A_61 = arith.constant 0 : i32
      %dma_wait3A_62 = tpu.memref_slice %arg4[%add3A, %dma_wait3A_60, %dma_wait3A_61] : memref<32x40x256xi32, #tpu.memory_space<hbm>> -> memref<1x40x256xi32, #tpu.memory_space<hbm>>
      %dma_wait3A_63 = tpu.memref_squeeze %dma_wait3A_62 : memref<1x40x256xi32, #tpu.memory_space<hbm>> -> memref<40x256xi32, #tpu.memory_space<hbm>>
      %dma_wait3A_64 = arith.constant 0 : i32
      %dma_wait3A_65 = arith.constant 0 : i32
      %dma_wait3A_66 = tpu.memref_slice %arg4[%add3A, %dma_wait3A_64, %dma_wait3A_65] : memref<32x40x256xi32, #tpu.memory_space<hbm>> -> memref<1x40x256xi32, #tpu.memory_space<hbm>>
      %dma_wait3A_67 = tpu.memref_squeeze %dma_wait3A_66 : memref<1x40x256xi32, #tpu.memory_space<hbm>> -> memref<40x256xi32, #tpu.memory_space<hbm>>
      tpu.wait_dma2 semaphore(%run_scoped3A : memref<!tpu.dma_semaphore, #tpu.memory_space<semaphore_mem>>) src(%dma_wait3A_67 : memref<40x256xi32, #tpu.memory_space<hbm>>) dst(%arg9 : memref<40x256xi32, #tpu.memory_space<vmem>>)
      tpu.yield
    }) : () -> ()
    "tpu.region"() ({
      %run_scoped3A = tpu.sem_alloc : memref<!tpu.dma_semaphore, #tpu.memory_space<semaphore_mem>>
      %dma_start3A_52 = tpu.memref_slice %arg5[%mul3A_2] : memref<327680xf32, #tpu.memory_space<hbm>> -> memref<10240xf32, #tpu.memory_space<hbm>>
      %dma_start3A_53 = tpu.memref_slice %arg5[%mul3A_2] : memref<327680xf32, #tpu.memory_space<hbm>> -> memref<10240xf32, #tpu.memory_space<hbm>>
      tpu.enqueue_dma source(%dma_start3A_53 : memref<10240xf32, #tpu.memory_space<hbm>>) target(%arg10 : memref<10240xf32, #tpu.memory_space<vmem>>) target_semaphore(%run_scoped3A : memref<!tpu.dma_semaphore, #tpu.memory_space<semaphore_mem>>)
      %dma_wait3A_54 = tpu.memref_slice %arg5[%mul3A_2] : memref<327680xf32, #tpu.memory_space<hbm>> -> memref<10240xf32, #tpu.memory_space<hbm>>
      %dma_wait3A_55 = tpu.memref_slice %arg5[%mul3A_2] : memref<327680xf32, #tpu.memory_space<hbm>> -> memref<10240xf32, #tpu.memory_space<hbm>>
      tpu.wait_dma2 semaphore(%run_scoped3A : memref<!tpu.dma_semaphore, #tpu.memory_space<semaphore_mem>>) src(%dma_wait3A_55 : memref<10240xf32, #tpu.memory_space<hbm>>) dst(%arg10 : memref<10240xf32, #tpu.memory_space<vmem>>)
      tpu.yield
    }) : () -> ()
    %mul3A_3 = arith.constant 640 : i32
    %mul3A_4 = arith.muli %arg1, %mul3A_3 : i32
    "tpu.region"() ({
      %run_scoped3A = tpu.sem_alloc : memref<!tpu.dma_semaphore, #tpu.memory_space<semaphore_mem>>
      %dma_start3A_52 = arith.constant 0 : i32
      %dma_start3A_53 = tpu.memref_slice %arg14[%mul3A_4, %dma_start3A_52] : memref<10240x64xf32, #tpu.memory_space<vmem_shared>> -> memref<640x64xf32, #tpu.memory_space<vmem_shared>>
      tpu.enqueue_dma source(%arg6 : memref<640x64xf32, #tpu.memory_space<hbm>>) target(%dma_start3A_53 : memref<640x64xf32, #tpu.memory_space<vmem_shared>>) target_semaphore(%run_scoped3A : memref<!tpu.dma_semaphore, #tpu.memory_space<semaphore_mem>>)
      %dma_wait3A_54 = arith.constant 0 : i32
      %dma_wait3A_55 = tpu.memref_slice %arg14[%mul3A_4, %dma_wait3A_54] : memref<10240x64xf32, #tpu.memory_space<vmem_shared>> -> memref<640x64xf32, #tpu.memory_space<vmem_shared>>
      tpu.wait_dma2 semaphore(%run_scoped3A : memref<!tpu.dma_semaphore, #tpu.memory_space<semaphore_mem>>) src(%arg6 : memref<640x64xf32, #tpu.memory_space<hbm>>) dst(%dma_wait3A_55 : memref<640x64xf32, #tpu.memory_space<vmem_shared>>)
      tpu.yield
    }) : () -> ()
    %barrier3A = arith.constant 0 : index
    tpu.barrier barrier_id(%barrier3A)
    %dma_start3A = arith.constant 0 : i32
    %dma_start3A_5 = arith.constant 0 : i32
    %dma_start3A_6 = tpu.memref_slice %arg8[%dma_start3A, %dma_start3A_5] : memref<40x256xi32, #tpu.memory_space<vmem>> -> memref<1x256xi32, #tpu.memory_space<vmem>>
    %dma_start3A_7 = tpu.memref_squeeze %dma_start3A_6 : memref<1x256xi32, #tpu.memory_space<vmem>> -> memref<256xi32, #tpu.memory_space<vmem>>
    %dma_start3A_8 = arith.constant 0 : i32
    %dma_start3A_9 = arith.constant 0 : i32
    %dma_start3A_10 = tpu.memref_slice %arg2[%dma_start3A_8, %dma_start3A_9] : memref<10000x64xf32, #tpu.memory_space<hbm>> -> memref<10000x64xf32, #tpu.memory_space<hbm>>
    tpu.enqueue_indirect_dma source(%dma_start3A_10 : memref<10000x64xf32, #tpu.memory_space<hbm>>) target(%arg11 : memref<256x64xf32, #tpu.memory_space<vmem>>) offsets(%dma_start3A_7 : memref<256xi32, #tpu.memory_space<vmem>>) semaphore(%arg15 : memref<!tpu.dma_semaphore, #tpu.memory_space<semaphore_mem>>)
    %scan3A = arith.constant 0 : i32
    %scan3A_11 = arith.constant 13 : i32
    %scan3A_12 = arith.addi %scan3A, %scan3A_11 : i32
    %scan3A_13 = arith.constant 1 : i32
    scf.for %scan3A_52 = %scan3A to %scan3A_12 step %scan3A_13  : i32 {
      %mul3A_53 = arith.constant 1 : i32
      %mul3A_54 = arith.muli %scan3A_52, %mul3A_53 : i32
      %add3A_55 = arith.constant 0 : i32
      %add3A_56 = arith.addi %add3A_55, %mul3A_54 : i32
      %mul3A_57 = arith.constant 3 : i32
      %mul3A_58 = arith.muli %mul3A_57, %add3A_56 : i32
      %add3A_59 = arith.constant 0 : i32
      %add3A_60 = arith.addi %mul3A_58, %add3A_59 : i32
      %gt3A = arith.constant 0 : i32
      %gt3A_61 = arith.cmpi sgt, %add3A_56, %gt3A : i32
      %convert_element_type3A = arith.extui %gt3A_61 : i1 to i32
      %cond3A = arith.constant 0 : i32
      %cond3A_62 = arith.cmpi ne, %convert_element_type3A, %cond3A : i32
      scf.if %cond3A_62 {
        %dma_wait3A_151 = arith.constant 0 : i32
        %dma_wait3A_152 = arith.constant 0 : i32
        %dma_wait3A_153 = tpu.memref_slice %arg2[%dma_wait3A_151, %dma_wait3A_152] : memref<10000x64xf32, #tpu.memory_space<hbm>> -> memref<256x64xf32, #tpu.memory_space<hbm>>
        %dma_wait3A_154 = arith.constant 0 : i32
        %dma_wait3A_155 = arith.constant 0 : i32
        %dma_wait3A_156 = tpu.memref_slice %arg2[%dma_wait3A_154, %dma_wait3A_155] : memref<10000x64xf32, #tpu.memory_space<hbm>> -> memref<256x64xf32, #tpu.memory_space<hbm>>
        tpu.wait_dma2 semaphore(%arg19 : memref<!tpu.dma_semaphore, #tpu.memory_space<semaphore_mem>>) src(%dma_wait3A_156 : memref<256x64xf32, #tpu.memory_space<hbm>>) dst(%arg12 : memref<256x64xf32, #tpu.memory_space<vmem>>)
      } else {
      }
      %add3A_63 = arith.constant 1 : i32
      %add3A_64 = arith.addi %add3A_60, %add3A_63 : i32
      %dma_start3A_65 = arith.constant 0 : i32
      %dma_start3A_66 = tpu.memref_slice %arg8[%add3A_64, %dma_start3A_65] : memref<40x256xi32, #tpu.memory_space<vmem>> -> memref<1x256xi32, #tpu.memory_space<vmem>>
      %dma_start3A_67 = tpu.memref_squeeze %dma_start3A_66 : memref<1x256xi32, #tpu.memory_space<vmem>> -> memref<256xi32, #tpu.memory_space<vmem>>
      %dma_start3A_68 = arith.constant 0 : i32
      %dma_start3A_69 = arith.constant 0 : i32
      %dma_start3A_70 = tpu.memref_slice %arg2[%dma_start3A_68, %dma_start3A_69] : memref<10000x64xf32, #tpu.memory_space<hbm>> -> memref<10000x64xf32, #tpu.memory_space<hbm>>
      tpu.enqueue_indirect_dma source(%dma_start3A_70 : memref<10000x64xf32, #tpu.memory_space<hbm>>) target(%arg12 : memref<256x64xf32, #tpu.memory_space<vmem>>) offsets(%dma_start3A_67 : memref<256xi32, #tpu.memory_space<vmem>>) semaphore(%arg16 : memref<!tpu.dma_semaphore, #tpu.memory_space<semaphore_mem>>)
      %dma_wait3A_71 = arith.constant 0 : i32
      %dma_wait3A_72 = arith.constant 0 : i32
      %dma_wait3A_73 = tpu.memref_slice %arg2[%dma_wait3A_71, %dma_wait3A_72] : memref<10000x64xf32, #tpu.memory_space<hbm>> -> memref<256x64xf32, #tpu.memory_space<hbm>>
      %dma_wait3A_74 = arith.constant 0 : i32
      %dma_wait3A_75 = arith.constant 0 : i32
      %dma_wait3A_76 = tpu.memref_slice %arg2[%dma_wait3A_74, %dma_wait3A_75] : memref<10000x64xf32, #tpu.memory_space<hbm>> -> memref<256x64xf32, #tpu.memory_space<hbm>>
      tpu.wait_dma2 semaphore(%arg15 : memref<!tpu.dma_semaphore, #tpu.memory_space<semaphore_mem>>) src(%dma_wait3A_76 : memref<256x64xf32, #tpu.memory_space<hbm>>) dst(%arg11 : memref<256x64xf32, #tpu.memory_space<vmem>>)
      %parallel_loop3A_77 = arith.constant 0 : i32
      %parallel_loop3A_78 = arith.constant 256 : i32
      %parallel_loop3A_79 = arith.constant 1 : i32
      scf.for %parallel_loop3A_151 = %parallel_loop3A_77 to %parallel_loop3A_78 step %parallel_loop3A_79  : i32 {
        %parallel_loop3A_152 = arith.constant 256 : i32
        %parallel_loop3A_153 = arith.muli %add3A_60, %parallel_loop3A_152 : i32
        %parallel_loop3A_154 = arith.addi %parallel_loop3A_153, %parallel_loop3A_151 : i32
        %parallel_loop3A_155 = vector.broadcast %parallel_loop3A_154 : i32 to vector<16xi32>
        %parallel_loop3A_156 = tpu.vector_load_idx %arg10[%parallel_loop3A_155] : memref<10240xf32, #tpu.memory_space<vmem>>[vector<16xi32>], vector<16xf32>,
        %parallel_loop3A_157 = arith.index_cast %parallel_loop3A_151 : i32 to index
        %parallel_loop3A_158 = arith.constant 0 : index
        %parallel_loop3A_159 = tpu.vector_load %arg11[%parallel_loop3A_157, %parallel_loop3A_158] {strides = array<i32>} : memref<256x64xf32, #tpu.memory_space<vmem>>, vector<16xf32>,
        %parallel_loop3A_160 = arith.mulf %parallel_loop3A_159, %parallel_loop3A_156 : vector<16xf32>
        %parallel_loop3A_161 = arith.index_cast %parallel_loop3A_151 : i32 to index
        %parallel_loop3A_162 = arith.constant 0 : index
        %parallel_loop3A_163 = tpu.vector_load %arg11[%parallel_loop3A_161, %parallel_loop3A_162] {strides = array<i32>} : memref<256x64xf32, #tpu.memory_space<vmem>>, vector<16xf32>,
        tpu.vector_store %arg11[%parallel_loop3A_161, %parallel_loop3A_162], %parallel_loop3A_160 {strides = array<i32>} : memref<256x64xf32, #tpu.memory_space<vmem>>, vector<16xf32>,
        %parallel_loop3A_164 = arith.index_cast %parallel_loop3A_151 : i32 to index
        %parallel_loop3A_165 = arith.constant 16 : index
        %parallel_loop3A_166 = tpu.vector_load %arg11[%parallel_loop3A_164, %parallel_loop3A_165] {strides = array<i32>} : memref<256x64xf32, #tpu.memory_space<vmem>>, vector<16xf32>,
        %parallel_loop3A_167 = arith.mulf %parallel_loop3A_166, %parallel_loop3A_156 : vector<16xf32>
        %parallel_loop3A_168 = arith.index_cast %parallel_loop3A_151 : i32 to index
        %parallel_loop3A_169 = arith.constant 16 : index
        %parallel_loop3A_170 = tpu.vector_load %arg11[%parallel_loop3A_168, %parallel_loop3A_169] {strides = array<i32>} : memref<256x64xf32, #tpu.memory_space<vmem>>, vector<16xf32>,
        tpu.vector_store %arg11[%parallel_loop3A_168, %parallel_loop3A_169], %parallel_loop3A_167 {strides = array<i32>} : memref<256x64xf32, #tpu.memory_space<vmem>>, vector<16xf32>,
        %parallel_loop3A_171 = arith.index_cast %parallel_loop3A_151 : i32 to index
        %parallel_loop3A_172 = arith.constant 32 : index
        %parallel_loop3A_173 = tpu.vector_load %arg11[%parallel_loop3A_171, %parallel_loop3A_172] {strides = array<i32>} : memref<256x64xf32, #tpu.memory_space<vmem>>, vector<16xf32>,
        %parallel_loop3A_174 = arith.mulf %parallel_loop3A_173, %parallel_loop3A_156 : vector<16xf32>
        %parallel_loop3A_175 = arith.index_cast %parallel_loop3A_151 : i32 to index
        %parallel_loop3A_176 = arith.constant 32 : index
        %parallel_loop3A_177 = tpu.vector_load %arg11[%parallel_loop3A_175, %parallel_loop3A_176] {strides = array<i32>} : memref<256x64xf32, #tpu.memory_space<vmem>>, vector<16xf32>,
        tpu.vector_store %arg11[%parallel_loop3A_175, %parallel_loop3A_176], %parallel_loop3A_174 {strides = array<i32>} : memref<256x64xf32, #tpu.memory_space<vmem>>, vector<16xf32>,
        %parallel_loop3A_178 = arith.index_cast %parallel_loop3A_151 : i32 to index
        %parallel_loop3A_179 = arith.constant 48 : index
        %parallel_loop3A_180 = tpu.vector_load %arg11[%parallel_loop3A_178, %parallel_loop3A_179] {strides = array<i32>} : memref<256x64xf32, #tpu.memory_space<vmem>>, vector<16xf32>,
        %parallel_loop3A_181 = arith.mulf %parallel_loop3A_180, %parallel_loop3A_156 : vector<16xf32>
        %parallel_loop3A_182 = arith.index_cast %parallel_loop3A_151 : i32 to index
        %parallel_loop3A_183 = arith.constant 48 : index
        %parallel_loop3A_184 = tpu.vector_load %arg11[%parallel_loop3A_182, %parallel_loop3A_183] {strides = array<i32>} : memref<256x64xf32, #tpu.memory_space<vmem>>, vector<16xf32>,
        tpu.vector_store %arg11[%parallel_loop3A_182, %parallel_loop3A_183], %parallel_loop3A_181 {strides = array<i32>} : memref<256x64xf32, #tpu.memory_space<vmem>>, vector<16xf32>,
      } {sc.loop_unroll_factor = 8 : i64, sc.parallel_access}
      %dma_start3A_80 = arith.constant 0 : i32
      %dma_start3A_81 = tpu.memref_slice %arg9[%add3A_60, %dma_start3A_80] : memref<40x256xi32, #tpu.memory_space<vmem>> -> memref<1x256xi32, #tpu.memory_space<vmem>>
      %dma_start3A_82 = tpu.memref_squeeze %dma_start3A_81 : memref<1x256xi32, #tpu.memory_space<vmem>> -> memref<256xi32, #tpu.memory_space<vmem>>
      %dma_start3A_83 = arith.constant 0 : i32
      %dma_start3A_84 = arith.constant 0 : i32
      %dma_start3A_85 = tpu.memref_slice %arg14[%dma_start3A_83, %dma_start3A_84] : memref<10240x64xf32, #tpu.memory_space<vmem_shared>> -> memref<10240x64xf32, #tpu.memory_space<vmem_shared>>
      tpu.enqueue_indirect_dma source(%arg11 : memref<256x64xf32, #tpu.memory_space<vmem>>) target(%dma_start3A_85 : memref<10240x64xf32, #tpu.memory_space<vmem_shared>>) offsets(%dma_start3A_82 : memref<256xi32, #tpu.memory_space<vmem>>) semaphore(%arg18 : memref<!tpu.dma_semaphore, #tpu.memory_space<semaphore_mem>>) {add = true}
      %mul3A_86 = arith.constant 3 : i32
      %mul3A_87 = arith.muli %mul3A_86, %add3A_56 : i32
      %add3A_88 = arith.constant 1 : i32
      %add3A_89 = arith.addi %mul3A_87, %add3A_88 : i32
      %gt3A_90 = arith.constant 0 : i32
      %gt3A_91 = arith.cmpi sgt, %add3A_56, %gt3A_90 : i32
      %convert_element_type3A_92 = arith.extui %gt3A_91 : i1 to i32
      %cond3A_93 = arith.constant 0 : i32
      %cond3A_94 = arith.cmpi ne, %convert_element_type3A_92, %cond3A_93 : i32
      scf.if %cond3A_94 {
        %dma_wait3A_151 = arith.constant 0 : i32
        %dma_wait3A_152 = arith.constant 0 : i32
        %dma_wait3A_153 = tpu.memref_slice %arg2[%dma_wait3A_151, %dma_wait3A_152] : memref<10000x64xf32, #tpu.memory_space<hbm>> -> memref<256x64xf32, #tpu.memory_space<hbm>>
        %dma_wait3A_154 = arith.constant 0 : i32
        %dma_wait3A_155 = arith.constant 0 : i32
        %dma_wait3A_156 = tpu.memref_slice %arg2[%dma_wait3A_154, %dma_wait3A_155] : memref<10000x64xf32, #tpu.memory_space<hbm>> -> memref<256x64xf32, #tpu.memory_space<hbm>>
        tpu.wait_dma2 semaphore(%arg20 : memref<!tpu.dma_semaphore, #tpu.memory_space<semaphore_mem>>) src(%dma_wait3A_156 : memref<256x64xf32, #tpu.memory_space<hbm>>) dst(%arg13 : memref<256x64xf32, #tpu.memory_space<vmem>>)
      } else {
      }
      %add3A_95 = arith.constant 1 : i32
      %add3A_96 = arith.addi %add3A_89, %add3A_95 : i32
      %dma_start3A_97 = arith.constant 0 : i32
      %dma_start3A_98 = tpu.memref_slice %arg8[%add3A_96, %dma_start3A_97] : memref<40x256xi32, #tpu.memory_space<vmem>> -> memref<1x256xi32, #tpu.memory_space<vmem>>
      %dma_start3A_99 = tpu.memref_squeeze %dma_start3A_98 : memref<1x256xi32, #tpu.memory_space<vmem>> -> memref<256xi32, #tpu.memory_space<vmem>>
      %dma_start3A_100 = arith.constant 0 : i32
      %dma_start3A_101 = arith.constant 0 : i32
      %dma_start3A_102 = tpu.memref_slice %arg2[%dma_start3A_100, %dma_start3A_101] : memref<10000x64xf32, #tpu.memory_space<hbm>> -> memref<10000x64xf32, #tpu.memory_space<hbm>>
      tpu.enqueue_indirect_dma source(%dma_start3A_102 : memref<10000x64xf32, #tpu.memory_space<hbm>>) target(%arg13 : memref<256x64xf32, #tpu.memory_space<vmem>>) offsets(%dma_start3A_99 : memref<256xi32, #tpu.memory_space<vmem>>) semaphore(%arg17 : memref<!tpu.dma_semaphore, #tpu.memory_space<semaphore_mem>>)
      %dma_wait3A_103 = arith.constant 0 : i32
      %dma_wait3A_104 = arith.constant 0 : i32
      %dma_wait3A_105 = tpu.memref_slice %arg2[%dma_wait3A_103, %dma_wait3A_104] : memref<10000x64xf32, #tpu.memory_space<hbm>> -> memref<256x64xf32, #tpu.memory_space<hbm>>
      %dma_wait3A_106 = arith.constant 0 : i32
      %dma_wait3A_107 = arith.constant 0 : i32
      %dma_wait3A_108 = tpu.memref_slice %arg2[%dma_wait3A_106, %dma_wait3A_107] : memref<10000x64xf32, #tpu.memory_space<hbm>> -> memref<256x64xf32, #tpu.memory_space<hbm>>
      tpu.wait_dma2 semaphore(%arg16 : memref<!tpu.dma_semaphore, #tpu.memory_space<semaphore_mem>>) src(%dma_wait3A_108 : memref<256x64xf32, #tpu.memory_space<hbm>>) dst(%arg12 : memref<256x64xf32, #tpu.memory_space<vmem>>)
      %parallel_loop3A_109 = arith.constant 0 : i32
      %parallel_loop3A_110 = arith.constant 256 : i32
      %parallel_loop3A_111 = arith.constant 1 : i32
      scf.for %parallel_loop3A_151 = %parallel_loop3A_109 to %parallel_loop3A_110 step %parallel_loop3A_111  : i32 {
        %parallel_loop3A_152 = arith.constant 256 : i32
        %parallel_loop3A_153 = arith.muli %add3A_89, %parallel_loop3A_152 : i32
        %parallel_loop3A_154 = arith.addi %parallel_loop3A_153, %parallel_loop3A_151 : i32
        %parallel_loop3A_155 = vector.broadcast %parallel_loop3A_154 : i32 to vector<16xi32>
        %parallel_loop3A_156 = tpu.vector_load_idx %arg10[%parallel_loop3A_155] : memref<10240xf32, #tpu.memory_space<vmem>>[vector<16xi32>], vector<16xf32>,
        %parallel_loop3A_157 = arith.index_cast %parallel_loop3A_151 : i32 to index
        %parallel_loop3A_158 = arith.constant 0 : index
        %parallel_loop3A_159 = tpu.vector_load %arg12[%parallel_loop3A_157, %parallel_loop3A_158] {strides = array<i32>} : memref<256x64xf32, #tpu.memory_space<vmem>>, vector<16xf32>,
        %parallel_loop3A_160 = arith.mulf %parallel_loop3A_159, %parallel_loop3A_156 : vector<16xf32>
        %parallel_loop3A_161 = arith.index_cast %parallel_loop3A_151 : i32 to index
        %parallel_loop3A_162 = arith.constant 0 : index
        %parallel_loop3A_163 = tpu.vector_load %arg12[%parallel_loop3A_161, %parallel_loop3A_162] {strides = array<i32>} : memref<256x64xf32, #tpu.memory_space<vmem>>, vector<16xf32>,
        tpu.vector_store %arg12[%parallel_loop3A_161, %parallel_loop3A_162], %parallel_loop3A_160 {strides = array<i32>} : memref<256x64xf32, #tpu.memory_space<vmem>>, vector<16xf32>,
        %parallel_loop3A_164 = arith.index_cast %parallel_loop3A_151 : i32 to index
        %parallel_loop3A_165 = arith.constant 16 : index
        %parallel_loop3A_166 = tpu.vector_load %arg12[%parallel_loop3A_164, %parallel_loop3A_165] {strides = array<i32>} : memref<256x64xf32, #tpu.memory_space<vmem>>, vector<16xf32>,
        %parallel_loop3A_167 = arith.mulf %parallel_loop3A_166, %parallel_loop3A_156 : vector<16xf32>
        %parallel_loop3A_168 = arith.index_cast %parallel_loop3A_151 : i32 to index
        %parallel_loop3A_169 = arith.constant 16 : index
        %parallel_loop3A_170 = tpu.vector_load %arg12[%parallel_loop3A_168, %parallel_loop3A_169] {strides = array<i32>} : memref<256x64xf32, #tpu.memory_space<vmem>>, vector<16xf32>,
        tpu.vector_store %arg12[%parallel_loop3A_168, %parallel_loop3A_169], %parallel_loop3A_167 {strides = array<i32>} : memref<256x64xf32, #tpu.memory_space<vmem>>, vector<16xf32>,
        %parallel_loop3A_171 = arith.index_cast %parallel_loop3A_151 : i32 to index
        %parallel_loop3A_172 = arith.constant 32 : index
        %parallel_loop3A_173 = tpu.vector_load %arg12[%parallel_loop3A_171, %parallel_loop3A_172] {strides = array<i32>} : memref<256x64xf32, #tpu.memory_space<vmem>>, vector<16xf32>,
        %parallel_loop3A_174 = arith.mulf %parallel_loop3A_173, %parallel_loop3A_156 : vector<16xf32>
        %parallel_loop3A_175 = arith.index_cast %parallel_loop3A_151 : i32 to index
        %parallel_loop3A_176 = arith.constant 32 : index
        %parallel_loop3A_177 = tpu.vector_load %arg12[%parallel_loop3A_175, %parallel_loop3A_176] {strides = array<i32>} : memref<256x64xf32, #tpu.memory_space<vmem>>, vector<16xf32>,
        tpu.vector_store %arg12[%parallel_loop3A_175, %parallel_loop3A_176], %parallel_loop3A_174 {strides = array<i32>} : memref<256x64xf32, #tpu.memory_space<vmem>>, vector<16xf32>,
        %parallel_loop3A_178 = arith.index_cast %parallel_loop3A_151 : i32 to index
        %parallel_loop3A_179 = arith.constant 48 : index
        %parallel_loop3A_180 = tpu.vector_load %arg12[%parallel_loop3A_178, %parallel_loop3A_179] {strides = array<i32>} : memref<256x64xf32, #tpu.memory_space<vmem>>, vector<16xf32>,
        %parallel_loop3A_181 = arith.mulf %parallel_loop3A_180, %parallel_loop3A_156 : vector<16xf32>
        %parallel_loop3A_182 = arith.index_cast %parallel_loop3A_151 : i32 to index
        %parallel_loop3A_183 = arith.constant 48 : index
        %parallel_loop3A_184 = tpu.vector_load %arg12[%parallel_loop3A_182, %parallel_loop3A_183] {strides = array<i32>} : memref<256x64xf32, #tpu.memory_space<vmem>>, vector<16xf32>,
        tpu.vector_store %arg12[%parallel_loop3A_182, %parallel_loop3A_183], %parallel_loop3A_181 {strides = array<i32>} : memref<256x64xf32, #tpu.memory_space<vmem>>, vector<16xf32>,
      } {sc.loop_unroll_factor = 8 : i64, sc.parallel_access}
      %dma_start3A_112 = arith.constant 0 : i32
      %dma_start3A_113 = tpu.memref_slice %arg9[%add3A_89, %dma_start3A_112] : memref<40x256xi32, #tpu.memory_space<vmem>> -> memref<1x256xi32, #tpu.memory_space<vmem>>
      %dma_start3A_114 = tpu.memref_squeeze %dma_start3A_113 : memref<1x256xi32, #tpu.memory_space<vmem>> -> memref<256xi32, #tpu.memory_space<vmem>>
      %dma_start3A_115 = arith.constant 0 : i32
      %dma_start3A_116 = arith.constant 0 : i32
      %dma_start3A_117 = tpu.memref_slice %arg14[%dma_start3A_115, %dma_start3A_116] : memref<10240x64xf32, #tpu.memory_space<vmem_shared>> -> memref<10240x64xf32, #tpu.memory_space<vmem_shared>>
      tpu.enqueue_indirect_dma source(%arg12 : memref<256x64xf32, #tpu.memory_space<vmem>>) target(%dma_start3A_117 : memref<10240x64xf32, #tpu.memory_space<vmem_shared>>) offsets(%dma_start3A_114 : memref<256xi32, #tpu.memory_space<vmem>>) semaphore(%arg19 : memref<!tpu.dma_semaphore, #tpu.memory_space<semaphore_mem>>) {add = true}
      %mul3A_118 = arith.constant 3 : i32
      %mul3A_119 = arith.muli %mul3A_118, %add3A_56 : i32
      %add3A_120 = arith.constant 2 : i32
      %add3A_121 = arith.addi %mul3A_119, %add3A_120 : i32
      %dma_wait3A_122 = arith.constant 0 : i32
      %dma_wait3A_123 = arith.constant 0 : i32
      %dma_wait3A_124 = tpu.memref_slice %arg2[%dma_wait3A_122, %dma_wait3A_123] : memref<10000x64xf32, #tpu.memory_space<hbm>> -> memref<256x64xf32, #tpu.memory_space<hbm>>
      %dma_wait3A_125 = arith.constant 0 : i32
      %dma_wait3A_126 = arith.constant 0 : i32
      %dma_wait3A_127 = tpu.memref_slice %arg2[%dma_wait3A_125, %dma_wait3A_126] : memref<10000x64xf32, #tpu.memory_space<hbm>> -> memref<256x64xf32, #tpu.memory_space<hbm>>
      tpu.wait_dma2 semaphore(%arg18 : memref<!tpu.dma_semaphore, #tpu.memory_space<semaphore_mem>>) src(%dma_wait3A_127 : memref<256x64xf32, #tpu.memory_space<hbm>>) dst(%arg11 : memref<256x64xf32, #tpu.memory_space<vmem>>)
      %add3A_128 = arith.constant 1 : i32
      %add3A_129 = arith.addi %add3A_121, %add3A_128 : i32
      %dma_start3A_130 = arith.constant 0 : i32
      %dma_start3A_131 = tpu.memref_slice %arg8[%add3A_129, %dma_start3A_130] : memref<40x256xi32, #tpu.memory_space<vmem>> -> memref<1x256xi32, #tpu.memory_space<vmem>>
      %dma_start3A_132 = tpu.memref_squeeze %dma_start3A_131 : memref<1x256xi32, #tpu.memory_space<vmem>> -> memref<256xi32, #tpu.memory_space<vmem>>
      %dma_start3A_133 = arith.constant 0 : i32
      %dma_start3A_134 = arith.constant 0 : i32
      %dma_start3A_135 = tpu.memref_slice %arg2[%dma_start3A_133, %dma_start3A_134] : memref<10000x64xf32, #tpu.memory_space<hbm>> -> memref<10000x64xf32, #tpu.memory_space<hbm>>
      tpu.enqueue_indirect_dma source(%dma_start3A_135 : memref<10000x64xf32, #tpu.memory_space<hbm>>) target(%arg11 : memref<256x64xf32, #tpu.memory_space<vmem>>) offsets(%dma_start3A_132 : memref<256xi32, #tpu.memory_space<vmem>>) semaphore(%arg15 : memref<!tpu.dma_semaphore, #tpu.memory_space<semaphore_mem>>)
      %dma_wait3A_136 = arith.constant 0 : i32
      %dma_wait3A_137 = arith.constant 0 : i32
      %dma_wait3A_138 = tpu.memref_slice %arg2[%dma_wait3A_136, %dma_wait3A_137] : memref<10000x64xf32, #tpu.memory_space<hbm>> -> memref<256x64xf32, #tpu.memory_space<hbm>>
      %dma_wait3A_139 = arith.constant 0 : i32
      %dma_wait3A_140 = arith.constant 0 : i32
      %dma_wait3A_141 = tpu.memref_slice %arg2[%dma_wait3A_139, %dma_wait3A_140] : memref<10000x64xf32, #tpu.memory_space<hbm>> -> memref<256x64xf32, #tpu.memory_space<hbm>>
      tpu.wait_dma2 semaphore(%arg17 : memref<!tpu.dma_semaphore, #tpu.memory_space<semaphore_mem>>) src(%dma_wait3A_141 : memref<256x64xf32, #tpu.memory_space<hbm>>) dst(%arg13 : memref<256x64xf32, #tpu.memory_space<vmem>>)
      %parallel_loop3A_142 = arith.constant 0 : i32
      %parallel_loop3A_143 = arith.constant 256 : i32
      %parallel_loop3A_144 = arith.constant 1 : i32
      scf.for %parallel_loop3A_151 = %parallel_loop3A_142 to %parallel_loop3A_143 step %parallel_loop3A_144  : i32 {
        %parallel_loop3A_152 = arith.constant 256 : i32
        %parallel_loop3A_153 = arith.muli %add3A_121, %parallel_loop3A_152 : i32
        %parallel_loop3A_154 = arith.addi %parallel_loop3A_153, %parallel_loop3A_151 : i32
        %parallel_loop3A_155 = vector.broadcast %parallel_loop3A_154 : i32 to vector<16xi32>
        %parallel_loop3A_156 = tpu.vector_load_idx %arg10[%parallel_loop3A_155] : memref<10240xf32, #tpu.memory_space<vmem>>[vector<16xi32>], vector<16xf32>,
        %parallel_loop3A_157 = arith.index_cast %parallel_loop3A_151 : i32 to index
        %parallel_loop3A_158 = arith.constant 0 : index
        %parallel_loop3A_159 = tpu.vector_load %arg13[%parallel_loop3A_157, %parallel_loop3A_158] {strides = array<i32>} : memref<256x64xf32, #tpu.memory_space<vmem>>, vector<16xf32>,
        %parallel_loop3A_160 = arith.mulf %parallel_loop3A_159, %parallel_loop3A_156 : vector<16xf32>
        %parallel_loop3A_161 = arith.index_cast %parallel_loop3A_151 : i32 to index
        %parallel_loop3A_162 = arith.constant 0 : index
        %parallel_loop3A_163 = tpu.vector_load %arg13[%parallel_loop3A_161, %parallel_loop3A_162] {strides = array<i32>} : memref<256x64xf32, #tpu.memory_space<vmem>>, vector<16xf32>,
        tpu.vector_store %arg13[%parallel_loop3A_161, %parallel_loop3A_162], %parallel_loop3A_160 {strides = array<i32>} : memref<256x64xf32, #tpu.memory_space<vmem>>, vector<16xf32>,
        %parallel_loop3A_164 = arith.index_cast %parallel_loop3A_151 : i32 to index
        %parallel_loop3A_165 = arith.constant 16 : index
        %parallel_loop3A_166 = tpu.vector_load %arg13[%parallel_loop3A_164, %parallel_loop3A_165] {strides = array<i32>} : memref<256x64xf32, #tpu.memory_space<vmem>>, vector<16xf32>,
        %parallel_loop3A_167 = arith.mulf %parallel_loop3A_166, %parallel_loop3A_156 : vector<16xf32>
        %parallel_loop3A_168 = arith.index_cast %parallel_loop3A_151 : i32 to index
        %parallel_loop3A_169 = arith.constant 16 : index
        %parallel_loop3A_170 = tpu.vector_load %arg13[%parallel_loop3A_168, %parallel_loop3A_169] {strides = array<i32>} : memref<256x64xf32, #tpu.memory_space<vmem>>, vector<16xf32>,
        tpu.vector_store %arg13[%parallel_loop3A_168, %parallel_loop3A_169], %parallel_loop3A_167 {strides = array<i32>} : memref<256x64xf32, #tpu.memory_space<vmem>>, vector<16xf32>,
        %parallel_loop3A_171 = arith.index_cast %parallel_loop3A_151 : i32 to index
        %parallel_loop3A_172 = arith.constant 32 : index
        %parallel_loop3A_173 = tpu.vector_load %arg13[%parallel_loop3A_171, %parallel_loop3A_172] {strides = array<i32>} : memref<256x64xf32, #tpu.memory_space<vmem>>, vector<16xf32>,
        %parallel_loop3A_174 = arith.mulf %parallel_loop3A_173, %parallel_loop3A_156 : vector<16xf32>
        %parallel_loop3A_175 = arith.index_cast %parallel_loop3A_151 : i32 to index
        %parallel_loop3A_176 = arith.constant 32 : index
        %parallel_loop3A_177 = tpu.vector_load %arg13[%parallel_loop3A_175, %parallel_loop3A_176] {strides = array<i32>} : memref<256x64xf32, #tpu.memory_space<vmem>>, vector<16xf32>,
        tpu.vector_store %arg13[%parallel_loop3A_175, %parallel_loop3A_176], %parallel_loop3A_174 {strides = array<i32>} : memref<256x64xf32, #tpu.memory_space<vmem>>, vector<16xf32>,
        %parallel_loop3A_178 = arith.index_cast %parallel_loop3A_151 : i32 to index
        %parallel_loop3A_179 = arith.constant 48 : index
        %parallel_loop3A_180 = tpu.vector_load %arg13[%parallel_loop3A_178, %parallel_loop3A_179] {strides = array<i32>} : memref<256x64xf32, #tpu.memory_space<vmem>>, vector<16xf32>,
        %parallel_loop3A_181 = arith.mulf %parallel_loop3A_180, %parallel_loop3A_156 : vector<16xf32>
        %parallel_loop3A_182 = arith.index_cast %parallel_loop3A_151 : i32 to index
        %parallel_loop3A_183 = arith.constant 48 : index
        %parallel_loop3A_184 = tpu.vector_load %arg13[%parallel_loop3A_182, %parallel_loop3A_183] {strides = array<i32>} : memref<256x64xf32, #tpu.memory_space<vmem>>, vector<16xf32>,
        tpu.vector_store %arg13[%parallel_loop3A_182, %parallel_loop3A_183], %parallel_loop3A_181 {strides = array<i32>} : memref<256x64xf32, #tpu.memory_space<vmem>>, vector<16xf32>,
      } {sc.loop_unroll_factor = 8 : i64, sc.parallel_access}
      %dma_start3A_145 = arith.constant 0 : i32
      %dma_start3A_146 = tpu.memref_slice %arg9[%add3A_121, %dma_start3A_145] : memref<40x256xi32, #tpu.memory_space<vmem>> -> memref<1x256xi32, #tpu.memory_space<vmem>>
      %dma_start3A_147 = tpu.memref_squeeze %dma_start3A_146 : memref<1x256xi32, #tpu.memory_space<vmem>> -> memref<256xi32, #tpu.memory_space<vmem>>
      %dma_start3A_148 = arith.constant 0 : i32
      %dma_start3A_149 = arith.constant 0 : i32
      %dma_start3A_150 = tpu.memref_slice %arg14[%dma_start3A_148, %dma_start3A_149] : memref<10240x64xf32, #tpu.memory_space<vmem_shared>> -> memref<10240x64xf32, #tpu.memory_space<vmem_shared>>
      tpu.enqueue_indirect_dma source(%arg13 : memref<256x64xf32, #tpu.memory_space<vmem>>) target(%dma_start3A_150 : memref<10240x64xf32, #tpu.memory_space<vmem_shared>>) offsets(%dma_start3A_147 : memref<256xi32, #tpu.memory_space<vmem>>) semaphore(%arg20 : memref<!tpu.dma_semaphore, #tpu.memory_space<semaphore_mem>>) {add = true}
    }
    %scan3A_14 = arith.constant 13 : i32
    %dma_wait3A = arith.constant 0 : i32
    %dma_wait3A_15 = arith.constant 0 : i32
    %dma_wait3A_16 = tpu.memref_slice %arg2[%dma_wait3A, %dma_wait3A_15] : memref<10000x64xf32, #tpu.memory_space<hbm>> -> memref<256x64xf32, #tpu.memory_space<hbm>>
    %dma_wait3A_17 = arith.constant 0 : i32
    %dma_wait3A_18 = arith.constant 0 : i32
    %dma_wait3A_19 = tpu.memref_slice %arg2[%dma_wait3A_17, %dma_wait3A_18] : memref<10000x64xf32, #tpu.memory_space<hbm>> -> memref<256x64xf32, #tpu.memory_space<hbm>>
    tpu.wait_dma2 semaphore(%arg15 : memref<!tpu.dma_semaphore, #tpu.memory_space<semaphore_mem>>) src(%dma_wait3A_19 : memref<256x64xf32, #tpu.memory_space<hbm>>) dst(%arg11 : memref<256x64xf32, #tpu.memory_space<vmem>>)
    %parallel_loop3A = arith.constant 0 : i32
    %parallel_loop3A_20 = arith.constant 256 : i32
    %parallel_loop3A_21 = arith.constant 1 : i32
    scf.for %parallel_loop3A_52 = %parallel_loop3A to %parallel_loop3A_20 step %parallel_loop3A_21  : i32 {
      %parallel_loop3A_53 = arith.constant 9984 : i32
      %parallel_loop3A_54 = arith.addi %parallel_loop3A_53, %parallel_loop3A_52 : i32
      %parallel_loop3A_55 = vector.broadcast %parallel_loop3A_54 : i32 to vector<16xi32>
      %parallel_loop3A_56 = tpu.vector_load_idx %arg10[%parallel_loop3A_55] : memref<10240xf32, #tpu.memory_space<vmem>>[vector<16xi32>], vector<16xf32>,
      %parallel_loop3A_57 = arith.index_cast %parallel_loop3A_52 : i32 to index
      %parallel_loop3A_58 = arith.constant 0 : index
      %parallel_loop3A_59 = tpu.vector_load %arg11[%parallel_loop3A_57, %parallel_loop3A_58] {strides = array<i32>} : memref<256x64xf32, #tpu.memory_space<vmem>>, vector<16xf32>,
      %parallel_loop3A_60 = arith.mulf %parallel_loop3A_59, %parallel_loop3A_56 : vector<16xf32>
      %parallel_loop3A_61 = arith.index_cast %parallel_loop3A_52 : i32 to index
      %parallel_loop3A_62 = arith.constant 0 : index
      %parallel_loop3A_63 = tpu.vector_load %arg11[%parallel_loop3A_61, %parallel_loop3A_62] {strides = array<i32>} : memref<256x64xf32, #tpu.memory_space<vmem>>, vector<16xf32>,
      tpu.vector_store %arg11[%parallel_loop3A_61, %parallel_loop3A_62], %parallel_loop3A_60 {strides = array<i32>} : memref<256x64xf32, #tpu.memory_space<vmem>>, vector<16xf32>,
      %parallel_loop3A_64 = arith.index_cast %parallel_loop3A_52 : i32 to index
      %parallel_loop3A_65 = arith.constant 16 : index
      %parallel_loop3A_66 = tpu.vector_load %arg11[%parallel_loop3A_64, %parallel_loop3A_65] {strides = array<i32>} : memref<256x64xf32, #tpu.memory_space<vmem>>, vector<16xf32>,
      %parallel_loop3A_67 = arith.mulf %parallel_loop3A_66, %parallel_loop3A_56 : vector<16xf32>
      %parallel_loop3A_68 = arith.index_cast %parallel_loop3A_52 : i32 to index
      %parallel_loop3A_69 = arith.constant 16 : index
      %parallel_loop3A_70 = tpu.vector_load %arg11[%parallel_loop3A_68, %parallel_loop3A_69] {strides = array<i32>} : memref<256x64xf32, #tpu.memory_space<vmem>>, vector<16xf32>,
      tpu.vector_store %arg11[%parallel_loop3A_68, %parallel_loop3A_69], %parallel_loop3A_67 {strides = array<i32>} : memref<256x64xf32, #tpu.memory_space<vmem>>, vector<16xf32>,
      %parallel_loop3A_71 = arith.index_cast %parallel_loop3A_52 : i32 to index
      %parallel_loop3A_72 = arith.constant 32 : index
      %parallel_loop3A_73 = tpu.vector_load %arg11[%parallel_loop3A_71, %parallel_loop3A_72] {strides = array<i32>} : memref<256x64xf32, #tpu.memory_space<vmem>>, vector<16xf32>,
      %parallel_loop3A_74 = arith.mulf %parallel_loop3A_73, %parallel_loop3A_56 : vector<16xf32>
      %parallel_loop3A_75 = arith.index_cast %parallel_loop3A_52 : i32 to index
      %parallel_loop3A_76 = arith.constant 32 : index
      %parallel_loop3A_77 = tpu.vector_load %arg11[%parallel_loop3A_75, %parallel_loop3A_76] {strides = array<i32>} : memref<256x64xf32, #tpu.memory_space<vmem>>, vector<16xf32>,
      tpu.vector_store %arg11[%parallel_loop3A_75, %parallel_loop3A_76], %parallel_loop3A_74 {strides = array<i32>} : memref<256x64xf32, #tpu.memory_space<vmem>>, vector<16xf32>,
      %parallel_loop3A_78 = arith.index_cast %parallel_loop3A_52 : i32 to index
      %parallel_loop3A_79 = arith.constant 48 : index
      %parallel_loop3A_80 = tpu.vector_load %arg11[%parallel_loop3A_78, %parallel_loop3A_79] {strides = array<i32>} : memref<256x64xf32, #tpu.memory_space<vmem>>, vector<16xf32>,
      %parallel_loop3A_81 = arith.mulf %parallel_loop3A_80, %parallel_loop3A_56 : vector<16xf32>
      %parallel_loop3A_82 = arith.index_cast %parallel_loop3A_52 : i32 to index
      %parallel_loop3A_83 = arith.constant 48 : index
      %parallel_loop3A_84 = tpu.vector_load %arg11[%parallel_loop3A_82, %parallel_loop3A_83] {strides = array<i32>} : memref<256x64xf32, #tpu.memory_space<vmem>>, vector<16xf32>,
      tpu.vector_store %arg11[%parallel_loop3A_82, %parallel_loop3A_83], %parallel_loop3A_81 {strides = array<i32>} : memref<256x64xf32, #tpu.memory_space<vmem>>, vector<16xf32>,
    } {sc.loop_unroll_factor = 8 : i64, sc.parallel_access}
    %dma_start3A_22 = arith.constant 39 : i32
    %dma_start3A_23 = arith.constant 0 : i32
    %dma_start3A_24 = tpu.memref_slice %arg9[%dma_start3A_22, %dma_start3A_23] : memref<40x256xi32, #tpu.memory_space<vmem>> -> memref<1x256xi32, #tpu.memory_space<vmem>>
    %dma_start3A_25 = tpu.memref_squeeze %dma_start3A_24 : memref<1x256xi32, #tpu.memory_space<vmem>> -> memref<256xi32, #tpu.memory_space<vmem>>
    %dma_start3A_26 = arith.constant 0 : i32
    %dma_start3A_27 = arith.constant 0 : i32
    %dma_start3A_28 = tpu.memref_slice %arg14[%dma_start3A_26, %dma_start3A_27] : memref<10240x64xf32, #tpu.memory_space<vmem_shared>> -> memref<10240x64xf32, #tpu.memory_space<vmem_shared>>
    tpu.enqueue_indirect_dma source(%arg11 : memref<256x64xf32, #tpu.memory_space<vmem>>) target(%dma_start3A_28 : memref<10240x64xf32, #tpu.memory_space<vmem_shared>>) offsets(%dma_start3A_25 : memref<256xi32, #tpu.memory_space<vmem>>) semaphore(%arg18 : memref<!tpu.dma_semaphore, #tpu.memory_space<semaphore_mem>>) {add = true}
    %dma_wait3A_29 = arith.constant 0 : i32
    %dma_wait3A_30 = arith.constant 0 : i32
    %dma_wait3A_31 = tpu.memref_slice %arg2[%dma_wait3A_29, %dma_wait3A_30] : memref<10000x64xf32, #tpu.memory_space<hbm>> -> memref<256x64xf32, #tpu.memory_space<hbm>>
    %dma_wait3A_32 = arith.constant 0 : i32
    %dma_wait3A_33 = arith.constant 0 : i32
    %dma_wait3A_34 = tpu.memref_slice %arg2[%dma_wait3A_32, %dma_wait3A_33] : memref<10000x64xf32, #tpu.memory_space<hbm>> -> memref<256x64xf32, #tpu.memory_space<hbm>>
    tpu.wait_dma2 semaphore(%arg19 : memref<!tpu.dma_semaphore, #tpu.memory_space<semaphore_mem>>) src(%dma_wait3A_34 : memref<256x64xf32, #tpu.memory_space<hbm>>) dst(%arg12 : memref<256x64xf32, #tpu.memory_space<vmem>>)
    %dma_wait3A_35 = arith.constant 0 : i32
    %dma_wait3A_36 = arith.constant 0 : i32
    %dma_wait3A_37 = tpu.memref_slice %arg2[%dma_wait3A_35, %dma_wait3A_36] : memref<10000x64xf32, #tpu.memory_space<hbm>> -> memref<256x64xf32, #tpu.memory_space<hbm>>
    %dma_wait3A_38 = arith.constant 0 : i32
    %dma_wait3A_39 = arith.constant 0 : i32
    %dma_wait3A_40 = tpu.memref_slice %arg2[%dma_wait3A_38, %dma_wait3A_39] : memref<10000x64xf32, #tpu.memory_space<hbm>> -> memref<256x64xf32, #tpu.memory_space<hbm>>
    tpu.wait_dma2 semaphore(%arg20 : memref<!tpu.dma_semaphore, #tpu.memory_space<semaphore_mem>>) src(%dma_wait3A_40 : memref<256x64xf32, #tpu.memory_space<hbm>>) dst(%arg13 : memref<256x64xf32, #tpu.memory_space<vmem>>)
    %dma_wait3A_41 = arith.constant 0 : i32
    %dma_wait3A_42 = arith.constant 0 : i32
    %dma_wait3A_43 = tpu.memref_slice %arg2[%dma_wait3A_41, %dma_wait3A_42] : memref<10000x64xf32, #tpu.memory_space<hbm>> -> memref<256x64xf32, #tpu.memory_space<hbm>>
    %dma_wait3A_44 = arith.constant 0 : i32
    %dma_wait3A_45 = arith.constant 0 : i32
    %dma_wait3A_46 = tpu.memref_slice %arg2[%dma_wait3A_44, %dma_wait3A_45] : memref<10000x64xf32, #tpu.memory_space<hbm>> -> memref<256x64xf32, #tpu.memory_space<hbm>>
    tpu.wait_dma2 semaphore(%arg18 : memref<!tpu.dma_semaphore, #tpu.memory_space<semaphore_mem>>) src(%dma_wait3A_46 : memref<256x64xf32, #tpu.memory_space<hbm>>) dst(%arg11 : memref<256x64xf32, #tpu.memory_space<vmem>>)
    %barrier3A_47 = arith.constant 0 : index
    tpu.barrier barrier_id(%barrier3A_47)
    %mul3A_48 = arith.constant 640 : i32
    %mul3A_49 = arith.muli %arg1, %mul3A_48 : i32
    %mul3A_50 = arith.constant 640 : i32
    %mul3A_51 = arith.muli %arg1, %mul3A_50 : i32
    "tpu.region"() ({
      %run_scoped3A = tpu.sem_alloc : memref<!tpu.dma_semaphore, #tpu.memory_space<semaphore_mem>>
      %dma_start3A_52 = arith.constant 0 : i32
      %dma_start3A_53 = tpu.memref_slice %arg7[%arg0, %mul3A_51, %dma_start3A_52] : memref<2x10240x64xf32, #tpu.memory_space<hbm>> -> memref<1x640x64xf32, #tpu.memory_space<hbm>>
      %dma_start3A_54 = tpu.memref_squeeze %dma_start3A_53 : memref<1x640x64xf32, #tpu.memory_space<hbm>> -> memref<640x64xf32, #tpu.memory_space<hbm>>
      %dma_start3A_55 = arith.constant 0 : i32
      %dma_start3A_56 = tpu.memref_slice %arg14[%mul3A_49, %dma_start3A_55] : memref<10240x64xf32, #tpu.memory_space<vmem_shared>> -> memref<640x64xf32, #tpu.memory_space<vmem_shared>>
      tpu.enqueue_dma source(%dma_start3A_56 : memref<640x64xf32, #tpu.memory_space<vmem_shared>>) target(%dma_start3A_54 : memref<640x64xf32, #tpu.memory_space<hbm>>) target_semaphore(%run_scoped3A : memref<!tpu.dma_semaphore, #tpu.memory_space<semaphore_mem>>)
      %dma_wait3A_57 = arith.constant 0 : i32
      %dma_wait3A_58 = tpu.memref_slice %arg7[%arg0, %mul3A_51, %dma_wait3A_57] : memref<2x10240x64xf32, #tpu.memory_space<hbm>> -> memref<1x640x64xf32, #tpu.memory_space<hbm>>
      %dma_wait3A_59 = tpu.memref_squeeze %dma_wait3A_58 : memref<1x640x64xf32, #tpu.memory_space<hbm>> -> memref<640x64xf32, #tpu.memory_space<hbm>>
      %dma_wait3A_60 = arith.constant 0 : i32
      %dma_wait3A_61 = tpu.memref_slice %arg14[%mul3A_49, %dma_wait3A_60] : memref<10240x64xf32, #tpu.memory_space<vmem_shared>> -> memref<640x64xf32, #tpu.memory_space<vmem_shared>>
      tpu.wait_dma2 semaphore(%run_scoped3A : memref<!tpu.dma_semaphore, #tpu.memory_space<semaphore_mem>>) src(%dma_wait3A_61 : memref<640x64xf32, #tpu.memory_space<vmem_shared>>) dst(%dma_wait3A_59 : memref<640x64xf32, #tpu.memory_space<hbm>>)
      tpu.yield
    }) : () -> ()
    return
  }
}

#map = affine_map<(d0, d1) -> (0)>
#map1 = affine_map<(d0, d1) -> (0, 0)>
module attributes {stable_mosaic.version = 14 : i64} {
  func.func @_sc_deg_body(%arg0: i32, %arg1: i32, %arg2: memref<327680xi32, #tpu.memory_space<hbm>>, %arg3: memref<327680xi32, #tpu.memory_space<hbm>>, %arg4: memref<327680xf32, #tpu.memory_space<hbm>>, %arg5: memref<640x16xf32, #tpu.memory_space<hbm>>, %arg6: memref<5x128xi32, #tpu.memory_space<hbm>>, %arg7: memref<640x16xf32, #tpu.memory_space<hbm>>, %arg8: memref<327680xf32, #tpu.memory_space<hbm>>, %arg9: memref<20480xi32, #tpu.memory_space<vmem>>, %arg10: memref<20480xi32, #tpu.memory_space<vmem>>, %arg11: memref<20480xf32, #tpu.memory_space<vmem>>, %arg12: memref<640x16xf32, #tpu.memory_space<vmem>>, %arg13: memref<5x128xi32, #tpu.memory_space<vmem>>, %arg14: memref<40x16xf32, #tpu.memory_space<vmem>>, %arg15: memref<20480xf32, #tpu.memory_space<vmem>>, %arg16: memref<640x16xf32, #tpu.memory_space<vmem_shared>>, %arg17: memref<!tpu.dma_semaphore, #tpu.memory_space<semaphore_mem>>) attributes {dimension_semantics = [#tpu.dimension_semantics<core_parallel>, #tpu.dimension_semantics<subcore_parallel>], iteration_bounds = array<i64: 2, 16>, scalar_prefetch = 0 : i64, scratch_operands = 9 : i64, tpu.core_type = #tpu.core_type<sc_vector_subcore>, window_params = [{transform_indices = #map}, {transform_indices = #map}, {transform_indices = #map}, {transform_indices = #map1}, {transform_indices = #map1}, {transform_indices = #map1}, {transform_indices = #map}]} {
    %eq3A = arith.constant 0 : i32
    %eq3A_0 = arith.cmpi eq, %arg0, %eq3A : i32
    %convert_element_type3A = arith.extui %eq3A_0 : i1 to i32
    %cond3A = arith.constant 0 : i32
    %cond3A_1 = arith.cmpi ne, %convert_element_type3A, %cond3A : i32
    scf.if %cond3A_1 {
      %mul3A = arith.constant 20480 : i32
      %mul3A_2 = arith.muli %arg1, %mul3A : i32
      "tpu.region"() ({
        %run_scoped3A = tpu.sem_alloc : memref<!tpu.dma_semaphore, #tpu.memory_space<semaphore_mem>>
        %dma_start3A = tpu.memref_slice %arg3[%mul3A_2] : memref<327680xi32, #tpu.memory_space<hbm>> -> memref<20480xi32, #tpu.memory_space<hbm>>
        %dma_start3A_27 = tpu.memref_slice %arg3[%mul3A_2] : memref<327680xi32, #tpu.memory_space<hbm>> -> memref<20480xi32, #tpu.memory_space<hbm>>
        tpu.enqueue_dma source(%dma_start3A_27 : memref<20480xi32, #tpu.memory_space<hbm>>) target(%arg10 : memref<20480xi32, #tpu.memory_space<vmem>>) target_semaphore(%run_scoped3A : memref<!tpu.dma_semaphore, #tpu.memory_space<semaphore_mem>>)
        %dma_wait3A = tpu.memref_slice %arg3[%mul3A_2] : memref<327680xi32, #tpu.memory_space<hbm>> -> memref<20480xi32, #tpu.memory_space<hbm>>
        %dma_wait3A_28 = tpu.memref_slice %arg3[%mul3A_2] : memref<327680xi32, #tpu.memory_space<hbm>> -> memref<20480xi32, #tpu.memory_space<hbm>>
        tpu.wait_dma2 semaphore(%run_scoped3A : memref<!tpu.dma_semaphore, #tpu.memory_space<semaphore_mem>>) src(%dma_wait3A_28 : memref<20480xi32, #tpu.memory_space<hbm>>) dst(%arg10 : memref<20480xi32, #tpu.memory_space<vmem>>)
        tpu.yield
      }) : () -> ()
      "tpu.region"() ({
        %run_scoped3A = tpu.sem_alloc : memref<!tpu.dma_semaphore, #tpu.memory_space<semaphore_mem>>
        %dma_start3A = tpu.memref_slice %arg4[%mul3A_2] : memref<327680xf32, #tpu.memory_space<hbm>> -> memref<20480xf32, #tpu.memory_space<hbm>>
        %dma_start3A_27 = tpu.memref_slice %arg4[%mul3A_2] : memref<327680xf32, #tpu.memory_space<hbm>> -> memref<20480xf32, #tpu.memory_space<hbm>>
        tpu.enqueue_dma source(%dma_start3A_27 : memref<20480xf32, #tpu.memory_space<hbm>>) target(%arg11 : memref<20480xf32, #tpu.memory_space<vmem>>) target_semaphore(%run_scoped3A : memref<!tpu.dma_semaphore, #tpu.memory_space<semaphore_mem>>)
        %dma_wait3A = tpu.memref_slice %arg4[%mul3A_2] : memref<327680xf32, #tpu.memory_space<hbm>> -> memref<20480xf32, #tpu.memory_space<hbm>>
        %dma_wait3A_28 = tpu.memref_slice %arg4[%mul3A_2] : memref<327680xf32, #tpu.memory_space<hbm>> -> memref<20480xf32, #tpu.memory_space<hbm>>
        tpu.wait_dma2 semaphore(%run_scoped3A : memref<!tpu.dma_semaphore, #tpu.memory_space<semaphore_mem>>) src(%dma_wait3A_28 : memref<20480xf32, #tpu.memory_space<hbm>>) dst(%arg11 : memref<20480xf32, #tpu.memory_space<vmem>>)
        tpu.yield
      }) : () -> ()
      "tpu.region"() ({
        %run_scoped3A = tpu.sem_alloc : memref<!tpu.dma_semaphore, #tpu.memory_space<semaphore_mem>>
        tpu.enqueue_dma source(%arg5 : memref<640x16xf32, #tpu.memory_space<hbm>>) target(%arg12 : memref<640x16xf32, #tpu.memory_space<vmem>>) target_semaphore(%run_scoped3A : memref<!tpu.dma_semaphore, #tpu.memory_space<semaphore_mem>>)
        tpu.wait_dma2 semaphore(%run_scoped3A : memref<!tpu.dma_semaphore, #tpu.memory_space<semaphore_mem>>) src(%arg5 : memref<640x16xf32, #tpu.memory_space<hbm>>) dst(%arg12 : memref<640x16xf32, #tpu.memory_space<vmem>>)
        tpu.yield
      }) : () -> ()
      "tpu.region"() ({
        %run_scoped3A = tpu.sem_alloc : memref<!tpu.dma_semaphore, #tpu.memory_space<semaphore_mem>>
        tpu.enqueue_dma source(%arg6 : memref<5x128xi32, #tpu.memory_space<hbm>>) target(%arg13 : memref<5x128xi32, #tpu.memory_space<vmem>>) target_semaphore(%run_scoped3A : memref<!tpu.dma_semaphore, #tpu.memory_space<semaphore_mem>>)
        tpu.wait_dma2 semaphore(%run_scoped3A : memref<!tpu.dma_semaphore, #tpu.memory_space<semaphore_mem>>) src(%arg6 : memref<5x128xi32, #tpu.memory_space<hbm>>) dst(%arg13 : memref<5x128xi32, #tpu.memory_space<vmem>>)
        tpu.yield
      }) : () -> ()
      %mul3A_3 = arith.constant 40 : i32
      %mul3A_4 = arith.muli %arg1, %mul3A_3 : i32
      %mul3A_5 = arith.constant 40 : i32
      %mul3A_6 = arith.muli %arg1, %mul3A_5 : i32
      "tpu.region"() ({
        %run_scoped3A = tpu.sem_alloc : memref<!tpu.dma_semaphore, #tpu.memory_space<semaphore_mem>>
        %dma_start3A = arith.constant 0 : i32
        %dma_start3A_27 = tpu.memref_slice %arg16[%mul3A_6, %dma_start3A] : memref<640x16xf32, #tpu.memory_space<vmem_shared>> -> memref<40x16xf32, #tpu.memory_space<vmem_shared>>
        %dma_start3A_28 = arith.constant 0 : i32
        %dma_start3A_29 = tpu.memref_slice %arg5[%mul3A_4, %dma_start3A_28] : memref<640x16xf32, #tpu.memory_space<hbm>> -> memref<40x16xf32, #tpu.memory_space<hbm>>
        tpu.enqueue_dma source(%dma_start3A_29 : memref<40x16xf32, #tpu.memory_space<hbm>>) target(%dma_start3A_27 : memref<40x16xf32, #tpu.memory_space<vmem_shared>>) target_semaphore(%run_scoped3A : memref<!tpu.dma_semaphore, #tpu.memory_space<semaphore_mem>>)
        %dma_wait3A = arith.constant 0 : i32
        %dma_wait3A_30 = tpu.memref_slice %arg16[%mul3A_6, %dma_wait3A] : memref<640x16xf32, #tpu.memory_space<vmem_shared>> -> memref<40x16xf32, #tpu.memory_space<vmem_shared>>
        %dma_wait3A_31 = arith.constant 0 : i32
        %dma_wait3A_32 = tpu.memref_slice %arg5[%mul3A_4, %dma_wait3A_31] : memref<640x16xf32, #tpu.memory_space<hbm>> -> memref<40x16xf32, #tpu.memory_space<hbm>>
        tpu.wait_dma2 semaphore(%run_scoped3A : memref<!tpu.dma_semaphore, #tpu.memory_space<semaphore_mem>>) src(%dma_wait3A_32 : memref<40x16xf32, #tpu.memory_space<hbm>>) dst(%dma_wait3A_30 : memref<40x16xf32, #tpu.memory_space<vmem_shared>>)
        tpu.yield
      }) : () -> ()
      %scan3A = arith.constant 0 : i32
      %scan3A_7 = arith.constant 1280 : i32
      %scan3A_8 = arith.addi %scan3A, %scan3A_7 : i32
      %scan3A_9 = arith.constant 4 : i32
      scf.for %scan3A_27 = %scan3A to %scan3A_8 step %scan3A_9  : i32 {
        %mul3A_28 = arith.constant 1 : i32
        %mul3A_29 = arith.muli %scan3A_27, %mul3A_28 : i32
        %add3A = arith.constant 0 : i32
        %add3A_30 = arith.addi %add3A, %mul3A_29 : i32
        %mul3A_31 = arith.constant 16 : i32
        %mul3A_32 = arith.muli %add3A_30, %mul3A_31 : i32
        %get3A = arith.index_cast %mul3A_32 : i32 to index
        %get3A_33 = tpu.vector_load %arg10[%get3A] {strides = array<i32>} : memref<20480xi32, #tpu.memory_space<vmem>>, vector<16xi32>,
        %mul3A_34 = arith.constant 16 : i32
        %mul3A_35 = arith.muli %add3A_30, %mul3A_34 : i32
        %get3A_36 = arith.index_cast %mul3A_35 : i32 to index
        %get3A_37 = tpu.vector_load %arg11[%get3A_36] {strides = array<i32>} : memref<20480xf32, #tpu.memory_space<vmem>>, vector<16xf32>,
        %shift_right_logical3A = arith.constant 4 : i32
        %shift_right_logical3A_38 = vector.broadcast %shift_right_logical3A : i32 to vector<16xi32>
        %shift_right_logical3A_39 = arith.shrui %get3A_33, %shift_right_logical3A_38 : vector<16xi32>
        %and3A = arith.constant 15 : i32
        %and3A_40 = vector.broadcast %and3A : i32 to vector<16xi32>
        %and3A_41 = arith.andi %get3A_33, %and3A_40 : vector<16xi32>
        tpu.vector_store_idx %arg12[%shift_right_logical3A_39, %and3A_41], %get3A_37 {add = true} : memref<640x16xf32, #tpu.memory_space<vmem>>[vector<16xi32>, vector<16xi32>], vector<16xf32>,
        %scan3A_42 = arith.constant 1 : i32
        %scan3A_43 = arith.addi %scan3A_27, %scan3A_42 : i32
        %mul3A_44 = arith.constant 1 : i32
        %mul3A_45 = arith.muli %scan3A_43, %mul3A_44 : i32
        %add3A_46 = arith.constant 0 : i32
        %add3A_47 = arith.addi %add3A_46, %mul3A_45 : i32
        %mul3A_48 = arith.constant 16 : i32
        %mul3A_49 = arith.muli %add3A_47, %mul3A_48 : i32
        %get3A_50 = arith.index_cast %mul3A_49 : i32 to index
        %get3A_51 = tpu.vector_load %arg10[%get3A_50] {strides = array<i32>} : memref<20480xi32, #tpu.memory_space<vmem>>, vector<16xi32>,
        %mul3A_52 = arith.constant 16 : i32
        %mul3A_53 = arith.muli %add3A_47, %mul3A_52 : i32
        %get3A_54 = arith.index_cast %mul3A_53 : i32 to index
        %get3A_55 = tpu.vector_load %arg11[%get3A_54] {strides = array<i32>} : memref<20480xf32, #tpu.memory_space<vmem>>, vector<16xf32>,
        %shift_right_logical3A_56 = arith.constant 4 : i32
        %shift_right_logical3A_57 = vector.broadcast %shift_right_logical3A_56 : i32 to vector<16xi32>
        %shift_right_logical3A_58 = arith.shrui %get3A_51, %shift_right_logical3A_57 : vector<16xi32>
        %and3A_59 = arith.constant 15 : i32
        %and3A_60 = vector.broadcast %and3A_59 : i32 to vector<16xi32>
        %and3A_61 = arith.andi %get3A_51, %and3A_60 : vector<16xi32>
        tpu.vector_store_idx %arg12[%shift_right_logical3A_58, %and3A_61], %get3A_55 {add = true} : memref<640x16xf32, #tpu.memory_space<vmem>>[vector<16xi32>, vector<16xi32>], vector<16xf32>,
        %scan3A_62 = arith.constant 2 : i32
        %scan3A_63 = arith.addi %scan3A_27, %scan3A_62 : i32
        %mul3A_64 = arith.constant 1 : i32
        %mul3A_65 = arith.muli %scan3A_63, %mul3A_64 : i32
        %add3A_66 = arith.constant 0 : i32
        %add3A_67 = arith.addi %add3A_66, %mul3A_65 : i32
        %mul3A_68 = arith.constant 16 : i32
        %mul3A_69 = arith.muli %add3A_67, %mul3A_68 : i32
        %get3A_70 = arith.index_cast %mul3A_69 : i32 to index
        %get3A_71 = tpu.vector_load %arg10[%get3A_70] {strides = array<i32>} : memref<20480xi32, #tpu.memory_space<vmem>>, vector<16xi32>,
        %mul3A_72 = arith.constant 16 : i32
        %mul3A_73 = arith.muli %add3A_67, %mul3A_72 : i32
        %get3A_74 = arith.index_cast %mul3A_73 : i32 to index
        %get3A_75 = tpu.vector_load %arg11[%get3A_74] {strides = array<i32>} : memref<20480xf32, #tpu.memory_space<vmem>>, vector<16xf32>,
        %shift_right_logical3A_76 = arith.constant 4 : i32
        %shift_right_logical3A_77 = vector.broadcast %shift_right_logical3A_76 : i32 to vector<16xi32>
        %shift_right_logical3A_78 = arith.shrui %get3A_71, %shift_right_logical3A_77 : vector<16xi32>
        %and3A_79 = arith.constant 15 : i32
        %and3A_80 = vector.broadcast %and3A_79 : i32 to vector<16xi32>
        %and3A_81 = arith.andi %get3A_71, %and3A_80 : vector<16xi32>
        tpu.vector_store_idx %arg12[%shift_right_logical3A_78, %and3A_81], %get3A_75 {add = true} : memref<640x16xf32, #tpu.memory_space<vmem>>[vector<16xi32>, vector<16xi32>], vector<16xf32>,
        %scan3A_82 = arith.constant 3 : i32
        %scan3A_83 = arith.addi %scan3A_27, %scan3A_82 : i32
        %mul3A_84 = arith.constant 1 : i32
        %mul3A_85 = arith.muli %scan3A_83, %mul3A_84 : i32
        %add3A_86 = arith.constant 0 : i32
        %add3A_87 = arith.addi %add3A_86, %mul3A_85 : i32
        %mul3A_88 = arith.constant 16 : i32
        %mul3A_89 = arith.muli %add3A_87, %mul3A_88 : i32
        %get3A_90 = arith.index_cast %mul3A_89 : i32 to index
        %get3A_91 = tpu.vector_load %arg10[%get3A_90] {strides = array<i32>} : memref<20480xi32, #tpu.memory_space<vmem>>, vector<16xi32>,
        %mul3A_92 = arith.constant 16 : i32
        %mul3A_93 = arith.muli %add3A_87, %mul3A_92 : i32
        %get3A_94 = arith.index_cast %mul3A_93 : i32 to index
        %get3A_95 = tpu.vector_load %arg11[%get3A_94] {strides = array<i32>} : memref<20480xf32, #tpu.memory_space<vmem>>, vector<16xf32>,
        %shift_right_logical3A_96 = arith.constant 4 : i32
        %shift_right_logical3A_97 = vector.broadcast %shift_right_logical3A_96 : i32 to vector<16xi32>
        %shift_right_logical3A_98 = arith.shrui %get3A_91, %shift_right_logical3A_97 : vector<16xi32>
        %and3A_99 = arith.constant 15 : i32
        %and3A_100 = vector.broadcast %and3A_99 : i32 to vector<16xi32>
        %and3A_101 = arith.andi %get3A_91, %and3A_100 : vector<16xi32>
        tpu.vector_store_idx %arg12[%shift_right_logical3A_98, %and3A_101], %get3A_95 {add = true} : memref<640x16xf32, #tpu.memory_space<vmem>>[vector<16xi32>, vector<16xi32>], vector<16xf32>,
      }
      %scan3A_10 = arith.constant 1280 : i32
      %barrier3A = arith.constant 0 : index
      tpu.barrier barrier_id(%barrier3A)
      %scan3A_11 = arith.constant 0 : i32
      %scan3A_12 = arith.constant 5 : i32
      %scan3A_13 = arith.addi %scan3A_11, %scan3A_12 : i32
      %scan3A_14 = arith.constant 1 : i32
      scf.for %scan3A_27 = %scan3A_11 to %scan3A_13 step %scan3A_14  : i32 {
        %mul3A_28 = arith.constant 1 : i32
        %mul3A_29 = arith.muli %scan3A_27, %mul3A_28 : i32
        %add3A = arith.constant 0 : i32
        %add3A_30 = arith.addi %add3A, %mul3A_29 : i32
        %mul3A_31 = arith.constant 128 : i32
        %mul3A_32 = arith.muli %add3A_30, %mul3A_31 : i32
        %dma_start3A = arith.constant 0 : i32
        %dma_start3A_33 = tpu.memref_slice %arg12[%mul3A_32, %dma_start3A] : memref<640x16xf32, #tpu.memory_space<vmem>> -> memref<128x16xf32, #tpu.memory_space<vmem>>
        %dma_start3A_34 = arith.constant 0 : i32
        %dma_start3A_35 = tpu.memref_slice %arg13[%add3A_30, %dma_start3A_34] : memref<5x128xi32, #tpu.memory_space<vmem>> -> memref<1x128xi32, #tpu.memory_space<vmem>>
        %dma_start3A_36 = tpu.memref_squeeze %dma_start3A_35 : memref<1x128xi32, #tpu.memory_space<vmem>> -> memref<128xi32, #tpu.memory_space<vmem>>
        %dma_start3A_37 = arith.constant 0 : i32
        %dma_start3A_38 = arith.constant 0 : i32
        %dma_start3A_39 = tpu.memref_slice %arg16[%dma_start3A_37, %dma_start3A_38] : memref<640x16xf32, #tpu.memory_space<vmem_shared>> -> memref<640x16xf32, #tpu.memory_space<vmem_shared>>
        tpu.enqueue_indirect_dma source(%dma_start3A_33 : memref<128x16xf32, #tpu.memory_space<vmem>>) target(%dma_start3A_39 : memref<640x16xf32, #tpu.memory_space<vmem_shared>>) offsets(%dma_start3A_36 : memref<128xi32, #tpu.memory_space<vmem>>) semaphore(%arg17 : memref<!tpu.dma_semaphore, #tpu.memory_space<semaphore_mem>>) {add = true}
        %dma_wait3A = arith.constant 0 : i32
        %dma_wait3A_40 = tpu.memref_slice %arg12[%mul3A_32, %dma_wait3A] : memref<640x16xf32, #tpu.memory_space<vmem>> -> memref<128x16xf32, #tpu.memory_space<vmem>>
        %dma_wait3A_41 = arith.constant 0 : i32
        %dma_wait3A_42 = tpu.memref_slice %arg13[%add3A_30, %dma_wait3A_41] : memref<5x128xi32, #tpu.memory_space<vmem>> -> memref<1x128xi32, #tpu.memory_space<vmem>>
        %dma_wait3A_43 = tpu.memref_squeeze %dma_wait3A_42 : memref<1x128xi32, #tpu.memory_space<vmem>> -> memref<128xi32, #tpu.memory_space<vmem>>
        %dma_wait3A_44 = arith.constant 0 : i32
        %dma_wait3A_45 = arith.constant 0 : i32
        %dma_wait3A_46 = tpu.memref_slice %arg16[%dma_wait3A_44, %dma_wait3A_45] : memref<640x16xf32, #tpu.memory_space<vmem_shared>> -> memref<640x16xf32, #tpu.memory_space<vmem_shared>>
        tpu.wait_indirect_dma semaphore(%arg17 : memref<!tpu.dma_semaphore, #tpu.memory_space<semaphore_mem>>) src(%dma_wait3A_40 : memref<128x16xf32, #tpu.memory_space<vmem>>) dst(%dma_wait3A_46 : memref<640x16xf32, #tpu.memory_space<vmem_shared>>)
      }
      %scan3A_15 = arith.constant 5 : i32
      %barrier3A_16 = arith.constant 0 : index
      tpu.barrier barrier_id(%barrier3A_16)
      %mul3A_17 = arith.constant 40 : i32
      %mul3A_18 = arith.muli %arg1, %mul3A_17 : i32
      "tpu.region"() ({
        %run_scoped3A = tpu.sem_alloc : memref<!tpu.dma_semaphore, #tpu.memory_space<semaphore_mem>>
        %dma_start3A = arith.constant 0 : i32
        %dma_start3A_27 = tpu.memref_slice %arg16[%mul3A_18, %dma_start3A] : memref<640x16xf32, #tpu.memory_space<vmem_shared>> -> memref<40x16xf32, #tpu.memory_space<vmem_shared>>
        %dma_start3A_28 = arith.constant 0 : i32
        %dma_start3A_29 = tpu.memref_slice %arg16[%mul3A_18, %dma_start3A_28] : memref<640x16xf32, #tpu.memory_space<vmem_shared>> -> memref<40x16xf32, #tpu.memory_space<vmem_shared>>
        tpu.enqueue_dma source(%dma_start3A_29 : memref<40x16xf32, #tpu.memory_space<vmem_shared>>) target(%arg14 : memref<40x16xf32, #tpu.memory_space<vmem>>) target_semaphore(%run_scoped3A : memref<!tpu.dma_semaphore, #tpu.memory_space<semaphore_mem>>)
        %dma_wait3A = arith.constant 0 : i32
        %dma_wait3A_30 = tpu.memref_slice %arg16[%mul3A_18, %dma_wait3A] : memref<640x16xf32, #tpu.memory_space<vmem_shared>> -> memref<40x16xf32, #tpu.memory_space<vmem_shared>>
        %dma_wait3A_31 = arith.constant 0 : i32
        %dma_wait3A_32 = tpu.memref_slice %arg16[%mul3A_18, %dma_wait3A_31] : memref<640x16xf32, #tpu.memory_space<vmem_shared>> -> memref<40x16xf32, #tpu.memory_space<vmem_shared>>
        tpu.wait_dma2 semaphore(%run_scoped3A : memref<!tpu.dma_semaphore, #tpu.memory_space<semaphore_mem>>) src(%dma_wait3A_32 : memref<40x16xf32, #tpu.memory_space<vmem_shared>>) dst(%arg14 : memref<40x16xf32, #tpu.memory_space<vmem>>)
        tpu.yield
      }) : () -> ()
      %scan3A_19 = arith.constant 0 : i32
      %scan3A_20 = arith.constant 40 : i32
      %scan3A_21 = arith.addi %scan3A_19, %scan3A_20 : i32
      %scan3A_22 = arith.constant 1 : i32
      scf.for %scan3A_27 = %scan3A_19 to %scan3A_21 step %scan3A_22  : i32 {
        %mul3A_28 = arith.constant 1 : i32
        %mul3A_29 = arith.muli %scan3A_27, %mul3A_28 : i32
        %add3A = arith.constant 0 : i32
        %add3A_30 = arith.addi %add3A, %mul3A_29 : i32
        %get3A = arith.index_cast %add3A_30 : i32 to index
        %get3A_31 = arith.constant 0 : index
        %get3A_32 = tpu.vector_load %arg14[%get3A, %get3A_31] {strides = array<i32>} : memref<40x16xf32, #tpu.memory_space<vmem>>, vector<16xf32>,
        %add3A_33 = arith.constant 1.000000e+00 : f32
        %add3A_34 = vector.broadcast %add3A_33 : f32 to vector<16xf32>
        %add3A_35 = arith.addf %get3A_32, %add3A_34 : vector<16xf32>
        %bitcast3A = vector.bitcast %add3A_35 : vector<16xf32> to vector<16xi32>
        %shift_right_logical3A = arith.constant 1 : i32
        %shift_right_logical3A_36 = vector.broadcast %shift_right_logical3A : i32 to vector<16xi32>
        %shift_right_logical3A_37 = arith.shrui %bitcast3A, %shift_right_logical3A_36 : vector<16xi32>
        %sub3A = arith.constant 1597463007 : i32
        %sub3A_38 = vector.broadcast %sub3A : i32 to vector<16xi32>
        %sub3A_39 = arith.subi %sub3A_38, %shift_right_logical3A_37 : vector<16xi32>
        %bitcast3A_40 = vector.bitcast %sub3A_39 : vector<16xi32> to vector<16xf32>
        %mul3A_41 = arith.constant 5.000000e-01 : f32
        %mul3A_42 = vector.broadcast %mul3A_41 : f32 to vector<16xf32>
        %mul3A_43 = arith.mulf %add3A_35, %mul3A_42 : vector<16xf32>
        %mul3A_44 = arith.mulf %mul3A_43, %bitcast3A_40 : vector<16xf32>
        %mul3A_45 = arith.mulf %mul3A_44, %bitcast3A_40 : vector<16xf32>
        %sub3A_46 = arith.constant 1.500000e+00 : f32
        %sub3A_47 = vector.broadcast %sub3A_46 : f32 to vector<16xf32>
        %sub3A_48 = arith.subf %sub3A_47, %mul3A_45 : vector<16xf32>
        %mul3A_49 = arith.mulf %bitcast3A_40, %sub3A_48 : vector<16xf32>
        %mul3A_50 = arith.mulf %mul3A_43, %mul3A_49 : vector<16xf32>
        %mul3A_51 = arith.mulf %mul3A_50, %mul3A_49 : vector<16xf32>
        %sub3A_52 = arith.constant 1.500000e+00 : f32
        %sub3A_53 = vector.broadcast %sub3A_52 : f32 to vector<16xf32>
        %sub3A_54 = arith.subf %sub3A_53, %mul3A_51 : vector<16xf32>
        %mul3A_55 = arith.mulf %mul3A_49, %sub3A_54 : vector<16xf32>
        %mul3A_56 = arith.mulf %mul3A_43, %mul3A_55 : vector<16xf32>
        %mul3A_57 = arith.mulf %mul3A_56, %mul3A_55 : vector<16xf32>
        %sub3A_58 = arith.constant 1.500000e+00 : f32
        %sub3A_59 = vector.broadcast %sub3A_58 : f32 to vector<16xf32>
        %sub3A_60 = arith.subf %sub3A_59, %mul3A_57 : vector<16xf32>
        %mul3A_61 = arith.mulf %mul3A_55, %sub3A_60 : vector<16xf32>
        %swap3A = arith.index_cast %add3A_30 : i32 to index
        %swap3A_62 = arith.constant 0 : index
        %swap3A_63 = tpu.vector_load %arg14[%swap3A, %swap3A_62] {strides = array<i32>} : memref<40x16xf32, #tpu.memory_space<vmem>>, vector<16xf32>,
        tpu.vector_store %arg14[%swap3A, %swap3A_62], %mul3A_61 {strides = array<i32>} : memref<40x16xf32, #tpu.memory_space<vmem>>, vector<16xf32>,
      }
      %scan3A_23 = arith.constant 40 : i32
      "tpu.region"() ({
        %run_scoped3A = tpu.sem_alloc : memref<!tpu.dma_semaphore, #tpu.memory_space<semaphore_mem>>
        %dma_start3A = arith.constant 0 : i32
        %dma_start3A_27 = tpu.memref_slice %arg16[%mul3A_18, %dma_start3A] : memref<640x16xf32, #tpu.memory_space<vmem_shared>> -> memref<40x16xf32, #tpu.memory_space<vmem_shared>>
        %dma_start3A_28 = arith.constant 0 : i32
        %dma_start3A_29 = tpu.memref_slice %arg16[%mul3A_18, %dma_start3A_28] : memref<640x16xf32, #tpu.memory_space<vmem_shared>> -> memref<40x16xf32, #tpu.memory_space<vmem_shared>>
        tpu.enqueue_dma source(%arg14 : memref<40x16xf32, #tpu.memory_space<vmem>>) target(%dma_start3A_29 : memref<40x16xf32, #tpu.memory_space<vmem_shared>>) target_semaphore(%run_scoped3A : memref<!tpu.dma_semaphore, #tpu.memory_space<semaphore_mem>>)
        %dma_wait3A = arith.constant 0 : i32
        %dma_wait3A_30 = tpu.memref_slice %arg16[%mul3A_18, %dma_wait3A] : memref<640x16xf32, #tpu.memory_space<vmem_shared>> -> memref<40x16xf32, #tpu.memory_space<vmem_shared>>
        %dma_wait3A_31 = arith.constant 0 : i32
        %dma_wait3A_32 = tpu.memref_slice %arg16[%mul3A_18, %dma_wait3A_31] : memref<640x16xf32, #tpu.memory_space<vmem_shared>> -> memref<40x16xf32, #tpu.memory_space<vmem_shared>>
        tpu.wait_dma2 semaphore(%run_scoped3A : memref<!tpu.dma_semaphore, #tpu.memory_space<semaphore_mem>>) src(%arg14 : memref<40x16xf32, #tpu.memory_space<vmem>>) dst(%dma_wait3A_32 : memref<40x16xf32, #tpu.memory_space<vmem_shared>>)
        tpu.yield
      }) : () -> ()
      "tpu.region"() ({
        %run_scoped3A = tpu.sem_alloc : memref<!tpu.dma_semaphore, #tpu.memory_space<semaphore_mem>>
        %dma_start3A = arith.constant 0 : i32
        %dma_start3A_27 = tpu.memref_slice %arg7[%mul3A_18, %dma_start3A] : memref<640x16xf32, #tpu.memory_space<hbm>> -> memref<40x16xf32, #tpu.memory_space<hbm>>
        %dma_start3A_28 = arith.constant 0 : i32
        %dma_start3A_29 = tpu.memref_slice %arg7[%mul3A_18, %dma_start3A_28] : memref<640x16xf32, #tpu.memory_space<hbm>> -> memref<40x16xf32, #tpu.memory_space<hbm>>
        tpu.enqueue_dma source(%arg14 : memref<40x16xf32, #tpu.memory_space<vmem>>) target(%dma_start3A_29 : memref<40x16xf32, #tpu.memory_space<hbm>>) target_semaphore(%run_scoped3A : memref<!tpu.dma_semaphore, #tpu.memory_space<semaphore_mem>>)
        %dma_wait3A = arith.constant 0 : i32
        %dma_wait3A_30 = tpu.memref_slice %arg7[%mul3A_18, %dma_wait3A] : memref<640x16xf32, #tpu.memory_space<hbm>> -> memref<40x16xf32, #tpu.memory_space<hbm>>
        %dma_wait3A_31 = arith.constant 0 : i32
        %dma_wait3A_32 = tpu.memref_slice %arg7[%mul3A_18, %dma_wait3A_31] : memref<640x16xf32, #tpu.memory_space<hbm>> -> memref<40x16xf32, #tpu.memory_space<hbm>>
        tpu.wait_dma2 semaphore(%run_scoped3A : memref<!tpu.dma_semaphore, #tpu.memory_space<semaphore_mem>>) src(%arg14 : memref<40x16xf32, #tpu.memory_space<vmem>>) dst(%dma_wait3A_32 : memref<40x16xf32, #tpu.memory_space<hbm>>)
        tpu.yield
      }) : () -> ()
      %barrier3A_24 = arith.constant 0 : index
      tpu.barrier barrier_id(%barrier3A_24)
      "tpu.region"() ({
        %run_scoped3A = tpu.sem_alloc : memref<!tpu.dma_semaphore, #tpu.memory_space<semaphore_mem>>
        tpu.enqueue_dma source(%arg16 : memref<640x16xf32, #tpu.memory_space<vmem_shared>>) target(%arg12 : memref<640x16xf32, #tpu.memory_space<vmem>>) target_semaphore(%run_scoped3A : memref<!tpu.dma_semaphore, #tpu.memory_space<semaphore_mem>>)
        tpu.wait_dma2 semaphore(%run_scoped3A : memref<!tpu.dma_semaphore, #tpu.memory_space<semaphore_mem>>) src(%arg16 : memref<640x16xf32, #tpu.memory_space<vmem_shared>>) dst(%arg12 : memref<640x16xf32, #tpu.memory_space<vmem>>)
        tpu.yield
      }) : () -> ()
      "tpu.region"() ({
        %run_scoped3A = tpu.sem_alloc : memref<!tpu.dma_semaphore, #tpu.memory_space<semaphore_mem>>
        %dma_start3A = tpu.memref_slice %arg2[%mul3A_2] : memref<327680xi32, #tpu.memory_space<hbm>> -> memref<20480xi32, #tpu.memory_space<hbm>>
        %dma_start3A_27 = tpu.memref_slice %arg2[%mul3A_2] : memref<327680xi32, #tpu.memory_space<hbm>> -> memref<20480xi32, #tpu.memory_space<hbm>>
        tpu.enqueue_dma source(%dma_start3A_27 : memref<20480xi32, #tpu.memory_space<hbm>>) target(%arg9 : memref<20480xi32, #tpu.memory_space<vmem>>) target_semaphore(%run_scoped3A : memref<!tpu.dma_semaphore, #tpu.memory_space<semaphore_mem>>)
        %dma_wait3A = tpu.memref_slice %arg2[%mul3A_2] : memref<327680xi32, #tpu.memory_space<hbm>> -> memref<20480xi32, #tpu.memory_space<hbm>>
        %dma_wait3A_28 = tpu.memref_slice %arg2[%mul3A_2] : memref<327680xi32, #tpu.memory_space<hbm>> -> memref<20480xi32, #tpu.memory_space<hbm>>
        tpu.wait_dma2 semaphore(%run_scoped3A : memref<!tpu.dma_semaphore, #tpu.memory_space<semaphore_mem>>) src(%dma_wait3A_28 : memref<20480xi32, #tpu.memory_space<hbm>>) dst(%arg9 : memref<20480xi32, #tpu.memory_space<vmem>>)
        tpu.yield
      }) : () -> ()
      %parallel_loop3A = arith.constant 0 : i32
      %parallel_loop3A_25 = arith.constant 1280 : i32
      %parallel_loop3A_26 = arith.constant 1 : i32
      scf.for %parallel_loop3A_27 = %parallel_loop3A to %parallel_loop3A_25 step %parallel_loop3A_26  : i32 {
        %parallel_loop3A_28 = arith.constant 16 : i32
        %parallel_loop3A_29 = arith.muli %parallel_loop3A_27, %parallel_loop3A_28 : i32
        %parallel_loop3A_30 = arith.index_cast %parallel_loop3A_29 : i32 to index
        %parallel_loop3A_31 = tpu.vector_load %arg9[%parallel_loop3A_30] {strides = array<i32>} : memref<20480xi32, #tpu.memory_space<vmem>>, vector<16xi32>,
        %parallel_loop3A_32 = arith.constant 4 : i32
        %parallel_loop3A_33 = vector.broadcast %parallel_loop3A_32 : i32 to vector<16xi32>
        %parallel_loop3A_34 = arith.shrui %parallel_loop3A_31, %parallel_loop3A_33 : vector<16xi32>
        %parallel_loop3A_35 = arith.constant 15 : i32
        %parallel_loop3A_36 = vector.broadcast %parallel_loop3A_35 : i32 to vector<16xi32>
        %parallel_loop3A_37 = arith.andi %parallel_loop3A_31, %parallel_loop3A_36 : vector<16xi32>
        %parallel_loop3A_38 = tpu.vector_load_idx %arg12[%parallel_loop3A_34, %parallel_loop3A_37] : memref<640x16xf32, #tpu.memory_space<vmem>>[vector<16xi32>, vector<16xi32>], vector<16xf32>,
        %parallel_loop3A_39 = arith.constant 16 : i32
        %parallel_loop3A_40 = arith.muli %parallel_loop3A_27, %parallel_loop3A_39 : i32
        %parallel_loop3A_41 = arith.index_cast %parallel_loop3A_40 : i32 to index
        %parallel_loop3A_42 = tpu.vector_load %arg11[%parallel_loop3A_41] {strides = array<i32>} : memref<20480xf32, #tpu.memory_space<vmem>>, vector<16xf32>,
        %parallel_loop3A_43 = arith.mulf %parallel_loop3A_38, %parallel_loop3A_42 : vector<16xf32>
        %parallel_loop3A_44 = arith.constant 16 : i32
        %parallel_loop3A_45 = arith.muli %parallel_loop3A_27, %parallel_loop3A_44 : i32
        %parallel_loop3A_46 = arith.index_cast %parallel_loop3A_45 : i32 to index
        %parallel_loop3A_47 = tpu.vector_load %arg15[%parallel_loop3A_46] {strides = array<i32>} : memref<20480xf32, #tpu.memory_space<vmem>>, vector<16xf32>,
        tpu.vector_store %arg15[%parallel_loop3A_46], %parallel_loop3A_43 {strides = array<i32>} : memref<20480xf32, #tpu.memory_space<vmem>>, vector<16xf32>,
      } {sc.loop_unroll_factor = 4 : i64, sc.parallel_access}
      "tpu.region"() ({
        %run_scoped3A = tpu.sem_alloc : memref<!tpu.dma_semaphore, #tpu.memory_space<semaphore_mem>>
        %dma_start3A = tpu.memref_slice %arg8[%mul3A_2] : memref<327680xf32, #tpu.memory_space<hbm>> -> memref<20480xf32, #tpu.memory_space<hbm>>
        %dma_start3A_27 = tpu.memref_slice %arg8[%mul3A_2] : memref<327680xf32, #tpu.memory_space<hbm>> -> memref<20480xf32, #tpu.memory_space<hbm>>
        tpu.enqueue_dma source(%arg15 : memref<20480xf32, #tpu.memory_space<vmem>>) target(%dma_start3A_27 : memref<20480xf32, #tpu.memory_space<hbm>>) target_semaphore(%run_scoped3A : memref<!tpu.dma_semaphore, #tpu.memory_space<semaphore_mem>>)
        %dma_wait3A = tpu.memref_slice %arg8[%mul3A_2] : memref<327680xf32, #tpu.memory_space<hbm>> -> memref<20480xf32, #tpu.memory_space<hbm>>
        %dma_wait3A_28 = tpu.memref_slice %arg8[%mul3A_2] : memref<327680xf32, #tpu.memory_space<hbm>> -> memref<20480xf32, #tpu.memory_space<hbm>>
        tpu.wait_dma2 semaphore(%run_scoped3A : memref<!tpu.dma_semaphore, #tpu.memory_space<semaphore_mem>>) src(%arg15 : memref<20480xf32, #tpu.memory_space<vmem>>) dst(%dma_wait3A_28 : memref<20480xf32, #tpu.memory_space<hbm>>)
        tpu.yield
      }) : () -> ()
    } else {
    }
    return
  }
}

#map = affine_map<(d0, d1) -> (0, 0)>
#map1 = affine_map<(d0, d1) -> (0, 0, 0)>
#map2 = affine_map<(d0, d1) -> (0)>
module attributes {stable_mosaic.version = 14 : i64} {
  func.func @_sc_scatter_body(%arg0: i32, %arg1: i32, %arg2: memref<10000x64xf32, #tpu.memory_space<hbm>>, %arg3: memref<32x40x256xi32, #tpu.memory_space<hbm>>, %arg4: memref<32x40x256xi32, #tpu.memory_space<hbm>>, %arg5: memref<327680xf32, #tpu.memory_space<hbm>>, %arg6: memref<640x64xf32, #tpu.memory_space<hbm>>, %arg7: memref<2x10240x64xf32, #tpu.memory_space<hbm>>, %arg8: memref<40x256xi32, #tpu.memory_space<vmem>>, %arg9: memref<40x256xi32, #tpu.memory_space<vmem>>, %arg10: memref<10240xf32, #tpu.memory_space<vmem>>, %arg11: memref<256x64xf32, #tpu.memory_space<vmem>>, %arg12: memref<256x64xf32, #tpu.memory_space<vmem>>, %arg13: memref<256x64xf32, #tpu.memory_space<vmem>>, %arg14: memref<10240x64xf32, #tpu.memory_space<vmem_shared>>, %arg15: memref<!tpu.dma_semaphore, #tpu.memory_space<semaphore_mem>>, %arg16: memref<!tpu.dma_semaphore, #tpu.memory_space<semaphore_mem>>, %arg17: memref<!tpu.dma_semaphore, #tpu.memory_space<semaphore_mem>>, %arg18: memref<!tpu.dma_semaphore, #tpu.memory_space<semaphore_mem>>, %arg19: memref<!tpu.dma_semaphore, #tpu.memory_space<semaphore_mem>>, %arg20: memref<!tpu.dma_semaphore, #tpu.memory_space<semaphore_mem>>) attributes {dimension_semantics = [#tpu.dimension_semantics<core_parallel>, #tpu.dimension_semantics<subcore_parallel>], iteration_bounds = array<i64: 2, 16>, scalar_prefetch = 0 : i64, scratch_operands = 13 : i64, tpu.core_type = #tpu.core_type<sc_vector_subcore>, window_params = [{transform_indices = #map}, {transform_indices = #map1}, {transform_indices = #map1}, {transform_indices = #map2}, {transform_indices = #map}, {transform_indices = #map1}]} {
    %mul3A = arith.constant 16 : i32
    %mul3A_0 = arith.muli %arg0, %mul3A : i32
    %add3A = arith.addi %mul3A_0, %arg1 : i32
    %mul3A_1 = arith.constant 10240 : i32
    %mul3A_2 = arith.muli %add3A, %mul3A_1 : i32
    "tpu.region"() ({
      %run_scoped3A = tpu.sem_alloc : memref<!tpu.dma_semaphore, #tpu.memory_space<semaphore_mem>>
      %dma_start3A_52 = arith.constant 0 : i32
      %dma_start3A_53 = arith.constant 0 : i32
      %dma_start3A_54 = tpu.memref_slice %arg3[%add3A, %dma_start3A_52, %dma_start3A_53] : memref<32x40x256xi32, #tpu.memory_space<hbm>> -> memref<1x40x256xi32, #tpu.memory_space<hbm>>
      %dma_start3A_55 = tpu.memref_squeeze %dma_start3A_54 : memref<1x40x256xi32, #tpu.memory_space<hbm>> -> memref<40x256xi32, #tpu.memory_space<hbm>>
      %dma_start3A_56 = arith.constant 0 : i32
      %dma_start3A_57 = arith.constant 0 : i32
      %dma_start3A_58 = tpu.memref_slice %arg3[%add3A, %dma_start3A_56, %dma_start3A_57] : memref<32x40x256xi32, #tpu.memory_space<hbm>> -> memref<1x40x256xi32, #tpu.memory_space<hbm>>
      %dma_start3A_59 = tpu.memref_squeeze %dma_start3A_58 : memref<1x40x256xi32, #tpu.memory_space<hbm>> -> memref<40x256xi32, #tpu.memory_space<hbm>>
      tpu.enqueue_dma source(%dma_start3A_59 : memref<40x256xi32, #tpu.memory_space<hbm>>) target(%arg8 : memref<40x256xi32, #tpu.memory_space<vmem>>) target_semaphore(%run_scoped3A : memref<!tpu.dma_semaphore, #tpu.memory_space<semaphore_mem>>)
      %dma_wait3A_60 = arith.constant 0 : i32
      %dma_wait3A_61 = arith.constant 0 : i32
      %dma_wait3A_62 = tpu.memref_slice %arg3[%add3A, %dma_wait3A_60, %dma_wait3A_61] : memref<32x40x256xi32, #tpu.memory_space<hbm>> -> memref<1x40x256xi32, #tpu.memory_space<hbm>>
      %dma_wait3A_63 = tpu.memref_squeeze %dma_wait3A_62 : memref<1x40x256xi32, #tpu.memory_space<hbm>> -> memref<40x256xi32, #tpu.memory_space<hbm>>
      %dma_wait3A_64 = arith.constant 0 : i32
      %dma_wait3A_65 = arith.constant 0 : i32
      %dma_wait3A_66 = tpu.memref_slice %arg3[%add3A, %dma_wait3A_64, %dma_wait3A_65] : memref<32x40x256xi32, #tpu.memory_space<hbm>> -> memref<1x40x256xi32, #tpu.memory_space<hbm>>
      %dma_wait3A_67 = tpu.memref_squeeze %dma_wait3A_66 : memref<1x40x256xi32, #tpu.memory_space<hbm>> -> memref<40x256xi32, #tpu.memory_space<hbm>>
      tpu.wait_dma2 semaphore(%run_scoped3A : memref<!tpu.dma_semaphore, #tpu.memory_space<semaphore_mem>>) src(%dma_wait3A_67 : memref<40x256xi32, #tpu.memory_space<hbm>>) dst(%arg8 : memref<40x256xi32, #tpu.memory_space<vmem>>)
      tpu.yield
    }) : () -> ()
    "tpu.region"() ({
      %run_scoped3A = tpu.sem_alloc : memref<!tpu.dma_semaphore, #tpu.memory_space<semaphore_mem>>
      %dma_start3A_52 = arith.constant 0 : i32
      %dma_start3A_53 = arith.constant 0 : i32
      %dma_start3A_54 = tpu.memref_slice %arg4[%add3A, %dma_start3A_52, %dma_start3A_53] : memref<32x40x256xi32, #tpu.memory_space<hbm>> -> memref<1x40x256xi32, #tpu.memory_space<hbm>>
      %dma_start3A_55 = tpu.memref_squeeze %dma_start3A_54 : memref<1x40x256xi32, #tpu.memory_space<hbm>> -> memref<40x256xi32, #tpu.memory_space<hbm>>
      %dma_start3A_56 = arith.constant 0 : i32
      %dma_start3A_57 = arith.constant 0 : i32
      %dma_start3A_58 = tpu.memref_slice %arg4[%add3A, %dma_start3A_56, %dma_start3A_57] : memref<32x40x256xi32, #tpu.memory_space<hbm>> -> memref<1x40x256xi32, #tpu.memory_space<hbm>>
      %dma_start3A_59 = tpu.memref_squeeze %dma_start3A_58 : memref<1x40x256xi32, #tpu.memory_space<hbm>> -> memref<40x256xi32, #tpu.memory_space<hbm>>
      tpu.enqueue_dma source(%dma_start3A_59 : memref<40x256xi32, #tpu.memory_space<hbm>>) target(%arg9 : memref<40x256xi32, #tpu.memory_space<vmem>>) target_semaphore(%run_scoped3A : memref<!tpu.dma_semaphore, #tpu.memory_space<semaphore_mem>>)
      %dma_wait3A_60 = arith.constant 0 : i32
      %dma_wait3A_61 = arith.constant 0 : i32
      %dma_wait3A_62 = tpu.memref_slice %arg4[%add3A, %dma_wait3A_60, %dma_wait3A_61] : memref<32x40x256xi32, #tpu.memory_space<hbm>> -> memref<1x40x256xi32, #tpu.memory_space<hbm>>
      %dma_wait3A_63 = tpu.memref_squeeze %dma_wait3A_62 : memref<1x40x256xi32, #tpu.memory_space<hbm>> -> memref<40x256xi32, #tpu.memory_space<hbm>>
      %dma_wait3A_64 = arith.constant 0 : i32
      %dma_wait3A_65 = arith.constant 0 : i32
      %dma_wait3A_66 = tpu.memref_slice %arg4[%add3A, %dma_wait3A_64, %dma_wait3A_65] : memref<32x40x256xi32, #tpu.memory_space<hbm>> -> memref<1x40x256xi32, #tpu.memory_space<hbm>>
      %dma_wait3A_67 = tpu.memref_squeeze %dma_wait3A_66 : memref<1x40x256xi32, #tpu.memory_space<hbm>> -> memref<40x256xi32, #tpu.memory_space<hbm>>
      tpu.wait_dma2 semaphore(%run_scoped3A : memref<!tpu.dma_semaphore, #tpu.memory_space<semaphore_mem>>) src(%dma_wait3A_67 : memref<40x256xi32, #tpu.memory_space<hbm>>) dst(%arg9 : memref<40x256xi32, #tpu.memory_space<vmem>>)
      tpu.yield
    }) : () -> ()
    "tpu.region"() ({
      %run_scoped3A = tpu.sem_alloc : memref<!tpu.dma_semaphore, #tpu.memory_space<semaphore_mem>>
      %dma_start3A_52 = tpu.memref_slice %arg5[%mul3A_2] : memref<327680xf32, #tpu.memory_space<hbm>> -> memref<10240xf32, #tpu.memory_space<hbm>>
      %dma_start3A_53 = tpu.memref_slice %arg5[%mul3A_2] : memref<327680xf32, #tpu.memory_space<hbm>> -> memref<10240xf32, #tpu.memory_space<hbm>>
      tpu.enqueue_dma source(%dma_start3A_53 : memref<10240xf32, #tpu.memory_space<hbm>>) target(%arg10 : memref<10240xf32, #tpu.memory_space<vmem>>) target_semaphore(%run_scoped3A : memref<!tpu.dma_semaphore, #tpu.memory_space<semaphore_mem>>)
      %dma_wait3A_54 = tpu.memref_slice %arg5[%mul3A_2] : memref<327680xf32, #tpu.memory_space<hbm>> -> memref<10240xf32, #tpu.memory_space<hbm>>
      %dma_wait3A_55 = tpu.memref_slice %arg5[%mul3A_2] : memref<327680xf32, #tpu.memory_space<hbm>> -> memref<10240xf32, #tpu.memory_space<hbm>>
      tpu.wait_dma2 semaphore(%run_scoped3A : memref<!tpu.dma_semaphore, #tpu.memory_space<semaphore_mem>>) src(%dma_wait3A_55 : memref<10240xf32, #tpu.memory_space<hbm>>) dst(%arg10 : memref<10240xf32, #tpu.memory_space<vmem>>)
      tpu.yield
    }) : () -> ()
    %mul3A_3 = arith.constant 640 : i32
    %mul3A_4 = arith.muli %arg1, %mul3A_3 : i32
    "tpu.region"() ({
      %run_scoped3A = tpu.sem_alloc : memref<!tpu.dma_semaphore, #tpu.memory_space<semaphore_mem>>
      %dma_start3A_52 = arith.constant 0 : i32
      %dma_start3A_53 = tpu.memref_slice %arg14[%mul3A_4, %dma_start3A_52] : memref<10240x64xf32, #tpu.memory_space<vmem_shared>> -> memref<640x64xf32, #tpu.memory_space<vmem_shared>>
      tpu.enqueue_dma source(%arg6 : memref<640x64xf32, #tpu.memory_space<hbm>>) target(%dma_start3A_53 : memref<640x64xf32, #tpu.memory_space<vmem_shared>>) target_semaphore(%run_scoped3A : memref<!tpu.dma_semaphore, #tpu.memory_space<semaphore_mem>>)
      %dma_wait3A_54 = arith.constant 0 : i32
      %dma_wait3A_55 = tpu.memref_slice %arg14[%mul3A_4, %dma_wait3A_54] : memref<10240x64xf32, #tpu.memory_space<vmem_shared>> -> memref<640x64xf32, #tpu.memory_space<vmem_shared>>
      tpu.wait_dma2 semaphore(%run_scoped3A : memref<!tpu.dma_semaphore, #tpu.memory_space<semaphore_mem>>) src(%arg6 : memref<640x64xf32, #tpu.memory_space<hbm>>) dst(%dma_wait3A_55 : memref<640x64xf32, #tpu.memory_space<vmem_shared>>)
      tpu.yield
    }) : () -> ()
    %barrier3A = arith.constant 0 : index
    tpu.barrier barrier_id(%barrier3A)
    %dma_start3A = arith.constant 0 : i32
    %dma_start3A_5 = arith.constant 0 : i32
    %dma_start3A_6 = tpu.memref_slice %arg8[%dma_start3A, %dma_start3A_5] : memref<40x256xi32, #tpu.memory_space<vmem>> -> memref<1x256xi32, #tpu.memory_space<vmem>>
    %dma_start3A_7 = tpu.memref_squeeze %dma_start3A_6 : memref<1x256xi32, #tpu.memory_space<vmem>> -> memref<256xi32, #tpu.memory_space<vmem>>
    %dma_start3A_8 = arith.constant 0 : i32
    %dma_start3A_9 = arith.constant 0 : i32
    %dma_start3A_10 = tpu.memref_slice %arg2[%dma_start3A_8, %dma_start3A_9] : memref<10000x64xf32, #tpu.memory_space<hbm>> -> memref<10000x64xf32, #tpu.memory_space<hbm>>
    tpu.enqueue_indirect_dma source(%dma_start3A_10 : memref<10000x64xf32, #tpu.memory_space<hbm>>) target(%arg11 : memref<256x64xf32, #tpu.memory_space<vmem>>) offsets(%dma_start3A_7 : memref<256xi32, #tpu.memory_space<vmem>>) semaphore(%arg15 : memref<!tpu.dma_semaphore, #tpu.memory_space<semaphore_mem>>)
    %scan3A = arith.constant 0 : i32
    %scan3A_11 = arith.constant 13 : i32
    %scan3A_12 = arith.addi %scan3A, %scan3A_11 : i32
    %scan3A_13 = arith.constant 1 : i32
    scf.for %scan3A_52 = %scan3A to %scan3A_12 step %scan3A_13  : i32 {
      %mul3A_53 = arith.constant 1 : i32
      %mul3A_54 = arith.muli %scan3A_52, %mul3A_53 : i32
      %add3A_55 = arith.constant 0 : i32
      %add3A_56 = arith.addi %add3A_55, %mul3A_54 : i32
      %mul3A_57 = arith.constant 3 : i32
      %mul3A_58 = arith.muli %mul3A_57, %add3A_56 : i32
      %add3A_59 = arith.constant 0 : i32
      %add3A_60 = arith.addi %mul3A_58, %add3A_59 : i32
      %gt3A = arith.constant 0 : i32
      %gt3A_61 = arith.cmpi sgt, %add3A_56, %gt3A : i32
      %convert_element_type3A = arith.extui %gt3A_61 : i1 to i32
      %cond3A = arith.constant 0 : i32
      %cond3A_62 = arith.cmpi ne, %convert_element_type3A, %cond3A : i32
      scf.if %cond3A_62 {
        %dma_wait3A_151 = arith.constant 0 : i32
        %dma_wait3A_152 = arith.constant 0 : i32
        %dma_wait3A_153 = tpu.memref_slice %arg2[%dma_wait3A_151, %dma_wait3A_152] : memref<10000x64xf32, #tpu.memory_space<hbm>> -> memref<256x64xf32, #tpu.memory_space<hbm>>
        %dma_wait3A_154 = arith.constant 0 : i32
        %dma_wait3A_155 = arith.constant 0 : i32
        %dma_wait3A_156 = tpu.memref_slice %arg2[%dma_wait3A_154, %dma_wait3A_155] : memref<10000x64xf32, #tpu.memory_space<hbm>> -> memref<256x64xf32, #tpu.memory_space<hbm>>
        tpu.wait_dma2 semaphore(%arg19 : memref<!tpu.dma_semaphore, #tpu.memory_space<semaphore_mem>>) src(%dma_wait3A_156 : memref<256x64xf32, #tpu.memory_space<hbm>>) dst(%arg12 : memref<256x64xf32, #tpu.memory_space<vmem>>)
      } else {
      }
      %add3A_63 = arith.constant 1 : i32
      %add3A_64 = arith.addi %add3A_60, %add3A_63 : i32
      %dma_start3A_65 = arith.constant 0 : i32
      %dma_start3A_66 = tpu.memref_slice %arg8[%add3A_64, %dma_start3A_65] : memref<40x256xi32, #tpu.memory_space<vmem>> -> memref<1x256xi32, #tpu.memory_space<vmem>>
      %dma_start3A_67 = tpu.memref_squeeze %dma_start3A_66 : memref<1x256xi32, #tpu.memory_space<vmem>> -> memref<256xi32, #tpu.memory_space<vmem>>
      %dma_start3A_68 = arith.constant 0 : i32
      %dma_start3A_69 = arith.constant 0 : i32
      %dma_start3A_70 = tpu.memref_slice %arg2[%dma_start3A_68, %dma_start3A_69] : memref<10000x64xf32, #tpu.memory_space<hbm>> -> memref<10000x64xf32, #tpu.memory_space<hbm>>
      tpu.enqueue_indirect_dma source(%dma_start3A_70 : memref<10000x64xf32, #tpu.memory_space<hbm>>) target(%arg12 : memref<256x64xf32, #tpu.memory_space<vmem>>) offsets(%dma_start3A_67 : memref<256xi32, #tpu.memory_space<vmem>>) semaphore(%arg16 : memref<!tpu.dma_semaphore, #tpu.memory_space<semaphore_mem>>)
      %dma_wait3A_71 = arith.constant 0 : i32
      %dma_wait3A_72 = arith.constant 0 : i32
      %dma_wait3A_73 = tpu.memref_slice %arg2[%dma_wait3A_71, %dma_wait3A_72] : memref<10000x64xf32, #tpu.memory_space<hbm>> -> memref<256x64xf32, #tpu.memory_space<hbm>>
      %dma_wait3A_74 = arith.constant 0 : i32
      %dma_wait3A_75 = arith.constant 0 : i32
      %dma_wait3A_76 = tpu.memref_slice %arg2[%dma_wait3A_74, %dma_wait3A_75] : memref<10000x64xf32, #tpu.memory_space<hbm>> -> memref<256x64xf32, #tpu.memory_space<hbm>>
      tpu.wait_dma2 semaphore(%arg15 : memref<!tpu.dma_semaphore, #tpu.memory_space<semaphore_mem>>) src(%dma_wait3A_76 : memref<256x64xf32, #tpu.memory_space<hbm>>) dst(%arg11 : memref<256x64xf32, #tpu.memory_space<vmem>>)
      %parallel_loop3A_77 = arith.constant 0 : i32
      %parallel_loop3A_78 = arith.constant 256 : i32
      %parallel_loop3A_79 = arith.constant 1 : i32
      scf.for %parallel_loop3A_151 = %parallel_loop3A_77 to %parallel_loop3A_78 step %parallel_loop3A_79  : i32 {
        %parallel_loop3A_152 = arith.constant 256 : i32
        %parallel_loop3A_153 = arith.muli %add3A_60, %parallel_loop3A_152 : i32
        %parallel_loop3A_154 = arith.addi %parallel_loop3A_153, %parallel_loop3A_151 : i32
        %parallel_loop3A_155 = vector.broadcast %parallel_loop3A_154 : i32 to vector<16xi32>
        %parallel_loop3A_156 = tpu.vector_load_idx %arg10[%parallel_loop3A_155] : memref<10240xf32, #tpu.memory_space<vmem>>[vector<16xi32>], vector<16xf32>,
        %parallel_loop3A_157 = arith.index_cast %parallel_loop3A_151 : i32 to index
        %parallel_loop3A_158 = arith.constant 0 : index
        %parallel_loop3A_159 = tpu.vector_load %arg11[%parallel_loop3A_157, %parallel_loop3A_158] {strides = array<i32>} : memref<256x64xf32, #tpu.memory_space<vmem>>, vector<16xf32>,
        %parallel_loop3A_160 = arith.mulf %parallel_loop3A_159, %parallel_loop3A_156 : vector<16xf32>
        %parallel_loop3A_161 = arith.index_cast %parallel_loop3A_151 : i32 to index
        %parallel_loop3A_162 = arith.constant 0 : index
        %parallel_loop3A_163 = tpu.vector_load %arg11[%parallel_loop3A_161, %parallel_loop3A_162] {strides = array<i32>} : memref<256x64xf32, #tpu.memory_space<vmem>>, vector<16xf32>,
        tpu.vector_store %arg11[%parallel_loop3A_161, %parallel_loop3A_162], %parallel_loop3A_160 {strides = array<i32>} : memref<256x64xf32, #tpu.memory_space<vmem>>, vector<16xf32>,
        %parallel_loop3A_164 = arith.index_cast %parallel_loop3A_151 : i32 to index
        %parallel_loop3A_165 = arith.constant 16 : index
        %parallel_loop3A_166 = tpu.vector_load %arg11[%parallel_loop3A_164, %parallel_loop3A_165] {strides = array<i32>} : memref<256x64xf32, #tpu.memory_space<vmem>>, vector<16xf32>,
        %parallel_loop3A_167 = arith.mulf %parallel_loop3A_166, %parallel_loop3A_156 : vector<16xf32>
        %parallel_loop3A_168 = arith.index_cast %parallel_loop3A_151 : i32 to index
        %parallel_loop3A_169 = arith.constant 16 : index
        %parallel_loop3A_170 = tpu.vector_load %arg11[%parallel_loop3A_168, %parallel_loop3A_169] {strides = array<i32>} : memref<256x64xf32, #tpu.memory_space<vmem>>, vector<16xf32>,
        tpu.vector_store %arg11[%parallel_loop3A_168, %parallel_loop3A_169], %parallel_loop3A_167 {strides = array<i32>} : memref<256x64xf32, #tpu.memory_space<vmem>>, vector<16xf32>,
        %parallel_loop3A_171 = arith.index_cast %parallel_loop3A_151 : i32 to index
        %parallel_loop3A_172 = arith.constant 32 : index
        %parallel_loop3A_173 = tpu.vector_load %arg11[%parallel_loop3A_171, %parallel_loop3A_172] {strides = array<i32>} : memref<256x64xf32, #tpu.memory_space<vmem>>, vector<16xf32>,
        %parallel_loop3A_174 = arith.mulf %parallel_loop3A_173, %parallel_loop3A_156 : vector<16xf32>
        %parallel_loop3A_175 = arith.index_cast %parallel_loop3A_151 : i32 to index
        %parallel_loop3A_176 = arith.constant 32 : index
        %parallel_loop3A_177 = tpu.vector_load %arg11[%parallel_loop3A_175, %parallel_loop3A_176] {strides = array<i32>} : memref<256x64xf32, #tpu.memory_space<vmem>>, vector<16xf32>,
        tpu.vector_store %arg11[%parallel_loop3A_175, %parallel_loop3A_176], %parallel_loop3A_174 {strides = array<i32>} : memref<256x64xf32, #tpu.memory_space<vmem>>, vector<16xf32>,
        %parallel_loop3A_178 = arith.index_cast %parallel_loop3A_151 : i32 to index
        %parallel_loop3A_179 = arith.constant 48 : index
        %parallel_loop3A_180 = tpu.vector_load %arg11[%parallel_loop3A_178, %parallel_loop3A_179] {strides = array<i32>} : memref<256x64xf32, #tpu.memory_space<vmem>>, vector<16xf32>,
        %parallel_loop3A_181 = arith.mulf %parallel_loop3A_180, %parallel_loop3A_156 : vector<16xf32>
        %parallel_loop3A_182 = arith.index_cast %parallel_loop3A_151 : i32 to index
        %parallel_loop3A_183 = arith.constant 48 : index
        %parallel_loop3A_184 = tpu.vector_load %arg11[%parallel_loop3A_182, %parallel_loop3A_183] {strides = array<i32>} : memref<256x64xf32, #tpu.memory_space<vmem>>, vector<16xf32>,
        tpu.vector_store %arg11[%parallel_loop3A_182, %parallel_loop3A_183], %parallel_loop3A_181 {strides = array<i32>} : memref<256x64xf32, #tpu.memory_space<vmem>>, vector<16xf32>,
      } {sc.loop_unroll_factor = 8 : i64, sc.parallel_access}
      %dma_start3A_80 = arith.constant 0 : i32
      %dma_start3A_81 = tpu.memref_slice %arg9[%add3A_60, %dma_start3A_80] : memref<40x256xi32, #tpu.memory_space<vmem>> -> memref<1x256xi32, #tpu.memory_space<vmem>>
      %dma_start3A_82 = tpu.memref_squeeze %dma_start3A_81 : memref<1x256xi32, #tpu.memory_space<vmem>> -> memref<256xi32, #tpu.memory_space<vmem>>
      %dma_start3A_83 = arith.constant 0 : i32
      %dma_start3A_84 = arith.constant 0 : i32
      %dma_start3A_85 = tpu.memref_slice %arg14[%dma_start3A_83, %dma_start3A_84] : memref<10240x64xf32, #tpu.memory_space<vmem_shared>> -> memref<10240x64xf32, #tpu.memory_space<vmem_shared>>
      tpu.enqueue_indirect_dma source(%arg11 : memref<256x64xf32, #tpu.memory_space<vmem>>) target(%dma_start3A_85 : memref<10240x64xf32, #tpu.memory_space<vmem_shared>>) offsets(%dma_start3A_82 : memref<256xi32, #tpu.memory_space<vmem>>) semaphore(%arg18 : memref<!tpu.dma_semaphore, #tpu.memory_space<semaphore_mem>>) {add = true}
      %mul3A_86 = arith.constant 3 : i32
      %mul3A_87 = arith.muli %mul3A_86, %add3A_56 : i32
      %add3A_88 = arith.constant 1 : i32
      %add3A_89 = arith.addi %mul3A_87, %add3A_88 : i32
      %gt3A_90 = arith.constant 0 : i32
      %gt3A_91 = arith.cmpi sgt, %add3A_56, %gt3A_90 : i32
      %convert_element_type3A_92 = arith.extui %gt3A_91 : i1 to i32
      %cond3A_93 = arith.constant 0 : i32
      %cond3A_94 = arith.cmpi ne, %convert_element_type3A_92, %cond3A_93 : i32
      scf.if %cond3A_94 {
        %dma_wait3A_151 = arith.constant 0 : i32
        %dma_wait3A_152 = arith.constant 0 : i32
        %dma_wait3A_153 = tpu.memref_slice %arg2[%dma_wait3A_151, %dma_wait3A_152] : memref<10000x64xf32, #tpu.memory_space<hbm>> -> memref<256x64xf32, #tpu.memory_space<hbm>>
        %dma_wait3A_154 = arith.constant 0 : i32
        %dma_wait3A_155 = arith.constant 0 : i32
        %dma_wait3A_156 = tpu.memref_slice %arg2[%dma_wait3A_154, %dma_wait3A_155] : memref<10000x64xf32, #tpu.memory_space<hbm>> -> memref<256x64xf32, #tpu.memory_space<hbm>>
        tpu.wait_dma2 semaphore(%arg20 : memref<!tpu.dma_semaphore, #tpu.memory_space<semaphore_mem>>) src(%dma_wait3A_156 : memref<256x64xf32, #tpu.memory_space<hbm>>) dst(%arg13 : memref<256x64xf32, #tpu.memory_space<vmem>>)
      } else {
      }
      %add3A_95 = arith.constant 1 : i32
      %add3A_96 = arith.addi %add3A_89, %add3A_95 : i32
      %dma_start3A_97 = arith.constant 0 : i32
      %dma_start3A_98 = tpu.memref_slice %arg8[%add3A_96, %dma_start3A_97] : memref<40x256xi32, #tpu.memory_space<vmem>> -> memref<1x256xi32, #tpu.memory_space<vmem>>
      %dma_start3A_99 = tpu.memref_squeeze %dma_start3A_98 : memref<1x256xi32, #tpu.memory_space<vmem>> -> memref<256xi32, #tpu.memory_space<vmem>>
      %dma_start3A_100 = arith.constant 0 : i32
      %dma_start3A_101 = arith.constant 0 : i32
      %dma_start3A_102 = tpu.memref_slice %arg2[%dma_start3A_100, %dma_start3A_101] : memref<10000x64xf32, #tpu.memory_space<hbm>> -> memref<10000x64xf32, #tpu.memory_space<hbm>>
      tpu.enqueue_indirect_dma source(%dma_start3A_102 : memref<10000x64xf32, #tpu.memory_space<hbm>>) target(%arg13 : memref<256x64xf32, #tpu.memory_space<vmem>>) offsets(%dma_start3A_99 : memref<256xi32, #tpu.memory_space<vmem>>) semaphore(%arg17 : memref<!tpu.dma_semaphore, #tpu.memory_space<semaphore_mem>>)
      %dma_wait3A_103 = arith.constant 0 : i32
      %dma_wait3A_104 = arith.constant 0 : i32
      %dma_wait3A_105 = tpu.memref_slice %arg2[%dma_wait3A_103, %dma_wait3A_104] : memref<10000x64xf32, #tpu.memory_space<hbm>> -> memref<256x64xf32, #tpu.memory_space<hbm>>
      %dma_wait3A_106 = arith.constant 0 : i32
      %dma_wait3A_107 = arith.constant 0 : i32
      %dma_wait3A_108 = tpu.memref_slice %arg2[%dma_wait3A_106, %dma_wait3A_107] : memref<10000x64xf32, #tpu.memory_space<hbm>> -> memref<256x64xf32, #tpu.memory_space<hbm>>
      tpu.wait_dma2 semaphore(%arg16 : memref<!tpu.dma_semaphore, #tpu.memory_space<semaphore_mem>>) src(%dma_wait3A_108 : memref<256x64xf32, #tpu.memory_space<hbm>>) dst(%arg12 : memref<256x64xf32, #tpu.memory_space<vmem>>)
      %parallel_loop3A_109 = arith.constant 0 : i32
      %parallel_loop3A_110 = arith.constant 256 : i32
      %parallel_loop3A_111 = arith.constant 1 : i32
      scf.for %parallel_loop3A_151 = %parallel_loop3A_109 to %parallel_loop3A_110 step %parallel_loop3A_111  : i32 {
        %parallel_loop3A_152 = arith.constant 256 : i32
        %parallel_loop3A_153 = arith.muli %add3A_89, %parallel_loop3A_152 : i32
        %parallel_loop3A_154 = arith.addi %parallel_loop3A_153, %parallel_loop3A_151 : i32
        %parallel_loop3A_155 = vector.broadcast %parallel_loop3A_154 : i32 to vector<16xi32>
        %parallel_loop3A_156 = tpu.vector_load_idx %arg10[%parallel_loop3A_155] : memref<10240xf32, #tpu.memory_space<vmem>>[vector<16xi32>], vector<16xf32>,
        %parallel_loop3A_157 = arith.index_cast %parallel_loop3A_151 : i32 to index
        %parallel_loop3A_158 = arith.constant 0 : index
        %parallel_loop3A_159 = tpu.vector_load %arg12[%parallel_loop3A_157, %parallel_loop3A_158] {strides = array<i32>} : memref<256x64xf32, #tpu.memory_space<vmem>>, vector<16xf32>,
        %parallel_loop3A_160 = arith.mulf %parallel_loop3A_159, %parallel_loop3A_156 : vector<16xf32>
        %parallel_loop3A_161 = arith.index_cast %parallel_loop3A_151 : i32 to index
        %parallel_loop3A_162 = arith.constant 0 : index
        %parallel_loop3A_163 = tpu.vector_load %arg12[%parallel_loop3A_161, %parallel_loop3A_162] {strides = array<i32>} : memref<256x64xf32, #tpu.memory_space<vmem>>, vector<16xf32>,
        tpu.vector_store %arg12[%parallel_loop3A_161, %parallel_loop3A_162], %parallel_loop3A_160 {strides = array<i32>} : memref<256x64xf32, #tpu.memory_space<vmem>>, vector<16xf32>,
        %parallel_loop3A_164 = arith.index_cast %parallel_loop3A_151 : i32 to index
        %parallel_loop3A_165 = arith.constant 16 : index
        %parallel_loop3A_166 = tpu.vector_load %arg12[%parallel_loop3A_164, %parallel_loop3A_165] {strides = array<i32>} : memref<256x64xf32, #tpu.memory_space<vmem>>, vector<16xf32>,
        %parallel_loop3A_167 = arith.mulf %parallel_loop3A_166, %parallel_loop3A_156 : vector<16xf32>
        %parallel_loop3A_168 = arith.index_cast %parallel_loop3A_151 : i32 to index
        %parallel_loop3A_169 = arith.constant 16 : index
        %parallel_loop3A_170 = tpu.vector_load %arg12[%parallel_loop3A_168, %parallel_loop3A_169] {strides = array<i32>} : memref<256x64xf32, #tpu.memory_space<vmem>>, vector<16xf32>,
        tpu.vector_store %arg12[%parallel_loop3A_168, %parallel_loop3A_169], %parallel_loop3A_167 {strides = array<i32>} : memref<256x64xf32, #tpu.memory_space<vmem>>, vector<16xf32>,
        %parallel_loop3A_171 = arith.index_cast %parallel_loop3A_151 : i32 to index
        %parallel_loop3A_172 = arith.constant 32 : index
        %parallel_loop3A_173 = tpu.vector_load %arg12[%parallel_loop3A_171, %parallel_loop3A_172] {strides = array<i32>} : memref<256x64xf32, #tpu.memory_space<vmem>>, vector<16xf32>,
        %parallel_loop3A_174 = arith.mulf %parallel_loop3A_173, %parallel_loop3A_156 : vector<16xf32>
        %parallel_loop3A_175 = arith.index_cast %parallel_loop3A_151 : i32 to index
        %parallel_loop3A_176 = arith.constant 32 : index
        %parallel_loop3A_177 = tpu.vector_load %arg12[%parallel_loop3A_175, %parallel_loop3A_176] {strides = array<i32>} : memref<256x64xf32, #tpu.memory_space<vmem>>, vector<16xf32>,
        tpu.vector_store %arg12[%parallel_loop3A_175, %parallel_loop3A_176], %parallel_loop3A_174 {strides = array<i32>} : memref<256x64xf32, #tpu.memory_space<vmem>>, vector<16xf32>,
        %parallel_loop3A_178 = arith.index_cast %parallel_loop3A_151 : i32 to index
        %parallel_loop3A_179 = arith.constant 48 : index
        %parallel_loop3A_180 = tpu.vector_load %arg12[%parallel_loop3A_178, %parallel_loop3A_179] {strides = array<i32>} : memref<256x64xf32, #tpu.memory_space<vmem>>, vector<16xf32>,
        %parallel_loop3A_181 = arith.mulf %parallel_loop3A_180, %parallel_loop3A_156 : vector<16xf32>
        %parallel_loop3A_182 = arith.index_cast %parallel_loop3A_151 : i32 to index
        %parallel_loop3A_183 = arith.constant 48 : index
        %parallel_loop3A_184 = tpu.vector_load %arg12[%parallel_loop3A_182, %parallel_loop3A_183] {strides = array<i32>} : memref<256x64xf32, #tpu.memory_space<vmem>>, vector<16xf32>,
        tpu.vector_store %arg12[%parallel_loop3A_182, %parallel_loop3A_183], %parallel_loop3A_181 {strides = array<i32>} : memref<256x64xf32, #tpu.memory_space<vmem>>, vector<16xf32>,
      } {sc.loop_unroll_factor = 8 : i64, sc.parallel_access}
      %dma_start3A_112 = arith.constant 0 : i32
      %dma_start3A_113 = tpu.memref_slice %arg9[%add3A_89, %dma_start3A_112] : memref<40x256xi32, #tpu.memory_space<vmem>> -> memref<1x256xi32, #tpu.memory_space<vmem>>
      %dma_start3A_114 = tpu.memref_squeeze %dma_start3A_113 : memref<1x256xi32, #tpu.memory_space<vmem>> -> memref<256xi32, #tpu.memory_space<vmem>>
      %dma_start3A_115 = arith.constant 0 : i32
      %dma_start3A_116 = arith.constant 0 : i32
      %dma_start3A_117 = tpu.memref_slice %arg14[%dma_start3A_115, %dma_start3A_116] : memref<10240x64xf32, #tpu.memory_space<vmem_shared>> -> memref<10240x64xf32, #tpu.memory_space<vmem_shared>>
      tpu.enqueue_indirect_dma source(%arg12 : memref<256x64xf32, #tpu.memory_space<vmem>>) target(%dma_start3A_117 : memref<10240x64xf32, #tpu.memory_space<vmem_shared>>) offsets(%dma_start3A_114 : memref<256xi32, #tpu.memory_space<vmem>>) semaphore(%arg19 : memref<!tpu.dma_semaphore, #tpu.memory_space<semaphore_mem>>) {add = true}
      %mul3A_118 = arith.constant 3 : i32
      %mul3A_119 = arith.muli %mul3A_118, %add3A_56 : i32
      %add3A_120 = arith.constant 2 : i32
      %add3A_121 = arith.addi %mul3A_119, %add3A_120 : i32
      %dma_wait3A_122 = arith.constant 0 : i32
      %dma_wait3A_123 = arith.constant 0 : i32
      %dma_wait3A_124 = tpu.memref_slice %arg2[%dma_wait3A_122, %dma_wait3A_123] : memref<10000x64xf32, #tpu.memory_space<hbm>> -> memref<256x64xf32, #tpu.memory_space<hbm>>
      %dma_wait3A_125 = arith.constant 0 : i32
      %dma_wait3A_126 = arith.constant 0 : i32
      %dma_wait3A_127 = tpu.memref_slice %arg2[%dma_wait3A_125, %dma_wait3A_126] : memref<10000x64xf32, #tpu.memory_space<hbm>> -> memref<256x64xf32, #tpu.memory_space<hbm>>
      tpu.wait_dma2 semaphore(%arg18 : memref<!tpu.dma_semaphore, #tpu.memory_space<semaphore_mem>>) src(%dma_wait3A_127 : memref<256x64xf32, #tpu.memory_space<hbm>>) dst(%arg11 : memref<256x64xf32, #tpu.memory_space<vmem>>)
      %add3A_128 = arith.constant 1 : i32
      %add3A_129 = arith.addi %add3A_121, %add3A_128 : i32
      %dma_start3A_130 = arith.constant 0 : i32
      %dma_start3A_131 = tpu.memref_slice %arg8[%add3A_129, %dma_start3A_130] : memref<40x256xi32, #tpu.memory_space<vmem>> -> memref<1x256xi32, #tpu.memory_space<vmem>>
      %dma_start3A_132 = tpu.memref_squeeze %dma_start3A_131 : memref<1x256xi32, #tpu.memory_space<vmem>> -> memref<256xi32, #tpu.memory_space<vmem>>
      %dma_start3A_133 = arith.constant 0 : i32
      %dma_start3A_134 = arith.constant 0 : i32
      %dma_start3A_135 = tpu.memref_slice %arg2[%dma_start3A_133, %dma_start3A_134] : memref<10000x64xf32, #tpu.memory_space<hbm>> -> memref<10000x64xf32, #tpu.memory_space<hbm>>
      tpu.enqueue_indirect_dma source(%dma_start3A_135 : memref<10000x64xf32, #tpu.memory_space<hbm>>) target(%arg11 : memref<256x64xf32, #tpu.memory_space<vmem>>) offsets(%dma_start3A_132 : memref<256xi32, #tpu.memory_space<vmem>>) semaphore(%arg15 : memref<!tpu.dma_semaphore, #tpu.memory_space<semaphore_mem>>)
      %dma_wait3A_136 = arith.constant 0 : i32
      %dma_wait3A_137 = arith.constant 0 : i32
      %dma_wait3A_138 = tpu.memref_slice %arg2[%dma_wait3A_136, %dma_wait3A_137] : memref<10000x64xf32, #tpu.memory_space<hbm>> -> memref<256x64xf32, #tpu.memory_space<hbm>>
      %dma_wait3A_139 = arith.constant 0 : i32
      %dma_wait3A_140 = arith.constant 0 : i32
      %dma_wait3A_141 = tpu.memref_slice %arg2[%dma_wait3A_139, %dma_wait3A_140] : memref<10000x64xf32, #tpu.memory_space<hbm>> -> memref<256x64xf32, #tpu.memory_space<hbm>>
      tpu.wait_dma2 semaphore(%arg17 : memref<!tpu.dma_semaphore, #tpu.memory_space<semaphore_mem>>) src(%dma_wait3A_141 : memref<256x64xf32, #tpu.memory_space<hbm>>) dst(%arg13 : memref<256x64xf32, #tpu.memory_space<vmem>>)
      %parallel_loop3A_142 = arith.constant 0 : i32
      %parallel_loop3A_143 = arith.constant 256 : i32
      %parallel_loop3A_144 = arith.constant 1 : i32
      scf.for %parallel_loop3A_151 = %parallel_loop3A_142 to %parallel_loop3A_143 step %parallel_loop3A_144  : i32 {
        %parallel_loop3A_152 = arith.constant 256 : i32
        %parallel_loop3A_153 = arith.muli %add3A_121, %parallel_loop3A_152 : i32
        %parallel_loop3A_154 = arith.addi %parallel_loop3A_153, %parallel_loop3A_151 : i32
        %parallel_loop3A_155 = vector.broadcast %parallel_loop3A_154 : i32 to vector<16xi32>
        %parallel_loop3A_156 = tpu.vector_load_idx %arg10[%parallel_loop3A_155] : memref<10240xf32, #tpu.memory_space<vmem>>[vector<16xi32>], vector<16xf32>,
        %parallel_loop3A_157 = arith.index_cast %parallel_loop3A_151 : i32 to index
        %parallel_loop3A_158 = arith.constant 0 : index
        %parallel_loop3A_159 = tpu.vector_load %arg13[%parallel_loop3A_157, %parallel_loop3A_158] {strides = array<i32>} : memref<256x64xf32, #tpu.memory_space<vmem>>, vector<16xf32>,
        %parallel_loop3A_160 = arith.mulf %parallel_loop3A_159, %parallel_loop3A_156 : vector<16xf32>
        %parallel_loop3A_161 = arith.index_cast %parallel_loop3A_151 : i32 to index
        %parallel_loop3A_162 = arith.constant 0 : index
        %parallel_loop3A_163 = tpu.vector_load %arg13[%parallel_loop3A_161, %parallel_loop3A_162] {strides = array<i32>} : memref<256x64xf32, #tpu.memory_space<vmem>>, vector<16xf32>,
        tpu.vector_store %arg13[%parallel_loop3A_161, %parallel_loop3A_162], %parallel_loop3A_160 {strides = array<i32>} : memref<256x64xf32, #tpu.memory_space<vmem>>, vector<16xf32>,
        %parallel_loop3A_164 = arith.index_cast %parallel_loop3A_151 : i32 to index
        %parallel_loop3A_165 = arith.constant 16 : index
        %parallel_loop3A_166 = tpu.vector_load %arg13[%parallel_loop3A_164, %parallel_loop3A_165] {strides = array<i32>} : memref<256x64xf32, #tpu.memory_space<vmem>>, vector<16xf32>,
        %parallel_loop3A_167 = arith.mulf %parallel_loop3A_166, %parallel_loop3A_156 : vector<16xf32>
        %parallel_loop3A_168 = arith.index_cast %parallel_loop3A_151 : i32 to index
        %parallel_loop3A_169 = arith.constant 16 : index
        %parallel_loop3A_170 = tpu.vector_load %arg13[%parallel_loop3A_168, %parallel_loop3A_169] {strides = array<i32>} : memref<256x64xf32, #tpu.memory_space<vmem>>, vector<16xf32>,
        tpu.vector_store %arg13[%parallel_loop3A_168, %parallel_loop3A_169], %parallel_loop3A_167 {strides = array<i32>} : memref<256x64xf32, #tpu.memory_space<vmem>>, vector<16xf32>,
        %parallel_loop3A_171 = arith.index_cast %parallel_loop3A_151 : i32 to index
        %parallel_loop3A_172 = arith.constant 32 : index
        %parallel_loop3A_173 = tpu.vector_load %arg13[%parallel_loop3A_171, %parallel_loop3A_172] {strides = array<i32>} : memref<256x64xf32, #tpu.memory_space<vmem>>, vector<16xf32>,
        %parallel_loop3A_174 = arith.mulf %parallel_loop3A_173, %parallel_loop3A_156 : vector<16xf32>
        %parallel_loop3A_175 = arith.index_cast %parallel_loop3A_151 : i32 to index
        %parallel_loop3A_176 = arith.constant 32 : index
        %parallel_loop3A_177 = tpu.vector_load %arg13[%parallel_loop3A_175, %parallel_loop3A_176] {strides = array<i32>} : memref<256x64xf32, #tpu.memory_space<vmem>>, vector<16xf32>,
        tpu.vector_store %arg13[%parallel_loop3A_175, %parallel_loop3A_176], %parallel_loop3A_174 {strides = array<i32>} : memref<256x64xf32, #tpu.memory_space<vmem>>, vector<16xf32>,
        %parallel_loop3A_178 = arith.index_cast %parallel_loop3A_151 : i32 to index
        %parallel_loop3A_179 = arith.constant 48 : index
        %parallel_loop3A_180 = tpu.vector_load %arg13[%parallel_loop3A_178, %parallel_loop3A_179] {strides = array<i32>} : memref<256x64xf32, #tpu.memory_space<vmem>>, vector<16xf32>,
        %parallel_loop3A_181 = arith.mulf %parallel_loop3A_180, %parallel_loop3A_156 : vector<16xf32>
        %parallel_loop3A_182 = arith.index_cast %parallel_loop3A_151 : i32 to index
        %parallel_loop3A_183 = arith.constant 48 : index
        %parallel_loop3A_184 = tpu.vector_load %arg13[%parallel_loop3A_182, %parallel_loop3A_183] {strides = array<i32>} : memref<256x64xf32, #tpu.memory_space<vmem>>, vector<16xf32>,
        tpu.vector_store %arg13[%parallel_loop3A_182, %parallel_loop3A_183], %parallel_loop3A_181 {strides = array<i32>} : memref<256x64xf32, #tpu.memory_space<vmem>>, vector<16xf32>,
      } {sc.loop_unroll_factor = 8 : i64, sc.parallel_access}
      %dma_start3A_145 = arith.constant 0 : i32
      %dma_start3A_146 = tpu.memref_slice %arg9[%add3A_121, %dma_start3A_145] : memref<40x256xi32, #tpu.memory_space<vmem>> -> memref<1x256xi32, #tpu.memory_space<vmem>>
      %dma_start3A_147 = tpu.memref_squeeze %dma_start3A_146 : memref<1x256xi32, #tpu.memory_space<vmem>> -> memref<256xi32, #tpu.memory_space<vmem>>
      %dma_start3A_148 = arith.constant 0 : i32
      %dma_start3A_149 = arith.constant 0 : i32
      %dma_start3A_150 = tpu.memref_slice %arg14[%dma_start3A_148, %dma_start3A_149] : memref<10240x64xf32, #tpu.memory_space<vmem_shared>> -> memref<10240x64xf32, #tpu.memory_space<vmem_shared>>
      tpu.enqueue_indirect_dma source(%arg13 : memref<256x64xf32, #tpu.memory_space<vmem>>) target(%dma_start3A_150 : memref<10240x64xf32, #tpu.memory_space<vmem_shared>>) offsets(%dma_start3A_147 : memref<256xi32, #tpu.memory_space<vmem>>) semaphore(%arg20 : memref<!tpu.dma_semaphore, #tpu.memory_space<semaphore_mem>>) {add = true}
    }
    %scan3A_14 = arith.constant 13 : i32
    %dma_wait3A = arith.constant 0 : i32
    %dma_wait3A_15 = arith.constant 0 : i32
    %dma_wait3A_16 = tpu.memref_slice %arg2[%dma_wait3A, %dma_wait3A_15] : memref<10000x64xf32, #tpu.memory_space<hbm>> -> memref<256x64xf32, #tpu.memory_space<hbm>>
    %dma_wait3A_17 = arith.constant 0 : i32
    %dma_wait3A_18 = arith.constant 0 : i32
    %dma_wait3A_19 = tpu.memref_slice %arg2[%dma_wait3A_17, %dma_wait3A_18] : memref<10000x64xf32, #tpu.memory_space<hbm>> -> memref<256x64xf32, #tpu.memory_space<hbm>>
    tpu.wait_dma2 semaphore(%arg15 : memref<!tpu.dma_semaphore, #tpu.memory_space<semaphore_mem>>) src(%dma_wait3A_19 : memref<256x64xf32, #tpu.memory_space<hbm>>) dst(%arg11 : memref<256x64xf32, #tpu.memory_space<vmem>>)
    %parallel_loop3A = arith.constant 0 : i32
    %parallel_loop3A_20 = arith.constant 256 : i32
    %parallel_loop3A_21 = arith.constant 1 : i32
    scf.for %parallel_loop3A_52 = %parallel_loop3A to %parallel_loop3A_20 step %parallel_loop3A_21  : i32 {
      %parallel_loop3A_53 = arith.constant 9984 : i32
      %parallel_loop3A_54 = arith.addi %parallel_loop3A_53, %parallel_loop3A_52 : i32
      %parallel_loop3A_55 = vector.broadcast %parallel_loop3A_54 : i32 to vector<16xi32>
      %parallel_loop3A_56 = tpu.vector_load_idx %arg10[%parallel_loop3A_55] : memref<10240xf32, #tpu.memory_space<vmem>>[vector<16xi32>], vector<16xf32>,
      %parallel_loop3A_57 = arith.index_cast %parallel_loop3A_52 : i32 to index
      %parallel_loop3A_58 = arith.constant 0 : index
      %parallel_loop3A_59 = tpu.vector_load %arg11[%parallel_loop3A_57, %parallel_loop3A_58] {strides = array<i32>} : memref<256x64xf32, #tpu.memory_space<vmem>>, vector<16xf32>,
      %parallel_loop3A_60 = arith.mulf %parallel_loop3A_59, %parallel_loop3A_56 : vector<16xf32>
      %parallel_loop3A_61 = arith.index_cast %parallel_loop3A_52 : i32 to index
      %parallel_loop3A_62 = arith.constant 0 : index
      %parallel_loop3A_63 = tpu.vector_load %arg11[%parallel_loop3A_61, %parallel_loop3A_62] {strides = array<i32>} : memref<256x64xf32, #tpu.memory_space<vmem>>, vector<16xf32>,
      tpu.vector_store %arg11[%parallel_loop3A_61, %parallel_loop3A_62], %parallel_loop3A_60 {strides = array<i32>} : memref<256x64xf32, #tpu.memory_space<vmem>>, vector<16xf32>,
      %parallel_loop3A_64 = arith.index_cast %parallel_loop3A_52 : i32 to index
      %parallel_loop3A_65 = arith.constant 16 : index
      %parallel_loop3A_66 = tpu.vector_load %arg11[%parallel_loop3A_64, %parallel_loop3A_65] {strides = array<i32>} : memref<256x64xf32, #tpu.memory_space<vmem>>, vector<16xf32>,
      %parallel_loop3A_67 = arith.mulf %parallel_loop3A_66, %parallel_loop3A_56 : vector<16xf32>
      %parallel_loop3A_68 = arith.index_cast %parallel_loop3A_52 : i32 to index
      %parallel_loop3A_69 = arith.constant 16 : index
      %parallel_loop3A_70 = tpu.vector_load %arg11[%parallel_loop3A_68, %parallel_loop3A_69] {strides = array<i32>} : memref<256x64xf32, #tpu.memory_space<vmem>>, vector<16xf32>,
      tpu.vector_store %arg11[%parallel_loop3A_68, %parallel_loop3A_69], %parallel_loop3A_67 {strides = array<i32>} : memref<256x64xf32, #tpu.memory_space<vmem>>, vector<16xf32>,
      %parallel_loop3A_71 = arith.index_cast %parallel_loop3A_52 : i32 to index
      %parallel_loop3A_72 = arith.constant 32 : index
      %parallel_loop3A_73 = tpu.vector_load %arg11[%parallel_loop3A_71, %parallel_loop3A_72] {strides = array<i32>} : memref<256x64xf32, #tpu.memory_space<vmem>>, vector<16xf32>,
      %parallel_loop3A_74 = arith.mulf %parallel_loop3A_73, %parallel_loop3A_56 : vector<16xf32>
      %parallel_loop3A_75 = arith.index_cast %parallel_loop3A_52 : i32 to index
      %parallel_loop3A_76 = arith.constant 32 : index
      %parallel_loop3A_77 = tpu.vector_load %arg11[%parallel_loop3A_75, %parallel_loop3A_76] {strides = array<i32>} : memref<256x64xf32, #tpu.memory_space<vmem>>, vector<16xf32>,
      tpu.vector_store %arg11[%parallel_loop3A_75, %parallel_loop3A_76], %parallel_loop3A_74 {strides = array<i32>} : memref<256x64xf32, #tpu.memory_space<vmem>>, vector<16xf32>,
      %parallel_loop3A_78 = arith.index_cast %parallel_loop3A_52 : i32 to index
      %parallel_loop3A_79 = arith.constant 48 : index
      %parallel_loop3A_80 = tpu.vector_load %arg11[%parallel_loop3A_78, %parallel_loop3A_79] {strides = array<i32>} : memref<256x64xf32, #tpu.memory_space<vmem>>, vector<16xf32>,
      %parallel_loop3A_81 = arith.mulf %parallel_loop3A_80, %parallel_loop3A_56 : vector<16xf32>
      %parallel_loop3A_82 = arith.index_cast %parallel_loop3A_52 : i32 to index
      %parallel_loop3A_83 = arith.constant 48 : index
      %parallel_loop3A_84 = tpu.vector_load %arg11[%parallel_loop3A_82, %parallel_loop3A_83] {strides = array<i32>} : memref<256x64xf32, #tpu.memory_space<vmem>>, vector<16xf32>,
      tpu.vector_store %arg11[%parallel_loop3A_82, %parallel_loop3A_83], %parallel_loop3A_81 {strides = array<i32>} : memref<256x64xf32, #tpu.memory_space<vmem>>, vector<16xf32>,
    } {sc.loop_unroll_factor = 8 : i64, sc.parallel_access}
    %dma_start3A_22 = arith.constant 39 : i32
    %dma_start3A_23 = arith.constant 0 : i32
    %dma_start3A_24 = tpu.memref_slice %arg9[%dma_start3A_22, %dma_start3A_23] : memref<40x256xi32, #tpu.memory_space<vmem>> -> memref<1x256xi32, #tpu.memory_space<vmem>>
    %dma_start3A_25 = tpu.memref_squeeze %dma_start3A_24 : memref<1x256xi32, #tpu.memory_space<vmem>> -> memref<256xi32, #tpu.memory_space<vmem>>
    %dma_start3A_26 = arith.constant 0 : i32
    %dma_start3A_27 = arith.constant 0 : i32
    %dma_start3A_28 = tpu.memref_slice %arg14[%dma_start3A_26, %dma_start3A_27] : memref<10240x64xf32, #tpu.memory_space<vmem_shared>> -> memref<10240x64xf32, #tpu.memory_space<vmem_shared>>
    tpu.enqueue_indirect_dma source(%arg11 : memref<256x64xf32, #tpu.memory_space<vmem>>) target(%dma_start3A_28 : memref<10240x64xf32, #tpu.memory_space<vmem_shared>>) offsets(%dma_start3A_25 : memref<256xi32, #tpu.memory_space<vmem>>) semaphore(%arg18 : memref<!tpu.dma_semaphore, #tpu.memory_space<semaphore_mem>>) {add = true}
    %dma_wait3A_29 = arith.constant 0 : i32
    %dma_wait3A_30 = arith.constant 0 : i32
    %dma_wait3A_31 = tpu.memref_slice %arg2[%dma_wait3A_29, %dma_wait3A_30] : memref<10000x64xf32, #tpu.memory_space<hbm>> -> memref<256x64xf32, #tpu.memory_space<hbm>>
    %dma_wait3A_32 = arith.constant 0 : i32
    %dma_wait3A_33 = arith.constant 0 : i32
    %dma_wait3A_34 = tpu.memref_slice %arg2[%dma_wait3A_32, %dma_wait3A_33] : memref<10000x64xf32, #tpu.memory_space<hbm>> -> memref<256x64xf32, #tpu.memory_space<hbm>>
    tpu.wait_dma2 semaphore(%arg19 : memref<!tpu.dma_semaphore, #tpu.memory_space<semaphore_mem>>) src(%dma_wait3A_34 : memref<256x64xf32, #tpu.memory_space<hbm>>) dst(%arg12 : memref<256x64xf32, #tpu.memory_space<vmem>>)
    %dma_wait3A_35 = arith.constant 0 : i32
    %dma_wait3A_36 = arith.constant 0 : i32
    %dma_wait3A_37 = tpu.memref_slice %arg2[%dma_wait3A_35, %dma_wait3A_36] : memref<10000x64xf32, #tpu.memory_space<hbm>> -> memref<256x64xf32, #tpu.memory_space<hbm>>
    %dma_wait3A_38 = arith.constant 0 : i32
    %dma_wait3A_39 = arith.constant 0 : i32
    %dma_wait3A_40 = tpu.memref_slice %arg2[%dma_wait3A_38, %dma_wait3A_39] : memref<10000x64xf32, #tpu.memory_space<hbm>> -> memref<256x64xf32, #tpu.memory_space<hbm>>
    tpu.wait_dma2 semaphore(%arg20 : memref<!tpu.dma_semaphore, #tpu.memory_space<semaphore_mem>>) src(%dma_wait3A_40 : memref<256x64xf32, #tpu.memory_space<hbm>>) dst(%arg13 : memref<256x64xf32, #tpu.memory_space<vmem>>)
    %dma_wait3A_41 = arith.constant 0 : i32
    %dma_wait3A_42 = arith.constant 0 : i32
    %dma_wait3A_43 = tpu.memref_slice %arg2[%dma_wait3A_41, %dma_wait3A_42] : memref<10000x64xf32, #tpu.memory_space<hbm>> -> memref<256x64xf32, #tpu.memory_space<hbm>>
    %dma_wait3A_44 = arith.constant 0 : i32
    %dma_wait3A_45 = arith.constant 0 : i32
    %dma_wait3A_46 = tpu.memref_slice %arg2[%dma_wait3A_44, %dma_wait3A_45] : memref<10000x64xf32, #tpu.memory_space<hbm>> -> memref<256x64xf32, #tpu.memory_space<hbm>>
    tpu.wait_dma2 semaphore(%arg18 : memref<!tpu.dma_semaphore, #tpu.memory_space<semaphore_mem>>) src(%dma_wait3A_46 : memref<256x64xf32, #tpu.memory_space<hbm>>) dst(%arg11 : memref<256x64xf32, #tpu.memory_space<vmem>>)
    %barrier3A_47 = arith.constant 0 : index
    tpu.barrier barrier_id(%barrier3A_47)
    %mul3A_48 = arith.constant 640 : i32
    %mul3A_49 = arith.muli %arg1, %mul3A_48 : i32
    %mul3A_50 = arith.constant 640 : i32
    %mul3A_51 = arith.muli %arg1, %mul3A_50 : i32
    "tpu.region"() ({
      %run_scoped3A = tpu.sem_alloc : memref<!tpu.dma_semaphore, #tpu.memory_space<semaphore_mem>>
      %dma_start3A_52 = arith.constant 0 : i32
      %dma_start3A_53 = tpu.memref_slice %arg7[%arg0, %mul3A_51, %dma_start3A_52] : memref<2x10240x64xf32, #tpu.memory_space<hbm>> -> memref<1x640x64xf32, #tpu.memory_space<hbm>>
      %dma_start3A_54 = tpu.memref_squeeze %dma_start3A_53 : memref<1x640x64xf32, #tpu.memory_space<hbm>> -> memref<640x64xf32, #tpu.memory_space<hbm>>
      %dma_start3A_55 = arith.constant 0 : i32
      %dma_start3A_56 = tpu.memref_slice %arg14[%mul3A_49, %dma_start3A_55] : memref<10240x64xf32, #tpu.memory_space<vmem_shared>> -> memref<640x64xf32, #tpu.memory_space<vmem_shared>>
      tpu.enqueue_dma source(%dma_start3A_56 : memref<640x64xf32, #tpu.memory_space<vmem_shared>>) target(%dma_start3A_54 : memref<640x64xf32, #tpu.memory_space<hbm>>) target_semaphore(%run_scoped3A : memref<!tpu.dma_semaphore, #tpu.memory_space<semaphore_mem>>)
      %dma_wait3A_57 = arith.constant 0 : i32
      %dma_wait3A_58 = tpu.memref_slice %arg7[%arg0, %mul3A_51, %dma_wait3A_57] : memref<2x10240x64xf32, #tpu.memory_space<hbm>> -> memref<1x640x64xf32, #tpu.memory_space<hbm>>
      %dma_wait3A_59 = tpu.memref_squeeze %dma_wait3A_58 : memref<1x640x64xf32, #tpu.memory_space<hbm>> -> memref<640x64xf32, #tpu.memory_space<hbm>>
      %dma_wait3A_60 = arith.constant 0 : i32
      %dma_wait3A_61 = tpu.memref_slice %arg14[%mul3A_49, %dma_wait3A_60] : memref<10240x64xf32, #tpu.memory_space<vmem_shared>> -> memref<640x64xf32, #tpu.memory_space<vmem_shared>>
      tpu.wait_dma2 semaphore(%run_scoped3A : memref<!tpu.dma_semaphore, #tpu.memory_space<semaphore_mem>>) src(%dma_wait3A_61 : memref<640x64xf32, #tpu.memory_space<vmem_shared>>) dst(%dma_wait3A_59 : memref<640x64xf32, #tpu.memory_space<hbm>>)
      tpu.yield
    }) : () -> ()
    return
  }
}

#map = affine_map<(d0, d1) -> (0, 0)>
#map1 = affine_map<(d0, d1) -> (0, 0, 0)>
module attributes {stable_mosaic.version = 14 : i64} {
  func.func @_sc_pairs_body(%arg0: i32, %arg1: i32, %arg2: memref<10000x64xf32, #tpu.memory_space<hbm>>, %arg3: memref<10000x64xf32, #tpu.memory_space<hbm>>, %arg4: memref<32x13x256xi32, #tpu.memory_space<hbm>>, %arg5: memref<32x13x256xi32, #tpu.memory_space<hbm>>, %arg6: memref<416x256x64xf32, #tpu.memory_space<hbm>>, %arg7: memref<13x256xi32, #tpu.memory_space<vmem>>, %arg8: memref<13x256xi32, #tpu.memory_space<vmem>>, %arg9: memref<256x64xf32, #tpu.memory_space<vmem>>, %arg10: memref<256x64xf32, #tpu.memory_space<vmem>>, %arg11: memref<256x64xf32, #tpu.memory_space<vmem>>, %arg12: memref<256x64xf32, #tpu.memory_space<vmem>>, %arg13: memref<256x64xf32, #tpu.memory_space<vmem>>, %arg14: memref<256x64xf32, #tpu.memory_space<vmem>>, %arg15: memref<!tpu.dma_semaphore, #tpu.memory_space<semaphore_mem>>, %arg16: memref<!tpu.dma_semaphore, #tpu.memory_space<semaphore_mem>>, %arg17: memref<!tpu.dma_semaphore, #tpu.memory_space<semaphore_mem>>, %arg18: memref<!tpu.dma_semaphore, #tpu.memory_space<semaphore_mem>>, %arg19: memref<!tpu.dma_semaphore, #tpu.memory_space<semaphore_mem>>, %arg20: memref<!tpu.dma_semaphore, #tpu.memory_space<semaphore_mem>>, %arg21: memref<!tpu.dma_semaphore, #tpu.memory_space<semaphore_mem>>, %arg22: memref<!tpu.dma_semaphore, #tpu.memory_space<semaphore_mem>>, %arg23: memref<!tpu.dma_semaphore, #tpu.memory_space<semaphore_mem>>) attributes {dimension_semantics = [#tpu.dimension_semantics<core_parallel>, #tpu.dimension_semantics<subcore_parallel>], iteration_bounds = array<i64: 2, 16>, scalar_prefetch = 0 : i64, scratch_operands = 17 : i64, tpu.core_type = #tpu.core_type<sc_vector_subcore>, window_params = [{transform_indices = #map}, {transform_indices = #map}, {transform_indices = #map1}, {transform_indices = #map1}, {transform_indices = #map1}]} {
    %mul3A = arith.constant 16 : i32
    %mul3A_0 = arith.muli %arg0, %mul3A : i32
    %add3A = arith.addi %mul3A_0, %arg1 : i32
    "tpu.region"() ({
      %run_scoped3A = tpu.sem_alloc : memref<!tpu.dma_semaphore, #tpu.memory_space<semaphore_mem>>
      %dma_start3A_70 = arith.constant 0 : i32
      %dma_start3A_71 = arith.constant 0 : i32
      %dma_start3A_72 = tpu.memref_slice %arg4[%add3A, %dma_start3A_70, %dma_start3A_71] : memref<32x13x256xi32, #tpu.memory_space<hbm>> -> memref<1x13x256xi32, #tpu.memory_space<hbm>>
      %dma_start3A_73 = tpu.memref_squeeze %dma_start3A_72 : memref<1x13x256xi32, #tpu.memory_space<hbm>> -> memref<13x256xi32, #tpu.memory_space<hbm>>
      %dma_start3A_74 = arith.constant 0 : i32
      %dma_start3A_75 = arith.constant 0 : i32
      %dma_start3A_76 = tpu.memref_slice %arg4[%add3A, %dma_start3A_74, %dma_start3A_75] : memref<32x13x256xi32, #tpu.memory_space<hbm>> -> memref<1x13x256xi32, #tpu.memory_space<hbm>>
      %dma_start3A_77 = tpu.memref_squeeze %dma_start3A_76 : memref<1x13x256xi32, #tpu.memory_space<hbm>> -> memref<13x256xi32, #tpu.memory_space<hbm>>
      tpu.enqueue_dma source(%dma_start3A_77 : memref<13x256xi32, #tpu.memory_space<hbm>>) target(%arg7 : memref<13x256xi32, #tpu.memory_space<vmem>>) target_semaphore(%run_scoped3A : memref<!tpu.dma_semaphore, #tpu.memory_space<semaphore_mem>>)
      %dma_wait3A_78 = arith.constant 0 : i32
      %dma_wait3A_79 = arith.constant 0 : i32
      %dma_wait3A_80 = tpu.memref_slice %arg4[%add3A, %dma_wait3A_78, %dma_wait3A_79] : memref<32x13x256xi32, #tpu.memory_space<hbm>> -> memref<1x13x256xi32, #tpu.memory_space<hbm>>
      %dma_wait3A_81 = tpu.memref_squeeze %dma_wait3A_80 : memref<1x13x256xi32, #tpu.memory_space<hbm>> -> memref<13x256xi32, #tpu.memory_space<hbm>>
      %dma_wait3A_82 = arith.constant 0 : i32
      %dma_wait3A_83 = arith.constant 0 : i32
      %dma_wait3A_84 = tpu.memref_slice %arg4[%add3A, %dma_wait3A_82, %dma_wait3A_83] : memref<32x13x256xi32, #tpu.memory_space<hbm>> -> memref<1x13x256xi32, #tpu.memory_space<hbm>>
      %dma_wait3A_85 = tpu.memref_squeeze %dma_wait3A_84 : memref<1x13x256xi32, #tpu.memory_space<hbm>> -> memref<13x256xi32, #tpu.memory_space<hbm>>
      tpu.wait_dma2 semaphore(%run_scoped3A : memref<!tpu.dma_semaphore, #tpu.memory_space<semaphore_mem>>) src(%dma_wait3A_85 : memref<13x256xi32, #tpu.memory_space<hbm>>) dst(%arg7 : memref<13x256xi32, #tpu.memory_space<vmem>>)
      tpu.yield
    }) : () -> ()
    "tpu.region"() ({
      %run_scoped3A = tpu.sem_alloc : memref<!tpu.dma_semaphore, #tpu.memory_space<semaphore_mem>>
      %dma_start3A_70 = arith.constant 0 : i32
      %dma_start3A_71 = arith.constant 0 : i32
      %dma_start3A_72 = tpu.memref_slice %arg5[%add3A, %dma_start3A_70, %dma_start3A_71] : memref<32x13x256xi32, #tpu.memory_space<hbm>> -> memref<1x13x256xi32, #tpu.memory_space<hbm>>
      %dma_start3A_73 = tpu.memref_squeeze %dma_start3A_72 : memref<1x13x256xi32, #tpu.memory_space<hbm>> -> memref<13x256xi32, #tpu.memory_space<hbm>>
      %dma_start3A_74 = arith.constant 0 : i32
      %dma_start3A_75 = arith.constant 0 : i32
      %dma_start3A_76 = tpu.memref_slice %arg5[%add3A, %dma_start3A_74, %dma_start3A_75] : memref<32x13x256xi32, #tpu.memory_space<hbm>> -> memref<1x13x256xi32, #tpu.memory_space<hbm>>
      %dma_start3A_77 = tpu.memref_squeeze %dma_start3A_76 : memref<1x13x256xi32, #tpu.memory_space<hbm>> -> memref<13x256xi32, #tpu.memory_space<hbm>>
      tpu.enqueue_dma source(%dma_start3A_77 : memref<13x256xi32, #tpu.memory_space<hbm>>) target(%arg8 : memref<13x256xi32, #tpu.memory_space<vmem>>) target_semaphore(%run_scoped3A : memref<!tpu.dma_semaphore, #tpu.memory_space<semaphore_mem>>)
      %dma_wait3A_78 = arith.constant 0 : i32
      %dma_wait3A_79 = arith.constant 0 : i32
      %dma_wait3A_80 = tpu.memref_slice %arg5[%add3A, %dma_wait3A_78, %dma_wait3A_79] : memref<32x13x256xi32, #tpu.memory_space<hbm>> -> memref<1x13x256xi32, #tpu.memory_space<hbm>>
      %dma_wait3A_81 = tpu.memref_squeeze %dma_wait3A_80 : memref<1x13x256xi32, #tpu.memory_space<hbm>> -> memref<13x256xi32, #tpu.memory_space<hbm>>
      %dma_wait3A_82 = arith.constant 0 : i32
      %dma_wait3A_83 = arith.constant 0 : i32
      %dma_wait3A_84 = tpu.memref_slice %arg5[%add3A, %dma_wait3A_82, %dma_wait3A_83] : memref<32x13x256xi32, #tpu.memory_space<hbm>> -> memref<1x13x256xi32, #tpu.memory_space<hbm>>
      %dma_wait3A_85 = tpu.memref_squeeze %dma_wait3A_84 : memref<1x13x256xi32, #tpu.memory_space<hbm>> -> memref<13x256xi32, #tpu.memory_space<hbm>>
      tpu.wait_dma2 semaphore(%run_scoped3A : memref<!tpu.dma_semaphore, #tpu.memory_space<semaphore_mem>>) src(%dma_wait3A_85 : memref<13x256xi32, #tpu.memory_space<hbm>>) dst(%arg8 : memref<13x256xi32, #tpu.memory_space<vmem>>)
      tpu.yield
    }) : () -> ()
    %dma_start3A = arith.constant 0 : i32
    %dma_start3A_1 = arith.constant 0 : i32
    %dma_start3A_2 = tpu.memref_slice %arg7[%dma_start3A, %dma_start3A_1] : memref<13x256xi32, #tpu.memory_space<vmem>> -> memref<1x256xi32, #tpu.memory_space<vmem>>
    %dma_start3A_3 = tpu.memref_squeeze %dma_start3A_2 : memref<1x256xi32, #tpu.memory_space<vmem>> -> memref<256xi32, #tpu.memory_space<vmem>>
    %dma_start3A_4 = arith.constant 0 : i32
    %dma_start3A_5 = arith.constant 0 : i32
    %dma_start3A_6 = tpu.memref_slice %arg2[%dma_start3A_4, %dma_start3A_5] : memref<10000x64xf32, #tpu.memory_space<hbm>> -> memref<10000x64xf32, #tpu.memory_space<hbm>>
    tpu.enqueue_indirect_dma source(%dma_start3A_6 : memref<10000x64xf32, #tpu.memory_space<hbm>>) target(%arg9 : memref<256x64xf32, #tpu.memory_space<vmem>>) offsets(%dma_start3A_3 : memref<256xi32, #tpu.memory_space<vmem>>) semaphore(%arg15 : memref<!tpu.dma_semaphore, #tpu.memory_space<semaphore_mem>>)
    %dma_start3A_7 = arith.constant 0 : i32
    %dma_start3A_8 = arith.constant 0 : i32
    %dma_start3A_9 = tpu.memref_slice %arg8[%dma_start3A_7, %dma_start3A_8] : memref<13x256xi32, #tpu.memory_space<vmem>> -> memref<1x256xi32, #tpu.memory_space<vmem>>
    %dma_start3A_10 = tpu.memref_squeeze %dma_start3A_9 : memref<1x256xi32, #tpu.memory_space<vmem>> -> memref<256xi32, #tpu.memory_space<vmem>>
    %dma_start3A_11 = arith.constant 0 : i32
    %dma_start3A_12 = arith.constant 0 : i32
    %dma_start3A_13 = tpu.memref_slice %arg3[%dma_start3A_11, %dma_start3A_12] : memref<10000x64xf32, #tpu.memory_space<hbm>> -> memref<10000x64xf32, #tpu.memory_space<hbm>>
    tpu.enqueue_indirect_dma source(%dma_start3A_13 : memref<10000x64xf32, #tpu.memory_space<hbm>>) target(%arg12 : memref<256x64xf32, #tpu.memory_space<vmem>>) offsets(%dma_start3A_10 : memref<256xi32, #tpu.memory_space<vmem>>) semaphore(%arg18 : memref<!tpu.dma_semaphore, #tpu.memory_space<semaphore_mem>>)
    %scan3A = arith.constant 0 : i32
    %scan3A_14 = arith.constant 4 : i32
    %scan3A_15 = arith.addi %scan3A, %scan3A_14 : i32
    %scan3A_16 = arith.constant 1 : i32
    scf.for %scan3A_70 = %scan3A to %scan3A_15 step %scan3A_16  : i32 {
      %mul3A_71 = arith.constant 1 : i32
      %mul3A_72 = arith.muli %scan3A_70, %mul3A_71 : i32
      %add3A_73 = arith.constant 0 : i32
      %add3A_74 = arith.addi %add3A_73, %mul3A_72 : i32
      %mul3A_75 = arith.constant 3 : i32
      %mul3A_76 = arith.muli %mul3A_75, %add3A_74 : i32
      %add3A_77 = arith.constant 0 : i32
      %add3A_78 = arith.addi %mul3A_76, %add3A_77 : i32
      %gt3A = arith.constant 0 : i32
      %gt3A_79 = arith.cmpi sgt, %add3A_74, %gt3A : i32
      %convert_element_type3A = arith.extui %gt3A_79 : i1 to i32
      %cond3A = arith.constant 0 : i32
      %cond3A_80 = arith.cmpi ne, %convert_element_type3A, %cond3A : i32
      scf.if %cond3A_80 {
        %dma_wait3A_223 = arith.constant 0 : i32
        %dma_wait3A_224 = arith.constant 0 : i32
        %dma_wait3A_225 = arith.constant 0 : i32
        %dma_wait3A_226 = tpu.memref_slice %arg6[%dma_wait3A_223, %dma_wait3A_224, %dma_wait3A_225] : memref<416x256x64xf32, #tpu.memory_space<hbm>> -> memref<1x256x64xf32, #tpu.memory_space<hbm>>
        %dma_wait3A_227 = tpu.memref_squeeze %dma_wait3A_226 : memref<1x256x64xf32, #tpu.memory_space<hbm>> -> memref<256x64xf32, #tpu.memory_space<hbm>>
        %dma_wait3A_228 = arith.constant 0 : i32
        %dma_wait3A_229 = arith.constant 0 : i32
        %dma_wait3A_230 = tpu.memref_slice %arg6[%dma_wait3A_223, %dma_wait3A_228, %dma_wait3A_229] : memref<416x256x64xf32, #tpu.memory_space<hbm>> -> memref<1x256x64xf32, #tpu.memory_space<hbm>>
        %dma_wait3A_231 = tpu.memref_squeeze %dma_wait3A_230 : memref<1x256x64xf32, #tpu.memory_space<hbm>> -> memref<256x64xf32, #tpu.memory_space<hbm>>
        tpu.wait_dma2 semaphore(%arg22 : memref<!tpu.dma_semaphore, #tpu.memory_space<semaphore_mem>>) src(%arg10 : memref<256x64xf32, #tpu.memory_space<vmem>>) dst(%dma_wait3A_231 : memref<256x64xf32, #tpu.memory_space<hbm>>)
      } else {
      }
      %add3A_81 = arith.constant 1 : i32
      %add3A_82 = arith.addi %add3A_78, %add3A_81 : i32
      %dma_start3A_83 = arith.constant 0 : i32
      %dma_start3A_84 = tpu.memref_slice %arg7[%add3A_82, %dma_start3A_83] : memref<13x256xi32, #tpu.memory_space<vmem>> -> memref<1x256xi32, #tpu.memory_space<vmem>>
      %dma_start3A_85 = tpu.memref_squeeze %dma_start3A_84 : memref<1x256xi32, #tpu.memory_space<vmem>> -> memref<256xi32, #tpu.memory_space<vmem>>
      %dma_start3A_86 = arith.constant 0 : i32
      %dma_start3A_87 = arith.constant 0 : i32
      %dma_start3A_88 = tpu.memref_slice %arg2[%dma_start3A_86, %dma_start3A_87] : memref<10000x64xf32, #tpu.memory_space<hbm>> -> memref<10000x64xf32, #tpu.memory_space<hbm>>
      tpu.enqueue_indirect_dma source(%dma_start3A_88 : memref<10000x64xf32, #tpu.memory_space<hbm>>) target(%arg10 : memref<256x64xf32, #tpu.memory_space<vmem>>) offsets(%dma_start3A_85 : memref<256xi32, #tpu.memory_space<vmem>>) semaphore(%arg16 : memref<!tpu.dma_semaphore, #tpu.memory_space<semaphore_mem>>)
      %dma_start3A_89 = arith.constant 0 : i32
      %dma_start3A_90 = tpu.memref_slice %arg8[%add3A_82, %dma_start3A_89] : memref<13x256xi32, #tpu.memory_space<vmem>> -> memref<1x256xi32, #tpu.memory_space<vmem>>
      %dma_start3A_91 = tpu.memref_squeeze %dma_start3A_90 : memref<1x256xi32, #tpu.memory_space<vmem>> -> memref<256xi32, #tpu.memory_space<vmem>>
      %dma_start3A_92 = arith.constant 0 : i32
      %dma_start3A_93 = arith.constant 0 : i32
      %dma_start3A_94 = tpu.memref_slice %arg3[%dma_start3A_92, %dma_start3A_93] : memref<10000x64xf32, #tpu.memory_space<hbm>> -> memref<10000x64xf32, #tpu.memory_space<hbm>>
      tpu.enqueue_indirect_dma source(%dma_start3A_94 : memref<10000x64xf32, #tpu.memory_space<hbm>>) target(%arg13 : memref<256x64xf32, #tpu.memory_space<vmem>>) offsets(%dma_start3A_91 : memref<256xi32, #tpu.memory_space<vmem>>) semaphore(%arg19 : memref<!tpu.dma_semaphore, #tpu.memory_space<semaphore_mem>>)
      %dma_wait3A_95 = arith.constant 0 : i32
      %dma_wait3A_96 = arith.constant 0 : i32
      %dma_wait3A_97 = tpu.memref_slice %arg2[%dma_wait3A_95, %dma_wait3A_96] : memref<10000x64xf32, #tpu.memory_space<hbm>> -> memref<256x64xf32, #tpu.memory_space<hbm>>
      %dma_wait3A_98 = arith.constant 0 : i32
      %dma_wait3A_99 = arith.constant 0 : i32
      %dma_wait3A_100 = tpu.memref_slice %arg2[%dma_wait3A_98, %dma_wait3A_99] : memref<10000x64xf32, #tpu.memory_space<hbm>> -> memref<256x64xf32, #tpu.memory_space<hbm>>
      tpu.wait_dma2 semaphore(%arg15 : memref<!tpu.dma_semaphore, #tpu.memory_space<semaphore_mem>>) src(%dma_wait3A_100 : memref<256x64xf32, #tpu.memory_space<hbm>>) dst(%arg9 : memref<256x64xf32, #tpu.memory_space<vmem>>)
      %dma_wait3A_101 = arith.constant 0 : i32
      %dma_wait3A_102 = arith.constant 0 : i32
      %dma_wait3A_103 = tpu.memref_slice %arg2[%dma_wait3A_101, %dma_wait3A_102] : memref<10000x64xf32, #tpu.memory_space<hbm>> -> memref<256x64xf32, #tpu.memory_space<hbm>>
      %dma_wait3A_104 = arith.constant 0 : i32
      %dma_wait3A_105 = arith.constant 0 : i32
      %dma_wait3A_106 = tpu.memref_slice %arg2[%dma_wait3A_104, %dma_wait3A_105] : memref<10000x64xf32, #tpu.memory_space<hbm>> -> memref<256x64xf32, #tpu.memory_space<hbm>>
      tpu.wait_dma2 semaphore(%arg18 : memref<!tpu.dma_semaphore, #tpu.memory_space<semaphore_mem>>) src(%dma_wait3A_106 : memref<256x64xf32, #tpu.memory_space<hbm>>) dst(%arg12 : memref<256x64xf32, #tpu.memory_space<vmem>>)
      %parallel_loop3A_107 = arith.constant 0 : i32
      %parallel_loop3A_108 = arith.constant 256 : i32
      %parallel_loop3A_109 = arith.constant 1 : i32
      scf.for %parallel_loop3A_223 = %parallel_loop3A_107 to %parallel_loop3A_108 step %parallel_loop3A_109  : i32 {
        %parallel_loop3A_224 = arith.index_cast %parallel_loop3A_223 : i32 to index
        %parallel_loop3A_225 = arith.constant 0 : index
        %parallel_loop3A_226 = tpu.vector_load %arg9[%parallel_loop3A_224, %parallel_loop3A_225] {strides = array<i32>} : memref<256x64xf32, #tpu.memory_space<vmem>>, vector<16xf32>,
        %parallel_loop3A_227 = arith.index_cast %parallel_loop3A_223 : i32 to index
        %parallel_loop3A_228 = arith.constant 0 : index
        %parallel_loop3A_229 = tpu.vector_load %arg12[%parallel_loop3A_227, %parallel_loop3A_228] {strides = array<i32>} : memref<256x64xf32, #tpu.memory_space<vmem>>, vector<16xf32>,
        %parallel_loop3A_230 = arith.addf %parallel_loop3A_226, %parallel_loop3A_229 : vector<16xf32>
        %parallel_loop3A_231 = arith.index_cast %parallel_loop3A_223 : i32 to index
        %parallel_loop3A_232 = arith.constant 0 : index
        %parallel_loop3A_233 = tpu.vector_load %arg9[%parallel_loop3A_231, %parallel_loop3A_232] {strides = array<i32>} : memref<256x64xf32, #tpu.memory_space<vmem>>, vector<16xf32>,
        tpu.vector_store %arg9[%parallel_loop3A_231, %parallel_loop3A_232], %parallel_loop3A_230 {strides = array<i32>} : memref<256x64xf32, #tpu.memory_space<vmem>>, vector<16xf32>,
        %parallel_loop3A_234 = arith.index_cast %parallel_loop3A_223 : i32 to index
        %parallel_loop3A_235 = arith.constant 16 : index
        %parallel_loop3A_236 = tpu.vector_load %arg9[%parallel_loop3A_234, %parallel_loop3A_235] {strides = array<i32>} : memref<256x64xf32, #tpu.memory_space<vmem>>, vector<16xf32>,
        %parallel_loop3A_237 = arith.index_cast %parallel_loop3A_223 : i32 to index
        %parallel_loop3A_238 = arith.constant 16 : index
        %parallel_loop3A_239 = tpu.vector_load %arg12[%parallel_loop3A_237, %parallel_loop3A_238] {strides = array<i32>} : memref<256x64xf32, #tpu.memory_space<vmem>>, vector<16xf32>,
        %parallel_loop3A_240 = arith.addf %parallel_loop3A_236, %parallel_loop3A_239 : vector<16xf32>
        %parallel_loop3A_241 = arith.index_cast %parallel_loop3A_223 : i32 to index
        %parallel_loop3A_242 = arith.constant 16 : index
        %parallel_loop3A_243 = tpu.vector_load %arg9[%parallel_loop3A_241, %parallel_loop3A_242] {strides = array<i32>} : memref<256x64xf32, #tpu.memory_space<vmem>>, vector<16xf32>,
        tpu.vector_store %arg9[%parallel_loop3A_241, %parallel_loop3A_242], %parallel_loop3A_240 {strides = array<i32>} : memref<256x64xf32, #tpu.memory_space<vmem>>, vector<16xf32>,
        %parallel_loop3A_244 = arith.index_cast %parallel_loop3A_223 : i32 to index
        %parallel_loop3A_245 = arith.constant 32 : index
        %parallel_loop3A_246 = tpu.vector_load %arg9[%parallel_loop3A_244, %parallel_loop3A_245] {strides = array<i32>} : memref<256x64xf32, #tpu.memory_space<vmem>>, vector<16xf32>,
        %parallel_loop3A_247 = arith.index_cast %parallel_loop3A_223 : i32 to index
        %parallel_loop3A_248 = arith.constant 32 : index
        %parallel_loop3A_249 = tpu.vector_load %arg12[%parallel_loop3A_247, %parallel_loop3A_248] {strides = array<i32>} : memref<256x64xf32, #tpu.memory_space<vmem>>, vector<16xf32>,
        %parallel_loop3A_250 = arith.addf %parallel_loop3A_246, %parallel_loop3A_249 : vector<16xf32>
        %parallel_loop3A_251 = arith.index_cast %parallel_loop3A_223 : i32 to index
        %parallel_loop3A_252 = arith.constant 32 : index
        %parallel_loop3A_253 = tpu.vector_load %arg9[%parallel_loop3A_251, %parallel_loop3A_252] {strides = array<i32>} : memref<256x64xf32, #tpu.memory_space<vmem>>, vector<16xf32>,
        tpu.vector_store %arg9[%parallel_loop3A_251, %parallel_loop3A_252], %parallel_loop3A_250 {strides = array<i32>} : memref<256x64xf32, #tpu.memory_space<vmem>>, vector<16xf32>,
        %parallel_loop3A_254 = arith.index_cast %parallel_loop3A_223 : i32 to index
        %parallel_loop3A_255 = arith.constant 48 : index
        %parallel_loop3A_256 = tpu.vector_load %arg9[%parallel_loop3A_254, %parallel_loop3A_255] {strides = array<i32>} : memref<256x64xf32, #tpu.memory_space<vmem>>, vector<16xf32>,
        %parallel_loop3A_257 = arith.index_cast %parallel_loop3A_223 : i32 to index
        %parallel_loop3A_258 = arith.constant 48 : index
        %parallel_loop3A_259 = tpu.vector_load %arg12[%parallel_loop3A_257, %parallel_loop3A_258] {strides = array<i32>} : memref<256x64xf32, #tpu.memory_space<vmem>>, vector<16xf32>,
        %parallel_loop3A_260 = arith.addf %parallel_loop3A_256, %parallel_loop3A_259 : vector<16xf32>
        %parallel_loop3A_261 = arith.index_cast %parallel_loop3A_223 : i32 to index
        %parallel_loop3A_262 = arith.constant 48 : index
        %parallel_loop3A_263 = tpu.vector_load %arg9[%parallel_loop3A_261, %parallel_loop3A_262] {strides = array<i32>} : memref<256x64xf32, #tpu.memory_space<vmem>>, vector<16xf32>,
        tpu.vector_store %arg9[%parallel_loop3A_261, %parallel_loop3A_262], %parallel_loop3A_260 {strides = array<i32>} : memref<256x64xf32, #tpu.memory_space<vmem>>, vector<16xf32>,
      } {sc.loop_unroll_factor = 8 : i64, sc.parallel_access}
      %mul3A_110 = arith.constant 13 : i32
      %mul3A_111 = arith.muli %add3A, %mul3A_110 : i32
      %add3A_112 = arith.addi %mul3A_111, %add3A_78 : i32
      %dma_start3A_113 = arith.constant 0 : i32
      %dma_start3A_114 = arith.constant 0 : i32
      %dma_start3A_115 = tpu.memref_slice %arg6[%add3A_112, %dma_start3A_113, %dma_start3A_114] : memref<416x256x64xf32, #tpu.memory_space<hbm>> -> memref<1x256x64xf32, #tpu.memory_space<hbm>>
      %dma_start3A_116 = tpu.memref_squeeze %dma_start3A_115 : memref<1x256x64xf32, #tpu.memory_space<hbm>> -> memref<256x64xf32, #tpu.memory_space<hbm>>
      %dma_start3A_117 = arith.constant 0 : i32
      %dma_start3A_118 = arith.constant 0 : i32
      %dma_start3A_119 = tpu.memref_slice %arg6[%add3A_112, %dma_start3A_117, %dma_start3A_118] : memref<416x256x64xf32, #tpu.memory_space<hbm>> -> memref<1x256x64xf32, #tpu.memory_space<hbm>>
      %dma_start3A_120 = tpu.memref_squeeze %dma_start3A_119 : memref<1x256x64xf32, #tpu.memory_space<hbm>> -> memref<256x64xf32, #tpu.memory_space<hbm>>
      tpu.enqueue_dma source(%arg9 : memref<256x64xf32, #tpu.memory_space<vmem>>) target(%dma_start3A_120 : memref<256x64xf32, #tpu.memory_space<hbm>>) target_semaphore(%arg21 : memref<!tpu.dma_semaphore, #tpu.memory_space<semaphore_mem>>)
      %mul3A_121 = arith.constant 3 : i32
      %mul3A_122 = arith.muli %mul3A_121, %add3A_74 : i32
      %add3A_123 = arith.constant 1 : i32
      %add3A_124 = arith.addi %mul3A_122, %add3A_123 : i32
      %gt3A_125 = arith.constant 0 : i32
      %gt3A_126 = arith.cmpi sgt, %add3A_74, %gt3A_125 : i32
      %convert_element_type3A_127 = arith.extui %gt3A_126 : i1 to i32
      %cond3A_128 = arith.constant 0 : i32
      %cond3A_129 = arith.cmpi ne, %convert_element_type3A_127, %cond3A_128 : i32
      scf.if %cond3A_129 {
        %dma_wait3A_223 = arith.constant 0 : i32
        %dma_wait3A_224 = arith.constant 0 : i32
        %dma_wait3A_225 = arith.constant 0 : i32
        %dma_wait3A_226 = tpu.memref_slice %arg6[%dma_wait3A_223, %dma_wait3A_224, %dma_wait3A_225] : memref<416x256x64xf32, #tpu.memory_space<hbm>> -> memref<1x256x64xf32, #tpu.memory_space<hbm>>
        %dma_wait3A_227 = tpu.memref_squeeze %dma_wait3A_226 : memref<1x256x64xf32, #tpu.memory_space<hbm>> -> memref<256x64xf32, #tpu.memory_space<hbm>>
        %dma_wait3A_228 = arith.constant 0 : i32
        %dma_wait3A_229 = arith.constant 0 : i32
        %dma_wait3A_230 = tpu.memref_slice %arg6[%dma_wait3A_223, %dma_wait3A_228, %dma_wait3A_229] : memref<416x256x64xf32, #tpu.memory_space<hbm>> -> memref<1x256x64xf32, #tpu.memory_space<hbm>>
        %dma_wait3A_231 = tpu.memref_squeeze %dma_wait3A_230 : memref<1x256x64xf32, #tpu.memory_space<hbm>> -> memref<256x64xf32, #tpu.memory_space<hbm>>
        tpu.wait_dma2 semaphore(%arg23 : memref<!tpu.dma_semaphore, #tpu.memory_space<semaphore_mem>>) src(%arg11 : memref<256x64xf32, #tpu.memory_space<vmem>>) dst(%dma_wait3A_231 : memref<256x64xf32, #tpu.memory_space<hbm>>)
      } else {
      }
      %add3A_130 = arith.constant 1 : i32
      %add3A_131 = arith.addi %add3A_124, %add3A_130 : i32
      %dma_start3A_132 = arith.constant 0 : i32
      %dma_start3A_133 = tpu.memref_slice %arg7[%add3A_131, %dma_start3A_132] : memref<13x256xi32, #tpu.memory_space<vmem>> -> memref<1x256xi32, #tpu.memory_space<vmem>>
      %dma_start3A_134 = tpu.memref_squeeze %dma_start3A_133 : memref<1x256xi32, #tpu.memory_space<vmem>> -> memref<256xi32, #tpu.memory_space<vmem>>
      %dma_start3A_135 = arith.constant 0 : i32
      %dma_start3A_136 = arith.constant 0 : i32
      %dma_start3A_137 = tpu.memref_slice %arg2[%dma_start3A_135, %dma_start3A_136] : memref<10000x64xf32, #tpu.memory_space<hbm>> -> memref<10000x64xf32, #tpu.memory_space<hbm>>
      tpu.enqueue_indirect_dma source(%dma_start3A_137 : memref<10000x64xf32, #tpu.memory_space<hbm>>) target(%arg11 : memref<256x64xf32, #tpu.memory_space<vmem>>) offsets(%dma_start3A_134 : memref<256xi32, #tpu.memory_space<vmem>>) semaphore(%arg17 : memref<!tpu.dma_semaphore, #tpu.memory_space<semaphore_mem>>)
      %dma_start3A_138 = arith.constant 0 : i32
      %dma_start3A_139 = tpu.memref_slice %arg8[%add3A_131, %dma_start3A_138] : memref<13x256xi32, #tpu.memory_space<vmem>> -> memref<1x256xi32, #tpu.memory_space<vmem>>
      %dma_start3A_140 = tpu.memref_squeeze %dma_start3A_139 : memref<1x256xi32, #tpu.memory_space<vmem>> -> memref<256xi32, #tpu.memory_space<vmem>>
      %dma_start3A_141 = arith.constant 0 : i32
      %dma_start3A_142 = arith.constant 0 : i32
      %dma_start3A_143 = tpu.memref_slice %arg3[%dma_start3A_141, %dma_start3A_142] : memref<10000x64xf32, #tpu.memory_space<hbm>> -> memref<10000x64xf32, #tpu.memory_space<hbm>>
      tpu.enqueue_indirect_dma source(%dma_start3A_143 : memref<10000x64xf32, #tpu.memory_space<hbm>>) target(%arg14 : memref<256x64xf32, #tpu.memory_space<vmem>>) offsets(%dma_start3A_140 : memref<256xi32, #tpu.memory_space<vmem>>) semaphore(%arg20 : memref<!tpu.dma_semaphore, #tpu.memory_space<semaphore_mem>>)
      %dma_wait3A_144 = arith.constant 0 : i32
      %dma_wait3A_145 = arith.constant 0 : i32
      %dma_wait3A_146 = tpu.memref_slice %arg2[%dma_wait3A_144, %dma_wait3A_145] : memref<10000x64xf32, #tpu.memory_space<hbm>> -> memref<256x64xf32, #tpu.memory_space<hbm>>
      %dma_wait3A_147 = arith.constant 0 : i32
      %dma_wait3A_148 = arith.constant 0 : i32
      %dma_wait3A_149 = tpu.memref_slice %arg2[%dma_wait3A_147, %dma_wait3A_148] : memref<10000x64xf32, #tpu.memory_space<hbm>> -> memref<256x64xf32, #tpu.memory_space<hbm>>
      tpu.wait_dma2 semaphore(%arg16 : memref<!tpu.dma_semaphore, #tpu.memory_space<semaphore_mem>>) src(%dma_wait3A_149 : memref<256x64xf32, #tpu.memory_space<hbm>>) dst(%arg10 : memref<256x64xf32, #tpu.memory_space<vmem>>)
      %dma_wait3A_150 = arith.constant 0 : i32
      %dma_wait3A_151 = arith.constant 0 : i32
      %dma_wait3A_152 = tpu.memref_slice %arg2[%dma_wait3A_150, %dma_wait3A_151] : memref<10000x64xf32, #tpu.memory_space<hbm>> -> memref<256x64xf32, #tpu.memory_space<hbm>>
      %dma_wait3A_153 = arith.constant 0 : i32
      %dma_wait3A_154 = arith.constant 0 : i32
      %dma_wait3A_155 = tpu.memref_slice %arg2[%dma_wait3A_153, %dma_wait3A_154] : memref<10000x64xf32, #tpu.memory_space<hbm>> -> memref<256x64xf32, #tpu.memory_space<hbm>>
      tpu.wait_dma2 semaphore(%arg19 : memref<!tpu.dma_semaphore, #tpu.memory_space<semaphore_mem>>) src(%dma_wait3A_155 : memref<256x64xf32, #tpu.memory_space<hbm>>) dst(%arg13 : memref<256x64xf32, #tpu.memory_space<vmem>>)
      %parallel_loop3A_156 = arith.constant 0 : i32
      %parallel_loop3A_157 = arith.constant 256 : i32
      %parallel_loop3A_158 = arith.constant 1 : i32
      scf.for %parallel_loop3A_223 = %parallel_loop3A_156 to %parallel_loop3A_157 step %parallel_loop3A_158  : i32 {
        %parallel_loop3A_224 = arith.index_cast %parallel_loop3A_223 : i32 to index
        %parallel_loop3A_225 = arith.constant 0 : index
        %parallel_loop3A_226 = tpu.vector_load %arg10[%parallel_loop3A_224, %parallel_loop3A_225] {strides = array<i32>} : memref<256x64xf32, #tpu.memory_space<vmem>>, vector<16xf32>,
        %parallel_loop3A_227 = arith.index_cast %parallel_loop3A_223 : i32 to index
        %parallel_loop3A_228 = arith.constant 0 : index
        %parallel_loop3A_229 = tpu.vector_load %arg13[%parallel_loop3A_227, %parallel_loop3A_228] {strides = array<i32>} : memref<256x64xf32, #tpu.memory_space<vmem>>, vector<16xf32>,
        %parallel_loop3A_230 = arith.addf %parallel_loop3A_226, %parallel_loop3A_229 : vector<16xf32>
        %parallel_loop3A_231 = arith.index_cast %parallel_loop3A_223 : i32 to index
        %parallel_loop3A_232 = arith.constant 0 : index
        %parallel_loop3A_233 = tpu.vector_load %arg10[%parallel_loop3A_231, %parallel_loop3A_232] {strides = array<i32>} : memref<256x64xf32, #tpu.memory_space<vmem>>, vector<16xf32>,
        tpu.vector_store %arg10[%parallel_loop3A_231, %parallel_loop3A_232], %parallel_loop3A_230 {strides = array<i32>} : memref<256x64xf32, #tpu.memory_space<vmem>>, vector<16xf32>,
        %parallel_loop3A_234 = arith.index_cast %parallel_loop3A_223 : i32 to index
        %parallel_loop3A_235 = arith.constant 16 : index
        %parallel_loop3A_236 = tpu.vector_load %arg10[%parallel_loop3A_234, %parallel_loop3A_235] {strides = array<i32>} : memref<256x64xf32, #tpu.memory_space<vmem>>, vector<16xf32>,
        %parallel_loop3A_237 = arith.index_cast %parallel_loop3A_223 : i32 to index
        %parallel_loop3A_238 = arith.constant 16 : index
        %parallel_loop3A_239 = tpu.vector_load %arg13[%parallel_loop3A_237, %parallel_loop3A_238] {strides = array<i32>} : memref<256x64xf32, #tpu.memory_space<vmem>>, vector<16xf32>,
        %parallel_loop3A_240 = arith.addf %parallel_loop3A_236, %parallel_loop3A_239 : vector<16xf32>
        %parallel_loop3A_241 = arith.index_cast %parallel_loop3A_223 : i32 to index
        %parallel_loop3A_242 = arith.constant 16 : index
        %parallel_loop3A_243 = tpu.vector_load %arg10[%parallel_loop3A_241, %parallel_loop3A_242] {strides = array<i32>} : memref<256x64xf32, #tpu.memory_space<vmem>>, vector<16xf32>,
        tpu.vector_store %arg10[%parallel_loop3A_241, %parallel_loop3A_242], %parallel_loop3A_240 {strides = array<i32>} : memref<256x64xf32, #tpu.memory_space<vmem>>, vector<16xf32>,
        %parallel_loop3A_244 = arith.index_cast %parallel_loop3A_223 : i32 to index
        %parallel_loop3A_245 = arith.constant 32 : index
        %parallel_loop3A_246 = tpu.vector_load %arg10[%parallel_loop3A_244, %parallel_loop3A_245] {strides = array<i32>} : memref<256x64xf32, #tpu.memory_space<vmem>>, vector<16xf32>,
        %parallel_loop3A_247 = arith.index_cast %parallel_loop3A_223 : i32 to index
        %parallel_loop3A_248 = arith.constant 32 : index
        %parallel_loop3A_249 = tpu.vector_load %arg13[%parallel_loop3A_247, %parallel_loop3A_248] {strides = array<i32>} : memref<256x64xf32, #tpu.memory_space<vmem>>, vector<16xf32>,
        %parallel_loop3A_250 = arith.addf %parallel_loop3A_246, %parallel_loop3A_249 : vector<16xf32>
        %parallel_loop3A_251 = arith.index_cast %parallel_loop3A_223 : i32 to index
        %parallel_loop3A_252 = arith.constant 32 : index
        %parallel_loop3A_253 = tpu.vector_load %arg10[%parallel_loop3A_251, %parallel_loop3A_252] {strides = array<i32>} : memref<256x64xf32, #tpu.memory_space<vmem>>, vector<16xf32>,
        tpu.vector_store %arg10[%parallel_loop3A_251, %parallel_loop3A_252], %parallel_loop3A_250 {strides = array<i32>} : memref<256x64xf32, #tpu.memory_space<vmem>>, vector<16xf32>,
        %parallel_loop3A_254 = arith.index_cast %parallel_loop3A_223 : i32 to index
        %parallel_loop3A_255 = arith.constant 48 : index
        %parallel_loop3A_256 = tpu.vector_load %arg10[%parallel_loop3A_254, %parallel_loop3A_255] {strides = array<i32>} : memref<256x64xf32, #tpu.memory_space<vmem>>, vector<16xf32>,
        %parallel_loop3A_257 = arith.index_cast %parallel_loop3A_223 : i32 to index
        %parallel_loop3A_258 = arith.constant 48 : index
        %parallel_loop3A_259 = tpu.vector_load %arg13[%parallel_loop3A_257, %parallel_loop3A_258] {strides = array<i32>} : memref<256x64xf32, #tpu.memory_space<vmem>>, vector<16xf32>,
        %parallel_loop3A_260 = arith.addf %parallel_loop3A_256, %parallel_loop3A_259 : vector<16xf32>
        %parallel_loop3A_261 = arith.index_cast %parallel_loop3A_223 : i32 to index
        %parallel_loop3A_262 = arith.constant 48 : index
        %parallel_loop3A_263 = tpu.vector_load %arg10[%parallel_loop3A_261, %parallel_loop3A_262] {strides = array<i32>} : memref<256x64xf32, #tpu.memory_space<vmem>>, vector<16xf32>,
        tpu.vector_store %arg10[%parallel_loop3A_261, %parallel_loop3A_262], %parallel_loop3A_260 {strides = array<i32>} : memref<256x64xf32, #tpu.memory_space<vmem>>, vector<16xf32>,
      } {sc.loop_unroll_factor = 8 : i64, sc.parallel_access}
      %mul3A_159 = arith.constant 13 : i32
      %mul3A_160 = arith.muli %add3A, %mul3A_159 : i32
      %add3A_161 = arith.addi %mul3A_160, %add3A_124 : i32
      %dma_start3A_162 = arith.constant 0 : i32
      %dma_start3A_163 = arith.constant 0 : i32
      %dma_start3A_164 = tpu.memref_slice %arg6[%add3A_161, %dma_start3A_162, %dma_start3A_163] : memref<416x256x64xf32, #tpu.memory_space<hbm>> -> memref<1x256x64xf32, #tpu.memory_space<hbm>>
      %dma_start3A_165 = tpu.memref_squeeze %dma_start3A_164 : memref<1x256x64xf32, #tpu.memory_space<hbm>> -> memref<256x64xf32, #tpu.memory_space<hbm>>
      %dma_start3A_166 = arith.constant 0 : i32
      %dma_start3A_167 = arith.constant 0 : i32
      %dma_start3A_168 = tpu.memref_slice %arg6[%add3A_161, %dma_start3A_166, %dma_start3A_167] : memref<416x256x64xf32, #tpu.memory_space<hbm>> -> memref<1x256x64xf32, #tpu.memory_space<hbm>>
      %dma_start3A_169 = tpu.memref_squeeze %dma_start3A_168 : memref<1x256x64xf32, #tpu.memory_space<hbm>> -> memref<256x64xf32, #tpu.memory_space<hbm>>
      tpu.enqueue_dma source(%arg10 : memref<256x64xf32, #tpu.memory_space<vmem>>) target(%dma_start3A_169 : memref<256x64xf32, #tpu.memory_space<hbm>>) target_semaphore(%arg22 : memref<!tpu.dma_semaphore, #tpu.memory_space<semaphore_mem>>)
      %mul3A_170 = arith.constant 3 : i32
      %mul3A_171 = arith.muli %mul3A_170, %add3A_74 : i32
      %add3A_172 = arith.constant 2 : i32
      %add3A_173 = arith.addi %mul3A_171, %add3A_172 : i32
      %dma_wait3A_174 = arith.constant 0 : i32
      %dma_wait3A_175 = arith.constant 0 : i32
      %dma_wait3A_176 = arith.constant 0 : i32
      %dma_wait3A_177 = tpu.memref_slice %arg6[%dma_wait3A_174, %dma_wait3A_175, %dma_wait3A_176] : memref<416x256x64xf32, #tpu.memory_space<hbm>> -> memref<1x256x64xf32, #tpu.memory_space<hbm>>
      %dma_wait3A_178 = tpu.memref_squeeze %dma_wait3A_177 : memref<1x256x64xf32, #tpu.memory_space<hbm>> -> memref<256x64xf32, #tpu.memory_space<hbm>>
      %dma_wait3A_179 = arith.constant 0 : i32
      %dma_wait3A_180 = arith.constant 0 : i32
      %dma_wait3A_181 = tpu.memref_slice %arg6[%dma_wait3A_174, %dma_wait3A_179, %dma_wait3A_180] : memref<416x256x64xf32, #tpu.memory_space<hbm>> -> memref<1x256x64xf32, #tpu.memory_space<hbm>>
      %dma_wait3A_182 = tpu.memref_squeeze %dma_wait3A_181 : memref<1x256x64xf32, #tpu.memory_space<hbm>> -> memref<256x64xf32, #tpu.memory_space<hbm>>
      tpu.wait_dma2 semaphore(%arg21 : memref<!tpu.dma_semaphore, #tpu.memory_space<semaphore_mem>>) src(%arg9 : memref<256x64xf32, #tpu.memory_space<vmem>>) dst(%dma_wait3A_182 : memref<256x64xf32, #tpu.memory_space<hbm>>)
      %add3A_183 = arith.constant 1 : i32
      %add3A_184 = arith.addi %add3A_173, %add3A_183 : i32
      %dma_start3A_185 = arith.constant 0 : i32
      %dma_start3A_186 = tpu.memref_slice %arg7[%add3A_184, %dma_start3A_185] : memref<13x256xi32, #tpu.memory_space<vmem>> -> memref<1x256xi32, #tpu.memory_space<vmem>>
      %dma_start3A_187 = tpu.memref_squeeze %dma_start3A_186 : memref<1x256xi32, #tpu.memory_space<vmem>> -> memref<256xi32, #tpu.memory_space<vmem>>
      %dma_start3A_188 = arith.constant 0 : i32
      %dma_start3A_189 = arith.constant 0 : i32
      %dma_start3A_190 = tpu.memref_slice %arg2[%dma_start3A_188, %dma_start3A_189] : memref<10000x64xf32, #tpu.memory_space<hbm>> -> memref<10000x64xf32, #tpu.memory_space<hbm>>
      tpu.enqueue_indirect_dma source(%dma_start3A_190 : memref<10000x64xf32, #tpu.memory_space<hbm>>) target(%arg9 : memref<256x64xf32, #tpu.memory_space<vmem>>) offsets(%dma_start3A_187 : memref<256xi32, #tpu.memory_space<vmem>>) semaphore(%arg15 : memref<!tpu.dma_semaphore, #tpu.memory_space<semaphore_mem>>)
      %dma_start3A_191 = arith.constant 0 : i32
      %dma_start3A_192 = tpu.memref_slice %arg8[%add3A_184, %dma_start3A_191] : memref<13x256xi32, #tpu.memory_space<vmem>> -> memref<1x256xi32, #tpu.memory_space<vmem>>
      %dma_start3A_193 = tpu.memref_squeeze %dma_start3A_192 : memref<1x256xi32, #tpu.memory_space<vmem>> -> memref<256xi32, #tpu.memory_space<vmem>>
      %dma_start3A_194 = arith.constant 0 : i32
      %dma_start3A_195 = arith.constant 0 : i32
      %dma_start3A_196 = tpu.memref_slice %arg3[%dma_start3A_194, %dma_start3A_195] : memref<10000x64xf32, #tpu.memory_space<hbm>> -> memref<10000x64xf32, #tpu.memory_space<hbm>>
      tpu.enqueue_indirect_dma source(%dma_start3A_196 : memref<10000x64xf32, #tpu.memory_space<hbm>>) target(%arg12 : memref<256x64xf32, #tpu.memory_space<vmem>>) offsets(%dma_start3A_193 : memref<256xi32, #tpu.memory_space<vmem>>) semaphore(%arg18 : memref<!tpu.dma_semaphore, #tpu.memory_space<semaphore_mem>>)
      %dma_wait3A_197 = arith.constant 0 : i32
      %dma_wait3A_198 = arith.constant 0 : i32
      %dma_wait3A_199 = tpu.memref_slice %arg2[%dma_wait3A_197, %dma_wait3A_198] : memref<10000x64xf32, #tpu.memory_space<hbm>> -> memref<256x64xf32, #tpu.memory_space<hbm>>
      %dma_wait3A_200 = arith.constant 0 : i32
      %dma_wait3A_201 = arith.constant 0 : i32
      %dma_wait3A_202 = tpu.memref_slice %arg2[%dma_wait3A_200, %dma_wait3A_201] : memref<10000x64xf32, #tpu.memory_space<hbm>> -> memref<256x64xf32, #tpu.memory_space<hbm>>
      tpu.wait_dma2 semaphore(%arg17 : memref<!tpu.dma_semaphore, #tpu.memory_space<semaphore_mem>>) src(%dma_wait3A_202 : memref<256x64xf32, #tpu.memory_space<hbm>>) dst(%arg11 : memref<256x64xf32, #tpu.memory_space<vmem>>)
      %dma_wait3A_203 = arith.constant 0 : i32
      %dma_wait3A_204 = arith.constant 0 : i32
      %dma_wait3A_205 = tpu.memref_slice %arg2[%dma_wait3A_203, %dma_wait3A_204] : memref<10000x64xf32, #tpu.memory_space<hbm>> -> memref<256x64xf32, #tpu.memory_space<hbm>>
      %dma_wait3A_206 = arith.constant 0 : i32
      %dma_wait3A_207 = arith.constant 0 : i32
      %dma_wait3A_208 = tpu.memref_slice %arg2[%dma_wait3A_206, %dma_wait3A_207] : memref<10000x64xf32, #tpu.memory_space<hbm>> -> memref<256x64xf32, #tpu.memory_space<hbm>>
      tpu.wait_dma2 semaphore(%arg20 : memref<!tpu.dma_semaphore, #tpu.memory_space<semaphore_mem>>) src(%dma_wait3A_208 : memref<256x64xf32, #tpu.memory_space<hbm>>) dst(%arg14 : memref<256x64xf32, #tpu.memory_space<vmem>>)
      %parallel_loop3A_209 = arith.constant 0 : i32
      %parallel_loop3A_210 = arith.constant 256 : i32
      %parallel_loop3A_211 = arith.constant 1 : i32
      scf.for %parallel_loop3A_223 = %parallel_loop3A_209 to %parallel_loop3A_210 step %parallel_loop3A_211  : i32 {
        %parallel_loop3A_224 = arith.index_cast %parallel_loop3A_223 : i32 to index
        %parallel_loop3A_225 = arith.constant 0 : index
        %parallel_loop3A_226 = tpu.vector_load %arg11[%parallel_loop3A_224, %parallel_loop3A_225] {strides = array<i32>} : memref<256x64xf32, #tpu.memory_space<vmem>>, vector<16xf32>,
        %parallel_loop3A_227 = arith.index_cast %parallel_loop3A_223 : i32 to index
        %parallel_loop3A_228 = arith.constant 0 : index
        %parallel_loop3A_229 = tpu.vector_load %arg14[%parallel_loop3A_227, %parallel_loop3A_228] {strides = array<i32>} : memref<256x64xf32, #tpu.memory_space<vmem>>, vector<16xf32>,
        %parallel_loop3A_230 = arith.addf %parallel_loop3A_226, %parallel_loop3A_229 : vector<16xf32>
        %parallel_loop3A_231 = arith.index_cast %parallel_loop3A_223 : i32 to index
        %parallel_loop3A_232 = arith.constant 0 : index
        %parallel_loop3A_233 = tpu.vector_load %arg11[%parallel_loop3A_231, %parallel_loop3A_232] {strides = array<i32>} : memref<256x64xf32, #tpu.memory_space<vmem>>, vector<16xf32>,
        tpu.vector_store %arg11[%parallel_loop3A_231, %parallel_loop3A_232], %parallel_loop3A_230 {strides = array<i32>} : memref<256x64xf32, #tpu.memory_space<vmem>>, vector<16xf32>,
        %parallel_loop3A_234 = arith.index_cast %parallel_loop3A_223 : i32 to index
        %parallel_loop3A_235 = arith.constant 16 : index
        %parallel_loop3A_236 = tpu.vector_load %arg11[%parallel_loop3A_234, %parallel_loop3A_235] {strides = array<i32>} : memref<256x64xf32, #tpu.memory_space<vmem>>, vector<16xf32>,
        %parallel_loop3A_237 = arith.index_cast %parallel_loop3A_223 : i32 to index
        %parallel_loop3A_238 = arith.constant 16 : index
        %parallel_loop3A_239 = tpu.vector_load %arg14[%parallel_loop3A_237, %parallel_loop3A_238] {strides = array<i32>} : memref<256x64xf32, #tpu.memory_space<vmem>>, vector<16xf32>,
        %parallel_loop3A_240 = arith.addf %parallel_loop3A_236, %parallel_loop3A_239 : vector<16xf32>
        %parallel_loop3A_241 = arith.index_cast %parallel_loop3A_223 : i32 to index
        %parallel_loop3A_242 = arith.constant 16 : index
        %parallel_loop3A_243 = tpu.vector_load %arg11[%parallel_loop3A_241, %parallel_loop3A_242] {strides = array<i32>} : memref<256x64xf32, #tpu.memory_space<vmem>>, vector<16xf32>,
        tpu.vector_store %arg11[%parallel_loop3A_241, %parallel_loop3A_242], %parallel_loop3A_240 {strides = array<i32>} : memref<256x64xf32, #tpu.memory_space<vmem>>, vector<16xf32>,
        %parallel_loop3A_244 = arith.index_cast %parallel_loop3A_223 : i32 to index
        %parallel_loop3A_245 = arith.constant 32 : index
        %parallel_loop3A_246 = tpu.vector_load %arg11[%parallel_loop3A_244, %parallel_loop3A_245] {strides = array<i32>} : memref<256x64xf32, #tpu.memory_space<vmem>>, vector<16xf32>,
        %parallel_loop3A_247 = arith.index_cast %parallel_loop3A_223 : i32 to index
        %parallel_loop3A_248 = arith.constant 32 : index
        %parallel_loop3A_249 = tpu.vector_load %arg14[%parallel_loop3A_247, %parallel_loop3A_248] {strides = array<i32>} : memref<256x64xf32, #tpu.memory_space<vmem>>, vector<16xf32>,
        %parallel_loop3A_250 = arith.addf %parallel_loop3A_246, %parallel_loop3A_249 : vector<16xf32>
        %parallel_loop3A_251 = arith.index_cast %parallel_loop3A_223 : i32 to index
        %parallel_loop3A_252 = arith.constant 32 : index
        %parallel_loop3A_253 = tpu.vector_load %arg11[%parallel_loop3A_251, %parallel_loop3A_252] {strides = array<i32>} : memref<256x64xf32, #tpu.memory_space<vmem>>, vector<16xf32>,
        tpu.vector_store %arg11[%parallel_loop3A_251, %parallel_loop3A_252], %parallel_loop3A_250 {strides = array<i32>} : memref<256x64xf32, #tpu.memory_space<vmem>>, vector<16xf32>,
        %parallel_loop3A_254 = arith.index_cast %parallel_loop3A_223 : i32 to index
        %parallel_loop3A_255 = arith.constant 48 : index
        %parallel_loop3A_256 = tpu.vector_load %arg11[%parallel_loop3A_254, %parallel_loop3A_255] {strides = array<i32>} : memref<256x64xf32, #tpu.memory_space<vmem>>, vector<16xf32>,
        %parallel_loop3A_257 = arith.index_cast %parallel_loop3A_223 : i32 to index
        %parallel_loop3A_258 = arith.constant 48 : index
        %parallel_loop3A_259 = tpu.vector_load %arg14[%parallel_loop3A_257, %parallel_loop3A_258] {strides = array<i32>} : memref<256x64xf32, #tpu.memory_space<vmem>>, vector<16xf32>,
        %parallel_loop3A_260 = arith.addf %parallel_loop3A_256, %parallel_loop3A_259 : vector<16xf32>
        %parallel_loop3A_261 = arith.index_cast %parallel_loop3A_223 : i32 to index
        %parallel_loop3A_262 = arith.constant 48 : index
        %parallel_loop3A_263 = tpu.vector_load %arg11[%parallel_loop3A_261, %parallel_loop3A_262] {strides = array<i32>} : memref<256x64xf32, #tpu.memory_space<vmem>>, vector<16xf32>,
        tpu.vector_store %arg11[%parallel_loop3A_261, %parallel_loop3A_262], %parallel_loop3A_260 {strides = array<i32>} : memref<256x64xf32, #tpu.memory_space<vmem>>, vector<16xf32>,
      } {sc.loop_unroll_factor = 8 : i64, sc.parallel_access}
      %mul3A_212 = arith.constant 13 : i32
      %mul3A_213 = arith.muli %add3A, %mul3A_212 : i32
      %add3A_214 = arith.addi %mul3A_213, %add3A_173 : i32
      %dma_start3A_215 = arith.constant 0 : i32
      %dma_start3A_216 = arith.constant 0 : i32
      %dma_start3A_217 = tpu.memref_slice %arg6[%add3A_214, %dma_start3A_215, %dma_start3A_216] : memref<416x256x64xf32, #tpu.memory_space<hbm>> -> memref<1x256x64xf32, #tpu.memory_space<hbm>>
      %dma_start3A_218 = tpu.memref_squeeze %dma_start3A_217 : memref<1x256x64xf32, #tpu.memory_space<hbm>> -> memref<256x64xf32, #tpu.memory_space<hbm>>
      %dma_start3A_219 = arith.constant 0 : i32
      %dma_start3A_220 = arith.constant 0 : i32
      %dma_start3A_221 = tpu.memref_slice %arg6[%add3A_214, %dma_start3A_219, %dma_start3A_220] : memref<416x256x64xf32, #tpu.memory_space<hbm>> -> memref<1x256x64xf32, #tpu.memory_space<hbm>>
      %dma_start3A_222 = tpu.memref_squeeze %dma_start3A_221 : memref<1x256x64xf32, #tpu.memory_space<hbm>> -> memref<256x64xf32, #tpu.memory_space<hbm>>
      tpu.enqueue_dma source(%arg11 : memref<256x64xf32, #tpu.memory_space<vmem>>) target(%dma_start3A_222 : memref<256x64xf32, #tpu.memory_space<hbm>>) target_semaphore(%arg23 : memref<!tpu.dma_semaphore, #tpu.memory_space<semaphore_mem>>)
    }
    %scan3A_17 = arith.constant 4 : i32
    %dma_wait3A = arith.constant 0 : i32
    %dma_wait3A_18 = arith.constant 0 : i32
    %dma_wait3A_19 = tpu.memref_slice %arg2[%dma_wait3A, %dma_wait3A_18] : memref<10000x64xf32, #tpu.memory_space<hbm>> -> memref<256x64xf32, #tpu.memory_space<hbm>>
    %dma_wait3A_20 = arith.constant 0 : i32
    %dma_wait3A_21 = arith.constant 0 : i32
    %dma_wait3A_22 = tpu.memref_slice %arg2[%dma_wait3A_20, %dma_wait3A_21] : memref<10000x64xf32, #tpu.memory_space<hbm>> -> memref<256x64xf32, #tpu.memory_space<hbm>>
    tpu.wait_dma2 semaphore(%arg15 : memref<!tpu.dma_semaphore, #tpu.memory_space<semaphore_mem>>) src(%dma_wait3A_22 : memref<256x64xf32, #tpu.memory_space<hbm>>) dst(%arg9 : memref<256x64xf32, #tpu.memory_space<vmem>>)
    %dma_wait3A_23 = arith.constant 0 : i32
    %dma_wait3A_24 = arith.constant 0 : i32
    %dma_wait3A_25 = tpu.memref_slice %arg2[%dma_wait3A_23, %dma_wait3A_24] : memref<10000x64xf32, #tpu.memory_space<hbm>> -> memref<256x64xf32, #tpu.memory_space<hbm>>
    %dma_wait3A_26 = arith.constant 0 : i32
    %dma_wait3A_27 = arith.constant 0 : i32
    %dma_wait3A_28 = tpu.memref_slice %arg2[%dma_wait3A_26, %dma_wait3A_27] : memref<10000x64xf32, #tpu.memory_space<hbm>> -> memref<256x64xf32, #tpu.memory_space<hbm>>
    tpu.wait_dma2 semaphore(%arg18 : memref<!tpu.dma_semaphore, #tpu.memory_space<semaphore_mem>>) src(%dma_wait3A_28 : memref<256x64xf32, #tpu.memory_space<hbm>>) dst(%arg12 : memref<256x64xf32, #tpu.memory_space<vmem>>)
    %parallel_loop3A = arith.constant 0 : i32
    %parallel_loop3A_29 = arith.constant 256 : i32
    %parallel_loop3A_30 = arith.constant 1 : i32
    scf.for %parallel_loop3A_70 = %parallel_loop3A to %parallel_loop3A_29 step %parallel_loop3A_30  : i32 {
      %parallel_loop3A_71 = arith.index_cast %parallel_loop3A_70 : i32 to index
      %parallel_loop3A_72 = arith.constant 0 : index
      %parallel_loop3A_73 = tpu.vector_load %arg9[%parallel_loop3A_71, %parallel_loop3A_72] {strides = array<i32>} : memref<256x64xf32, #tpu.memory_space<vmem>>, vector<16xf32>,
      %parallel_loop3A_74 = arith.index_cast %parallel_loop3A_70 : i32 to index
      %parallel_loop3A_75 = arith.constant 0 : index
      %parallel_loop3A_76 = tpu.vector_load %arg12[%parallel_loop3A_74, %parallel_loop3A_75] {strides = array<i32>} : memref<256x64xf32, #tpu.memory_space<vmem>>, vector<16xf32>,
      %parallel_loop3A_77 = arith.addf %parallel_loop3A_73, %parallel_loop3A_76 : vector<16xf32>
      %parallel_loop3A_78 = arith.index_cast %parallel_loop3A_70 : i32 to index
      %parallel_loop3A_79 = arith.constant 0 : index
      %parallel_loop3A_80 = tpu.vector_load %arg9[%parallel_loop3A_78, %parallel_loop3A_79] {strides = array<i32>} : memref<256x64xf32, #tpu.memory_space<vmem>>, vector<16xf32>,
      tpu.vector_store %arg9[%parallel_loop3A_78, %parallel_loop3A_79], %parallel_loop3A_77 {strides = array<i32>} : memref<256x64xf32, #tpu.memory_space<vmem>>, vector<16xf32>,
      %parallel_loop3A_81 = arith.index_cast %parallel_loop3A_70 : i32 to index
      %parallel_loop3A_82 = arith.constant 16 : index
      %parallel_loop3A_83 = tpu.vector_load %arg9[%parallel_loop3A_81, %parallel_loop3A_82] {strides = array<i32>} : memref<256x64xf32, #tpu.memory_space<vmem>>, vector<16xf32>,
      %parallel_loop3A_84 = arith.index_cast %parallel_loop3A_70 : i32 to index
      %parallel_loop3A_85 = arith.constant 16 : index
      %parallel_loop3A_86 = tpu.vector_load %arg12[%parallel_loop3A_84, %parallel_loop3A_85] {strides = array<i32>} : memref<256x64xf32, #tpu.memory_space<vmem>>, vector<16xf32>,
      %parallel_loop3A_87 = arith.addf %parallel_loop3A_83, %parallel_loop3A_86 : vector<16xf32>
      %parallel_loop3A_88 = arith.index_cast %parallel_loop3A_70 : i32 to index
      %parallel_loop3A_89 = arith.constant 16 : index
      %parallel_loop3A_90 = tpu.vector_load %arg9[%parallel_loop3A_88, %parallel_loop3A_89] {strides = array<i32>} : memref<256x64xf32, #tpu.memory_space<vmem>>, vector<16xf32>,
      tpu.vector_store %arg9[%parallel_loop3A_88, %parallel_loop3A_89], %parallel_loop3A_87 {strides = array<i32>} : memref<256x64xf32, #tpu.memory_space<vmem>>, vector<16xf32>,
      %parallel_loop3A_91 = arith.index_cast %parallel_loop3A_70 : i32 to index
      %parallel_loop3A_92 = arith.constant 32 : index
      %parallel_loop3A_93 = tpu.vector_load %arg9[%parallel_loop3A_91, %parallel_loop3A_92] {strides = array<i32>} : memref<256x64xf32, #tpu.memory_space<vmem>>, vector<16xf32>,
      %parallel_loop3A_94 = arith.index_cast %parallel_loop3A_70 : i32 to index
      %parallel_loop3A_95 = arith.constant 32 : index
      %parallel_loop3A_96 = tpu.vector_load %arg12[%parallel_loop3A_94, %parallel_loop3A_95] {strides = array<i32>} : memref<256x64xf32, #tpu.memory_space<vmem>>, vector<16xf32>,
      %parallel_loop3A_97 = arith.addf %parallel_loop3A_93, %parallel_loop3A_96 : vector<16xf32>
      %parallel_loop3A_98 = arith.index_cast %parallel_loop3A_70 : i32 to index
      %parallel_loop3A_99 = arith.constant 32 : index
      %parallel_loop3A_100 = tpu.vector_load %arg9[%parallel_loop3A_98, %parallel_loop3A_99] {strides = array<i32>} : memref<256x64xf32, #tpu.memory_space<vmem>>, vector<16xf32>,
      tpu.vector_store %arg9[%parallel_loop3A_98, %parallel_loop3A_99], %parallel_loop3A_97 {strides = array<i32>} : memref<256x64xf32, #tpu.memory_space<vmem>>, vector<16xf32>,
      %parallel_loop3A_101 = arith.index_cast %parallel_loop3A_70 : i32 to index
      %parallel_loop3A_102 = arith.constant 48 : index
      %parallel_loop3A_103 = tpu.vector_load %arg9[%parallel_loop3A_101, %parallel_loop3A_102] {strides = array<i32>} : memref<256x64xf32, #tpu.memory_space<vmem>>, vector<16xf32>,
      %parallel_loop3A_104 = arith.index_cast %parallel_loop3A_70 : i32 to index
      %parallel_loop3A_105 = arith.constant 48 : index
      %parallel_loop3A_106 = tpu.vector_load %arg12[%parallel_loop3A_104, %parallel_loop3A_105] {strides = array<i32>} : memref<256x64xf32, #tpu.memory_space<vmem>>, vector<16xf32>,
      %parallel_loop3A_107 = arith.addf %parallel_loop3A_103, %parallel_loop3A_106 : vector<16xf32>
      %parallel_loop3A_108 = arith.index_cast %parallel_loop3A_70 : i32 to index
      %parallel_loop3A_109 = arith.constant 48 : index
      %parallel_loop3A_110 = tpu.vector_load %arg9[%parallel_loop3A_108, %parallel_loop3A_109] {strides = array<i32>} : memref<256x64xf32, #tpu.memory_space<vmem>>, vector<16xf32>,
      tpu.vector_store %arg9[%parallel_loop3A_108, %parallel_loop3A_109], %parallel_loop3A_107 {strides = array<i32>} : memref<256x64xf32, #tpu.memory_space<vmem>>, vector<16xf32>,
    } {sc.loop_unroll_factor = 8 : i64, sc.parallel_access}
    %mul3A_31 = arith.constant 13 : i32
    %mul3A_32 = arith.muli %add3A, %mul3A_31 : i32
    %add3A_33 = arith.constant 12 : i32
    %add3A_34 = arith.addi %mul3A_32, %add3A_33 : i32
    %dma_start3A_35 = arith.constant 0 : i32
    %dma_start3A_36 = arith.constant 0 : i32
    %dma_start3A_37 = tpu.memref_slice %arg6[%add3A_34, %dma_start3A_35, %dma_start3A_36] : memref<416x256x64xf32, #tpu.memory_space<hbm>> -> memref<1x256x64xf32, #tpu.memory_space<hbm>>
    %dma_start3A_38 = tpu.memref_squeeze %dma_start3A_37 : memref<1x256x64xf32, #tpu.memory_space<hbm>> -> memref<256x64xf32, #tpu.memory_space<hbm>>
    %dma_start3A_39 = arith.constant 0 : i32
    %dma_start3A_40 = arith.constant 0 : i32
    %dma_start3A_41 = tpu.memref_slice %arg6[%add3A_34, %dma_start3A_39, %dma_start3A_40] : memref<416x256x64xf32, #tpu.memory_space<hbm>> -> memref<1x256x64xf32, #tpu.memory_space<hbm>>
    %dma_start3A_42 = tpu.memref_squeeze %dma_start3A_41 : memref<1x256x64xf32, #tpu.memory_space<hbm>> -> memref<256x64xf32, #tpu.memory_space<hbm>>
    tpu.enqueue_dma source(%arg9 : memref<256x64xf32, #tpu.memory_space<vmem>>) target(%dma_start3A_42 : memref<256x64xf32, #tpu.memory_space<hbm>>) target_semaphore(%arg21 : memref<!tpu.dma_semaphore, #tpu.memory_space<semaphore_mem>>)
    %dma_wait3A_43 = arith.constant 0 : i32
    %dma_wait3A_44 = arith.constant 0 : i32
    %dma_wait3A_45 = arith.constant 0 : i32
    %dma_wait3A_46 = tpu.memref_slice %arg6[%dma_wait3A_43, %dma_wait3A_44, %dma_wait3A_45] : memref<416x256x64xf32, #tpu.memory_space<hbm>> -> memref<1x256x64xf32, #tpu.memory_space<hbm>>
    %dma_wait3A_47 = tpu.memref_squeeze %dma_wait3A_46 : memref<1x256x64xf32, #tpu.memory_space<hbm>> -> memref<256x64xf32, #tpu.memory_space<hbm>>
    %dma_wait3A_48 = arith.constant 0 : i32
    %dma_wait3A_49 = arith.constant 0 : i32
    %dma_wait3A_50 = tpu.memref_slice %arg6[%dma_wait3A_43, %dma_wait3A_48, %dma_wait3A_49] : memref<416x256x64xf32, #tpu.memory_space<hbm>> -> memref<1x256x64xf32, #tpu.memory_space<hbm>>
    %dma_wait3A_51 = tpu.memref_squeeze %dma_wait3A_50 : memref<1x256x64xf32, #tpu.memory_space<hbm>> -> memref<256x64xf32, #tpu.memory_space<hbm>>
    tpu.wait_dma2 semaphore(%arg22 : memref<!tpu.dma_semaphore, #tpu.memory_space<semaphore_mem>>) src(%arg10 : memref<256x64xf32, #tpu.memory_space<vmem>>) dst(%dma_wait3A_51 : memref<256x64xf32, #tpu.memory_space<hbm>>)
    %dma_wait3A_52 = arith.constant 0 : i32
    %dma_wait3A_53 = arith.constant 0 : i32
    %dma_wait3A_54 = arith.constant 0 : i32
    %dma_wait3A_55 = tpu.memref_slice %arg6[%dma_wait3A_52, %dma_wait3A_53, %dma_wait3A_54] : memref<416x256x64xf32, #tpu.memory_space<hbm>> -> memref<1x256x64xf32, #tpu.memory_space<hbm>>
    %dma_wait3A_56 = tpu.memref_squeeze %dma_wait3A_55 : memref<1x256x64xf32, #tpu.memory_space<hbm>> -> memref<256x64xf32, #tpu.memory_space<hbm>>
    %dma_wait3A_57 = arith.constant 0 : i32
    %dma_wait3A_58 = arith.constant 0 : i32
    %dma_wait3A_59 = tpu.memref_slice %arg6[%dma_wait3A_52, %dma_wait3A_57, %dma_wait3A_58] : memref<416x256x64xf32, #tpu.memory_space<hbm>> -> memref<1x256x64xf32, #tpu.memory_space<hbm>>
    %dma_wait3A_60 = tpu.memref_squeeze %dma_wait3A_59 : memref<1x256x64xf32, #tpu.memory_space<hbm>> -> memref<256x64xf32, #tpu.memory_space<hbm>>
    tpu.wait_dma2 semaphore(%arg23 : memref<!tpu.dma_semaphore, #tpu.memory_space<semaphore_mem>>) src(%arg11 : memref<256x64xf32, #tpu.memory_space<vmem>>) dst(%dma_wait3A_60 : memref<256x64xf32, #tpu.memory_space<hbm>>)
    %dma_wait3A_61 = arith.constant 0 : i32
    %dma_wait3A_62 = arith.constant 0 : i32
    %dma_wait3A_63 = arith.constant 0 : i32
    %dma_wait3A_64 = tpu.memref_slice %arg6[%dma_wait3A_61, %dma_wait3A_62, %dma_wait3A_63] : memref<416x256x64xf32, #tpu.memory_space<hbm>> -> memref<1x256x64xf32, #tpu.memory_space<hbm>>
    %dma_wait3A_65 = tpu.memref_squeeze %dma_wait3A_64 : memref<1x256x64xf32, #tpu.memory_space<hbm>> -> memref<256x64xf32, #tpu.memory_space<hbm>>
    %dma_wait3A_66 = arith.constant 0 : i32
    %dma_wait3A_67 = arith.constant 0 : i32
    %dma_wait3A_68 = tpu.memref_slice %arg6[%dma_wait3A_61, %dma_wait3A_66, %dma_wait3A_67] : memref<416x256x64xf32, #tpu.memory_space<hbm>> -> memref<1x256x64xf32, #tpu.memory_space<hbm>>
    %dma_wait3A_69 = tpu.memref_squeeze %dma_wait3A_68 : memref<1x256x64xf32, #tpu.memory_space<hbm>> -> memref<256x64xf32, #tpu.memory_space<hbm>>
    tpu.wait_dma2 semaphore(%arg21 : memref<!tpu.dma_semaphore, #tpu.memory_space<semaphore_mem>>) src(%arg9 : memref<256x64xf32, #tpu.memory_space<vmem>>) dst(%dma_wait3A_69 : memref<256x64xf32, #tpu.memory_space<hbm>>)
    return
  }
}

module attributes {stable_mosaic.version = 14 : i64} {
  func.func @_tc_mm1_body(%arg0: i32, %arg1: memref<1000x128xf32, #tpu.memory_space<vmem>>, %arg2: memref<128x64xf32, #tpu.memory_space<vmem>>, %arg3: memref<1000x64xf32, #tpu.memory_space<vmem>>) attributes {dimension_semantics = [#tpu.dimension_semantics<arbitrary>], iteration_bounds = array<i64: 10>, scalar_prefetch = 0 : i64, scratch_operands = 0 : i64, tpu.core_type = #tpu.core_type<tc>, window_params = [{transform_indices = @transform_0, window_bounds = array<i64: 1000, 128>}, {pipeline_mode = #tpu.pipeline_mode<synchronous>, transform_indices = @transform_1, window_bounds = array<i64: 128, 64>}, {transform_indices = @transform_2, window_bounds = array<i64: 1000, 64>}]} {
    %get3A = arith.constant 0 : index
    %get3A_0 = arith.constant 0 : index
    %get3A_1 = vector.load %arg1[%get3A, %get3A_0] : memref<1000x128xf32, #tpu.memory_space<vmem>>, vector<1000x128xf32>
    %get3A_2 = arith.constant 0 : index
    %get3A_3 = arith.constant 0 : index
    %get3A_4 = vector.load %arg2[%get3A_2, %get3A_3] : memref<128x64xf32, #tpu.memory_space<vmem>>, vector<128x64xf32>
    %dot_general3A = arith.constant dense<0.000000e+00> : vector<1000x64xf32>
    %dot_general3A_5 = tpu.matmul %get3A_1, %get3A_4, %dot_general3A {dimension_numbers = #tpu.dot_dimension_numbers<[1], [0], [0], [1], [0, 0, 1, 1], [], []>, transpose_lhs_hint = false} : vector<1000x128xf32>, vector<128x64xf32>, vector<1000x64xf32> -> vector<1000x64xf32>
    %swap3A = arith.constant 0 : index
    %swap3A_6 = arith.constant 0 : index
    %swap3A_7 = vector.load %arg3[%swap3A, %swap3A_6] : memref<1000x64xf32, #tpu.memory_space<vmem>>, vector<1000x64xf32>
    tpu.vector_store %arg3[%swap3A, %swap3A_6], %dot_general3A_5 {strides = array<i32>} : memref<1000x64xf32, #tpu.memory_space<vmem>>, vector<1000x64xf32>,
    return
  }
  func.func @transform_0(%arg0: i32) -> (i32, i32) {
    %c0_i32 = arith.constant 0 : i32
    %c0_i32_0 = arith.constant 0 : i32
    return %arg0, %c0_i32 : i32, i32
  }
  func.func @transform_1(%arg0: i32) -> (i32, i32) {
    %c0_i32 = arith.constant 0 : i32
    %c0_i32_0 = arith.constant 0 : i32
    %c0_i32_1 = arith.constant 0 : i32
    return %c0_i32, %c0_i32_0 : i32, i32
  }
  func.func @transform_2(%arg0: i32) -> (i32, i32) {
    %c0_i32 = arith.constant 0 : i32
    %c0_i32_0 = arith.constant 0 : i32
    return %arg0, %c0_i32 : i32, i32
  }
}

module attributes {stable_mosaic.version = 14 : i64} {
  func.func @_tc_mid_body(%arg0: i32, %arg1: memref<2x1000x64xf32, #tpu.memory_space<vmem>>, %arg2: memref<1000x64xf32, #tpu.memory_space<vmem>>, %arg3: memref<1000x1xf32, #tpu.memory_space<vmem>>, %arg4: memref<1x64xf32, #tpu.memory_space<vmem>>, %arg5: memref<1x1xf32, #tpu.memory_space<vmem>>, %arg6: memref<64x64xf32, #tpu.memory_space<vmem>>, %arg7: memref<1000x64xf32, #tpu.memory_space<vmem>>) attributes {dimension_semantics = [#tpu.dimension_semantics<arbitrary>], iteration_bounds = array<i64: 10>, scalar_prefetch = 0 : i64, scratch_operands = 0 : i64, tpu.core_type = #tpu.core_type<tc>, window_params = [{transform_indices = @transform_0, window_bounds = array<i64: 2, 1000, 64>}, {transform_indices = @transform_1, window_bounds = array<i64: 1000, 64>}, {transform_indices = @transform_2, window_bounds = array<i64: 1000, 1>}, {pipeline_mode = #tpu.pipeline_mode<synchronous>, transform_indices = @transform_3, window_bounds = array<i64: 1, 64>}, {pipeline_mode = #tpu.pipeline_mode<synchronous>, transform_indices = @transform_4, window_bounds = array<i64: 1, 1>}, {pipeline_mode = #tpu.pipeline_mode<synchronous>, transform_indices = @transform_5, window_bounds = array<i64: 64, 64>}, {transform_indices = @transform_6, window_bounds = array<i64: 1000, 64>}]} {
    %get3A = arith.constant 0 : index
    %get3A_0 = arith.constant 0 : index
    %get3A_1 = vector.load %arg3[%get3A, %get3A_0] : memref<1000x1xf32, #tpu.memory_space<vmem>>, vector<1000x1xf32>
    %get3A_2 = arith.constant 0 : index
    %get3A_3 = arith.constant 0 : index
    %get3A_4 = arith.constant 0 : index
    %get3A_5 = vector.load %arg1[%get3A_2, %get3A_3, %get3A_4] : memref<2x1000x64xf32, #tpu.memory_space<vmem>>, vector<1x1000x64xf32>
    %get3A_6 = vector.shape_cast %get3A_5 : vector<1x1000x64xf32> to vector<1000x64xf32>
    %get3A_7 = arith.constant 1 : index
    %get3A_8 = arith.constant 0 : index
    %get3A_9 = arith.constant 0 : index
    %get3A_10 = vector.load %arg1[%get3A_7, %get3A_8, %get3A_9] : memref<2x1000x64xf32, #tpu.memory_space<vmem>>, vector<1x1000x64xf32>
    %get3A_11 = vector.shape_cast %get3A_10 : vector<1x1000x64xf32> to vector<1000x64xf32>
    %add3A = arith.addf %get3A_6, %get3A_11 : vector<1000x64xf32>
    %get3A_12 = arith.constant 0 : index
    %get3A_13 = arith.constant 0 : index
    %get3A_14 = vector.load %arg2[%get3A_12, %get3A_13] : memref<1000x64xf32, #tpu.memory_space<vmem>>, vector<1000x64xf32>
    %mul3A = vector.broadcast %get3A_1 : vector<1000x1xf32> to vector<1000x64xf32>
    %mul3A_15 = arith.mulf %mul3A, %get3A_14 : vector<1000x64xf32>
    %add3A_16 = arith.addf %add3A, %mul3A_15 : vector<1000x64xf32>
    %mul3A_17 = vector.broadcast %get3A_1 : vector<1000x1xf32> to vector<1000x64xf32>
    %mul3A_18 = arith.mulf %add3A_16, %mul3A_17 : vector<1000x64xf32>
    %get3A_19 = arith.constant 0 : index
    %get3A_20 = arith.constant 0 : index
    %get3A_21 = vector.load %arg4[%get3A_19, %get3A_20] : memref<1x64xf32, #tpu.memory_space<vmem>>, vector<1x64xf32>
    %add3A_22 = vector.broadcast %get3A_21 : vector<1x64xf32> to vector<1000x64xf32>
    %add3A_23 = arith.addf %mul3A_18, %add3A_22 : vector<1000x64xf32>
    %ge3A = arith.constant 0.000000e+00 : f32
    %ge3A_24 = vector.broadcast %ge3A : f32 to vector<1000x64xf32>
    %ge3A_25 = arith.cmpf oge, %add3A_23, %ge3A_24 : vector<1000x64xf32>
    %get3A_26 = arith.constant 0 : index
    %get3A_27 = arith.constant 0 : index
    %get3A_28 = vector.load %arg5[%get3A_26, %get3A_27] : memref<1x1xf32, #tpu.memory_space<vmem>>, vector<1x1xf32>
    %get3A_29 = vector.extract %get3A_28[0, 0] : f32 from vector<1x1xf32>
    %mul3A_30 = vector.broadcast %get3A_29 : f32 to vector<1000x64xf32>
    %mul3A_31 = arith.mulf %mul3A_30, %add3A_23 : vector<1000x64xf32>
    %select_n3A = arith.select %ge3A_25, %add3A_23, %mul3A_31 : vector<1000x64xi1>, vector<1000x64xf32>
    %get3A_32 = arith.constant 0 : index
    %get3A_33 = arith.constant 0 : index
    %get3A_34 = vector.load %arg6[%get3A_32, %get3A_33] : memref<64x64xf32, #tpu.memory_space<vmem>>, vector<64x64xf32>
    %dot_general3A = arith.constant dense<0.000000e+00> : vector<1000x64xf32>
    %dot_general3A_35 = tpu.matmul %select_n3A, %get3A_34, %dot_general3A {dimension_numbers = #tpu.dot_dimension_numbers<[1], [0], [0], [1], [0, 0, 1, 1], [], []>, transpose_lhs_hint = false} : vector<1000x64xf32>, vector<64x64xf32>, vector<1000x64xf32> -> vector<1000x64xf32>
    %swap3A = arith.constant 0 : index
    %swap3A_36 = arith.constant 0 : index
    %swap3A_37 = vector.load %arg7[%swap3A, %swap3A_36] : memref<1000x64xf32, #tpu.memory_space<vmem>>, vector<1000x64xf32>
    tpu.vector_store %arg7[%swap3A, %swap3A_36], %dot_general3A_35 {strides = array<i32>} : memref<1000x64xf32, #tpu.memory_space<vmem>>, vector<1000x64xf32>,
    return
  }
  func.func @transform_0(%arg0: i32) -> (i32, i32, i32) {
    %c0_i32 = arith.constant 0 : i32
    %c0_i32_0 = arith.constant 0 : i32
    %c0_i32_1 = arith.constant 0 : i32
    return %c0_i32, %arg0, %c0_i32_0 : i32, i32, i32
  }
  func.func @transform_1(%arg0: i32) -> (i32, i32) {
    %c0_i32 = arith.constant 0 : i32
    %c0_i32_0 = arith.constant 0 : i32
    return %arg0, %c0_i32 : i32, i32
  }
  func.func @transform_2(%arg0: i32) -> (i32, i32) {
    %c0_i32 = arith.constant 0 : i32
    %c0_i32_0 = arith.constant 0 : i32
    return %arg0, %c0_i32 : i32, i32
  }
  func.func @transform_3(%arg0: i32) -> (i32, i32) {
    %c0_i32 = arith.constant 0 : i32
    %c0_i32_0 = arith.constant 0 : i32
    %c0_i32_1 = arith.constant 0 : i32
    return %c0_i32, %c0_i32_0 : i32, i32
  }
  func.func @transform_4(%arg0: i32) -> (i32, i32) {
    %c0_i32 = arith.constant 0 : i32
    %c0_i32_0 = arith.constant 0 : i32
    %c0_i32_1 = arith.constant 0 : i32
    return %c0_i32, %c0_i32_0 : i32, i32
  }
  func.func @transform_5(%arg0: i32) -> (i32, i32) {
    %c0_i32 = arith.constant 0 : i32
    %c0_i32_0 = arith.constant 0 : i32
    %c0_i32_1 = arith.constant 0 : i32
    return %c0_i32, %c0_i32_0 : i32, i32
  }
  func.func @transform_6(%arg0: i32) -> (i32, i32) {
    %c0_i32 = arith.constant 0 : i32
    %c0_i32_0 = arith.constant 0 : i32
    return %arg0, %c0_i32 : i32, i32
  }
}

module attributes {stable_mosaic.version = 14 : i64} {
  func.func @_tc_head_body(%arg0: i32, %arg1: memref<2x1000x64xf32, #tpu.memory_space<vmem>>, %arg2: memref<1000x64xf32, #tpu.memory_space<vmem>>, %arg3: memref<1000x1xf32, #tpu.memory_space<vmem>>, %arg4: memref<1x64xf32, #tpu.memory_space<vmem>>, %arg5: memref<1x1xf32, #tpu.memory_space<vmem>>, %arg6: memref<64x64xf32, #tpu.memory_space<vmem>>, %arg7: memref<64x64xf32, #tpu.memory_space<vmem>>, %arg8: memref<1x64xf32, #tpu.memory_space<vmem>>, %arg9: memref<1000x64xf32, #tpu.memory_space<vmem>>, %arg10: memref<1000x64xf32, #tpu.memory_space<vmem>>) attributes {dimension_semantics = [#tpu.dimension_semantics<arbitrary>], iteration_bounds = array<i64: 10>, scalar_prefetch = 0 : i64, scratch_operands = 0 : i64, tpu.core_type = #tpu.core_type<tc>, window_params = [{transform_indices = @transform_0, window_bounds = array<i64: 2, 1000, 64>}, {transform_indices = @transform_1, window_bounds = array<i64: 1000, 64>}, {transform_indices = @transform_2, window_bounds = array<i64: 1000, 1>}, {pipeline_mode = #tpu.pipeline_mode<synchronous>, transform_indices = @transform_3, window_bounds = array<i64: 1, 64>}, {pipeline_mode = #tpu.pipeline_mode<synchronous>, transform_indices = @transform_4, window_bounds = array<i64: 1, 1>}, {pipeline_mode = #tpu.pipeline_mode<synchronous>, transform_indices = @transform_5, window_bounds = array<i64: 64, 64>}, {pipeline_mode = #tpu.pipeline_mode<synchronous>, transform_indices = @transform_6, window_bounds = array<i64: 64, 64>}, {pipeline_mode = #tpu.pipeline_mode<synchronous>, transform_indices = @transform_7, window_bounds = array<i64: 1, 64>}, {transform_indices = @transform_8, window_bounds = array<i64: 1000, 64>}, {transform_indices = @transform_9, window_bounds = array<i64: 1000, 64>}]} {
    %get3A = arith.constant 0 : index
    %get3A_0 = arith.constant 0 : index
    %get3A_1 = vector.load %arg3[%get3A, %get3A_0] : memref<1000x1xf32, #tpu.memory_space<vmem>>, vector<1000x1xf32>
    %get3A_2 = arith.constant 0 : index
    %get3A_3 = arith.constant 0 : index
    %get3A_4 = arith.constant 0 : index
    %get3A_5 = vector.load %arg1[%get3A_2, %get3A_3, %get3A_4] : memref<2x1000x64xf32, #tpu.memory_space<vmem>>, vector<1x1000x64xf32>
    %get3A_6 = vector.shape_cast %get3A_5 : vector<1x1000x64xf32> to vector<1000x64xf32>
    %get3A_7 = arith.constant 1 : index
    %get3A_8 = arith.constant 0 : index
    %get3A_9 = arith.constant 0 : index
    %get3A_10 = vector.load %arg1[%get3A_7, %get3A_8, %get3A_9] : memref<2x1000x64xf32, #tpu.memory_space<vmem>>, vector<1x1000x64xf32>
    %get3A_11 = vector.shape_cast %get3A_10 : vector<1x1000x64xf32> to vector<1000x64xf32>
    %add3A = arith.addf %get3A_6, %get3A_11 : vector<1000x64xf32>
    %get3A_12 = arith.constant 0 : index
    %get3A_13 = arith.constant 0 : index
    %get3A_14 = vector.load %arg2[%get3A_12, %get3A_13] : memref<1000x64xf32, #tpu.memory_space<vmem>>, vector<1000x64xf32>
    %mul3A = vector.broadcast %get3A_1 : vector<1000x1xf32> to vector<1000x64xf32>
    %mul3A_15 = arith.mulf %mul3A, %get3A_14 : vector<1000x64xf32>
    %add3A_16 = arith.addf %add3A, %mul3A_15 : vector<1000x64xf32>
    %mul3A_17 = vector.broadcast %get3A_1 : vector<1000x1xf32> to vector<1000x64xf32>
    %mul3A_18 = arith.mulf %add3A_16, %mul3A_17 : vector<1000x64xf32>
    %get3A_19 = arith.constant 0 : index
    %get3A_20 = arith.constant 0 : index
    %get3A_21 = vector.load %arg4[%get3A_19, %get3A_20] : memref<1x64xf32, #tpu.memory_space<vmem>>, vector<1x64xf32>
    %add3A_22 = vector.broadcast %get3A_21 : vector<1x64xf32> to vector<1000x64xf32>
    %add3A_23 = arith.addf %mul3A_18, %add3A_22 : vector<1000x64xf32>
    %ge3A = arith.constant 0.000000e+00 : f32
    %ge3A_24 = vector.broadcast %ge3A : f32 to vector<1000x64xf32>
    %ge3A_25 = arith.cmpf oge, %add3A_23, %ge3A_24 : vector<1000x64xf32>
    %get3A_26 = arith.constant 0 : index
    %get3A_27 = arith.constant 0 : index
    %get3A_28 = vector.load %arg5[%get3A_26, %get3A_27] : memref<1x1xf32, #tpu.memory_space<vmem>>, vector<1x1xf32>
    %get3A_29 = vector.extract %get3A_28[0, 0] : f32 from vector<1x1xf32>
    %mul3A_30 = vector.broadcast %get3A_29 : f32 to vector<1000x64xf32>
    %mul3A_31 = arith.mulf %mul3A_30, %add3A_23 : vector<1000x64xf32>
    %select_n3A = arith.select %ge3A_25, %add3A_23, %mul3A_31 : vector<1000x64xi1>, vector<1000x64xf32>
    %get3A_32 = arith.constant 0 : index
    %get3A_33 = arith.constant 0 : index
    %get3A_34 = vector.load %arg6[%get3A_32, %get3A_33] : memref<64x64xf32, #tpu.memory_space<vmem>>, vector<64x64xf32>
    %dot_general3A = arith.constant dense<0.000000e+00> : vector<1000x64xf32>
    %dot_general3A_35 = tpu.matmul %select_n3A, %get3A_34, %dot_general3A {dimension_numbers = #tpu.dot_dimension_numbers<[1], [0], [0], [1], [0, 0, 1, 1], [], []>, transpose_lhs_hint = false} : vector<1000x64xf32>, vector<64x64xf32>, vector<1000x64xf32> -> vector<1000x64xf32>
    %get3A_36 = arith.constant 0 : index
    %get3A_37 = arith.constant 0 : index
    %get3A_38 = vector.load %arg8[%get3A_36, %get3A_37] : memref<1x64xf32, #tpu.memory_space<vmem>>, vector<1x64xf32>
    %add3A_39 = vector.broadcast %get3A_38 : vector<1x64xf32> to vector<1000x64xf32>
    %add3A_40 = arith.addf %dot_general3A_35, %add3A_39 : vector<1000x64xf32>
    %swap3A = arith.constant 0 : index
    %swap3A_41 = arith.constant 0 : index
    %swap3A_42 = vector.load %arg9[%swap3A, %swap3A_41] : memref<1000x64xf32, #tpu.memory_space<vmem>>, vector<1000x64xf32>
    tpu.vector_store %arg9[%swap3A, %swap3A_41], %add3A_40 {strides = array<i32>} : memref<1000x64xf32, #tpu.memory_space<vmem>>, vector<1000x64xf32>,
    %get3A_43 = arith.constant 0 : index
    %get3A_44 = arith.constant 0 : index
    %get3A_45 = vector.load %arg7[%get3A_43, %get3A_44] : memref<64x64xf32, #tpu.memory_space<vmem>>, vector<64x64xf32>
    %dot_general3A_46 = arith.constant dense<0.000000e+00> : vector<1000x64xf32>
    %dot_general3A_47 = tpu.matmul %select_n3A, %get3A_45, %dot_general3A_46 {dimension_numbers = #tpu.dot_dimension_numbers<[1], [0], [0], [1], [0, 0, 1, 1], [], []>, transpose_lhs_hint = false} : vector<1000x64xf32>, vector<64x64xf32>, vector<1000x64xf32> -> vector<1000x64xf32>
    %swap3A_48 = arith.constant 0 : index
    %swap3A_49 = arith.constant 0 : index
    %swap3A_50 = vector.load %arg10[%swap3A_48, %swap3A_49] : memref<1000x64xf32, #tpu.memory_space<vmem>>, vector<1000x64xf32>
    tpu.vector_store %arg10[%swap3A_48, %swap3A_49], %dot_general3A_47 {strides = array<i32>} : memref<1000x64xf32, #tpu.memory_space<vmem>>, vector<1000x64xf32>,
    return
  }
  func.func @transform_0(%arg0: i32) -> (i32, i32, i32) {
    %c0_i32 = arith.constant 0 : i32
    %c0_i32_0 = arith.constant 0 : i32
    %c0_i32_1 = arith.constant 0 : i32
    return %c0_i32, %arg0, %c0_i32_0 : i32, i32, i32
  }
  func.func @transform_1(%arg0: i32) -> (i32, i32) {
    %c0_i32 = arith.constant 0 : i32
    %c0_i32_0 = arith.constant 0 : i32
    return %arg0, %c0_i32 : i32, i32
  }
  func.func @transform_2(%arg0: i32) -> (i32, i32) {
    %c0_i32 = arith.constant 0 : i32
    %c0_i32_0 = arith.constant 0 : i32
    return %arg0, %c0_i32 : i32, i32
  }
  func.func @transform_3(%arg0: i32) -> (i32, i32) {
    %c0_i32 = arith.constant 0 : i32
    %c0_i32_0 = arith.constant 0 : i32
    %c0_i32_1 = arith.constant 0 : i32
    return %c0_i32, %c0_i32_0 : i32, i32
  }
  func.func @transform_4(%arg0: i32) -> (i32, i32) {
    %c0_i32 = arith.constant 0 : i32
    %c0_i32_0 = arith.constant 0 : i32
    %c0_i32_1 = arith.constant 0 : i32
    return %c0_i32, %c0_i32_0 : i32, i32
  }
  func.func @transform_5(%arg0: i32) -> (i32, i32) {
    %c0_i32 = arith.constant 0 : i32
    %c0_i32_0 = arith.constant 0 : i32
    %c0_i32_1 = arith.constant 0 : i32
    return %c0_i32, %c0_i32_0 : i32, i32
  }
  func.func @transform_6(%arg0: i32) -> (i32, i32) {
    %c0_i32 = arith.constant 0 : i32
    %c0_i32_0 = arith.constant 0 : i32
    %c0_i32_1 = arith.constant 0 : i32
    return %c0_i32, %c0_i32_0 : i32, i32
  }
  func.func @transform_7(%arg0: i32) -> (i32, i32) {
    %c0_i32 = arith.constant 0 : i32
    %c0_i32_0 = arith.constant 0 : i32
    %c0_i32_1 = arith.constant 0 : i32
    return %c0_i32, %c0_i32_0 : i32, i32
  }
  func.func @transform_8(%arg0: i32) -> (i32, i32) {
    %c0_i32 = arith.constant 0 : i32
    %c0_i32_0 = arith.constant 0 : i32
    return %arg0, %c0_i32 : i32, i32
  }
  func.func @transform_9(%arg0: i32) -> (i32, i32) {
    %c0_i32 = arith.constant 0 : i32
    %c0_i32_0 = arith.constant 0 : i32
    return %arg0, %c0_i32 : i32, i32
  }
}

module attributes {stable_mosaic.version = 14 : i64} {
  func.func @_tc_out_body(%arg0: i32, %arg1: memref<8192x64xf32, #tpu.memory_space<vmem>>, %arg2: memref<1x1xf32, #tpu.memory_space<vmem>>, %arg3: memref<64x1xf32, #tpu.memory_space<vmem>>, %arg4: memref<1x1xf32, #tpu.memory_space<vmem>>, %arg5: memref<8192x1xf32, #tpu.memory_space<vmem>>) attributes {dimension_semantics = [#tpu.dimension_semantics<arbitrary>], iteration_bounds = array<i64: 13>, scalar_prefetch = 0 : i64, scratch_operands = 0 : i64, tpu.core_type = #tpu.core_type<tc>, window_params = [{transform_indices = @transform_0, window_bounds = array<i64: 8192, 64>}, {pipeline_mode = #tpu.pipeline_mode<synchronous>, transform_indices = @transform_1, window_bounds = array<i64: 1, 1>}, {pipeline_mode = #tpu.pipeline_mode<synchronous>, transform_indices = @transform_2, window_bounds = array<i64: 64, 1>}, {pipeline_mode = #tpu.pipeline_mode<synchronous>, transform_indices = @transform_3, window_bounds = array<i64: 1, 1>}, {transform_indices = @transform_4, window_bounds = array<i64: 8192, 1>}]} {
    %get3A = arith.constant 0 : index
    %get3A_0 = arith.constant 0 : index
    %get3A_1 = vector.load %arg1[%get3A, %get3A_0] : memref<8192x64xf32, #tpu.memory_space<vmem>>, vector<8192x64xf32>
    %ge3A = arith.constant 0.000000e+00 : f32
    %ge3A_2 = vector.broadcast %ge3A : f32 to vector<8192x64xf32>
    %ge3A_3 = arith.cmpf oge, %get3A_1, %ge3A_2 : vector<8192x64xf32>
    %get3A_4 = arith.constant 0 : index
    %get3A_5 = arith.constant 0 : index
    %get3A_6 = vector.load %arg2[%get3A_4, %get3A_5] : memref<1x1xf32, #tpu.memory_space<vmem>>, vector<1x1xf32>
    %get3A_7 = vector.extract %get3A_6[0, 0] : f32 from vector<1x1xf32>
    %mul3A = vector.broadcast %get3A_7 : f32 to vector<8192x64xf32>
    %mul3A_8 = arith.mulf %mul3A, %get3A_1 : vector<8192x64xf32>
    %select_n3A = arith.select %ge3A_3, %get3A_1, %mul3A_8 : vector<8192x64xi1>, vector<8192x64xf32>
    %get3A_9 = arith.constant 0 : index
    %get3A_10 = arith.constant 0 : index
    %get3A_11 = vector.load %arg3[%get3A_9, %get3A_10] : memref<64x1xf32, #tpu.memory_space<vmem>>, vector<64x1xf32>
    %dot_general3A = arith.constant dense<0.000000e+00> : vector<8192x1xf32>
    %dot_general3A_12 = tpu.matmul %select_n3A, %get3A_11, %dot_general3A {dimension_numbers = #tpu.dot_dimension_numbers<[1], [0], [0], [1], [0, 0, 1, 1], [], []>, transpose_lhs_hint = false} : vector<8192x64xf32>, vector<64x1xf32>, vector<8192x1xf32> -> vector<8192x1xf32>
    %get3A_13 = arith.constant 0 : index
    %get3A_14 = arith.constant 0 : index
    %get3A_15 = vector.load %arg4[%get3A_13, %get3A_14] : memref<1x1xf32, #tpu.memory_space<vmem>>, vector<1x1xf32>
    %get3A_16 = vector.extract %get3A_15[0, 0] : f32 from vector<1x1xf32>
    %add3A = vector.broadcast %get3A_16 : f32 to vector<8192x1xf32>
    %add3A_17 = arith.addf %dot_general3A_12, %add3A : vector<8192x1xf32>
    %swap3A = arith.constant 0 : index
    %swap3A_18 = arith.constant 0 : index
    %swap3A_19 = vector.load %arg5[%swap3A, %swap3A_18] : memref<8192x1xf32, #tpu.memory_space<vmem>>, vector<8192x1xf32>
    tpu.vector_store %arg5[%swap3A, %swap3A_18], %add3A_17 {strides = array<i32>} : memref<8192x1xf32, #tpu.memory_space<vmem>>, vector<8192x1xf32>,
    return
  }
  func.func @transform_0(%arg0: i32) -> (i32, i32) {
    %c0_i32 = arith.constant 0 : i32
    %c0_i32_0 = arith.constant 0 : i32
    return %arg0, %c0_i32 : i32, i32
  }
  func.func @transform_1(%arg0: i32) -> (i32, i32) {
    %c0_i32 = arith.constant 0 : i32
    %c0_i32_0 = arith.constant 0 : i32
    %c0_i32_1 = arith.constant 0 : i32
    return %c0_i32, %c0_i32_0 : i32, i32
  }
  func.func @transform_2(%arg0: i32) -> (i32, i32) {
    %c0_i32 = arith.constant 0 : i32
    %c0_i32_0 = arith.constant 0 : i32
    %c0_i32_1 = arith.constant 0 : i32
    return %c0_i32, %c0_i32_0 : i32, i32
  }
  func.func @transform_3(%arg0: i32) -> (i32, i32) {
    %c0_i32 = arith.constant 0 : i32
    %c0_i32_0 = arith.constant 0 : i32
    %c0_i32_1 = arith.constant 0 : i32
    return %c0_i32, %c0_i32_0 : i32, i32
  }
  func.func @transform_4(%arg0: i32) -> (i32, i32) {
    %c0_i32 = arith.constant 0 : i32
    %c0_i32_0 = arith.constant 0 : i32
    return %arg0, %c0_i32 : i32, i32
  }
}

</mosaic_0001>

<sc_bundles>
// kernel: kernel.10.cloned.1.call-start
scs
__scs_entry_jumppad:
0x0: {  	(pc) =	sbr.rel $0x88, $3  }
0x1: {  	(tag) =	ssettag $0x0;
	lr =	simm.s32 $0x1  }
0x2: {  	[smem:$0x3F92] =	sst lr;
	_ =	strace $0xD0000000  }
0x3: {  	_ = 	snop  }
0x4: {  	_ = 	snop  }
0x5: {  	_ = 	snop  }
0x6: {  	_ = 	snop  }
0x7: {  	_ = 	snop  }
__scs_overlays_trampoline_lowered:
0x8: {  	[smem:$0x3FA1] =	sst s0  }
0x9: {  	[smem:$0x3FA2] =	sst s1  }
0xa: {  	[smem:$0x3FA3] =	sst s2  }
0xb: {  	[smem:$0x3FA4] =	sst s3  }
0xc: {  	[smem:$0x3FA5] =	sst s4  }
0xd: {  	[smem:$0x3FA6] =	sst s5  }
0xe: {  	[smem:$0x3FA7] =	sst s6  }
0xf: {  	[smem:$0x3FA8] =	sst s7  }
0x10: {  	[smem:$0x3FA9] =	sst s8  }
0x11: {  	[smem:$0x3FAA] =	sst s9;
	s0 =	simm.s32 @!p0 $0x0  }
0x12: {  	s1 =	sld [smem:$0x3F90];
	s0 =	simm.s32 @p0 $0x1  }
0x13: {  	[smem:$0x3FAB] =	sst s0;
	s0 =	simm.s32 @!p1 $0x0  }
0x14: {  	s2 =	sld [smem:$0x3F8F];
	s0 =	simm.s32 @p1 $0x1  }
0x15: {  	[smem:$0x3FAC] =	sst s0;
	s0 =	simm.s32 @!p2 $0x0  }
0x16: {  	s3 =	sld [smem:$0x3FDB];
	s0 =	simm.s32 @p2 $0x1  }
0x17: {  	s4 =	simm.s32 $0x1BF5;
	[smem:$0x3FAE] =	sst s0  }
0x18: {  	s0 =	sld [smem:$0x3F91];
	_ =	swait.ge [sflag:s4], $0x0  }
0x19: {  	s7 =	sld [smem:$0x3F92]  }
0x1a: {  	s8 =	sadd.s32 $0xFFFFE003, lr  }
0x1b: {  	s9 =	sadd.s32 $0xFFFFFEF7, lr;
	s5 =	simm.s32 $0xFFFFFFFF;
	p2 =	slt.u32 s8, $0xFFFFF086  }
0x1c: {  	p1 =	slt.u32 s9, $0xF7A;
	s5 =	simm.s32 @!p2 $0x0  }
0x1d: {  	s5 =	simm.s32 @p1 $0x1;
	p0 =	seq.s32 s7, s2  }
0x1e: {  	s7 =	smul.u32 @!p0 $0xF7A, s2;
	p2 =	seq.s32 @!p0 s5, $0x0  }
0x1f: {  	s9 =	smul.u32 $0xF7A, s1;
	s8 =	simm.s32 @!p0 $0x1BF5;
	p2 =	por !p2, p0  }
0x20: {  	[sflag:s8] =	ssyncset.s32 @!p0 $0xFFFFF086;
	s6 =	sadd.s32 @!p0 s3, s7;
	s7 =	simm.s32 @!p0 $0x108  }
0x21: {  	s3 =	sadd.s32 s3, s9;
	s6 =	sadd.s32 @!p0 $0x88, s6;
	s7 =	simm.s32 @p2 $0x1082  }
0x22: {  	[simem:s7], [sflag:s8] =	dma.local @!p0 [hbm:s6], $0xF7A  }
0x23: {  	s9 =	sor.u32 $0xD0000000, s2;
	s6 =	simm.s32 $0x108;
	_ =	swait.ge @!p0 [sflag:s8], $0x0  }
0x24: {  	s3 =	sadd.s32 $0x88, s3;
	s6 =	simm.s32 @!p1 $0x1082;
	[sflag:s4] =	ssyncset.s32 $0xFFFFF086  }
0x25: {  	[simem:s6], [sflag:s4] =	dma.local [hbm:s3], $0xF7A  }
0x26: {  	[smem:$0x3F92] =	sst s1;
	(tag) =	ssettag s2;
	_ =	strace s9  }
0x27: {  	s1 =	sld [smem:$0x3FA2]  }
0x28: {  	s2 =	sld [smem:$0x3FA3]  }
0x29: {  	s4 =	sld [smem:$0x3FA5]  }
0x2a: {  	p0 =	seq.s32 s5, $0x0;
	s5 =	sld [smem:$0x3FA6]  }
0x2b: {  	s6 =	sld [smem:$0x3FA7]  }
0x2c: {  	s7 =	sld [smem:$0x3FA8]  }
0x2d: {  	s3 =	simm.s32 $0x108;
	s8 =	sld [smem:$0x3FA9]  }
0x2e: {  	s3 =	simm.s32 @!p0 $0x1082;
	s9 =	sld [smem:$0x3FAA]  }
0x2f: {  	lr =	sadd.s32 s0, s3;
	s0 =	sld [smem:$0x3FA1]  }
0x30: {  	s3 =	sld [smem:$0x3FA4]  }
0x31: {  	[smem:$0x3FAD] =	sst s10  }
0x32: {  	s10 =	sld [smem:$0x3FAB];
	_ =	sdelay $0x3  }
0x33: {  	p0 =	seq.s32 s10, $0x1;
	s10 =	sld [smem:$0x3FAD];
	_ =	sdelay $0x3  }
0x34: {  	[smem:$0x3FAD] =	sst s10  }
0x35: {  	s10 =	sld [smem:$0x3FAC];
	_ =	sdelay $0x3  }
0x36: {  	p1 =	seq.s32 s10, $0x1;
	s10 =	sld [smem:$0x3FAD];
	_ =	sdelay $0x3  }
0x37: {  	[smem:$0x3FAD] =	sst s10  }
0x38: {  	s10 =	sld [smem:$0x3FAE]  }
0x39: {  	_ = 	snop;
	(pc) =	sbr.ind lr, $3  }
0x3a: {  	_ = 	snop  }
0x3b: {  	_ = 	snop  }
0x3c: {  	p2 =	seq.s32 s10, $0x1;
	s10 =	sld [smem:$0x3FAD]  }
0x3d: {  	_ =	shalt  }
0x3e: {  	_ =	shalt  }
0x3f: {  	_ =	shalt  }
0x40: {  	_ =	shalt  }
0x41: {  	_ =	shalt  }
0x42: {  	_ =	shalt  }
0x43: {  	_ =	shalt  }
0x44: {  	_ =	shalt  }
0x45: {  	_ =	shalt  }
0x46: {  	_ =	shalt  }
0x47: {  	_ =	shalt  }
0x48: {  	_ =	shalt  }
0x49: {  	_ =	shalt  }
0x4a: {  	_ =	shalt  }
0x4b: {  	_ =	shalt  }
0x4c: {  	_ =	shalt  }
0x4d: {  	_ =	shalt  }
0x4e: {  	_ =	shalt  }
0x4f: {  	_ =	shalt  }
0x50: {  	_ =	shalt  }
0x51: {  	_ =	shalt  }
0x52: {  	_ =	shalt  }
0x53: {  	_ =	shalt  }
0x54: {  	_ =	shalt  }
0x55: {  	_ =	shalt  }
0x56: {  	_ =	shalt  }
0x57: {  	_ =	shalt  }
0x58: {  	_ =	shalt  }
0x59: {  	_ =	shalt  }
0x5a: {  	_ =	shalt  }
0x5b: {  	_ =	shalt  }
0x5c: {  	_ =	shalt  }
0x5d: {  	_ =	shalt  }
0x5e: {  	_ =	shalt  }
0x5f: {  	_ =	shalt  }
0x60: {  	_ =	shalt  }
0x61: {  	_ =	shalt  }
0x62: {  	_ =	shalt  }
0x63: {  	_ =	shalt  }
0x64: {  	_ =	shalt  }
0x65: {  	_ =	shalt  }
0x66: {  	_ =	shalt  }
0x67: {  	_ =	shalt  }
0x68: {  	_ =	shalt  }
0x69: {  	_ =	shalt  }
0x6a: {  	_ =	shalt  }
0x6b: {  	_ =	shalt  }
0x6c: {  	_ =	shalt  }
0x6d: {  	_ =	shalt  }
0x6e: {  	_ =	shalt  }
0x6f: {  	_ =	shalt  }
0x70: {  	_ =	shalt  }
0x71: {  	_ =	shalt  }
0x72: {  	_ =	shalt  }
0x73: {  	_ =	shalt  }
0x74: {  	_ =	shalt  }
0x75: {  	_ =	shalt  }
0x76: {  	_ =	shalt  }
0x77: {  	_ =	shalt  }
0x78: {  	_ =	shalt  }
0x79: {  	_ =	shalt  }
0x7a: {  	_ =	shalt  }
0x7b: {  	_ =	shalt  }
0x7c: {  	_ =	shalt  }
0x7d: {  	_ =	shalt  }
0x7e: {  	_ =	shalt  }
0x7f: {  	_ =	shalt  }
0x80: {  	_ =	shalt  }
0x81: {  	_ =	shalt  }
0x82: {  	_ =	shalt  }
0x83: {  	_ =	shalt  }
0x84: {  	_ =	shalt  }
0x85: {  	_ =	shalt  }
0x86: {  	_ =	shalt  }
0x87: {  	_ =	shalt  }
.Lfunc_end0:
.L_simem_size_0:
called_computation_lowered:
.L_overlay_start_0:
0x88: {  	s2 =	sld [smem:$0x3FD9]  }
0x89: {  	s3 =	sld [smem:$0x3FFE];
	_ =	sdelay $0x1  }
0x8a: {  	s1 =	srdreg.scid  }
0x8b: {  	s0 =	sand.u32 $0x1, s1  }
0x8c: {  	s17 =	sshll.u32 s0, $0xA;
	s2 =	sadd.s32 s3, s2  }
0x8d: {  	s2 =	sadd.s32 s2, s17  }
0x8e: {  	[smem:$0x3FB9] =	sst s2  }
0x8f: {  	_ = 	snop  }
0x90: {  	s2 =	sld [smem:$0x3FD0];
	(tm) =	ssettm $0x1  }
0x91: {  	s18 =	sld [smem:$0x3FFB];
	_ =	sdelay $0x3  }
0x92: {  	_ =	strace s18  }
0x93: {  	s3 =	sld [smem:$0x3FFC];
	_ =	sdelay $0x3  }
0x94: {  	_ =	strace s3  }
0x95: {  	s3 =	sld [smem:$0x3FFD];
	_ =	sdelay $0x3  }
0x96: {  	_ =	strace s3  }
0x97: {  	_ =	strace $0x8FFFFFFF  }
0x98: {  	s19 =	sld [smem:$0x3FDB];
	_ =	sdelay $0x1  }
0x99: {  	s4 =	simm.s32 $_scs_section_size  }
0x9a: {  	s5 =	simm.s32 $_size__tile_overlayer_lowered;
	s6 =	simm.s32 $_tile_overlayer_lowered  }
0x9b: {  	s22 =	simm.s32 $0x1BFF;
	s21 =	sshll.u32 s6, $0x1;
	s3 =	sadd.s32 s4, s19  }
0x9c: {  	s7 =	simm.s32 $0x0;
	s20 =	sshll.u32 s5, $0x1;
	s5 =	sadd.s32 s21, s3  }
0x9d: {  	[timem:s7], [sflag:s22] =	dma.local [hbm:s5], s20  }
0x9e: {  	_ =	swait.ge [sflag:s22], s20  }
0x9f: {  	s4 =	ssub.s32 $0x0, s20;
	[sflag:s22] =	ssyncset.done $0x0  }
0xa0: {  	[sflag:s22] =	ssyncadd.s32 s4;
	_ =	sdelay $0x1  }
0xa1: {  	s23 =	simm.s32 $0x1B8B  }
0xa2: {  	_ =	swait.ge [sflag:s23], $0x1  }
0xa3: {  	[sflag:s23] =	ssyncset.done $0x0  }
0xa4: {  	s25 =	simm.s32 $0x1B8E;
	s24 =	sld [smem:$0x3FFE];
	[sflag:s23] =	ssyncadd.s32 $0xFFFFFFFF  }
0xa5: {  	s26 =	simm.s32 $execute0_lowered;
	[smem:$0x3FD2] =	sst s25  }
0xa6: {  	s5 =	sshll.u32 s26, $0x1;
	_ =	strace $0x80000046;
	[dreg:$0x1] =	wrdreg $0xFFFFFFFF  }
0xa7: {  	s28 =	simm.s32 $_size_execute0_lowered;
	s3 =	sadd.s32 s3, s5;
	[dreg:$0x0] =	wrdreg $0x0  }
0xa8: {  	s5 =	sshll.u32 s28, $0x1;
	[dreg:$0x2] =	wrdreg s3  }
0xa9: {  	[dreg:$0x3] =	wrdreg s5  }
0xaa: {  	[dreg:$0x4] =	wrdreg $0xC0  }
0xab: {  	_ =	task [dreg:s7], $0x5FFFF  }
0xac: {  	[dreg:$0x1] =	wrdreg $0xFFFFFFFF  }
0xad: {  	[dreg:$0x0] =	wrdreg $0x60  }
0xae: {  	[dreg:$0x2] =	wrdreg s24  }
0xaf: {  	[dreg:$0x3] =	wrdreg s2  }
0xb0: {  	[dreg:$0x4] =	wrdreg $0x16D000  }
0xb1: {  	[dreg:$0x5] =	wrdreg $0x9  }
0xb2: {  	_ =	task.clear_ibuf [dreg:s7], $0x6FFFF;
	_ =	strace $0x90000046  }
0xb3: {  	s29 =	simm.s32 $0x9;
	_ =	strace $0x80000048  }
0xb4: {  	_ =	swait.ge [sflag:s29], $0x1  }
0xb5: {  	[sflag:s29] =	ssyncadd.s32 $0xFFFFFFFF  }
0xb6: {  	_ =	strace $0x90000048  }
0xb7: {  	_ =	sfence  }
0xb8: {  	s30 =	sld [smem:$0x0];
	_ =	sdelay $0x2  }
0xb9: {  	s31 =	sshll.u32 s1, $0xD;
	s1 =	sshrl.u32 s1, $0x2  }
0xba: {  	s3 =	sand.u32 $0x4000, s31;
	s1 =	sadd.s32 s1, s30  }
0xbb: {  	s0 =	sor.u32 s3, s0;
	s1 =	sshll.u32 s1, $0x11  }
0xbc: {  	s0 =	sor.u32 s1, s0  }
0xbd: {  	s0 =	sadd.s32 $0x8F2B, s0  }
0xbe: {  	[sflag:s0] =	ssyncadd.remote.s32 $0x1  }
0xbf: {  	_ =	sfence.sel $0xFFFF  }
0xc0: {  	[dreg:$0x0] =	wrdreg $0xFFFFFFFF;
	(pc) =	sbr.abs _section_cstart, $3  }
0xc1: {  	[dreg:$0x1] =	wrdreg $0xFFFFFFFF  }
0xc2: {  	_ =	task.clear_ibuf [dreg:s7], $0x2FFFF;
	_ =	strace $0x9FFFFFFF  }
0xc3: {  	(tm) =	ssettm $0x7FFFFFFF  }
tec
execute0_lowered:
.L_overlay_start_1:
0x0: {  	(tag) =	ssettag $0x1  }
0x1: {  	s1 =	srdreg.scid  }
0x2: {  	s1 =	sand.u32 $0x1, s1  }
0x3: {  	p0 =	seq.s32 s1, $0x1  }
.Ltmp0:
0x4: {  	s2 =	rddreg [dreg:$0x0];
	(pc) =	sbr.rel @p0 .LBB2_8-.Ltmp0, $4  }
0x5: {  	s4 =	rddreg [dreg:$0x1]  }
0x6: {  	s3 =	rddreg [dreg:$0x2];
	s5 =	simm.s32 $0x0  }
0x7: {  	[smem:$0x7FF] =	sst s5  }
0x8: {  	s0 =	rddreg [dreg:$0x3];
	_ =	strace $0x80000047;
	s1 =	stileid.u32  }
0x9: {  	s6 =	smul.u32 $0xA00, s1  }
0xa: {  	s7 =	sadd.s32 $0x2400, s2  }
0xb: {  	s8 =	simm.s32 $0x5000;
	s22 =	simm.s32 $0x2;
	s7 =	sadd.s32 s7, s6  }
0xc: {  	[tilespmem:s8], [sflag:$0x2] =	stream.linear.gather [hbm4b:s7+s5], $0x5000, $0x38;
	[tilespmem:$0x16F80] =	vst v63  }
0xd: {  	_ =	swait.ge [sflag:s22], $0x5000  }
0xe: {  	s23 =	sadd.s32 $0x16400, s2;
	[sflag:s22] =	ssyncset.done $0x0  }
0xf: {  	s9 =	simm.s32 $0xA000;
	s7 =	sadd.s32 s23, s6;
	[sflag:s22] =	ssyncadd.s32 $0xFFFFB000  }
0x10: {  	[tilespmem:s9], [sflag:$0x2] =	stream.linear.gather [hbm4b:s7+s5], $0x5000, $0x38;
	[tilespmem:$0x16F80] =	vst v63  }
0x11: {  	_ =	swait.ge [sflag:s22], $0x5000  }
0x12: {  	[sflag:s22] =	ssyncset.done $0x0  }
0x13: {  	s7 =	simm.s32 $0xF000;
	[sflag:s22] =	ssyncadd.s32 $0xFFFFB000  }
0x14: {  	[tilespmem:s7], [sflag:$0x2] =	stream.linear.gather [hbm4b:s4+s5], $0x2800, $0x38;
	[tilespmem:$0x16F80] =	vst v63  }
0x15: {  	s10 =	smul.u32 $0x280, s1;
	_ =	swait.ge [sflag:s22], $0x2800  }
0x16: {  	s24 =	sadd.s32 $0x2200, s2;
	s11 =	simm.s32 $0x11800;
	[sflag:s22] =	ssyncset.done $0x0  }
0x17: {  	s28 =	sshll.u32 s1, $0x6;
	s25 =	sshrl.u32 s10, $0x3;
	[sflag:s22] =	ssyncadd.s32 $0xFFFFD800  }
0x18: {  	[tilespmem:s11], [sflag:$0x2] =	stream.linear.gather [hbm4b:s24+s5], $0x280, $0x38;
	[tilespmem:$0x16F80] =	vst v63  }
0x19: {  	s31 =	sadd.s32 s6, s2;
	s26 =	sadd.s32 s4, s25;
	_ =	swait.ge [sflag:s22], $0x280  }
0x1a: {  	s30 =	sadd.s32 s25, s2;
	s5 =	sadd.s32 s10, s3;
	[sflag:s22] =	ssyncset.done $0x0  }
0x1b: {  	s10 =	sor.u32 $0x1C02, s28;
	s29 =	sshrl.u32 s5, $0x3;
	[sflag:s22] =	ssyncadd.s32 $0xFFFFFD80  }
0x1c: {  	[spmem:s29], [sflag:s10] =	dma.local [hbm:s26], $0x50  }
0x1d: {  	s2 =	sadd.s32 $0x20A00, s31;
	s8 =	simm.s32 $0xFFFFFFFC;
	_ =	swait.ge [sflag:s22], $0x50  }
0x1e: {  	s6 =	sadd.s32 $0x20400, s30;
	s9 =	simm.s32 $0x5020;
	[sflag:s22] =	ssyncset.done $0x0  }
0x1f: {  	s4 =	sadd.s32 $0xC400, s31;
	s10 =	simm.s32 $0xA020;
	[sflag:s22] =	ssyncadd.s32 $0xFFFFFFB0  }
.LBB2_2:
0x20: {  	v0 =	vld [tilespmem:s9+$0xFFFFFFE0];
	_ =	sdelay $0x2  }
0x21: {  	v1 =	vld [tilespmem:s10+$0xFFFFFFE0];
	_ =	sdelay $0x4  }
0x22: {  	[tilespmem:v0+s7+$0x0] =	vst.idx.add.f32.msk $0xffff, v1  }
0x23: {  	v0 =	vld [tilespmem:s9+$0xFFFFFFF0];
	_ =	sdelay $0x2  }
0x24: {  	v1 =	vld [tilespmem:s10+$0xFFFFFFF0];
	_ =	sdelay $0x4  }
0x25: {  	[tilespmem:v0+s7+$0x0] =	vst.idx.add.f32.msk $0xffff, v1  }
0x26: {  	v0 =	vld [tilespmem:s9+$0x0];
	_ =	sdelay $0x2  }
0x27: {  	v1 =	vld [tilespmem:s10+$0x0];
	_ =	sdelay $0x4  }
0x28: {  	[tilespmem:v0+s7+$0x0] =	vst.idx.add.f32.msk $0xffff, v1  }
0x29: {  	v0 =	vld [tilespmem:s9+$0x10];
	_ =	sdelay $0x1  }
0x2a: {  	s8 =	sadd.s32 $0x4, s8  }
0x2b: {  	p0 =	slt.u32 s8, $0x4FC;
	v1 =	vld [tilespmem:s10+$0x10]  }
.Ltmp1:
0x2c: {  	_ = 	snop;
	(pc) =	sbr.rel @p0 .LBB2_2-.Ltmp1, $2  }
0x2d: {  	_ =	sdelay $0x2  }
0x2e: {  	s9 =	sadd.s32 $0x40, s9;
	s10 =	sadd.s32 $0x40, s10;
	[tilespmem:v0+s7+$0x0] =	vst.idx.add.f32.msk $0xffff, v1  }
0x2f: {  	[bflag:$0x0] =	sbarrier.arrive $0xFFFF;
	s7 =	simm.s32 $0x80  }
0x30: {  	s8 =	simm.s32 $0x11800;
	s9 =	simm.s32 $0xF000;
	s21 =	simm.s32 $0x1  }
0x31: {  	[spmem:s3] =	stream.indirect.scatter.add.f32 [tilespmem:s9], [sflag:$0x1], $0x10, s8, s7, $0xb8;
	[tilespmem:$0x16F80] =	vst v63  }
0x32: {  	_ =	swait.ge [sflag:s21], $0x800  }
0x33: {  	[sflag:s21] =	ssyncset.done $0x0  }
0x34: {  	s22 =	simm.s32 $0x11880;
	s10 =	simm.s32 $0xF800;
	[sflag:s21] =	ssyncadd.s32 $0xFFFFF800  }
0x35: {  	[spmem:s3] =	stream.indirect.scatter.add.f32 [tilespmem:s10], [sflag:$0x1], $0x10, s22, s7, $0xb8;
	[tilespmem:$0x16F80] =	vst v63  }
0x36: {  	_ =	swait.ge [sflag:s21], $0x800  }
0x37: {  	[sflag:s21] =	ssyncset.done $0x0  }
0x38: {  	s23 =	simm.s32 $0x11900;
	s24 =	simm.s32 $0x10000;
	[sflag:s21] =	ssyncadd.s32 $0xFFFFF800  }
0x39: {  	[spmem:s3] =	stream.indirect.scatter.add.f32 [tilespmem:s24], [sflag:$0x1], $0x10, s23, s7, $0xb8;
	[tilespmem:$0x16F80] =	vst v63  }
0x3a: {  	_ =	swait.ge [sflag:s21], $0x800  }
0x3b: {  	[sflag:s21] =	ssyncset.done $0x0  }
0x3c: {  	s25 =	simm.s32 $0x11980;
	s26 =	simm.s32 $0x10800;
	[sflag:s21] =	ssyncadd.s32 $0xFFFFF800  }
0x3d: {  	[spmem:s3] =	stream.indirect.scatter.add.f32 [tilespmem:s26], [sflag:$0x1], $0x10, s25, s7, $0xb8;
	[tilespmem:$0x16F80] =	vst v63  }
0x3e: {  	_ =	swait.ge [sflag:s21], $0x800  }
0x3f: {  	[sflag:s21] =	ssyncset.done $0x0  }
0x40: {  	s28 =	simm.s32 $0x11A00;
	s29 =	simm.s32 $0x11000;
	[sflag:s21] =	ssyncadd.s32 $0xFFFFF800  }
0x41: {  	[spmem:s3] =	stream.indirect.scatter.add.f32 [tilespmem:s29], [sflag:$0x1], $0x10, s28, s7, $0xb8;
	[tilespmem:$0x16F80] =	vst v63  }
0x42: {  	_ =	swait.ge [sflag:s21], $0x800  }
0x43: {  	[sflag:s21] =	ssyncset.done $0x0  }
0x44: {  	[sflag:s21] =	ssyncadd.s32 $0xFFFFF800  }
0x45: {  	s30 =	simm.s32 $0x11A80;
	s31 =	simm.s32 $0x2;
	[bflag:$0x0] =	sbarrier.arrive $0xFFFF  }
0x46: {  	[tilespmem:s30], [sflag:$0x2] =	stream.linear.gather [spmem:s5], $0x280, $0x38;
	[tilespmem:$0x16F80] =	vst v63  }
0x47: {  	_ =	swait.ge [sflag:s31], $0x280  }
0x48: {  	[sflag:s31] =	ssyncset.done $0x0  }
0x49: {  	s8 =	simm.s32 $0x40;
	s7 =	simm.s32 $0x0;
	[sflag:s31] =	ssyncadd.s32 $0xFFFFFD80  }
.LBB2_4:
0x4a: {  	p0 =	sne.s32 s8, $0x9C0;
	v0 =	vld [tilespmem:s7+$0x11A80];
	_ =	sdelay $0x4  }
0x4b: {  	v0 =	vadd.f32 $1.000000000e+00, v0;
	_ =	sdelay $0x1  }
0x4c: {  	v1 =	vshrl.u32 v0, $0x1;
	v0 =	vmul.f32 $5.000000000e-01, v0  }
0x4d: {  	v1 =	vsub.s32 $0x5F3759DF, v1  }
0x4e: {  	v2 =	vmul.f32 v1, v0;
	_ =	sdelay $0x1  }
0x4f: {  	v2 =	vmul.f32 v1, v2;
	_ =	sdelay $0x1  }
0x50: {  	v2 =	vsub.f32 $1.500000000e+00, v2;
	_ =	sdelay $0x1  }
0x51: {  	v1 =	vmul.f32 v1, v2;
	_ =	sdelay $0x1  }
0x52: {  	v2 =	vmul.f32 v1, v0;
	_ =	sdelay $0x1  }
0x53: {  	v2 =	vmul.f32 v2, v1;
	_ =	sdelay $0x1  }
0x54: {  	v2 =	vsub.f32 $1.500000000e+00, v2;
	_ =	sdelay $0x1  }
0x55: {  	v1 =	vmul.f32 v2, v1;
	_ =	sdelay $0x1  }
0x56: {  	v0 =	vmul.f32 v1, v0;
	_ =	sdelay $0x1  }
0x57: {  	v0 =	vmul.f32 v0, v1;
	_ =	sdelay $0x1  }
.Ltmp2:
0x58: {  	v0 =	vsub.f32 $1.500000000e+00, v0;
	(pc) =	sbr.rel @p0 .LBB2_4-.Ltmp2, $3  }
0x59: {  	_ = 	snop  }
0x5a: {  	v0 =	vmul.f32 v0, v1;
	_ =	sdelay $0x1  }
0x5b: {  	[tilespmem:s7+$0x11A80] =	vst v0;
	s7 =	sshra.s32 s8, $0x2;
	s8 =	sadd.s32 $0x40, s8  }
0x5c: {  	v0 =	vld [tilespmem:s7+$0x11A80];
	_ =	sdelay $0x4  }
0x5d: {  	v0 =	vadd.f32 $1.000000000e+00, v0;
	_ =	sdelay $0x1  }
0x5e: {  	v1 =	vshrl.u32 v0, $0x1;
	v0 =	vmul.f32 $5.000000000e-01, v0  }
0x5f: {  	v1 =	vsub.s32 $0x5F3759DF, v1  }
0x60: {  	v2 =	vmul.f32 v1, v0;
	_ =	sdelay $0x1  }
0x61: {  	v2 =	vmul.f32 v1, v2;
	_ =	sdelay $0x1  }
0x62: {  	v2 =	vsub.f32 $1.500000000e+00, v2;
	_ =	sdelay $0x1  }
0x63: {  	v1 =	vmul.f32 v1, v2;
	_ =	sdelay $0x1  }
0x64: {  	v2 =	vmul.f32 v1, v0;
	_ =	sdelay $0x1  }
0x65: {  	v2 =	vmul.f32 v2, v1;
	_ =	sdelay $0x1  }
0x66: {  	v2 =	vsub.f32 $1.500000000e+00, v2;
	_ =	sdelay $0x1  }
0x67: {  	v1 =	vmul.f32 v2, v1;
	_ =	sdelay $0x1  }
0x68: {  	v0 =	vmul.f32 v1, v0;
	_ =	sdelay $0x1  }
0x69: {  	v0 =	vmul.f32 v0, v1;
	_ =	sdelay $0x1  }
0x6a: {  	v0 =	vsub.f32 $1.500000000e+00, v0;
	_ =	sdelay $0x1  }
0x6b: {  	v0 =	vmul.f32 v0, v1;
	_ =	sdelay $0x1  }
0x6c: {  	s28 =	simm.s32 $0x11A80;
	s8 =	simm.s32 $0x2;
	[tilespmem:s7+$0x11A80] =	vst v0  }
0x6d: {  	[spmem:s5] =	stream.linear.scatter [tilespmem:s28], [sflag:$0x2], $0x280, $0x38;
	[tilespmem:$0x16F80] =	vst v63  }
0x6e: {  	_ =	swait.ge [sflag:s8], $0x280  }
0x6f: {  	[sflag:s8] =	ssyncset.done $0x0  }
0x70: {  	s9 =	simm.s32 $0x0;
	[sflag:s8] =	ssyncadd.s32 $0xFFFFFD80  }
0x71: {  	[hbm4b:s6+s9] =	stream.linear.scatter [tilespmem:s28], [sflag:$0x2], $0x280, $0x38;
	[tilespmem:$0x16F80] =	vst v63  }
0x72: {  	_ =	swait.ge [sflag:s8], $0x280  }
0x73: {  	[sflag:s8] =	ssyncset.done $0x0  }
0x74: {  	[sflag:s8] =	ssyncadd.s32 $0xFFFFFD80  }
0x75: {  	s5 =	simm.s32 $0xF000;
	[bflag:$0x0] =	sbarrier.arrive $0xFFFF  }
0x76: {  	[tilespmem:s5], [sflag:$0x2] =	stream.linear.gather [spmem:s3], $0x2800, $0x38;
	[tilespmem:$0x16F80] =	vst v63  }
0x77: {  	_ =	swait.ge [sflag:s8], $0x2800  }
0x78: {  	[sflag:s8] =	ssyncset.done $0x0  }
0x79: {  	[sflag:s8] =	ssyncadd.s32 $0xFFFFD800  }
0x7a: {  	[tilespmem:s9], [sflag:$0x2] =	stream.linear.gather [hbm4b:s4+s9], $0x5000, $0x38;
	[tilespmem:$0x16F80] =	vst v63  }
0x7b: {  	_ =	swait.ge [sflag:s8], $0x5000  }
0x7c: {  	[sflag:s8] =	ssyncset.done $0x0  }
0x7d: {  	s29 =	simm.s32 $0x20;
	[sflag:s8] =	ssyncadd.s32 $0xFFFFB000  }
0x7e: {  	v0 =	vld [tilespmem:s29+$0x10]  }
0x7f: {  	v1 =	vld [tilespmem:s29+$0xFFFFFFF0]  }
0x80: {  	v2 =	vld [tilespmem:s29+$0xFFFFFFE0]  }
0x81: {  	s30 =	simm.s32 $0xA020;
	v3 =	vld [tilespmem:s29+$0x0]  }
0x82: {  	s31 =	simm.s32 $0x60;
	v6 =	vld [tilespmem:s30+$0x10]  }
0x83: {  	v4 =	vld [tilespmem:s31+$0x10]  }
0x84: {  	v9 =	vld [tilespmem:s31+$0xFFFFFFF0]  }
0x85: {  	v10 =	vld [tilespmem:s31+$0xFFFFFFE0]  }
0x86: {  	v11 =	vld [tilespmem:s30+$0xFFFFFFE0]  }
0x87: {  	v12 =	vld [tilespmem:s30+$0xFFFFFFF0]  }
0x88: {  	v5 =	vld [tilespmem:s30+$0x0]  }
0x89: {  	v0 =	vld.idx.msk [tilespmem:v0+s5+$0x0], $0xffff  }
0x8a: {  	v8 =	vld.idx.msk [tilespmem:v1+s5+$0x0], $0xffff  }
0x8b: {  	v7 =	vld.idx.msk [tilespmem:v2+s5+$0x0], $0xffff  }
0x8c: {  	v1 =	vld [tilespmem:s31+$0x0]  }
0x8d: {  	v2 =	vld.idx.msk [tilespmem:v3+s5+$0x0], $0xffff  }
0x8e: {  	s4 =	simm.s32 $0xA060;
	v4 =	vld.idx.msk [tilespmem:v4+s5+$0x0], $0xffff  }
0x8f: {  	v0 =	vmul.f32 v6, v0;
	v6 =	vld [tilespmem:s4+$0x10]  }
0x90: {  	s3 =	simm.s32 $0x11D20;
	v3 =	vld.idx.msk [tilespmem:v9+s5+$0x0], $0xffff;
	v7 =	vmul.f32 v11, v7  }
0x91: {  	s7 =	simm.s32 $0xA0;
	s6 =	simm.s32 $0x4;
	v8 =	vmul.f32 v12, v8;
	[tilespmem:s3+$0x10] =	vst v0;
	v0 =	vld.idx.msk [tilespmem:v10+s5+$0x0], $0xffff  }
.LBB2_6:
0x92: {  	v9 =	vld [tilespmem:s7+$0x10];
	s6 =	sadd.s32 $0x4, s6;
	[tilespmem:s3+$0xFFFFFFE0] =	vst v7;
	v2 =	vmul.f32 v5, v2  }
0x93: {  	v7 =	vld [tilespmem:s7+$0xFFFFFFF0];
	p0 =	slt.u32 s6, $0x4FC;
	[tilespmem:s3+$0xFFFFFFF0] =	vst v8  }
0x94: {  	v8 =	vld [tilespmem:s7+$0x0];
	v4 =	vmul.f32 v6, v4;
	[tilespmem:s3+$0x0] =	vst v2  }
0x95: {  	s3 =	sadd.s32 $0x40, s3;
	v10 =	vld [tilespmem:s7+$0xFFFFFFE0]  }
0x96: {  	v11 =	vmov v3;
	v2 =	vld.idx.msk [tilespmem:v1+s5+$0x0], $0xffff;
	[tilespmem:s3+$0x10] =	vst v4  }
0x97: {  	v12 =	vld [tilespmem:s4+$0xFFFFFFE0]  }
0x98: {  	v13 =	vld [tilespmem:s4+$0xFFFFFFF0]  }
.Ltmp3:
0x99: {  	v5 =	vld [tilespmem:s4+$0x0];
	v1 =	vmov v8;
	(pc) =	sbr.rel @p0 .LBB2_6-.Ltmp3, $4  }
0x9a: {  	s4 =	sadd.s32 $0x40, s4;
	v4 =	vld.idx.msk [tilespmem:v9+s5+$0x0], $0xffff  }
0x9b: {  	v6 =	vld [tilespmem:s4+$0x10]  }
0x9c: {  	v3 =	vld.idx.msk [tilespmem:v7+s5+$0x0], $0xffff;
	v7 =	vmul.f32 v12, v0  }
0x9d: {  	s7 =	sadd.s32 $0x40, s7;
	v0 =	vld.idx.msk [tilespmem:v10+s5+$0x0], $0xffff;
	v8 =	vmul.f32 v13, v11  }
0x9e: {  	_ =	sdelay $0x3  }
0x9f: {  	v1 =	vld.idx.msk [tilespmem:v1+s5+$0x0], $0xffff  }
0xa0: {  	v9 =	vld [tilespmem:s4+$0xFFFFFFE0]  }
0xa1: {  	v10 =	vld [tilespmem:s4+$0xFFFFFFF0]  }
0xa2: {  	v11 =	vld [tilespmem:s4+$0x0]  }
0xa3: {  	[tilespmem:s3+$0xFFFFFFE0] =	vst v7;
	v2 =	vmul.f32 v5, v2  }
0xa4: {  	[tilespmem:s3+$0xFFFFFFF0] =	vst v8;
	v4 =	vmul.f32 v6, v4  }
0xa5: {  	s28 =	sadd.s32 $0x40, s3;
	[tilespmem:s3+$0x0] =	vst v2;
	v0 =	vmul.f32 v9, v0  }
0xa6: {  	[tilespmem:s28+$0x10] =	vst v4;
	v62 =	vmul.f32 v10, v3  }
0xa7: {  	v63 =	vmul.f32 v11, v1;
	[tilespmem:s28+$0xFFFFFFE0] =	vst v0  }
0xa8: {  	[tilespmem:s28+$0xFFFFFFF0] =	vst v62  }
0xa9: {  	s29 =	simm.s32 $0x0;
	s30 =	simm.s32 $0x11D00;
	s31 =	simm.s32 $0x2;
	[tilespmem:s28+$0x0] =	vst v63  }
0xaa: {  	[hbm4b:s2+s29] =	stream.linear.scatter [tilespmem:s30], [sflag:$0x2], $0x5000, $0x38;
	[tilespmem:$0x16F80] =	vst v63  }
0xab: {  	_ =	swait.ge [sflag:s31], $0x5000  }
0xac: {  	[sflag:s31] =	ssyncset.done $0x0  }
0xad: {  	[sflag:s31] =	ssyncadd.s32 $0xFFFFB000  }
.LBB2_8:
0xae: {  	_ =	sfence.sel $0x180000  }
0xaf: {  	[bflag:$0x0] =	sbarrier.arrive $0xFFFF  }
0xb0: {  	p0 =	sne.s32 s1, $0x0;
	_ =	strace $0x90000047  }
0xb1: {  	s0 =	sadd.s32 @!p0 $0x100000, s0;
	[bflag:$0x2] =	sbarrier.arrive $0xFFFF  }
0xb2: {  	[sflag:s0] =	ssyncadd.tile.s32 @!p0 $0x1;
	_ =	shalt  }
.Lfunc_end2:
_tile_overlayer_lowered:
.L_overlay_start_2:
0xb3: {  	(tag) =	ssettag $0x2  }
0xb4: {  	s0 =	rddreg [dreg:$0x0];
	s2 =	stileid.u32  }
0xb5: {  	s1 =	rddreg [dreg:$0x1];
	p0 =	sne.s32 s2, $0x0  }
0xb6: {  	s3 =	rddreg [dreg:$0x2];
	[bflag:$0x3] =	sbarrier.arrive $0xFFFF;
	s2 =	simm.s32 @!p0 $0x1C02  }
0xb7: {  	[timem:s3], [sflag:s2] =	dma.local @!p0 [hbm:s0], s1  }
0xb8: {  	s0 =	simm.s32 @!p0 $0x2  }
0xb9: {  	_ =	swait.ge @!p0 [sflag:s0], s1  }
0xba: {  	s1 =	ssub.s32 @!p0 $0x0, s1;
	[sflag:s0] =	ssyncset.done @!p0 $0x0  }
0xbb: {  	[sflag:s0] =	ssyncadd.s32 @!p0 s1  }
0xbc: {  	[bflag:$0x3] =	sbarrier.arrive $0xFFFF  }
0xbd: {  	_ =	shalt  }

// kernel: kernel.13.cloned.1.call-start
scs
__scs_entry_jumppad:
0x0: {  	(pc) =	sbr.rel $0x88, $3  }
0x1: {  	(tag) =	ssettag $0x0;
	lr =	simm.s32 $0x1  }
0x2: {  	[smem:$0x3F92] =	sst lr;
	_ =	strace $0xD0000000  }
0x3: {  	_ = 	snop  }
0x4: {  	_ = 	snop  }
0x5: {  	_ = 	snop  }
0x6: {  	_ = 	snop  }
0x7: {  	_ = 	snop  }
__scs_overlays_trampoline_lowered:
0x8: {  	[smem:$0x3FA1] =	sst s0  }
0x9: {  	[smem:$0x3FA2] =	sst s1  }
0xa: {  	[smem:$0x3FA3] =	sst s2  }
0xb: {  	[smem:$0x3FA4] =	sst s3  }
0xc: {  	[smem:$0x3FA5] =	sst s4  }
0xd: {  	[smem:$0x3FA6] =	sst s5  }
0xe: {  	[smem:$0x3FA7] =	sst s6  }
0xf: {  	[smem:$0x3FA8] =	sst s7  }
0x10: {  	[smem:$0x3FA9] =	sst s8  }
0x11: {  	[smem:$0x3FAA] =	sst s9;
	s0 =	simm.s32 @!p0 $0x0  }
0x12: {  	s1 =	sld [smem:$0x3F90];
	s0 =	simm.s32 @p0 $0x1  }
0x13: {  	[smem:$0x3FAB] =	sst s0;
	s0 =	simm.s32 @!p1 $0x0  }
0x14: {  	s2 =	sld [smem:$0x3F8F];
	s0 =	simm.s32 @p1 $0x1  }
0x15: {  	[smem:$0x3FAC] =	sst s0;
	s0 =	simm.s32 @!p2 $0x0  }
0x16: {  	s3 =	sld [smem:$0x3FDB];
	s0 =	simm.s32 @p2 $0x1  }
0x17: {  	s4 =	simm.s32 $0x1BF5;
	[smem:$0x3FAE] =	sst s0  }
0x18: {  	s0 =	sld [smem:$0x3F91];
	_ =	swait.ge [sflag:s4], $0x0  }
0x19: {  	s7 =	sld [smem:$0x3F92]  }
0x1a: {  	s8 =	sadd.s32 $0xFFFFE003, lr  }
0x1b: {  	s9 =	sadd.s32 $0xFFFFFEF7, lr;
	s5 =	simm.s32 $0xFFFFFFFF;
	p2 =	slt.u32 s8, $0xFFFFF086  }
0x1c: {  	p1 =	slt.u32 s9, $0xF7A;
	s5 =	simm.s32 @!p2 $0x0  }
0x1d: {  	s5 =	simm.s32 @p1 $0x1;
	p0 =	seq.s32 s7, s2  }
0x1e: {  	s7 =	smul.u32 @!p0 $0xF7A, s2;
	p2 =	seq.s32 @!p0 s5, $0x0  }
0x1f: {  	s9 =	smul.u32 $0xF7A, s1;
	s8 =	simm.s32 @!p0 $0x1BF5;
	p2 =	por !p2, p0  }
0x20: {  	[sflag:s8] =	ssyncset.s32 @!p0 $0xFFFFF086;
	s6 =	sadd.s32 @!p0 s3, s7;
	s7 =	simm.s32 @!p0 $0x108  }
0x21: {  	s3 =	sadd.s32 s3, s9;
	s6 =	sadd.s32 @!p0 $0x88, s6;
	s7 =	simm.s32 @p2 $0x1082  }
0x22: {  	[simem:s7], [sflag:s8] =	dma.local @!p0 [hbm:s6], $0xF7A  }
0x23: {  	s9 =	sor.u32 $0xD0000000, s2;
	s6 =	simm.s32 $0x108;
	_ =	swait.ge @!p0 [sflag:s8], $0x0  }
0x24: {  	s3 =	sadd.s32 $0x88, s3;
	s6 =	simm.s32 @!p1 $0x1082;
	[sflag:s4] =	ssyncset.s32 $0xFFFFF086  }
0x25: {  	[simem:s6], [sflag:s4] =	dma.local [hbm:s3], $0xF7A  }
0x26: {  	[smem:$0x3F92] =	sst s1;
	(tag) =	ssettag s2;
	_ =	strace s9  }
0x27: {  	s1 =	sld [smem:$0x3FA2]  }
0x28: {  	s2 =	sld [smem:$0x3FA3]  }
0x29: {  	s4 =	sld [smem:$0x3FA5]  }
0x2a: {  	p0 =	seq.s32 s5, $0x0;
	s5 =	sld [smem:$0x3FA6]  }
0x2b: {  	s6 =	sld [smem:$0x3FA7]  }
0x2c: {  	s7 =	sld [smem:$0x3FA8]  }
0x2d: {  	s3 =	simm.s32 $0x108;
	s8 =	sld [smem:$0x3FA9]  }
0x2e: {  	s3 =	simm.s32 @!p0 $0x1082;
	s9 =	sld [smem:$0x3FAA]  }
0x2f: {  	lr =	sadd.s32 s0, s3;
	s0 =	sld [smem:$0x3FA1]  }
0x30: {  	s3 =	sld [smem:$0x3FA4]  }
0x31: {  	[smem:$0x3FAD] =	sst s10  }
0x32: {  	s10 =	sld [smem:$0x3FAB];
	_ =	sdelay $0x3  }
0x33: {  	p0 =	seq.s32 s10, $0x1;
	s10 =	sld [smem:$0x3FAD];
	_ =	sdelay $0x3  }
0x34: {  	[smem:$0x3FAD] =	sst s10  }
0x35: {  	s10 =	sld [smem:$0x3FAC];
	_ =	sdelay $0x3  }
0x36: {  	p1 =	seq.s32 s10, $0x1;
	s10 =	sld [smem:$0x3FAD];
	_ =	sdelay $0x3  }
0x37: {  	[smem:$0x3FAD] =	sst s10  }
0x38: {  	s10 =	sld [smem:$0x3FAE]  }
0x39: {  	_ = 	snop;
	(pc) =	sbr.ind lr, $3  }
0x3a: {  	_ = 	snop  }
0x3b: {  	_ = 	snop  }
0x3c: {  	p2 =	seq.s32 s10, $0x1;
	s10 =	sld [smem:$0x3FAD]  }
0x3d: {  	_ =	shalt  }
0x3e: {  	_ =	shalt  }
0x3f: {  	_ =	shalt  }
0x40: {  	_ =	shalt  }
0x41: {  	_ =	shalt  }
0x42: {  	_ =	shalt  }
0x43: {  	_ =	shalt  }
0x44: {  	_ =	shalt  }
0x45: {  	_ =	shalt  }
0x46: {  	_ =	shalt  }
0x47: {  	_ =	shalt  }
0x48: {  	_ =	shalt  }
0x49: {  	_ =	shalt  }
0x4a: {  	_ =	shalt  }
0x4b: {  	_ =	shalt  }
0x4c: {  	_ =	shalt  }
0x4d: {  	_ =	shalt  }
0x4e: {  	_ =	shalt  }
0x4f: {  	_ =	shalt  }
0x50: {  	_ =	shalt  }
0x51: {  	_ =	shalt  }
0x52: {  	_ =	shalt  }
0x53: {  	_ =	shalt  }
0x54: {  	_ =	shalt  }
0x55: {  	_ =	shalt  }
0x56: {  	_ =	shalt  }
0x57: {  	_ =	shalt  }
0x58: {  	_ =	shalt  }
0x59: {  	_ =	shalt  }
0x5a: {  	_ =	shalt  }
0x5b: {  	_ =	shalt  }
0x5c: {  	_ =	shalt  }
0x5d: {  	_ =	shalt  }
0x5e: {  	_ =	shalt  }
0x5f: {  	_ =	shalt  }
0x60: {  	_ =	shalt  }
0x61: {  	_ =	shalt  }
0x62: {  	_ =	shalt  }
0x63: {  	_ =	shalt  }
0x64: {  	_ =	shalt  }
0x65: {  	_ =	shalt  }
0x66: {  	_ =	shalt  }
0x67: {  	_ =	shalt  }
0x68: {  	_ =	shalt  }
0x69: {  	_ =	shalt  }
0x6a: {  	_ =	shalt  }
0x6b: {  	_ =	shalt  }
0x6c: {  	_ =	shalt  }
0x6d: {  	_ =	shalt  }
0x6e: {  	_ =	shalt  }
0x6f: {  	_ =	shalt  }
0x70: {  	_ =	shalt  }
0x71: {  	_ =	shalt  }
0x72: {  	_ =	shalt  }
0x73: {  	_ =	shalt  }
0x74: {  	_ =	shalt  }
0x75: {  	_ =	shalt  }
0x76: {  	_ =	shalt  }
0x77: {  	_ =	shalt  }
0x78: {  	_ =	shalt  }
0x79: {  	_ =	shalt  }
0x7a: {  	_ =	shalt  }
0x7b: {  	_ =	shalt  }
0x7c: {  	_ =	shalt  }
0x7d: {  	_ =	shalt  }
0x7e: {  	_ =	shalt  }
0x7f: {  	_ =	shalt  }
0x80: {  	_ =	shalt  }
0x81: {  	_ =	shalt  }
0x82: {  	_ =	shalt  }
0x83: {  	_ =	shalt  }
0x84: {  	_ =	shalt  }
0x85: {  	_ =	shalt  }
0x86: {  	_ =	shalt  }
0x87: {  	_ =	shalt  }
.Lfunc_end0:
.L_simem_size_0:
called_computation.1_lowered:
.L_overlay_start_0:
0x88: {  	s2 =	sld [smem:$0x3FD9]  }
0x89: {  	s3 =	sld [smem:$0x3FFE];
	_ =	sdelay $0x1  }
0x8a: {  	s1 =	srdreg.scid  }
0x8b: {  	s0 =	sand.u32 $0x1, s1  }
0x8c: {  	s17 =	sshll.u32 s0, $0xA;
	s2 =	sadd.s32 s3, s2  }
0x8d: {  	s2 =	sadd.s32 s2, s17  }
0x8e: {  	[smem:$0x3FB9] =	sst s2  }
0x8f: {  	_ = 	snop  }
0x90: {  	s2 =	sld [smem:$0x3FD0];
	(tm) =	ssettm $0x1  }
0x91: {  	s18 =	sld [smem:$0x3FFB];
	_ =	sdelay $0x3  }
0x92: {  	_ =	strace s18  }
0x93: {  	s3 =	sld [smem:$0x3FFC];
	_ =	sdelay $0x3  }
0x94: {  	_ =	strace s3  }
0x95: {  	s3 =	sld [smem:$0x3FFD];
	_ =	sdelay $0x3  }
0x96: {  	_ =	strace s3  }
0x97: {  	_ =	strace $0x8FFFFFFF  }
0x98: {  	s19 =	sld [smem:$0x3FDB];
	_ =	sdelay $0x1  }
0x99: {  	s4 =	simm.s32 $_scs_section_size  }
0x9a: {  	s5 =	simm.s32 $_size__tile_overlayer_lowered;
	s6 =	simm.s32 $_tile_overlayer_lowered  }
0x9b: {  	s22 =	simm.s32 $0x1BFF;
	s21 =	sshll.u32 s6, $0x1;
	s3 =	sadd.s32 s4, s19  }
0x9c: {  	s7 =	simm.s32 $0x0;
	s20 =	sshll.u32 s5, $0x1;
	s5 =	sadd.s32 s21, s3  }
0x9d: {  	[timem:s7], [sflag:s22] =	dma.local [hbm:s5], s20  }
0x9e: {  	_ =	swait.ge [sflag:s22], s20  }
0x9f: {  	s4 =	ssub.s32 $0x0, s20;
	[sflag:s22] =	ssyncset.done $0x0  }
0xa0: {  	[sflag:s22] =	ssyncadd.s32 s4;
	_ =	sdelay $0x1  }
0xa1: {  	s23 =	simm.s32 $0x1B8B  }
0xa2: {  	_ =	swait.ge [sflag:s23], $0x1  }
0xa3: {  	[sflag:s23] =	ssyncset.done $0x0  }
0xa4: {  	s25 =	simm.s32 $0x1B8E;
	s24 =	sld [smem:$0x3FFE];
	[sflag:s23] =	ssyncadd.s32 $0xFFFFFFFF  }
0xa5: {  	s26 =	simm.s32 $execute0_lowered;
	[smem:$0x3FD2] =	sst s25  }
0xa6: {  	s5 =	sshll.u32 s26, $0x1;
	_ =	strace $0x80000049;
	[dreg:$0x1] =	wrdreg $0xFFFFFFFF  }
0xa7: {  	s28 =	simm.s32 $_size_execute0_lowered;
	s3 =	sadd.s32 s3, s5;
	[dreg:$0x0] =	wrdreg $0x0  }
0xa8: {  	s5 =	sshll.u32 s28, $0x1;
	[dreg:$0x2] =	wrdreg s3  }
0xa9: {  	[dreg:$0x3] =	wrdreg s5  }
0xaa: {  	[dreg:$0x4] =	wrdreg $0xC0  }
0xab: {  	_ =	task [dreg:s7], $0x5FFFF  }
0xac: {  	[dreg:$0x1] =	wrdreg $0xFFFFFFFF  }
0xad: {  	[dreg:$0x0] =	wrdreg $0x60  }
0xae: {  	[dreg:$0x2] =	wrdreg s24  }
0xaf: {  	[dreg:$0x3] =	wrdreg s2  }
0xb0: {  	[dreg:$0x4] =	wrdreg $0x138000  }
0xb1: {  	[dreg:$0x5] =	wrdreg $0x9  }
0xb2: {  	_ =	task.clear_ibuf [dreg:s7], $0x6FFFF;
	_ =	strace $0x90000049  }
0xb3: {  	s29 =	simm.s32 $0x9;
	_ =	strace $0x8000004B  }
0xb4: {  	_ =	swait.ge [sflag:s29], $0x1  }
0xb5: {  	[sflag:s29] =	ssyncadd.s32 $0xFFFFFFFF  }
0xb6: {  	_ =	strace $0x9000004B  }
0xb7: {  	_ =	sfence  }
0xb8: {  	s30 =	sld [smem:$0x0];
	_ =	sdelay $0x2  }
0xb9: {  	s31 =	sshll.u32 s1, $0xD;
	s1 =	sshrl.u32 s1, $0x2  }
0xba: {  	s3 =	sand.u32 $0x4000, s31;
	s1 =	sadd.s32 s1, s30  }
0xbb: {  	s0 =	sor.u32 s3, s0;
	s1 =	sshll.u32 s1, $0x11  }
0xbc: {  	s0 =	sor.u32 s1, s0  }
0xbd: {  	s0 =	sadd.s32 $0x8F2B, s0  }
0xbe: {  	[sflag:s0] =	ssyncadd.remote.s32 $0x1  }
0xbf: {  	_ =	sfence.sel $0xFFFF  }
0xc0: {  	[dreg:$0x0] =	wrdreg $0xFFFFFFFF;
	(pc) =	sbr.abs _section_cstart, $3  }
0xc1: {  	[dreg:$0x1] =	wrdreg $0xFFFFFFFF  }
0xc2: {  	_ =	task.clear_ibuf [dreg:s7], $0x2FFFF;
	_ =	strace $0x9FFFFFFF  }
0xc3: {  	(tm) =	ssettm $0x7FFFFFFF  }
tec
execute0_lowered:
.L_overlay_start_1:
0x0: {  	(tag) =	ssettag $0x1  }
0x1: {  	s0 =	rddreg [dreg:$0x0]  }
0x2: {  	s3 =	rddreg [dreg:$0x2];
	s1 =	srdreg.scid  }
0x3: {  	s10 =	stileid.u32;
	s4 =	simm.s32 $0x0;
	s11 =	simm.s32 $0x7  }
0x4: {  	s13 =	simm.s32 $0x5000;
	s16 =	simm.s32 $0x100;
	s17 =	simm.s32 $0x7800  }
0x5: {  	s18 =	simm.s32 $0xB800;
	s19 =	simm.s32 $0x1;
	s20 =	simm.s32 $0xF800  }
0x6: {  	s21 =	simm.s32 $0x2;
	s22 =	simm.s32 $0x4;
	s23 =	simm.s32 $0x3  }
0x7: {  	s28 =	simm.s32 $0x0;
	s1 =	sand.u32 $0x1, s1;
	s2 =	smul.u32 $0xA000, s10  }
0x8: {  	[smem:$0x7FF] =	sst s4;
	s31 =	sshll.u32 s10, $0x6;
	s5 =	sshll.u32 s1, $0x4  }
0x9: {  	s6 =	smul.u32 $0xA0000, s1;
	s1 =	ssub.s32 $0x2, s1;
	s5 =	sor.u32 s10, s5  }
0xa: {  	_ =	strace $0x8000004A;
	s8 =	sshrl.u32 s1, $0x1;
	s7 =	smul.u32 $0x500, s5  }
0xb: {  	s14 =	sor.u32 $0x1C07, s31;
	s6 =	sadd.s32 s2, s6;
	s1 =	ssub.s32 s1, s8  }
0xc: {  	s5 =	sadd.s32 $0x2AA00, s0;
	s30 =	smax.u32 s1, $0x1;
	s9 =	sadd.s32 s7, s0  }
0xd: {  	s2 =	sadd.s32 s2, s3;
	[dreg:$0x8] =	wrdreg s30;
	s25 =	sadd.s32 $0xC400, s9  }
0xe: {  	s6 =	sshrl.u32 s6, $0x3;
	s26 =	sadd.s32 $0x2400, s9;
	[dreg:$0x4] =	wrdreg s25  }
0xf: {  	s0 =	sadd.s32 s6, s0;
	s29 =	sadd.s32 $0x20A00, s9;
	[dreg:$0x5] =	wrdreg s26  }
0x10: {  	v0 =	vimm.s32 $0x0;
	vm0 =	vcmask $0x300;
	s15 =	sshrl.u32 s2, $0x3;
	s0 =	sadd.s32 $0x3E400, s0;
	[dreg:$0x6] =	wrdreg s29  }
0x11: {  	v0 =	vsel vm0, $0x3, v0;
	[dreg:$0x7] =	wrdreg s0;
	s25 =	simm.s32 $0x5;
	s26 =	simm.s32 $0x6  }
.LBB2_1:
0x12: {  	s0 =	rddreg [dreg:$0x4]  }
0x13: {  	[tilespmem:s4], [sflag:$0x7] =	stream.linear.gather [hbm4b:s0+s4], $0x2800, $0x38;
	[tilespmem:$0x1D800] =	vst v63  }
0x14: {  	_ =	swait.ge [sflag:s11], $0x2800  }
0x15: {  	[sflag:s11] =	ssyncset.done $0x0  }
0x16: {  	s1 =	simm.s32 $0x2800;
	s12 =	rddreg [dreg:$0x5];
	[sflag:s11] =	ssyncadd.s32 $0xFFFFD800  }
0x17: {  	[tilespmem:s1], [sflag:$0x7] =	stream.linear.gather [hbm4b:s12+s4], $0x2800, $0x38;
	[tilespmem:$0x1D800] =	vst v63  }
0x18: {  	_ =	swait.ge [sflag:s11], $0x2800  }
0x19: {  	[sflag:s11] =	ssyncset.done $0x0  }
0x1a: {  	s24 =	rddreg [dreg:$0x6];
	[sflag:s11] =	ssyncadd.s32 $0xFFFFD800  }
0x1b: {  	[tilespmem:s13], [sflag:$0x7] =	stream.linear.gather [hbm4b:s24+s4], $0x2800, $0x38;
	[tilespmem:$0x1D800] =	vst v63  }
0x1c: {  	_ =	swait.ge [sflag:s11], $0x2800  }
0x1d: {  	[sflag:s11] =	ssyncset.done $0x0  }
0x1e: {  	[sflag:s11] =	ssyncadd.s32 $0xFFFFD800  }
0x1f: {  	s31 =	rddreg [dreg:$0x1]  }
0x20: {  	[spmem:s15], [sflag:s14] =	dma.local [hbm:s31], $0x1400  }
0x21: {  	_ =	swait.ge [sflag:s11], $0x1400  }
0x22: {  	[sflag:s11] =	ssyncset.done $0x0  }
0x23: {  	[sflag:s11] =	ssyncadd.s32 $0xFFFFEC00  }
0x24: {  	s29 =	simm.s32 $0x0;
	s30 =	simm.s32 $0x0;
	[bflag:$0x0] =	sbarrier.arrive $0xFFFF  }
0x25: {  	[tilespmem:s17], [sflag:$0x1] =	stream.indirect.gather [hbm4b:s5+s16], $0x40, s4, s16, $0xb8;
	[tilespmem:$0x1D800] =	vst v63  }
.LBB2_2:
0x26: {  	s2 =	sadd.s32 $0xFFFFFFF8, s29;
	p0 =	seq.s32 s30, $0x0  }
0x27: {  	s0 =	sadd.s32 $0xF, s2;
	s1 =	simm.s32 @!p0 $0x5  }
0x28: {  	v1 =	vmov s0;
	_ =	swait.ge @!p0 [sflag:s1], $0x4000;
	s0 =	smul.u32 $0x300, s30  }
0x29: {  	[sflag:s1] =	ssyncset.done @!p0 $0x0  }
0x2a: {  	[sflag:s1] =	ssyncadd.s32 @!p0 $0xFFFFC000;
	s31 =	sadd.s32 $0x100, s0  }
0x2b: {  	[tilespmem:s18], [sflag:$0x2] =	stream.indirect.gather [hbm4b:s5+s16], $0x40, s31, s16, $0xb8;
	[tilespmem:$0x1D800] =	vst v63  }
0x2c: {  	_ =	swait.ge [sflag:s19], $0x4000  }
0x2d: {  	[sflag:s19] =	ssyncset.done $0x0  }
0x2e: {  	s1 =	simm.s32 $0x7900;
	[sflag:s19] =	ssyncadd.s32 $0xFFFFC000  }
0x2f: {  	v9 =	vld [tilespmem:s1+$0xFFFFFF00]  }
0x30: {  	v10 =	vld [tilespmem:s1+$0xFFFFFF10]  }
0x31: {  	v11 =	vld [tilespmem:s1+$0xFFFFFF20]  }
0x32: {  	v13 =	vld [tilespmem:s1+$0xFFFFFF30]  }
0x33: {  	v14 =	vld [tilespmem:s1+$0xFFFFFF40]  }
0x34: {  	s7 =	sadd.s32 $0x9, s2;
	v16 =	vld [tilespmem:s1+$0xFFFFFF70]  }
0x35: {  	s12 =	sadd.s32 $0xA, s2;
	s24 =	sadd.s32 $0xB, s2;
	s8 =	sadd.s32 $0xC, s2;
	v17 =	vld [tilespmem:s1+$0xFFFFFF80]  }
0x36: {  	s9 =	sadd.s32 $0xD, s2;
	s10 =	sadd.s32 $0xE, s2;
	s2 =	sadd.s32 $0x8, s2;
	v18 =	vld [tilespmem:s1+$0xFFFFFF90]  }
0x37: {  	v12 =	vmov s2;
	v19 =	vld [tilespmem:s1+$0xFFFFFFA0]  }
0x38: {  	v1 =	vshrl.u32 v1, $0x3;
	v12 =	vshrl.u32 v12, $0x3;
	v20 =	vld [tilespmem:s1+$0xFFFFFFB0]  }
0x39: {  	v2 =	vmov s7;
	v1 =	vshll.u32 v1, v0;
	v12 =	vshll.u32 v12, v0;
	v21 =	vld [tilespmem:s1+$0xFFFFFFC0]  }
0x3a: {  	v2 =	vshrl.u32 v2, $0x3;
	v1 =	vadd.s32 $0x7, v1;
	v12 =	vbroadcast v12, $0x0;
	v22 =	vld [tilespmem:s1+$0xFFFFFFD0]  }
0x3b: {  	v2 =	vshll.u32 v2, v0;
	v1 =	vbroadcast v1, $0x0;
	v23 =	vld [tilespmem:s1+$0xFFFFFFE0]  }
0x3c: {  	v3 =	vmov s12;
	v2 =	vadd.s32 $0x1, v2;
	v24 =	vld [tilespmem:s1+$0xFFFFFFF0]  }
0x3d: {  	v6 =	vmov s9;
	v3 =	vshrl.u32 v3, $0x3;
	v2 =	vbroadcast v2, $0x0;
	v25 =	vld [tilespmem:s1+$0x0]  }
0x3e: {  	v4 =	vmov s24;
	v6 =	vshrl.u32 v6, $0x3;
	v3 =	vshll.u32 v3, v0;
	v26 =	vld [tilespmem:s1+$0x10]  }
0x3f: {  	v5 =	vmov s8;
	v6 =	vshll.u32 v6, v0;
	v3 =	vadd.s32 $0x2, v3;
	v27 =	vld [tilespmem:s1+$0x20]  }
0x40: {  	v8 =	vshrl.u32 v5, $0x3;
	v6 =	vadd.s32 $0x5, v6;
	v3 =	vbroadcast v3, $0x0;
	v12 =	vld.idx.msk [tilespmem:v12+s13+$0x0], $0xffff  }
0x41: {  	v4 =	vshrl.u32 v4, $0x3;
	v8 =	vshll.u32 v8, v0;
	v6 =	vbroadcast v6, $0x0;
	v5 =	vld.idx.msk [tilespmem:v1+s13+$0x0], $0xffff  }
0x42: {  	v8 =	vadd.s32 $0x4, v8;
	v1 =	vshll.u32 v4, v0;
	v4 =	vld [tilespmem:s1+$0xF0]  }
0x43: {  	v7 =	vmov s10;
	v8 =	vbroadcast v8, $0x0;
	v15 =	vld.idx.msk [tilespmem:v2+s13+$0x0], $0xffff  }
0x44: {  	v7 =	vshrl.u32 v7, $0x3;
	v28 =	vld [tilespmem:s1+$0x30];
	v1 =	vadd.s32 $0x3, v1  }
0x45: {  	v7 =	vshll.u32 v7, v0;
	v50 =	vld [tilespmem:s1+$0x80];
	v1 =	vbroadcast v1, $0x0  }
0x46: {  	v7 =	vadd.s32 $0x6, v7;
	v3 =	vld.idx.msk [tilespmem:v3+s13+$0x0], $0xffff  }
0x47: {  	v7 =	vbroadcast v7, $0x0;
	v2 =	vld.idx.msk [tilespmem:v6+s13+$0x0], $0xffff;
	v4 =	vmul.f32 v4, v5  }
0x48: {  	v9 =	vmul.f32 v9, v12;
	v6 =	vmul.f32 v14, v15;
	v14 =	vld [tilespmem:s1+$0xFFFFFF50]  }
0x49: {  	v8 =	vld.idx.msk [tilespmem:v8+s13+$0x0], $0xffff;
	v10 =	vmul.f32 v10, v12;
	[tilespmem:s1+$0xF0] =	vst v4;
	v4 =	vmul.f32 v11, v12  }
0x4a: {  	[tilespmem:s1+$0xFFFFFF40] =	vst v6;
	v6 =	vld [tilespmem:s1+$0xFFFFFF60];
	v11 =	vmul.f32 v16, v15;
	v12 =	vmul.f32 v13, v12  }
0x4b: {  	s2 =	sadd.s32 $0x0, s29;
	[tilespmem:s1+$0xFFFFFF00] =	vst v9;
	v13 =	vmul.f32 v17, v3;
	v17 =	vmul.f32 v19, v3;
	v1 =	vld.idx.msk [tilespmem:v1+s13+$0x0], $0xffff  }
0x4c: {  	s9 =	sadd.s32 $0xD, s2;
	v53 =	vld [tilespmem:s1+$0xA0];
	[tilespmem:s1+$0xFFFFFF70] =	vst v11  }
0x4d: {  	s7 =	sadd.s32 $0xA, s2;
	v29 =	vmov s9;
	v30 =	vld [tilespmem:s1+$0xB0];
	[tilespmem:s1+$0xFFFFFFA0] =	vst v17;
	v14 =	vmul.f32 v14, v15  }
0x4e: {  	s24 =	sadd.s32 $0xF, s2;
	v52 =	vmov s7;
	v55 =	vshrl.u32 v29, $0x3;
	v31 =	vld [tilespmem:s1+$0xC0];
	v51 =	vmul.f32 v25, v8;
	[tilespmem:s1+$0xFFFFFF20] =	vst v4  }
0x4f: {  	s6 =	sadd.s32 $0x9, s2;
	v56 =	vld [tilespmem:s1+$0xD0];
	v9 =	vshll.u32 v55, v0;
	v6 =	vmul.f32 v6, v15;
	[tilespmem:s1+$0xFFFFFF50] =	vst v14;
	v14 =	vmov s24  }
0x50: {  	s8 =	sadd.s32 $0xB, s2;
	v32 =	vld [tilespmem:s1+$0xE0];
	v17 =	vmov s6;
	[tilespmem:s1+$0xFFFFFF30] =	vst v12;
	v14 =	vshrl.u32 v14, $0x3;
	v11 =	vmul.f32 v21, v1  }
0x51: {  	s10 =	sadd.s32 $0xE, s2;
	v7 =	vld.idx.msk [tilespmem:v7+s13+$0x0], $0xffff;
	s6 =	sadd.s32 $0xC, s2;
	s2 =	sadd.s32 $0x8, s2;
	v4 =	vadd.s32 $0x5, v9;
	[tilespmem:s1+$0xFFFFFF60] =	vst v6;
	v6 =	vmul.f32 v18, v3;
	v14 =	vshll.u32 v14, v0  }
0x52: {  	v16 =	vld [tilespmem:s1+$0x50];
	v54 =	vmov s6;
	v57 =	vmov s2;
	v14 =	vadd.s32 $0x7, v14;
	[tilespmem:s1+$0xFFFFFFC0] =	vst v11  }
0x53: {  	v12 =	vbroadcast v4, $0x0;
	v15 =	vld [tilespmem:s1+$0x40];
	v11 =	vshrl.u32 v17, $0x3;
	[tilespmem:s1+$0xFFFFFF90] =	vst v6;
	v6 =	vbroadcast v14, $0x0  }
0x54: {  	v19 =	vld [tilespmem:s1+$0x70];
	[tilespmem:s1+$0xFFFFFF80] =	vst v13;
	s2 =	simm.s32 $0x7B00;
	v4 =	vmul.f32 v27, v8;
	v13 =	vmul.f32 v22, v1;
	v11 =	vshll.u32 v11, v0  }
0x55: {  	v58 =	vld [tilespmem:s2+$0xF0];
	v49 =	vmul.f32 v23, v1;
	v3 =	vmul.f32 v20, v3;
	v11 =	vadd.s32 $0x1, v11  }
0x56: {  	[tilespmem:s1+$0xFFFFFF10] =	vst v10;
	v59 =	vld [tilespmem:s2+$0xFFFFFF00];
	v1 =	vmul.f32 v24, v1;
	v23 =	vshrl.u32 v52, $0x3;
	v11 =	vbroadcast v11, $0x0  }
0x57: {  	v60 =	vld [tilespmem:s2+$0xFFFFFF20];
	v23 =	vshll.u32 v23, v0;
	v17 =	vmov s10;
	[tilespmem:s1+$0xFFFFFFB0] =	vst v3;
	v3 =	vmov s8  }
0x58: {  	v18 =	vld [tilespmem:s1+$0x60];
	[tilespmem:s1+$0xFFFFFFD0] =	vst v13;
	v13 =	vshrl.u32 v54, $0x3;
	v3 =	vshrl.u32 v3, $0x3;
	v15 =	vmul.f32 v15, v2  }
0x59: {  	[tilespmem:s1+$0xFFFFFFF0] =	vst v1;
	v3 =	vshll.u32 v3, v0;
	v1 =	vld.idx.msk [tilespmem:v6+s13+$0x0], $0xffff;
	v6 =	vshll.u32 v13, v0;
	v13 =	vadd.s32 $0x2, v23  }
0x5a: {  	[tilespmem:s1+$0x0] =	vst v51;
	v61 =	vld [tilespmem:s2+$0xFFFFFF30];
	v3 =	vadd.s32 $0x3, v3;
	v13 =	vbroadcast v13, $0x0;
	v6 =	vadd.s32 $0x4, v6  }
0x5b: {  	v62 =	vld [tilespmem:s2+$0xFFFFFF40];
	[tilespmem:s1+$0x20] =	vst v4;
	v17 =	vshrl.u32 v17, $0x3;
	v3 =	vbroadcast v3, $0x0;
	v9 =	vbroadcast v6, $0x0  }
0x5c: {  	v10 =	vshll.u32 v17, v0;
	v6 =	vmul.f32 v26, v8;
	v8 =	vmul.f32 v28, v8;
	v11 =	vld.idx.msk [tilespmem:v11+s13+$0x0], $0xffff  }
0x5d: {  	v14 =	vld [tilespmem:s1+$0x90];
	v10 =	vadd.s32 $0x6, v10;
	[tilespmem:s1+$0x40] =	vst v15  }
0x5e: {  	v17 =	vld [tilespmem:s2+$0xFFFFFF10];
	v10 =	vbroadcast v10, $0x0;
	[tilespmem:s1+$0x30] =	vst v8;
	v8 =	vmul.f32 v18, v2  }
0x5f: {  	v15 =	vld [tilespmem:s2+$0xFFFFFF80];
	[tilespmem:s1+$0x10] =	vst v6;
	v6 =	vmul.f32 v58, v1  }
0x60: {  	v16 =	vmul.f32 v16, v2;
	[tilespmem:s1+$0x60] =	vst v8;
	v13 =	vld.idx.msk [tilespmem:v13+s13+$0x0], $0xffff  }
0x61: {  	v20 =	vshrl.u32 v57, $0x3;
	[tilespmem:s2+$0xF0] =	vst v6;
	v6 =	vld.idx.msk [tilespmem:v3+s13+$0x0], $0xffff;
	v8 =	vmul.f32 v62, v11  }
0x62: {  	[tilespmem:s1+$0x50] =	vst v16;
	v20 =	vshll.u32 v20, v0;
	v3 =	vld.idx.msk [tilespmem:v12+s13+$0x0], $0xffff;
	v12 =	vmul.f32 v14, v7  }
0x63: {  	v20 =	vbroadcast v20, $0x0;
	v4 =	vld.idx.msk [tilespmem:v9+s13+$0x0], $0xffff;
	v9 =	vmul.f32 v19, v2;
	[tilespmem:s2+$0xFFFFFF40] =	vst v8  }
0x64: {  	v2 =	vld.idx.msk [tilespmem:v10+s13+$0x0], $0xffff;
	v10 =	vmul.f32 v50, v7;
	[tilespmem:s1+$0x90] =	vst v12  }
0x65: {  	v12 =	vmul.f32 v31, v5;
	[tilespmem:s1+$0x70] =	vst v9;
	v9 =	vld [tilespmem:s2+$0xFFFFFF50]  }
0x66: {  	[tilespmem:s1+$0x80] =	vst v10;
	v10 =	vld [tilespmem:s2+$0xFFFFFF60]  }
0x67: {  	v8 =	vmul.f32 v53, v7;
	[tilespmem:s1+$0xC0] =	vst v12;
	v12 =	vld [tilespmem:s2+$0xFFFFFFB0]  }
0x68: {  	[tilespmem:s1+$0xFFFFFFE0] =	vst v49;
	v14 =	vld [tilespmem:s2+$0xFFFFFF70];
	v7 =	vmul.f32 v30, v7  }
0x69: {  	v16 =	vld.idx.msk [tilespmem:v20+s13+$0x0], $0xffff;
	[tilespmem:s1+$0xA0] =	vst v8;
	v8 =	vmul.f32 v56, v5  }
0x6a: {  	v18 =	vld [tilespmem:s2+$0xFFFFFF90];
	[tilespmem:s1+$0xB0] =	vst v7;
	v7 =	vmul.f32 v9, v11  }
0x6b: {  	[tilespmem:s1+$0xD0] =	vst v8;
	v9 =	vld [tilespmem:s2+$0xFFFFFFA0];
	v10 =	vmul.f32 v10, v11  }
0x6c: {  	v8 =	vld [tilespmem:s2+$0xFFFFFFC0];
	v63 =	vmul.f32 v12, v13;
	[tilespmem:s2+$0xFFFFFF50] =	vst v7  }
0x6d: {  	v19 =	vld [tilespmem:s2+$0xFFFFFFD0];
	v7 =	vmul.f32 v14, v11;
	[tilespmem:s2+$0xFFFFFF60] =	vst v10  }
0x6e: {  	v5 =	vmul.f32 v32, v5;
	v11 =	vmul.f32 v15, v13;
	v15 =	vld [tilespmem:s2+$0xFFFFFFE0];
	[tilespmem:s2+$0xFFFFFFB0] =	vst v63  }
0x6f: {  	v12 =	vmul.f32 v60, v16;
	v14 =	vld [tilespmem:s2+$0xFFFFFFF0];
	[tilespmem:s2+$0xFFFFFF70] =	vst v7;
	v7 =	vmul.f32 v18, v13  }
0x70: {  	v10 =	vmul.f32 v59, v16;
	[tilespmem:s2+$0xFFFFFF80] =	vst v11;
	v18 =	vmul.f32 v9, v13;
	v13 =	vld [tilespmem:s2+$0x0]  }
0x71: {  	v11 =	vmul.f32 v17, v16;
	v17 =	vmul.f32 v8, v6;
	v8 =	vld [tilespmem:s2+$0x20];
	[tilespmem:s2+$0xFFFFFF90] =	vst v7  }
0x72: {  	s12 =	simm.s32 $0x8;
	v9 =	vmul.f32 v61, v16;
	v16 =	vmul.f32 v19, v6;
	v7 =	vld [tilespmem:s2+$0x10];
	[tilespmem:s2+$0xFFFFFFA0] =	vst v18  }
.LBB2_3:
0x73: {  	s6 =	sadd.s32 s12, s29;
	s12 =	sadd.s32 $0x8, s12;
	[tilespmem:s2+$0xFFFFFFC0] =	vst v17;
	v15 =	vmul.f32 v15, v6;
	v17 =	vld [tilespmem:s2+$0x30]  }
0x74: {  	s24 =	sadd.s32 $0x9, s6;
	s7 =	sadd.s32 $0xF, s6;
	p1 =	slt.u32 s12, $0xF8;
	[tilespmem:s2+$0xFFFFFFD0] =	vst v16;
	v6 =	vmul.f32 v14, v6;
	v14 =	vld [tilespmem:s2+$0x40]  }
0x75: {  	s8 =	sadd.s32 $0xB, s6;
	s9 =	sadd.s32 $0xC, s6;
	v16 =	vmov s24;
	s24 =	sadd.s32 $0xA, s6;
	v18 =	vmov s7;
	[tilespmem:s2+$0xFFFFFFE0] =	vst v15;
	v13 =	vmul.f32 v13, v4;
	v15 =	vld [tilespmem:s2+$0x50]  }
0x76: {  	s7 =	sadd.s32 $0x8, s6;
	v20 =	vmov s8;
	s8 =	sadd.s32 $0xD, s6;
	s6 =	sadd.s32 $0xE, s6;
	v19 =	vmov s24;
	v18 =	vshrl.u32 v18, $0x3;
	[tilespmem:s2+$0xFFFFFFF0] =	vst v6;
	v6 =	vld [tilespmem:s2+$0x60]  }
0x77: {  	v21 =	vmov s9;
	v22 =	vmov s8;
	v18 =	vshll.u32 v18, v0;
	[tilespmem:s2+$0x0] =	vst v13;
	v13 =	vld [tilespmem:s2+$0x70]  }
0x78: {  	v16 =	vshrl.u32 v16, $0x3;
	v23 =	vmov s6;
	v18 =	vadd.s32 $0x7, v18;
	v24 =	vld [tilespmem:s2+$0x80];
	[tilespmem:s1+$0xE0] =	vst v5;
	s1 =	smov.u32 s2  }
0x79: {  	v5 =	vshrl.u32 v19, $0x3;
	v19 =	vshrl.u32 v20, $0x3;
	v18 =	vbroadcast v18, $0x0;
	[tilespmem:s2+$0xFFFFFF00] =	vst v10;
	v10 =	vld [tilespmem:s2+$0x90]  }
0x7a: {  	v20 =	vshrl.u32 v21, $0x3;
	v21 =	vshrl.u32 v22, $0x3;
	v22 =	vshrl.u32 v23, $0x3;
	[tilespmem:s2+$0xFFFFFF10] =	vst v11;
	v11 =	vld [tilespmem:s2+$0xA0]  }
0x7b: {  	v16 =	vshll.u32 v16, v0;
	v23 =	vmov s7;
	v5 =	vshll.u32 v5, v0;
	[tilespmem:s2+$0xFFFFFF20] =	vst v12;
	v12 =	vld [tilespmem:s2+$0xB0]  }
0x7c: {  	v19 =	vshll.u32 v19, v0;
	v20 =	vshll.u32 v20, v0;
	v21 =	vshll.u32 v21, v0;
	[tilespmem:s2+$0xFFFFFF30] =	vst v9;
	v9 =	vld [tilespmem:s2+$0xC0]  }
0x7d: {  	v16 =	vadd.s32 $0x1, v16;
	v23 =	vshrl.u32 v23, $0x3;
	v22 =	vshll.u32 v22, v0;
	v25 =	vld [tilespmem:s2+$0xD0]  }
0x7e: {  	v5 =	vadd.s32 $0x2, v5;
	v19 =	vadd.s32 $0x3, v19;
	v20 =	vadd.s32 $0x4, v20;
	v26 =	vld [tilespmem:s2+$0xE0]  }
0x7f: {  	v23 =	vshll.u32 v23, v0;
	v21 =	vadd.s32 $0x5, v21;
	v22 =	vadd.s32 $0x6, v22;
	s2 =	sadd.s32 $0x200, s2;
	v18 =	vld.idx.msk [tilespmem:v18+s13+$0x0], $0xffff  }
0x80: {  	v16 =	vbroadcast v16, $0x0;
	v5 =	vbroadcast v5, $0x0;
	v27 =	vld [tilespmem:s2+$0xF0]  }
0x81: {  	v19 =	vbroadcast v19, $0x0;
	v20 =	vbroadcast v20, $0x0;
	v28 =	vld [tilespmem:s2+$0xFFFFFF00]  }
0x82: {  	v21 =	vbroadcast v21, $0x0;
	v22 =	vbroadcast v22, $0x0;
	v29 =	vld [tilespmem:s2+$0xFFFFFF10]  }
0x83: {  	v7 =	vmul.f32 v7, v4;
	v23 =	vbroadcast v23, $0x0;
	v30 =	vld [tilespmem:s2+$0xFFFFFF20]  }
0x84: {  	v8 =	vmul.f32 v8, v4;
	v4 =	vmul.f32 v17, v4;
	v31 =	vld [tilespmem:s2+$0xFFFFFF30]  }
0x85: {  	v17 =	vld [tilespmem:s2+$0xFFFFFF40];
	v27 =	vmul.f32 v27, v18;
	[tilespmem:s1+$0x10] =	vst v7;
	v7 =	vmul.f32 v14, v3  }
0x86: {  	v14 =	vld.idx.msk [tilespmem:v16+s13+$0x0], $0xffff;
	[tilespmem:s1+$0x20] =	vst v8;
	v8 =	vmul.f32 v15, v3;
	v15 =	vmul.f32 v6, v3  }
0x87: {  	v13 =	vmul.f32 v13, v3;
	v24 =	vmul.f32 v24, v2;
	v16 =	vld.idx.msk [tilespmem:v5+s13+$0x0], $0xffff;
	[tilespmem:s2+$0xF0] =	vst v27  }
0x88: {  	v10 =	vmul.f32 v10, v2;
	v11 =	vmul.f32 v11, v2;
	v6 =	vld.idx.msk [tilespmem:v19+s13+$0x0], $0xffff;
	[tilespmem:s1+$0x30] =	vst v4  }
0x89: {  	v9 =	vmul.f32 v9, v1;
	v4 =	vld.idx.msk [tilespmem:v20+s13+$0x0], $0xffff;
	[tilespmem:s1+$0x40] =	vst v7;
	v7 =	vmul.f32 v12, v2  }
0x8a: {  	v5 =	vmul.f32 v26, v1;
	v3 =	vld.idx.msk [tilespmem:v21+s13+$0x0], $0xffff;
	[tilespmem:s1+$0x50] =	vst v8;
	v8 =	vmul.f32 v25, v1;
	v1 =	vmov v18  }
0x8b: {  	v2 =	vld.idx.msk [tilespmem:v22+s13+$0x0], $0xffff;
	[tilespmem:s1+$0x60] =	vst v15  }
0x8c: {  	v12 =	vmul.f32 v17, v14;
	v15 =	vld.idx.msk [tilespmem:v23+s13+$0x0], $0xffff;
	[tilespmem:s1+$0x70] =	vst v13  }
0x8d: {  	v13 =	vld [tilespmem:s2+$0xFFFFFF50];
	[tilespmem:s1+$0x80] =	vst v24  }
0x8e: {  	[tilespmem:s2+$0xFFFFFF40] =	vst v12;
	v12 =	vld [tilespmem:s2+$0xFFFFFF60]  }
0x8f: {  	v17 =	vld [tilespmem:s2+$0xFFFFFF70];
	[tilespmem:s1+$0x90] =	vst v10  }
0x90: {  	v18 =	vld [tilespmem:s2+$0xFFFFFF80];
	[tilespmem:s1+$0xA0] =	vst v11  }
0x91: {  	v19 =	vld [tilespmem:s2+$0xFFFFFF90];
	[tilespmem:s1+$0xB0] =	vst v7  }
0x92: {  	v10 =	vmul.f32 v28, v15;
	v7 =	vmul.f32 v13, v14;
	v13 =	vld [tilespmem:s2+$0xFFFFFFA0];
	[tilespmem:s1+$0xC0] =	vst v9  }
0x93: {  	v11 =	vmul.f32 v29, v15;
	v20 =	vmul.f32 v12, v14;
	v21 =	vld [tilespmem:s2+$0xFFFFFFB0];
	[tilespmem:s1+$0xD0] =	vst v8  }
0x94: {  	v12 =	vmul.f32 v30, v15;
	[tilespmem:s2+$0xFFFFFF50] =	vst v7;
	v7 =	vmul.f32 v17, v14;
	v8 =	vld [tilespmem:s2+$0xFFFFFFC0]  }
0x95: {  	v9 =	vmul.f32 v31, v15;
	[tilespmem:s2+$0xFFFFFF60] =	vst v20;
	v14 =	vmul.f32 v18, v16;
	v18 =	vld [tilespmem:s2+$0xFFFFFFD0]  }
.Ltmp0:
0x96: {  	[tilespmem:s2+$0xFFFFFF70] =	vst v7;
	v7 =	vmul.f32 v19, v16;
	v15 =	vld [tilespmem:s2+$0xFFFFFFE0];
	(pc) =	sbr.rel @p1 .LBB2_3-.Ltmp0, $4  }
0x97: {  	[tilespmem:s2+$0xFFFFFF80] =	vst v14;
	v17 =	vmul.f32 v13, v16;
	v14 =	vld [tilespmem:s2+$0xFFFFFFF0]  }
0x98: {  	[tilespmem:s2+$0xFFFFFF90] =	vst v7;
	v16 =	vmul.f32 v21, v16;
	v13 =	vld [tilespmem:s2+$0x0]  }
0x99: {  	[tilespmem:s2+$0xFFFFFFA0] =	vst v17;
	v17 =	vmul.f32 v8, v6;
	v7 =	vld [tilespmem:s2+$0x10]  }
0x9a: {  	[tilespmem:s2+$0xFFFFFFB0] =	vst v16;
	v16 =	vmul.f32 v18, v6;
	v8 =	vld [tilespmem:s2+$0x20]  }
0x9b: {  	[tilespmem:s2+$0xFFFFFFC0] =	vst v17  }
0x9c: {  	[tilespmem:s1+$0xE0] =	vst v5  }
0x9d: {  	[tilespmem:s2+$0xFFFFFF00] =	vst v10  }
0x9e: {  	[tilespmem:s2+$0xFFFFFF10] =	vst v11  }
0x9f: {  	[tilespmem:s2+$0xFFFFFF20] =	vst v12  }
0xa0: {  	v15 =	vmul.f32 v15, v6;
	v5 =	vld [tilespmem:s2+$0x40];
	[tilespmem:s2+$0xFFFFFF30] =	vst v9  }
0xa1: {  	[tilespmem:s2+$0xFFFFFFD0] =	vst v16;
	v6 =	vmul.f32 v14, v6;
	v14 =	vld [tilespmem:s2+$0x30]  }
0xa2: {  	v10 =	vld [tilespmem:s2+$0x60];
	[tilespmem:s2+$0xFFFFFFE0] =	vst v15;
	v13 =	vmul.f32 v13, v4  }
0xa3: {  	[tilespmem:s2+$0xFFFFFFF0] =	vst v6;
	v6 =	vld [tilespmem:s2+$0x50];
	v7 =	vmul.f32 v7, v4  }
0xa4: {  	v9 =	vld [tilespmem:s2+$0x80];
	[tilespmem:s2+$0x0] =	vst v13;
	v8 =	vmul.f32 v8, v4  }
0xa5: {  	v11 =	vld [tilespmem:s2+$0x70];
	[tilespmem:s2+$0x10] =	vst v7;
	v5 =	vmul.f32 v5, v3  }
0xa6: {  	v7 =	vld [tilespmem:s2+$0x90];
	v4 =	vmul.f32 v14, v4;
	[tilespmem:s2+$0x20] =	vst v8  }
0xa7: {  	v10 =	vmul.f32 v10, v3;
	v8 =	vld [tilespmem:s2+$0xA0];
	[tilespmem:s2+$0x40] =	vst v5  }
0xa8: {  	v6 =	vmul.f32 v6, v3;
	[tilespmem:s2+$0x30] =	vst v4;
	v4 =	vld [tilespmem:s2+$0xB0]  }
0xa9: {  	v9 =	vmul.f32 v9, v2;
	v5 =	vld [tilespmem:s2+$0xC0];
	[tilespmem:s2+$0x60] =	vst v10  }
0xaa: {  	v3 =	vmul.f32 v11, v3;
	[tilespmem:s2+$0x50] =	vst v6;
	v6 =	vld [tilespmem:s2+$0xD0]  }
0xab: {  	v10 =	vld [tilespmem:s2+$0xE0];
	[tilespmem:s2+$0x80] =	vst v9;
	v7 =	vmul.f32 v7, v2  }
0xac: {  	[tilespmem:s2+$0x70] =	vst v3;
	v3 =	vmul.f32 v8, v2  }
0xad: {  	[tilespmem:s2+$0x90] =	vst v7;
	v2 =	vmul.f32 v4, v2  }
0xae: {  	v4 =	vmul.f32 v5, v1;
	[tilespmem:s2+$0xA0] =	vst v3  }
0xaf: {  	s7 =	smul.u32 $0xC00, s30;
	v3 =	vmul.f32 v6, v1;
	[tilespmem:s2+$0xB0] =	vst v2  }
0xb0: {  	v1 =	vmul.f32 v10, v1;
	[tilespmem:s2+$0xC0] =	vst v4  }
0xb1: {  	s1 =	sshra.s32 s7, $0x2;
	[tilespmem:s2+$0xD0] =	vst v3  }
0xb2: {  	s7 =	simm.s32 @!p0 $0x6;
	s8 =	sadd.s32 $0x2800, s1;
	[tilespmem:s2+$0xE0] =	vst v1  }
0xb3: {  	[spmem:s3] =	stream.indirect.scatter.add.f32 [tilespmem:s17], [sflag:$0x4], $0x40, s8, s16, $0xb8;
	[tilespmem:$0x1D800] =	vst v63  }
0xb4: {  	s6 =	sadd.s32 $0xFFFFFFF8, s29;
	_ =	swait.ge @!p0 [sflag:s7], $0x4000  }
0xb5: {  	s10 =	sadd.s32 $0x109, s6;
	[sflag:s7] =	ssyncset.done @!p0 $0x0  }
0xb6: {  	s0 =	sadd.s32 $0x200, s0;
	s24 =	sadd.s32 $0x10C, s6;
	v2 =	vmov s10;
	[sflag:s7] =	ssyncadd.s32 @!p0 $0xFFFFC000  }
0xb7: {  	v5 =	vmov s24;
	v2 =	vshrl.u32 v2, $0x3;
	[tilespmem:s20], [sflag:$0x3] =	stream.indirect.gather [hbm4b:s5+s16], $0x40, s0, s16, $0xb8;
	[tilespmem:$0x1D800] =	vst v63  }
0xb8: {  	v8 =	vshrl.u32 v5, $0x3;
	v2 =	vshll.u32 v2, v0;
	_ =	swait.ge [sflag:s21], $0x4000  }
0xb9: {  	v8 =	vshll.u32 v8, v0;
	v2 =	vadd.s32 $0x1, v2;
	[sflag:s21] =	ssyncset.done $0x0  }
0xba: {  	v8 =	vadd.s32 $0x4, v8;
	s2 =	simm.s32 $0xB900;
	v2 =	vbroadcast v2, $0x0;
	[sflag:s21] =	ssyncadd.s32 $0xFFFFC000  }
0xbb: {  	v8 =	vbroadcast v8, $0x0;
	v9 =	vld [tilespmem:s2+$0xFFFFFF00]  }
0xbc: {  	v10 =	vld [tilespmem:s2+$0xFFFFFF10]  }
0xbd: {  	v11 =	vld [tilespmem:s2+$0xFFFFFF20]  }
0xbe: {  	v13 =	vld [tilespmem:s2+$0xFFFFFF30]  }
0xbf: {  	v14 =	vld [tilespmem:s2+$0xFFFFFF40]  }
0xc0: {  	v15 =	vld.idx.msk [tilespmem:v2+s13+$0x0], $0xffff  }
0xc1: {  	v8 =	vld.idx.msk [tilespmem:v8+s13+$0x0], $0xffff  }
0xc2: {  	v16 =	vld [tilespmem:s2+$0xFFFFFF70]  }
0xc3: {  	s9 =	sadd.s32 $0x10F, s6;
	v17 =	vld [tilespmem:s2+$0xFFFFFF80]  }
0xc4: {  	v1 =	vmov s9;
	v18 =	vld [tilespmem:s2+$0xFFFFFF90]  }
0xc5: {  	s12 =	sadd.s32 $0x10A, s6;
	v1 =	vshrl.u32 v1, $0x3;
	s8 =	sadd.s32 $0x10B, s6;
	v19 =	vld [tilespmem:s2+$0xFFFFFFA0]  }
0xc6: {  	s9 =	sadd.s32 $0x10E, s6;
	v1 =	vshll.u32 v1, v0;
	v4 =	vmov s8;
	s8 =	sadd.s32 $0x10D, s6;
	s6 =	sadd.s32 $0x108, s6;
	v20 =	vld [tilespmem:s2+$0xFFFFFFB0]  }
0xc7: {  	v1 =	vadd.s32 $0x7, v1;
	v12 =	vmov s6;
	v21 =	vld [tilespmem:s2+$0xFFFFFFC0]  }
0xc8: {  	v3 =	vmov s12;
	v1 =	vbroadcast v1, $0x0;
	v12 =	vshrl.u32 v12, $0x3;
	v22 =	vld [tilespmem:s2+$0xFFFFFFD0]  }
0xc9: {  	v3 =	vshrl.u32 v3, $0x3;
	v6 =	vmov s8;
	v12 =	vshll.u32 v12, v0;
	v23 =	vld [tilespmem:s2+$0xFFFFFFE0]  }
0xca: {  	v3 =	vshll.u32 v3, v0;
	v6 =	vshrl.u32 v6, $0x3;
	v12 =	vbroadcast v12, $0x0;
	v24 =	vld [tilespmem:s2+$0xFFFFFFF0]  }
0xcb: {  	v3 =	vadd.s32 $0x2, v3;
	v6 =	vshll.u32 v6, v0;
	v25 =	vld [tilespmem:s2+$0x0]  }
0xcc: {  	v3 =	vbroadcast v3, $0x0;
	v6 =	vadd.s32 $0x5, v6;
	v26 =	vld [tilespmem:s2+$0x10]  }
0xcd: {  	v6 =	vbroadcast v6, $0x0;
	v27 =	vld [tilespmem:s2+$0x20]  }
0xce: {  	v4 =	vshrl.u32 v4, $0x3;
	v5 =	vld.idx.msk [tilespmem:v1+s13+$0x0], $0xffff  }
0xcf: {  	v1 =	vshll.u32 v4, v0;
	v4 =	vld [tilespmem:s2+$0xF0]  }
0xd0: {  	v12 =	vld.idx.msk [tilespmem:v12+s13+$0x0], $0xffff  }
0xd1: {  	v7 =	vmov s9;
	v28 =	vld [tilespmem:s2+$0x30]  }
0xd2: {  	v7 =	vshrl.u32 v7, $0x3;
	v3 =	vld.idx.msk [tilespmem:v3+s13+$0x0], $0xffff;
	v1 =	vadd.s32 $0x3, v1  }
0xd3: {  	v7 =	vshll.u32 v7, v0;
	v1 =	vbroadcast v1, $0x0;
	v2 =	vld.idx.msk [tilespmem:v6+s13+$0x0], $0xffff;
	v6 =	vmul.f32 v14, v15  }
0xd4: {  	v7 =	vadd.s32 $0x6, v7;
	v14 =	vld [tilespmem:s2+$0xFFFFFF50];
	v4 =	vmul.f32 v4, v5  }
0xd5: {  	v7 =	vbroadcast v7, $0x0;
	v50 =	vld [tilespmem:s2+$0x80];
	[tilespmem:s2+$0xFFFFFF40] =	vst v6;
	v9 =	vmul.f32 v9, v12  }
0xd6: {  	v6 =	vld [tilespmem:s2+$0xFFFFFF60];
	v10 =	vmul.f32 v10, v12;
	[tilespmem:s2+$0xF0] =	vst v4;
	v4 =	vmul.f32 v11, v12  }
0xd7: {  	v53 =	vld [tilespmem:s2+$0xA0];
	v11 =	vmul.f32 v16, v15;
	v12 =	vmul.f32 v13, v12  }
0xd8: {  	s6 =	sadd.s32 $0x0, s29;
	v13 =	vmul.f32 v17, v3;
	v16 =	vld [tilespmem:s2+$0x50];
	v17 =	vmul.f32 v19, v3  }
0xd9: {  	s24 =	sadd.s32 $0x10A, s6;
	s9 =	sadd.s32 $0x10C, s6;
	v1 =	vld.idx.msk [tilespmem:v1+s13+$0x0], $0xffff;
	v14 =	vmul.f32 v14, v15;
	[tilespmem:s2+$0xFFFFFF70] =	vst v11  }
0xda: {  	s10 =	sadd.s32 $0x10F, s6;
	s12 =	sadd.s32 $0x109, s6;
	v52 =	vmov s24;
	v54 =	vmov s9;
	v30 =	vld [tilespmem:s2+$0xB0];
	[tilespmem:s2+$0xFFFFFFA0] =	vst v17  }
0xdb: {  	v31 =	vld [tilespmem:s2+$0xC0];
	v17 =	vmov s12;
	s12 =	sadd.s32 $0x10D, s6;
	v6 =	vmul.f32 v6, v15;
	[tilespmem:s2+$0xFFFFFF50] =	vst v14;
	v14 =	vmov s10  }
0xdc: {  	v56 =	vld [tilespmem:s2+$0xD0];
	v51 =	vmul.f32 v25, v8;
	[tilespmem:s2+$0xFFFFFF80] =	vst v13;
	v29 =	vmov s12;
	v14 =	vshrl.u32 v14, $0x3  }
0xdd: {  	v32 =	vld [tilespmem:s2+$0xE0];
	v16 =	vmul.f32 v16, v2;
	[tilespmem:s2+$0xFFFFFF60] =	vst v6;
	v6 =	vmul.f32 v18, v3;
	v14 =	vshll.u32 v14, v0  }
0xde: {  	v7 =	vld.idx.msk [tilespmem:v7+s13+$0x0], $0xffff;
	[tilespmem:s2+$0xFFFFFF00] =	vst v9;
	v3 =	vmul.f32 v20, v3;
	v11 =	vmul.f32 v21, v1;
	v14 =	vadd.s32 $0x7, v14  }
0xdf: {  	v19 =	vld [tilespmem:s2+$0x70];
	v55 =	vshrl.u32 v29, $0x3;
	v13 =	vmul.f32 v22, v1;
	[tilespmem:s2+$0xFFFFFF90] =	vst v6;
	v6 =	vbroadcast v14, $0x0  }
0xe0: {  	[tilespmem:s2+$0xFFFFFF20] =	vst v4;
	s12 =	simm.s32 $0xBB00;
	v15 =	vld [tilespmem:s2+$0x40];
	v9 =	vshll.u32 v55, v0;
	v49 =	vmul.f32 v23, v1;
	v1 =	vmul.f32 v24, v1  }
0xe1: {  	s10 =	sadd.s32 $0x10B, s6;
	v58 =	vld [tilespmem:s12+$0xF0];
	v23 =	vshrl.u32 v52, $0x3;
	v4 =	vadd.s32 $0x5, v9;
	[tilespmem:s2+$0xFFFFFFC0] =	vst v11;
	v11 =	vshrl.u32 v17, $0x3  }
0xe2: {  	v59 =	vld [tilespmem:s12+$0xFFFFFF00];
	v23 =	vshll.u32 v23, v0;
	[tilespmem:s2+$0xFFFFFFB0] =	vst v3;
	v3 =	vmov s10;
	v11 =	vshll.u32 v11, v0  }
0xe3: {  	[tilespmem:s2+$0xFFFFFF30] =	vst v12;
	v60 =	vld [tilespmem:s12+$0xFFFFFF20];
	v12 =	vbroadcast v4, $0x0;
	v3 =	vshrl.u32 v3, $0x3;
	v11 =	vadd.s32 $0x1, v11  }
0xe4: {  	s24 =	sadd.s32 $0x10E, s6;
	v61 =	vld [tilespmem:s12+$0xFFFFFF30];
	v4 =	vmul.f32 v27, v8;
	[tilespmem:s2+$0xFFFFFFD0] =	vst v13;
	v3 =	vshll.u32 v3, v0;
	v11 =	vbroadcast v11, $0x0  }
0xe5: {  	v17 =	vmov s24;
	v13 =	vshrl.u32 v54, $0x3;
	[tilespmem:s2+$0xFFFFFFF0] =	vst v1;
	v3 =	vadd.s32 $0x3, v3;
	v1 =	vld.idx.msk [tilespmem:v6+s13+$0x0], $0xffff  }
0xe6: {  	[tilespmem:s2+$0x0] =	vst v51;
	v62 =	vld [tilespmem:s12+$0xFFFFFF40];
	v17 =	vshrl.u32 v17, $0x3;
	v3 =	vbroadcast v3, $0x0;
	v6 =	vshll.u32 v13, v0  }
0xe7: {  	[tilespmem:s2+$0xFFFFFF10] =	vst v10;
	v18 =	vld [tilespmem:s2+$0x60];
	v15 =	vmul.f32 v15, v2;
	v10 =	vshll.u32 v17, v0;
	v6 =	vadd.s32 $0x4, v6  }
0xe8: {  	[tilespmem:s2+$0x50] =	vst v16;
	v14 =	vld [tilespmem:s2+$0x90];
	v13 =	vadd.s32 $0x2, v23;
	v9 =	vbroadcast v6, $0x0;
	v6 =	vmul.f32 v26, v8  }
0xe9: {  	v17 =	vld [tilespmem:s12+$0xFFFFFF10];
	v10 =	vadd.s32 $0x6, v10;
	[tilespmem:s2+$0x40] =	vst v15;
	v13 =	vbroadcast v13, $0x0;
	v8 =	vmul.f32 v28, v8  }
0xea: {  	v10 =	vbroadcast v10, $0x0;
	v11 =	vld.idx.msk [tilespmem:v11+s13+$0x0], $0xffff;
	[tilespmem:s2+$0x10] =	vst v6;
	v6 =	vmul.f32 v58, v1  }
0xeb: {  	s6 =	sadd.s32 $0x108, s6;
	v15 =	vld [tilespmem:s12+$0xFFFFFF80];
	[tilespmem:s2+$0x30] =	vst v8  }
0xec: {  	v57 =	vmov s6;
	v8 =	vmul.f32 v18, v2;
	[tilespmem:s12+$0xF0] =	vst v6;
	v6 =	vld.idx.msk [tilespmem:v3+s13+$0x0], $0xffff  }
0xed: {  	v20 =	vshrl.u32 v57, $0x3;
	[tilespmem:s2+$0x20] =	vst v4;
	v3 =	vld.idx.msk [tilespmem:v12+s13+$0x0], $0xffff;
	v12 =	vmul.f32 v14, v7  }
0xee: {  	v20 =	vshll.u32 v20, v0;
	[tilespmem:s2+$0x60] =	vst v8;
	v4 =	vld.idx.msk [tilespmem:v9+s13+$0x0], $0xffff;
	v9 =	vmul.f32 v19, v2  }
0xef: {  	v20 =	vbroadcast v20, $0x0;
	v13 =	vld.idx.msk [tilespmem:v13+s13+$0x0], $0xffff;
	v8 =	vmul.f32 v62, v11;
	[tilespmem:s2+$0x90] =	vst v12  }
0xf0: {  	v2 =	vld.idx.msk [tilespmem:v10+s13+$0x0], $0xffff;
	v10 =	vmul.f32 v50, v7;
	[tilespmem:s2+$0x70] =	vst v9  }
0xf1: {  	v12 =	vmul.f32 v31, v5;
	v9 =	vld [tilespmem:s12+$0xFFFFFF50];
	[tilespmem:s12+$0xFFFFFF40] =	vst v8  }
0xf2: {  	[tilespmem:s2+$0x80] =	vst v10;
	v10 =	vld [tilespmem:s12+$0xFFFFFF60]  }
0xf3: {  	v8 =	vmul.f32 v53, v7;
	[tilespmem:s2+$0xC0] =	vst v12;
	v12 =	vld [tilespmem:s12+$0xFFFFFFB0]  }
0xf4: {  	[tilespmem:s2+$0xFFFFFFE0] =	vst v49;
	v14 =	vld [tilespmem:s12+$0xFFFFFF70];
	v7 =	vmul.f32 v30, v7  }
0xf5: {  	v16 =	vld.idx.msk [tilespmem:v20+s13+$0x0], $0xffff;
	[tilespmem:s2+$0xA0] =	vst v8;
	v8 =	vmul.f32 v56, v5  }
0xf6: {  	v18 =	vld [tilespmem:s12+$0xFFFFFF90];
	[tilespmem:s2+$0xB0] =	vst v7;
	v7 =	vmul.f32 v9, v11  }
0xf7: {  	[tilespmem:s2+$0xD0] =	vst v8;
	v9 =	vld [tilespmem:s12+$0xFFFFFFA0];
	v10 =	vmul.f32 v10, v11  }
0xf8: {  	v8 =	vld [tilespmem:s12+$0xFFFFFFC0];
	v63 =	vmul.f32 v12, v13;
	[tilespmem:s12+$0xFFFFFF50] =	vst v7  }
0xf9: {  	v19 =	vld [tilespmem:s12+$0xFFFFFFD0];
	v7 =	vmul.f32 v14, v11;
	[tilespmem:s12+$0xFFFFFF60] =	vst v10  }
0xfa: {  	v5 =	vmul.f32 v32, v5;
	v11 =	vmul.f32 v15, v13;
	v15 =	vld [tilespmem:s12+$0xFFFFFFE0];
	[tilespmem:s12+$0xFFFFFFB0] =	vst v63  }
0xfb: {  	v12 =	vmul.f32 v60, v16;
	v14 =	vld [tilespmem:s12+$0xFFFFFFF0];
	[tilespmem:s12+$0xFFFFFF70] =	vst v7;
	v7 =	vmul.f32 v18, v13  }
0xfc: {  	v10 =	vmul.f32 v59, v16;
	[tilespmem:s12+$0xFFFFFF80] =	vst v11;
	v18 =	vmul.f32 v9, v13;
	v13 =	vld [tilespmem:s12+$0x0]  }
0xfd: {  	v11 =	vmul.f32 v17, v16;
	v17 =	vmul.f32 v8, v6;
	v8 =	vld [tilespmem:s12+$0x20];
	[tilespmem:s12+$0xFFFFFF90] =	vst v7  }
0xfe: {  	s24 =	simm.s32 $0x8;
	v9 =	vmul.f32 v61, v16;
	v16 =	vmul.f32 v19, v6;
	v7 =	vld [tilespmem:s12+$0x10];
	[tilespmem:s12+$0xFFFFFFA0] =	vst v18  }
.LBB2_5:
0xff: {  	s6 =	sadd.s32 s24, s29;
	s24 =	sadd.s32 $0x8, s24;
	[tilespmem:s12+$0xFFFFFFC0] =	vst v17;
	v15 =	vmul.f32 v15, v6;
	v17 =	vld [tilespmem:s12+$0x30]  }
0x100: {  	s7 =	sadd.s32 $0x109, s6;
	s8 =	sadd.s32 $0x10F, s6;
	p0 =	slt.u32 s24, $0xF8;
	[tilespmem:s12+$0xFFFFFFD0] =	vst v16;
	v6 =	vmul.f32 v14, v6;
	v14 =	vld [tilespmem:s12+$0x40]  }
0x101: {  	s9 =	sadd.s32 $0x10B, s6;
	s10 =	sadd.s32 $0x10C, s6;
	v16 =	vmov s7;
	s7 =	sadd.s32 $0x10A, s6;
	v18 =	vmov s8;
	[tilespmem:s12+$0xFFFFFFE0] =	vst v15;
	v13 =	vmul.f32 v13, v4;
	v15 =	vld [tilespmem:s12+$0x50]  }
0x102: {  	s8 =	sadd.s32 $0x108, s6;
	v20 =	vmov s9;
	v19 =	vmov s7;
	s7 =	sadd.s32 $0x10D, s6;
	s6 =	sadd.s32 $0x10E, s6;
	v18 =	vshrl.u32 v18, $0x3;
	[tilespmem:s12+$0xFFFFFFF0] =	vst v6;
	v6 =	vld [tilespmem:s12+$0x60]  }
0x103: {  	v21 =	vmov s10;
	v22 =	vmov s7;
	v18 =	vshll.u32 v18, v0;
	[tilespmem:s12+$0x0] =	vst v13;
	v13 =	vld [tilespmem:s12+$0x70]  }
0x104: {  	v16 =	vshrl.u32 v16, $0x3;
	v23 =	vmov s6;
	v18 =	vadd.s32 $0x7, v18;
	v24 =	vld [tilespmem:s12+$0x80];
	[tilespmem:s2+$0xE0] =	vst v5;
	s2 =	smov.u32 s12  }
0x105: {  	v5 =	vshrl.u32 v19, $0x3;
	v19 =	vshrl.u32 v20, $0x3;
	v18 =	vbroadcast v18, $0x0;
	[tilespmem:s12+$0xFFFFFF00] =	vst v10;
	v10 =	vld [tilespmem:s12+$0x90]  }
0x106: {  	v20 =	vshrl.u32 v21, $0x3;
	v21 =	vshrl.u32 v22, $0x3;
	v22 =	vshrl.u32 v23, $0x3;
	[tilespmem:s12+$0xFFFFFF10] =	vst v11;
	v11 =	vld [tilespmem:s12+$0xA0]  }
0x107: {  	v16 =	vshll.u32 v16, v0;
	v23 =	vmov s8;
	v5 =	vshll.u32 v5, v0;
	[tilespmem:s12+$0xFFFFFF20] =	vst v12;
	v12 =	vld [tilespmem:s12+$0xB0]  }
0x108: {  	v19 =	vshll.u32 v19, v0;
	v20 =	vshll.u32 v20, v0;
	v21 =	vshll.u32 v21, v0;
	[tilespmem:s12+$0xFFFFFF30] =	vst v9;
	v9 =	vld [tilespmem:s12+$0xC0]  }
0x109: {  	v16 =	vadd.s32 $0x1, v16;
	v23 =	vshrl.u32 v23, $0x3;
	v22 =	vshll.u32 v22, v0;
	v25 =	vld [tilespmem:s12+$0xD0]  }
0x10a: {  	v5 =	vadd.s32 $0x2, v5;
	v19 =	vadd.s32 $0x3, v19;
	v20 =	vadd.s32 $0x4, v20;
	v26 =	vld [tilespmem:s12+$0xE0]  }
0x10b: {  	v23 =	vshll.u32 v23, v0;
	v21 =	vadd.s32 $0x5, v21;
	v22 =	vadd.s32 $0x6, v22;
	s12 =	sadd.s32 $0x200, s12;
	v18 =	vld.idx.msk [tilespmem:v18+s13+$0x0], $0xffff  }
0x10c: {  	v16 =	vbroadcast v16, $0x0;
	v5 =	vbroadcast v5, $0x0;
	v27 =	vld [tilespmem:s12+$0xF0]  }
0x10d: {  	v19 =	vbroadcast v19, $0x0;
	v20 =	vbroadcast v20, $0x0;
	v28 =	vld [tilespmem:s12+$0xFFFFFF00]  }
0x10e: {  	v21 =	vbroadcast v21, $0x0;
	v22 =	vbroadcast v22, $0x0;
	v29 =	vld [tilespmem:s12+$0xFFFFFF10]  }
0x10f: {  	v7 =	vmul.f32 v7, v4;
	v23 =	vbroadcast v23, $0x0;
	v30 =	vld [tilespmem:s12+$0xFFFFFF20]  }
0x110: {  	v8 =	vmul.f32 v8, v4;
	v4 =	vmul.f32 v17, v4;
	v31 =	vld [tilespmem:s12+$0xFFFFFF30]  }
0x111: {  	v17 =	vld [tilespmem:s12+$0xFFFFFF40];
	v27 =	vmul.f32 v27, v18;
	[tilespmem:s2+$0x10] =	vst v7;
	v7 =	vmul.f32 v14, v3  }
0x112: {  	v14 =	vld.idx.msk [tilespmem:v16+s13+$0x0], $0xffff;
	[tilespmem:s2+$0x20] =	vst v8;
	v8 =	vmul.f32 v15, v3;
	v15 =	vmul.f32 v6, v3  }
0x113: {  	v13 =	vmul.f32 v13, v3;
	v24 =	vmul.f32 v24, v2;
	v16 =	vld.idx.msk [tilespmem:v5+s13+$0x0], $0xffff;
	[tilespmem:s12+$0xF0] =	vst v27  }
0x114: {  	v10 =	vmul.f32 v10, v2;
	v11 =	vmul.f32 v11, v2;
	v6 =	vld.idx.msk [tilespmem:v19+s13+$0x0], $0xffff;
	[tilespmem:s2+$0x30] =	vst v4  }
0x115: {  	v9 =	vmul.f32 v9, v1;
	v4 =	vld.idx.msk [tilespmem:v20+s13+$0x0], $0xffff;
	[tilespmem:s2+$0x40] =	vst v7;
	v7 =	vmul.f32 v12, v2  }
0x116: {  	v5 =	vmul.f32 v26, v1;
	v3 =	vld.idx.msk [tilespmem:v21+s13+$0x0], $0xffff;
	[tilespmem:s2+$0x50] =	vst v8;
	v8 =	vmul.f32 v25, v1;
	v1 =	vmov v18  }
0x117: {  	v2 =	vld.idx.msk [tilespmem:v22+s13+$0x0], $0xffff;
	[tilespmem:s2+$0x60] =	vst v15  }
0x118: {  	v12 =	vmul.f32 v17, v14;
	v15 =	vld.idx.msk [tilespmem:v23+s13+$0x0], $0xffff;
	[tilespmem:s2+$0x70] =	vst v13  }
0x119: {  	v13 =	vld [tilespmem:s12+$0xFFFFFF50];
	[tilespmem:s2+$0x80] =	vst v24  }
0x11a: {  	[tilespmem:s12+$0xFFFFFF40] =	vst v12;
	v12 =	vld [tilespmem:s12+$0xFFFFFF60]  }
0x11b: {  	v17 =	vld [tilespmem:s12+$0xFFFFFF70];
	[tilespmem:s2+$0x90] =	vst v10  }
0x11c: {  	v18 =	vld [tilespmem:s12+$0xFFFFFF80];
	[tilespmem:s2+$0xA0] =	vst v11  }
0x11d: {  	v19 =	vld [tilespmem:s12+$0xFFFFFF90];
	[tilespmem:s2+$0xB0] =	vst v7  }
0x11e: {  	v10 =	vmul.f32 v28, v15;
	v7 =	vmul.f32 v13, v14;
	v13 =	vld [tilespmem:s12+$0xFFFFFFA0];
	[tilespmem:s2+$0xC0] =	vst v9  }
0x11f: {  	v11 =	vmul.f32 v29, v15;
	v20 =	vmul.f32 v12, v14;
	v21 =	vld [tilespmem:s12+$0xFFFFFFB0];
	[tilespmem:s2+$0xD0] =	vst v8  }
0x120: {  	v12 =	vmul.f32 v30, v15;
	[tilespmem:s12+$0xFFFFFF50] =	vst v7;
	v7 =	vmul.f32 v17, v14;
	v8 =	vld [tilespmem:s12+$0xFFFFFFC0]  }
0x121: {  	v9 =	vmul.f32 v31, v15;
	[tilespmem:s12+$0xFFFFFF60] =	vst v20;
	v14 =	vmul.f32 v18, v16;
	v18 =	vld [tilespmem:s12+$0xFFFFFFD0]  }
.Ltmp1:
0x122: {  	[tilespmem:s12+$0xFFFFFF70] =	vst v7;
	v7 =	vmul.f32 v19, v16;
	v15 =	vld [tilespmem:s12+$0xFFFFFFE0];
	(pc) =	sbr.rel @p0 .LBB2_5-.Ltmp1, $4  }
0x123: {  	[tilespmem:s12+$0xFFFFFF80] =	vst v14;
	v17 =	vmul.f32 v13, v16;
	v14 =	vld [tilespmem:s12+$0xFFFFFFF0]  }
0x124: {  	[tilespmem:s12+$0xFFFFFF90] =	vst v7;
	v16 =	vmul.f32 v21, v16;
	v13 =	vld [tilespmem:s12+$0x0]  }
0x125: {  	[tilespmem:s12+$0xFFFFFFA0] =	vst v17;
	v17 =	vmul.f32 v8, v6;
	v7 =	vld [tilespmem:s12+$0x10]  }
0x126: {  	[tilespmem:s12+$0xFFFFFFB0] =	vst v16;
	v16 =	vmul.f32 v18, v6;
	v8 =	vld [tilespmem:s12+$0x20]  }
0x127: {  	[tilespmem:s12+$0xFFFFFFC0] =	vst v17  }
0x128: {  	[tilespmem:s2+$0xE0] =	vst v5  }
0x129: {  	[tilespmem:s12+$0xFFFFFF00] =	vst v10  }
0x12a: {  	[tilespmem:s12+$0xFFFFFF10] =	vst v11  }
0x12b: {  	[tilespmem:s12+$0xFFFFFF20] =	vst v12  }
0x12c: {  	v15 =	vmul.f32 v15, v6;
	v5 =	vld [tilespmem:s12+$0x40];
	[tilespmem:s12+$0xFFFFFF30] =	vst v9  }
0x12d: {  	[tilespmem:s12+$0xFFFFFFD0] =	vst v16;
	v6 =	vmul.f32 v14, v6;
	v14 =	vld [tilespmem:s12+$0x30]  }
0x12e: {  	v10 =	vld [tilespmem:s12+$0x60];
	[tilespmem:s12+$0xFFFFFFE0] =	vst v15;
	v13 =	vmul.f32 v13, v4  }
0x12f: {  	[tilespmem:s12+$0xFFFFFFF0] =	vst v6;
	v6 =	vld [tilespmem:s12+$0x50];
	v7 =	vmul.f32 v7, v4  }
0x130: {  	v9 =	vld [tilespmem:s12+$0x80];
	[tilespmem:s12+$0x0] =	vst v13;
	v8 =	vmul.f32 v8, v4  }
0x131: {  	v11 =	vld [tilespmem:s12+$0x70];
	[tilespmem:s12+$0x10] =	vst v7;
	v5 =	vmul.f32 v5, v3  }
0x132: {  	v7 =	vld [tilespmem:s12+$0x90];
	v4 =	vmul.f32 v14, v4;
	[tilespmem:s12+$0x20] =	vst v8  }
0x133: {  	v10 =	vmul.f32 v10, v3;
	v8 =	vld [tilespmem:s12+$0xA0];
	[tilespmem:s12+$0x40] =	vst v5  }
0x134: {  	v6 =	vmul.f32 v6, v3;
	[tilespmem:s12+$0x30] =	vst v4;
	v4 =	vld [tilespmem:s12+$0xB0]  }
0x135: {  	v9 =	vmul.f32 v9, v2;
	v5 =	vld [tilespmem:s12+$0xC0];
	[tilespmem:s12+$0x60] =	vst v10  }
0x136: {  	v3 =	vmul.f32 v11, v3;
	[tilespmem:s12+$0x50] =	vst v6;
	v6 =	vld [tilespmem:s12+$0xD0]  }
0x137: {  	v10 =	vld [tilespmem:s12+$0xE0];
	[tilespmem:s12+$0x80] =	vst v9;
	v7 =	vmul.f32 v7, v2  }
0x138: {  	[tilespmem:s12+$0x70] =	vst v3;
	v3 =	vmul.f32 v8, v2  }
0x139: {  	[tilespmem:s12+$0x90] =	vst v7;
	v2 =	vmul.f32 v4, v2  }
0x13a: {  	v4 =	vmul.f32 v5, v1;
	[tilespmem:s12+$0xA0] =	vst v3  }
0x13b: {  	v3 =	vmul.f32 v6, v1;
	[tilespmem:s12+$0xB0] =	vst v2  }
0x13c: {  	v1 =	vmul.f32 v10, v1;
	[tilespmem:s12+$0xC0] =	vst v4  }
0x13d: {  	[tilespmem:s12+$0xD0] =	vst v3  }
0x13e: {  	s6 =	sadd.s32 $0x2800, s31;
	[tilespmem:s12+$0xE0] =	vst v1  }
0x13f: {  	[spmem:s3] =	stream.indirect.scatter.add.f32 [tilespmem:s18], [sflag:$0x5], $0x40, s6, s16, $0xb8;
	[tilespmem:$0x1D800] =	vst v63  }
0x140: {  	s2 =	sadd.s32 $0xFFFFFFF8, s29;
	_ =	swait.ge [sflag:s22], $0x4000  }
0x141: {  	s1 =	sadd.s32 $0x300, s1;
	s8 =	sadd.s32 $0x209, s2;
	[sflag:s22] =	ssyncset.done $0x0  }
0x142: {  	s24 =	sadd.s32 $0x20D, s2;
	s31 =	sadd.s32 $0x20E, s2;
	v2 =	vmov s8;
	[sflag:s22] =	ssyncadd.s32 $0xFFFFC000  }
0x143: {  	v6 =	vmov s24;
	v2 =	vshrl.u32 v2, $0x3;
	[tilespmem:s17], [sflag:$0x1] =	stream.indirect.gather [hbm4b:s5+s16], $0x40, s1, s16, $0xb8;
	[tilespmem:$0x1D800] =	vst v63  }
0x144: {  	v7 =	vmov s31;
	v6 =	vshrl.u32 v6, $0x3;
	v2 =	vshll.u32 v2, v0;
	_ =	swait.ge [sflag:s23], $0x4000  }
0x145: {  	v7 =	vshrl.u32 v7, $0x3;
	v6 =	vshll.u32 v6, v0;
	v2 =	vadd.s32 $0x1, v2;
	[sflag:s23] =	ssyncset.done $0x0  }
0x146: {  	v7 =	vshll.u32 v7, v0;
	v6 =	vadd.s32 $0x5, v6;
	v2 =	vbroadcast v2, $0x0;
	s1 =	simm.s32 $0xF900;
	[sflag:s23] =	ssyncadd.s32 $0xFFFFC000  }
0x147: {  	v7 =	vadd.s32 $0x6, v7;
	v6 =	vbroadcast v6, $0x0;
	v9 =	vld [tilespmem:s1+$0xFFFFFF00]  }
0x148: {  	v7 =	vbroadcast v7, $0x0;
	v10 =	vld [tilespmem:s1+$0xFFFFFF10]  }
0x149: {  	v11 =	vld [tilespmem:s1+$0xFFFFFF20]  }
0x14a: {  	v13 =	vld [tilespmem:s1+$0xFFFFFF30]  }
0x14b: {  	v14 =	vld [tilespmem:s1+$0xFFFFFF40]  }
0x14c: {  	v15 =	vld.idx.msk [tilespmem:v2+s13+$0x0], $0xffff  }
0x14d: {  	v2 =	vld.idx.msk [tilespmem:v6+s13+$0x0], $0xffff  }
0x14e: {  	v7 =	vld.idx.msk [tilespmem:v7+s13+$0x0], $0xffff  }
0x14f: {  	s7 =	sadd.s32 $0x20F, s2;
	v16 =	vld [tilespmem:s1+$0xFFFFFF70]  }
0x150: {  	v1 =	vmov s7;
	v17 =	vld [tilespmem:s1+$0xFFFFFF80]  }
0x151: {  	s9 =	sadd.s32 $0x20A, s2;
	v1 =	vshrl.u32 v1, $0x3;
	v18 =	vld [tilespmem:s1+$0xFFFFFF90]  }
0x152: {  	s10 =	sadd.s32 $0x20B, s2;
	s12 =	sadd.s32 $0x20C, s2;
	s2 =	sadd.s32 $0x208, s2;
	v1 =	vshll.u32 v1, v0;
	v19 =	vld [tilespmem:s1+$0xFFFFFFA0]  }
0x153: {  	v12 =	vmov s2;
	v1 =	vadd.s32 $0x7, v1;
	v20 =	vld [tilespmem:s1+$0xFFFFFFB0]  }
0x154: {  	v12 =	vshrl.u32 v12, $0x3;
	v1 =	vbroadcast v1, $0x0;
	v21 =	vld [tilespmem:s1+$0xFFFFFFC0]  }
0x155: {  	v3 =	vmov s9;
	v12 =	vshll.u32 v12, v0;
	v22 =	vld [tilespmem:s1+$0xFFFFFFD0]  }
0x156: {  	v3 =	vshrl.u32 v3, $0x3;
	v12 =	vbroadcast v12, $0x0;
	v23 =	vld [tilespmem:s1+$0xFFFFFFE0]  }
0x157: {  	v3 =	vshll.u32 v3, v0;
	v24 =	vld [tilespmem:s1+$0xFFFFFFF0]  }
0x158: {  	v3 =	vadd.s32 $0x2, v3;
	v25 =	vld [tilespmem:s1+$0x0]  }
0x159: {  	v4 =	vmov s10;
	v5 =	vmov s12;
	v3 =	vbroadcast v3, $0x0;
	v26 =	vld [tilespmem:s1+$0x10]  }
0x15a: {  	v4 =	vshrl.u32 v4, $0x3;
	v8 =	vshrl.u32 v5, $0x3;
	v5 =	vld.idx.msk [tilespmem:v1+s13+$0x0], $0xffff  }
0x15b: {  	v8 =	vshll.u32 v8, v0;
	v1 =	vshll.u32 v4, v0;
	v4 =	vld [tilespmem:s1+$0xF0]  }
0x15c: {  	v8 =	vadd.s32 $0x4, v8;
	v12 =	vld.idx.msk [tilespmem:v12+s13+$0x0], $0xffff  }
0x15d: {  	v8 =	vbroadcast v8, $0x0;
	v27 =	vld [tilespmem:s1+$0x20]  }
0x15e: {  	v28 =	vld [tilespmem:s1+$0x30]  }
0x15f: {  	v3 =	vld.idx.msk [tilespmem:v3+s13+$0x0], $0xffff;
	v1 =	vadd.s32 $0x3, v1;
	v6 =	vmul.f32 v14, v15  }
0x160: {  	v1 =	vbroadcast v1, $0x0;
	v14 =	vld [tilespmem:s1+$0xFFFFFF50];
	v4 =	vmul.f32 v4, v5  }
0x161: {  	v50 =	vld [tilespmem:s1+$0x80];
	v9 =	vmul.f32 v9, v12;
	[tilespmem:s1+$0xFFFFFF40] =	vst v6  }
0x162: {  	v10 =	vmul.f32 v10, v12;
	v6 =	vld [tilespmem:s1+$0xFFFFFF60];
	[tilespmem:s1+$0xF0] =	vst v4;
	v4 =	vmul.f32 v11, v12  }
0x163: {  	v8 =	vld.idx.msk [tilespmem:v8+s13+$0x0], $0xffff;
	v11 =	vmul.f32 v16, v15;
	v12 =	vmul.f32 v13, v12  }
0x164: {  	s2 =	sadd.s32 $0x0, s29;
	v53 =	vld [tilespmem:s1+$0xA0];
	v13 =	vmul.f32 v17, v3;
	v17 =	vmul.f32 v19, v3;
	[tilespmem:s1+$0xFFFFFF00] =	vst v9  }
0x165: {  	s10 =	sadd.s32 $0x20A, s2;
	s24 =	sadd.s32 $0x20D, s2;
	v30 =	vld [tilespmem:s1+$0xB0];
	v14 =	vmul.f32 v14, v15;
	[tilespmem:s1+$0xFFFFFF70] =	vst v11  }
0x166: {  	s8 =	sadd.s32 $0x20F, s2;
	v52 =	vmov s10;
	v29 =	vmov s24;
	v1 =	vld.idx.msk [tilespmem:v1+s13+$0x0], $0xffff;
	[tilespmem:s1+$0xFFFFFFA0] =	vst v17  }
0x167: {  	v55 =	vshrl.u32 v29, $0x3;
	v31 =	vld [tilespmem:s1+$0xC0];
	v6 =	vmul.f32 v6, v15;
	[tilespmem:s1+$0xFFFFFF50] =	vst v14;
	v14 =	vmov s8  }
0x168: {  	v56 =	vld [tilespmem:s1+$0xD0];
	v51 =	vmul.f32 v25, v8;
	v9 =	vshll.u32 v55, v0;
	[tilespmem:s1+$0xFFFFFF20] =	vst v4;
	v14 =	vshrl.u32 v14, $0x3  }
0x169: {  	v32 =	vld [tilespmem:s1+$0xE0];
	v4 =	vadd.s32 $0x5, v9;
	[tilespmem:s1+$0xFFFFFF60] =	vst v6;
	v6 =	vmul.f32 v18, v3;
	v14 =	vshll.u32 v14, v0  }
0x16a: {  	s9 =	sadd.s32 $0x209, s2;
	s12 =	sadd.s32 $0x20B, s2;
	v16 =	vld [tilespmem:s1+$0x50];
	[tilespmem:s1+$0xFFFFFF30] =	vst v12;
	v12 =	vbroadcast v4, $0x0;
	v4 =	vmul.f32 v27, v8;
	v14 =	vadd.s32 $0x7, v14  }
0x16b: {  	s31 =	sadd.s32 $0x20E, s2;
	v19 =	vld [tilespmem:s1+$0x70];
	v17 =	vmov s9;
	s8 =	sadd.s32 $0x20C, s2;
	s2 =	sadd.s32 $0x208, s2;
	v11 =	vmul.f32 v21, v1;
	[tilespmem:s1+$0xFFFFFF90] =	vst v6;
	v6 =	vbroadcast v14, $0x0  }
0x16c: {  	[tilespmem:s1+$0xFFFFFF80] =	vst v13;
	v15 =	vld [tilespmem:s1+$0x40];
	v54 =	vmov s8;
	v57 =	vmov s2;
	v3 =	vmul.f32 v20, v3  }
0x16d: {  	s2 =	simm.s32 $0xFB00;
	v18 =	vld [tilespmem:s1+$0x60];
	v13 =	vmul.f32 v22, v1;
	v49 =	vmul.f32 v23, v1;
	[tilespmem:s1+$0xFFFFFFC0] =	vst v11;
	v11 =	vshrl.u32 v17, $0x3  }
0x16e: {  	v1 =	vmul.f32 v24, v1;
	v58 =	vld [tilespmem:s2+$0xF0];
	[tilespmem:s1+$0xFFFFFFB0] =	vst v3;
	v3 =	vmov s12;
	v11 =	vshll.u32 v11, v0  }
0x16f: {  	v23 =	vshrl.u32 v52, $0x3;
	v59 =	vld [tilespmem:s2+$0xFFFFFF00];
	v3 =	vshrl.u32 v3, $0x3;
	v11 =	vadd.s32 $0x1, v11  }
0x170: {  	v60 =	vld [tilespmem:s2+$0xFFFFFF20];
	v23 =	vshll.u32 v23, v0;
	[tilespmem:s1+$0xFFFFFFD0] =	vst v13;
	v3 =	vshll.u32 v3, v0;
	v11 =	vbroadcast v11, $0x0  }
0x171: {  	v17 =	vmov s31;
	v13 =	vshrl.u32 v54, $0x3;
	[tilespmem:s1+$0xFFFFFFF0] =	vst v1;
	v3 =	vadd.s32 $0x3, v3;
	v1 =	vld.idx.msk [tilespmem:v6+s13+$0x0], $0xffff  }
0x172: {  	[tilespmem:s1+$0xFFFFFF10] =	vst v10;
	v61 =	vld [tilespmem:s2+$0xFFFFFF30];
	v17 =	vshrl.u32 v17, $0x3;
	v3 =	vbroadcast v3, $0x0;
	v6 =	vshll.u32 v13, v0  }
0x173: {  	[tilespmem:s1+$0x0] =	vst v51;
	v62 =	vld [tilespmem:s2+$0xFFFFFF40];
	v15 =	vmul.f32 v15, v2;
	v10 =	vshll.u32 v17, v0;
	v6 =	vadd.s32 $0x4, v6  }
0x174: {  	[tilespmem:s1+$0x20] =	vst v4;
	v14 =	vld [tilespmem:s1+$0x90];
	v13 =	vadd.s32 $0x2, v23;
	v9 =	vbroadcast v6, $0x0;
	v6 =	vmul.f32 v26, v8  }
0x175: {  	v17 =	vld [tilespmem:s2+$0xFFFFFF10];
	v10 =	vadd.s32 $0x6, v10;
	[tilespmem:s1+$0x40] =	vst v15;
	v13 =	vbroadcast v13, $0x0;
	v8 =	vmul.f32 v28, v8  }
0x176: {  	v10 =	vbroadcast v10, $0x0;
	v11 =	vld.idx.msk [tilespmem:v11+s13+$0x0], $0xffff;
	[tilespmem:s1+$0x10] =	vst v6;
	v6 =	vmul.f32 v58, v1  }
0x177: {  	v16 =	vmul.f32 v16, v2;
	v15 =	vld [tilespmem:s2+$0xFFFFFF80];
	[tilespmem:s1+$0x30] =	vst v8  }
0x178: {  	v8 =	vmul.f32 v18, v2;
	[tilespmem:s2+$0xF0] =	vst v6;
	v6 =	vld.idx.msk [tilespmem:v3+s13+$0x0], $0xffff  }
0x179: {  	v20 =	vshrl.u32 v57, $0x3;
	[tilespmem:s1+$0x50] =	vst v16;
	v3 =	vld.idx.msk [tilespmem:v12+s13+$0x0], $0xffff;
	v12 =	vmul.f32 v14, v7  }
0x17a: {  	v20 =	vshll.u32 v20, v0;
	[tilespmem:s1+$0x60] =	vst v8;
	v4 =	vld.idx.msk [tilespmem:v9+s13+$0x0], $0xffff;
	v9 =	vmul.f32 v19, v2  }
0x17b: {  	v20 =	vbroadcast v20, $0x0;
	v13 =	vld.idx.msk [tilespmem:v13+s13+$0x0], $0xffff;
	v8 =	vmul.f32 v62, v11;
	[tilespmem:s1+$0x90] =	vst v12  }
0x17c: {  	v2 =	vld.idx.msk [tilespmem:v10+s13+$0x0], $0xffff;
	v10 =	vmul.f32 v50, v7;
	[tilespmem:s1+$0x70] =	vst v9  }
0x17d: {  	v12 =	vmul.f32 v31, v5;
	v9 =	vld [tilespmem:s2+$0xFFFFFF50];
	[tilespmem:s2+$0xFFFFFF40] =	vst v8  }
0x17e: {  	[tilespmem:s1+$0x80] =	vst v10;
	v10 =	vld [tilespmem:s2+$0xFFFFFF60]  }
0x17f: {  	v8 =	vmul.f32 v53, v7;
	[tilespmem:s1+$0xC0] =	vst v12;
	v12 =	vld [tilespmem:s2+$0xFFFFFFB0]  }
0x180: {  	[tilespmem:s1+$0xFFFFFFE0] =	vst v49;
	v14 =	vld [tilespmem:s2+$0xFFFFFF70];
	v7 =	vmul.f32 v30, v7  }
0x181: {  	v16 =	vld.idx.msk [tilespmem:v20+s13+$0x0], $0xffff;
	[tilespmem:s1+$0xA0] =	vst v8;
	v8 =	vmul.f32 v56, v5  }
0x182: {  	v18 =	vld [tilespmem:s2+$0xFFFFFF90];
	[tilespmem:s1+$0xB0] =	vst v7;
	v7 =	vmul.f32 v9, v11  }
0x183: {  	[tilespmem:s1+$0xD0] =	vst v8;
	v9 =	vld [tilespmem:s2+$0xFFFFFFA0];
	v10 =	vmul.f32 v10, v11  }
0x184: {  	v8 =	vld [tilespmem:s2+$0xFFFFFFC0];
	v63 =	vmul.f32 v12, v13;
	[tilespmem:s2+$0xFFFFFF50] =	vst v7  }
0x185: {  	v19 =	vld [tilespmem:s2+$0xFFFFFFD0];
	v7 =	vmul.f32 v14, v11;
	[tilespmem:s2+$0xFFFFFF60] =	vst v10  }
0x186: {  	v5 =	vmul.f32 v32, v5;
	v11 =	vmul.f32 v15, v13;
	v15 =	vld [tilespmem:s2+$0xFFFFFFE0];
	[tilespmem:s2+$0xFFFFFFB0] =	vst v63  }
0x187: {  	v12 =	vmul.f32 v60, v16;
	v14 =	vld [tilespmem:s2+$0xFFFFFFF0];
	[tilespmem:s2+$0xFFFFFF70] =	vst v7;
	v7 =	vmul.f32 v18, v13  }
0x188: {  	v10 =	vmul.f32 v59, v16;
	[tilespmem:s2+$0xFFFFFF80] =	vst v11;
	v18 =	vmul.f32 v9, v13;
	v13 =	vld [tilespmem:s2+$0x0]  }
0x189: {  	v11 =	vmul.f32 v17, v16;
	v17 =	vmul.f32 v8, v6;
	v8 =	vld [tilespmem:s2+$0x20];
	[tilespmem:s2+$0xFFFFFF90] =	vst v7  }
0x18a: {  	s12 =	simm.s32 $0x8;
	v9 =	vmul.f32 v61, v16;
	v16 =	vmul.f32 v19, v6;
	v7 =	vld [tilespmem:s2+$0x10];
	[tilespmem:s2+$0xFFFFFFA0] =	vst v18  }
.LBB2_7:
0x18b: {  	s6 =	sadd.s32 s12, s29;
	s12 =	sadd.s32 $0x8, s12;
	[tilespmem:s2+$0xFFFFFFC0] =	vst v17;
	v15 =	vmul.f32 v15, v6;
	v17 =	vld [tilespmem:s2+$0x30]  }
0x18c: {  	s7 =	sadd.s32 $0x209, s6;
	s8 =	sadd.s32 $0x20F, s6;
	p0 =	slt.u32 s12, $0xF8;
	[tilespmem:s2+$0xFFFFFFD0] =	vst v16;
	v6 =	vmul.f32 v14, v6;
	v14 =	vld [tilespmem:s2+$0x40]  }
0x18d: {  	s9 =	sadd.s32 $0x20B, s6;
	s10 =	sadd.s32 $0x20C, s6;
	v16 =	vmov s7;
	s7 =	sadd.s32 $0x20A, s6;
	v18 =	vmov s8;
	[tilespmem:s2+$0xFFFFFFE0] =	vst v15;
	v13 =	vmul.f32 v13, v4;
	v15 =	vld [tilespmem:s2+$0x50]  }
0x18e: {  	s8 =	sadd.s32 $0x208, s6;
	v20 =	vmov s9;
	v19 =	vmov s7;
	s7 =	sadd.s32 $0x20D, s6;
	s6 =	sadd.s32 $0x20E, s6;
	v18 =	vshrl.u32 v18, $0x3;
	[tilespmem:s2+$0xFFFFFFF0] =	vst v6;
	v6 =	vld [tilespmem:s2+$0x60]  }
0x18f: {  	v21 =	vmov s10;
	v22 =	vmov s7;
	v18 =	vshll.u32 v18, v0;
	[tilespmem:s2+$0x0] =	vst v13;
	v13 =	vld [tilespmem:s2+$0x70]  }
0x190: {  	v16 =	vshrl.u32 v16, $0x3;
	v23 =	vmov s6;
	v18 =	vadd.s32 $0x7, v18;
	v24 =	vld [tilespmem:s2+$0x80];
	[tilespmem:s1+$0xE0] =	vst v5;
	s1 =	smov.u32 s2  }
0x191: {  	v5 =	vshrl.u32 v19, $0x3;
	v19 =	vshrl.u32 v20, $0x3;
	v18 =	vbroadcast v18, $0x0;
	[tilespmem:s2+$0xFFFFFF00] =	vst v10;
	v10 =	vld [tilespmem:s2+$0x90]  }
0x192: {  	v20 =	vshrl.u32 v21, $0x3;
	v21 =	vshrl.u32 v22, $0x3;
	v22 =	vshrl.u32 v23, $0x3;
	[tilespmem:s2+$0xFFFFFF10] =	vst v11;
	v11 =	vld [tilespmem:s2+$0xA0]  }
0x193: {  	v16 =	vshll.u32 v16, v0;
	v23 =	vmov s8;
	v5 =	vshll.u32 v5, v0;
	[tilespmem:s2+$0xFFFFFF20] =	vst v12;
	v12 =	vld [tilespmem:s2+$0xB0]  }
0x194: {  	v19 =	vshll.u32 v19, v0;
	v20 =	vshll.u32 v20, v0;
	v21 =	vshll.u32 v21, v0;
	[tilespmem:s2+$0xFFFFFF30] =	vst v9;
	v9 =	vld [tilespmem:s2+$0xC0]  }
0x195: {  	v16 =	vadd.s32 $0x1, v16;
	v23 =	vshrl.u32 v23, $0x3;
	v22 =	vshll.u32 v22, v0;
	v25 =	vld [tilespmem:s2+$0xD0]  }
0x196: {  	v5 =	vadd.s32 $0x2, v5;
	v19 =	vadd.s32 $0x3, v19;
	v20 =	vadd.s32 $0x4, v20;
	v26 =	vld [tilespmem:s2+$0xE0]  }
0x197: {  	v23 =	vshll.u32 v23, v0;
	v21 =	vadd.s32 $0x5, v21;
	v22 =	vadd.s32 $0x6, v22;
	s2 =	sadd.s32 $0x200, s2;
	v18 =	vld.idx.msk [tilespmem:v18+s13+$0x0], $0xffff  }
0x198: {  	v16 =	vbroadcast v16, $0x0;
	v5 =	vbroadcast v5, $0x0;
	v27 =	vld [tilespmem:s2+$0xF0]  }
0x199: {  	v19 =	vbroadcast v19, $0x0;
	v20 =	vbroadcast v20, $0x0;
	v28 =	vld [tilespmem:s2+$0xFFFFFF00]  }
0x19a: {  	v21 =	vbroadcast v21, $0x0;
	v22 =	vbroadcast v22, $0x0;
	v29 =	vld [tilespmem:s2+$0xFFFFFF10]  }
0x19b: {  	v7 =	vmul.f32 v7, v4;
	v23 =	vbroadcast v23, $0x0;
	v30 =	vld [tilespmem:s2+$0xFFFFFF20]  }
0x19c: {  	v8 =	vmul.f32 v8, v4;
	v4 =	vmul.f32 v17, v4;
	v31 =	vld [tilespmem:s2+$0xFFFFFF30]  }
0x19d: {  	v17 =	vld [tilespmem:s2+$0xFFFFFF40];
	v27 =	vmul.f32 v27, v18;
	[tilespmem:s1+$0x10] =	vst v7;
	v7 =	vmul.f32 v14, v3  }
0x19e: {  	v14 =	vld.idx.msk [tilespmem:v16+s13+$0x0], $0xffff;
	[tilespmem:s1+$0x20] =	vst v8;
	v8 =	vmul.f32 v15, v3;
	v15 =	vmul.f32 v6, v3  }
0x19f: {  	v13 =	vmul.f32 v13, v3;
	v24 =	vmul.f32 v24, v2;
	v16 =	vld.idx.msk [tilespmem:v5+s13+$0x0], $0xffff;
	[tilespmem:s2+$0xF0] =	vst v27  }
0x1a0: {  	v10 =	vmul.f32 v10, v2;
	v11 =	vmul.f32 v11, v2;
	v6 =	vld.idx.msk [tilespmem:v19+s13+$0x0], $0xffff;
	[tilespmem:s1+$0x30] =	vst v4  }
0x1a1: {  	v9 =	vmul.f32 v9, v1;
	v4 =	vld.idx.msk [tilespmem:v20+s13+$0x0], $0xffff;
	[tilespmem:s1+$0x40] =	vst v7;
	v7 =	vmul.f32 v12, v2  }
0x1a2: {  	v5 =	vmul.f32 v26, v1;
	v3 =	vld.idx.msk [tilespmem:v21+s13+$0x0], $0xffff;
	[tilespmem:s1+$0x50] =	vst v8;
	v8 =	vmul.f32 v25, v1;
	v1 =	vmov v18  }
0x1a3: {  	v2 =	vld.idx.msk [tilespmem:v22+s13+$0x0], $0xffff;
	[tilespmem:s1+$0x60] =	vst v15  }
0x1a4: {  	v12 =	vmul.f32 v17, v14;
	v15 =	vld.idx.msk [tilespmem:v23+s13+$0x0], $0xffff;
	[tilespmem:s1+$0x70] =	vst v13  }
0x1a5: {  	v13 =	vld [tilespmem:s2+$0xFFFFFF50];
	[tilespmem:s1+$0x80] =	vst v24  }
0x1a6: {  	[tilespmem:s2+$0xFFFFFF40] =	vst v12;
	v12 =	vld [tilespmem:s2+$0xFFFFFF60]  }
0x1a7: {  	v17 =	vld [tilespmem:s2+$0xFFFFFF70];
	[tilespmem:s1+$0x90] =	vst v10  }
0x1a8: {  	v18 =	vld [tilespmem:s2+$0xFFFFFF80];
	[tilespmem:s1+$0xA0] =	vst v11  }
0x1a9: {  	v19 =	vld [tilespmem:s2+$0xFFFFFF90];
	[tilespmem:s1+$0xB0] =	vst v7  }
0x1aa: {  	v10 =	vmul.f32 v28, v15;
	v7 =	vmul.f32 v13, v14;
	v13 =	vld [tilespmem:s2+$0xFFFFFFA0];
	[tilespmem:s1+$0xC0] =	vst v9  }
0x1ab: {  	v11 =	vmul.f32 v29, v15;
	v20 =	vmul.f32 v12, v14;
	v21 =	vld [tilespmem:s2+$0xFFFFFFB0];
	[tilespmem:s1+$0xD0] =	vst v8  }
0x1ac: {  	v12 =	vmul.f32 v30, v15;
	[tilespmem:s2+$0xFFFFFF50] =	vst v7;
	v7 =	vmul.f32 v17, v14;
	v8 =	vld [tilespmem:s2+$0xFFFFFFC0]  }
0x1ad: {  	v9 =	vmul.f32 v31, v15;
	[tilespmem:s2+$0xFFFFFF60] =	vst v20;
	v14 =	vmul.f32 v18, v16;
	v18 =	vld [tilespmem:s2+$0xFFFFFFD0]  }
.Ltmp2:
0x1ae: {  	[tilespmem:s2+$0xFFFFFF70] =	vst v7;
	v7 =	vmul.f32 v19, v16;
	v15 =	vld [tilespmem:s2+$0xFFFFFFE0];
	(pc) =	sbr.rel @p0 .LBB2_7-.Ltmp2, $4  }
0x1af: {  	[tilespmem:s2+$0xFFFFFF80] =	vst v14;
	v17 =	vmul.f32 v13, v16;
	v14 =	vld [tilespmem:s2+$0xFFFFFFF0]  }
0x1b0: {  	[tilespmem:s2+$0xFFFFFF90] =	vst v7;
	v16 =	vmul.f32 v21, v16;
	v13 =	vld [tilespmem:s2+$0x0]  }
0x1b1: {  	[tilespmem:s2+$0xFFFFFFA0] =	vst v17;
	v17 =	vmul.f32 v8, v6;
	v7 =	vld [tilespmem:s2+$0x10]  }
0x1b2: {  	[tilespmem:s2+$0xFFFFFFB0] =	vst v16;
	v16 =	vmul.f32 v18, v6;
	v8 =	vld [tilespmem:s2+$0x20]  }
0x1b3: {  	[tilespmem:s2+$0xFFFFFFC0] =	vst v17  }
0x1b4: {  	[tilespmem:s1+$0xE0] =	vst v5  }
0x1b5: {  	[tilespmem:s2+$0xFFFFFF00] =	vst v10  }
0x1b6: {  	[tilespmem:s2+$0xFFFFFF10] =	vst v11  }
0x1b7: {  	[tilespmem:s2+$0xFFFFFF20] =	vst v12  }
0x1b8: {  	v15 =	vmul.f32 v15, v6;
	v50 =	vld [tilespmem:s2+$0x30];
	[tilespmem:s2+$0xFFFFFF30] =	vst v9  }
0x1b9: {  	v51 =	vld [tilespmem:s2+$0x40];
	[tilespmem:s2+$0xFFFFFFD0] =	vst v16;
	v49 =	vmul.f32 v14, v6  }
0x1ba: {  	v52 =	vld [tilespmem:s2+$0x50];
	[tilespmem:s2+$0xFFFFFFE0] =	vst v15;
	v13 =	vmul.f32 v13, v4  }
0x1bb: {  	v53 =	vld [tilespmem:s2+$0x60];
	[tilespmem:s2+$0xFFFFFFF0] =	vst v49;
	v7 =	vmul.f32 v7, v4  }
0x1bc: {  	v54 =	vld [tilespmem:s2+$0x70];
	[tilespmem:s2+$0x0] =	vst v13;
	v8 =	vmul.f32 v8, v4  }
0x1bd: {  	v55 =	vld [tilespmem:s2+$0x80];
	v56 =	vmul.f32 v50, v4;
	[tilespmem:s2+$0x10] =	vst v7  }
0x1be: {  	v57 =	vld [tilespmem:s2+$0x90];
	v5 =	vmul.f32 v51, v3;
	[tilespmem:s2+$0x20] =	vst v8  }
0x1bf: {  	v60 =	vld [tilespmem:s2+$0xC0];
	v6 =	vmul.f32 v52, v3;
	[tilespmem:s2+$0x30] =	vst v56  }
0x1c0: {  	v58 =	vld [tilespmem:s2+$0xA0];
	v10 =	vmul.f32 v53, v3;
	[tilespmem:s2+$0x40] =	vst v5  }
0x1c1: {  	v59 =	vld [tilespmem:s2+$0xB0];
	v3 =	vmul.f32 v54, v3;
	[tilespmem:s2+$0x50] =	vst v6  }
0x1c2: {  	v61 =	vld [tilespmem:s2+$0xD0];
	v9 =	vmul.f32 v55, v2;
	[tilespmem:s2+$0x60] =	vst v10  }
0x1c3: {  	v62 =	vld [tilespmem:s2+$0xE0];
	v7 =	vmul.f32 v57, v2;
	[tilespmem:s2+$0x70] =	vst v3  }
0x1c4: {  	v63 =	vmul.f32 v60, v1;
	[tilespmem:s2+$0x80] =	vst v9  }
0x1c5: {  	s30 =	sadd.s32 $0x1, s30;
	v3 =	vmul.f32 v58, v2;
	[tilespmem:s2+$0x90] =	vst v7  }
0x1c6: {  	p0 =	sne.s32 s30, $0xD;
	v2 =	vmul.f32 v59, v2;
	[tilespmem:s2+$0xC0] =	vst v63  }
.Ltmp3:
0x1c7: {  	[tilespmem:s2+$0xA0] =	vst v3;
	v3 =	vmul.f32 v61, v1;
	(pc) =	sbr.rel @p0 .LBB2_2-.Ltmp3, $4  }
0x1c8: {  	[tilespmem:s2+$0xB0] =	vst v2;
	v1 =	vmul.f32 v62, v1  }
0x1c9: {  	[tilespmem:s2+$0xD0] =	vst v3  }
0x1ca: {  	s0 =	sadd.s32 $0x2800, s0;
	s29 =	sadd.s32 $0x300, s29;
	[tilespmem:s2+$0xE0] =	vst v1  }
0x1cb: {  	[spmem:s3] =	stream.indirect.scatter.add.f32 [tilespmem:s20], [sflag:$0x6], $0x40, s0, s16, $0xb8;
	[tilespmem:$0x1D800] =	vst v63  }
0x1cc: {  	s0 =	simm.s32 $0x2700  }
0x1cd: {  	s1 =	simm.s32 $0x2701;
	s2 =	simm.s32 $0x2702;
	s12 =	simm.s32 $0x2703;
	v1 =	vmov s0  }
0x1ce: {  	s24 =	simm.s32 $0x2704;
	s29 =	simm.s32 $0x2705;
	s30 =	simm.s32 $0x2706;
	v2 =	vmov s1;
	v3 =	vmov s2;
	v4 =	vmov s12  }
0x1cf: {  	s31 =	simm.s32 $0x2707;
	v5 =	vmov s24;
	v6 =	vmov s29;
	v7 =	vmov s30  }
0x1d0: {  	v8 =	vmov s31;
	v1 =	vshrl.u32 v1, $0x3;
	v2 =	vshrl.u32 v2, $0x3  }
0x1d1: {  	v3 =	vshrl.u32 v3, $0x3;
	v4 =	vshrl.u32 v4, $0x3;
	v5 =	vshrl.u32 v5, $0x3  }
0x1d2: {  	v6 =	vshrl.u32 v6, $0x3;
	v1 =	vshll.u32 v1, v0;
	v2 =	vshll.u32 v2, v0  }
0x1d3: {  	v3 =	vshll.u32 v3, v0;
	v1 =	vbroadcast v1, $0x0;
	v2 =	vadd.s32 $0x1, v2  }
0x1d4: {  	v4 =	vshll.u32 v4, v0;
	v3 =	vadd.s32 $0x2, v3;
	v2 =	vbroadcast v2, $0x0  }
0x1d5: {  	_ =	swait.ge [sflag:s19], $0x4000;
	v5 =	vshll.u32 v5, v0;
	v4 =	vadd.s32 $0x3, v4;
	v3 =	vbroadcast v3, $0x0  }
0x1d6: {  	[sflag:s19] =	ssyncset.done $0x0;
	v6 =	vshll.u32 v6, v0;
	v5 =	vadd.s32 $0x4, v5;
	v4 =	vbroadcast v4, $0x0  }
0x1d7: {  	s0 =	simm.s32 $0x7900;
	v7 =	vshrl.u32 v7, $0x3;
	[sflag:s19] =	ssyncadd.s32 $0xFFFFC000;
	v6 =	vadd.s32 $0x5, v6;
	v9 =	vbroadcast v5, $0x0  }
0x1d8: {  	v7 =	vshll.u32 v7, v0;
	v12 =	vld [tilespmem:s0+$0xFFFFFF20];
	v5 =	vshrl.u32 v8, $0x3;
	v8 =	vbroadcast v6, $0x0  }
0x1d9: {  	v7 =	vadd.s32 $0x6, v7;
	v10 =	vld.idx.msk [tilespmem:v1+s13+$0x0], $0xffff  }
0x1da: {  	v5 =	vshll.u32 v5, v0;
	v1 =	vbroadcast v7, $0x0;
	v7 =	vld.idx.msk [tilespmem:v2+s13+$0x0], $0xffff  }
0x1db: {  	v5 =	vadd.s32 $0x7, v5;
	v6 =	vld.idx.msk [tilespmem:v3+s13+$0x0], $0xffff  }
0x1dc: {  	v11 =	vbroadcast v5, $0x0;
	v5 =	vld.idx.msk [tilespmem:v4+s13+$0x0], $0xffff  }
0x1dd: {  	v4 =	vld.idx.msk [tilespmem:v9+s13+$0x0], $0xffff  }
0x1de: {  	v3 =	vld.idx.msk [tilespmem:v8+s13+$0x0], $0xffff  }
0x1df: {  	v8 =	vld [tilespmem:s0+$0xF0]  }
0x1e0: {  	v9 =	vld [tilespmem:s0+$0xFFFFFF00]  }
0x1e1: {  	v2 =	vld.idx.msk [tilespmem:v1+s13+$0x0], $0xffff  }
0x1e2: {  	v1 =	vld.idx.msk [tilespmem:v11+s13+$0x0], $0xffff  }
0x1e3: {  	v11 =	vld [tilespmem:s0+$0xFFFFFF10]  }
0x1e4: {  	v13 =	vld [tilespmem:s0+$0xFFFFFF30];
	_ =	sdelay $0x1  }
0x1e5: {  	v14 =	vld [tilespmem:s0+$0xFFFFFF40];
	v9 =	vmul.f32 v9, v10  }
0x1e6: {  	v15 =	vld [tilespmem:s0+$0xFFFFFF50];
	v8 =	vmul.f32 v8, v1  }
0x1e7: {  	v16 =	vld [tilespmem:s0+$0xFFFFFF60];
	[tilespmem:s0+$0xFFFFFF00] =	vst v9;
	v11 =	vmul.f32 v11, v10  }
0x1e8: {  	v9 =	vmul.f32 v13, v10;
	[tilespmem:s0+$0xF0] =	vst v8;
	v8 =	vmul.f32 v12, v10;
	v12 =	vld [tilespmem:s0+$0xFFFFFF70]  }
0x1e9: {  	[tilespmem:s0+$0xFFFFFF10] =	vst v11;
	v11 =	vld [tilespmem:s0+$0xFFFFFF80]  }
0x1ea: {  	v13 =	vmul.f32 v14, v7;
	[tilespmem:s0+$0xFFFFFF30] =	vst v9;
	v10 =	vld [tilespmem:s0+$0xFFFFFF90]  }
0x1eb: {  	v14 =	vmul.f32 v15, v7;
	[tilespmem:s0+$0xFFFFFF20] =	vst v8;
	v8 =	vld [tilespmem:s0+$0xFFFFFFA0]  }
0x1ec: {  	s1 =	simm.s32 $0x0;
	[tilespmem:s0+$0xFFFFFF40] =	vst v13;
	v13 =	vmul.f32 v16, v7;
	v9 =	vld [tilespmem:s0+$0xFFFFFFB0]  }
.LBB2_10:
0x1ed: {  	s2 =	sadd.s32 $0x2708, s1;
	s6 =	sadd.s32 $0x2709, s1;
	[tilespmem:s0+$0xFFFFFF50] =	vst v14;
	v7 =	vmul.f32 v12, v7;
	v12 =	vld [tilespmem:s0+$0xFFFFFFC0]  }
0x1ee: {  	v14 =	vmov s2;
	v15 =	vmov s6;
	s2 =	sadd.s32 $0x270A, s1;
	s6 =	sadd.s32 $0x270B, s1;
	[tilespmem:s0+$0xFFFFFF60] =	vst v13;
	v11 =	vmul.f32 v11, v6;
	v13 =	vld [tilespmem:s0+$0xFFFFFFD0]  }
0x1ef: {  	v16 =	vmov s2;
	v17 =	vmov s6;
	s2 =	sadd.s32 $0x270C, s1;
	s6 =	sadd.s32 $0x270D, s1;
	[tilespmem:s0+$0xFFFFFF70] =	vst v7;
	v7 =	vmul.f32 v10, v6;
	v10 =	vld [tilespmem:s0+$0xFFFFFFE0]  }
0x1f0: {  	v18 =	vmov s2;
	v19 =	vmov s6;
	s2 =	sadd.s32 $0x270E, s1;
	[tilespmem:s0+$0xFFFFFF80] =	vst v11;
	v8 =	vmul.f32 v8, v6;
	v11 =	vld [tilespmem:s0+$0xFFFFFFF0]  }
0x1f1: {  	v14 =	vshrl.u32 v14, $0x3;
	v20 =	vmov s2;
	[tilespmem:s0+$0xFFFFFF90] =	vst v7;
	v6 =	vmul.f32 v9, v6;
	v7 =	vld [tilespmem:s0+$0x0]  }
0x1f2: {  	v9 =	vshrl.u32 v15, $0x3;
	v15 =	vshrl.u32 v16, $0x3;
	[tilespmem:s0+$0xFFFFFFA0] =	vst v8;
	v8 =	vmul.f32 v12, v5;
	v12 =	vld [tilespmem:s0+$0x10]  }
0x1f3: {  	v16 =	vshrl.u32 v17, $0x3;
	v17 =	vshrl.u32 v18, $0x3;
	[tilespmem:s0+$0xFFFFFFB0] =	vst v6;
	v6 =	vmul.f32 v13, v5;
	v13 =	vld [tilespmem:s0+$0x20]  }
0x1f4: {  	v18 =	vshrl.u32 v19, $0x3;
	v19 =	vshrl.u32 v20, $0x3;
	[tilespmem:s0+$0xFFFFFFC0] =	vst v8;
	v8 =	vmul.f32 v10, v5;
	v10 =	vld [tilespmem:s0+$0x30]  }
0x1f5: {  	v14 =	vshll.u32 v14, v0;
	v9 =	vshll.u32 v9, v0;
	[tilespmem:s0+$0xFFFFFFD0] =	vst v6;
	v5 =	vmul.f32 v11, v5;
	v6 =	vld [tilespmem:s0+$0x40]  }
0x1f6: {  	v11 =	vshll.u32 v15, v0;
	v15 =	vshll.u32 v16, v0;
	[tilespmem:s0+$0xFFFFFFE0] =	vst v8;
	v7 =	vmul.f32 v7, v4;
	v8 =	vld [tilespmem:s0+$0x50]  }
0x1f7: {  	v16 =	vshll.u32 v17, v0;
	v17 =	vshll.u32 v18, v0;
	[tilespmem:s0+$0xFFFFFFF0] =	vst v5;
	v5 =	vmul.f32 v12, v4;
	v12 =	vld [tilespmem:s0+$0x60]  }
0x1f8: {  	v14 =	vbroadcast v14, $0x0;
	v18 =	vshll.u32 v19, v0;
	[tilespmem:s0+$0x0] =	vst v7;
	v7 =	vmul.f32 v13, v4;
	v13 =	vld [tilespmem:s0+$0x70]  }
0x1f9: {  	v9 =	vadd.s32 $0x1, v9;
	v11 =	vadd.s32 $0x2, v11;
	[tilespmem:s0+$0x10] =	vst v5;
	v4 =	vmul.f32 v10, v4;
	v5 =	vld [tilespmem:s0+$0x80]  }
0x1fa: {  	v10 =	vadd.s32 $0x3, v15;
	v15 =	vadd.s32 $0x4, v16;
	[tilespmem:s0+$0x20] =	vst v7;
	v6 =	vmul.f32 v6, v3;
	v7 =	vld [tilespmem:s0+$0x90]  }
0x1fb: {  	v9 =	vbroadcast v9, $0x0;
	v16 =	vadd.s32 $0x5, v17;
	[tilespmem:s0+$0x30] =	vst v4;
	v4 =	vmul.f32 v8, v3;
	v8 =	vld [tilespmem:s0+$0xA0]  }
0x1fc: {  	s2 =	sadd.s32 $0x270F, s1;
	s1 =	sadd.s32 $0x8, s1;
	v11 =	vbroadcast v11, $0x0;
	v17 =	vadd.s32 $0x6, v18;
	[tilespmem:s0+$0x40] =	vst v6;
	v6 =	vmul.f32 v12, v3;
	v12 =	vld [tilespmem:s0+$0xB0]  }
0x1fd: {  	p0 =	slt.u32 s1, $0xF8;
	v18 =	vmov s2;
	v10 =	vbroadcast v10, $0x0;
	[tilespmem:s0+$0x50] =	vst v4;
	v3 =	vmul.f32 v13, v3;
	v4 =	vld [tilespmem:s0+$0xC0]  }
0x1fe: {  	v13 =	vbroadcast v15, $0x0;
	v15 =	vshrl.u32 v18, $0x3;
	[tilespmem:s0+$0x60] =	vst v6;
	v5 =	vmul.f32 v5, v2;
	v18 =	vld [tilespmem:s0+$0xD0]  }
0x1ff: {  	v16 =	vbroadcast v16, $0x0;
	v6 =	vshll.u32 v15, v0;
	[tilespmem:s0+$0x70] =	vst v3;
	v3 =	vmul.f32 v7, v2;
	v15 =	vld [tilespmem:s0+$0xE0]  }
0x200: {  	v17 =	vbroadcast v17, $0x0;
	v6 =	vadd.s32 $0x7, v6;
	v14 =	vld.idx.msk [tilespmem:v14+s13+$0x0], $0xffff;
	[tilespmem:s0+$0x80] =	vst v5;
	v5 =	vmul.f32 v8, v2  }
0x201: {  	v8 =	vbroadcast v6, $0x0;
	v7 =	vld.idx.msk [tilespmem:v9+s13+$0x0], $0xffff;
	[tilespmem:s0+$0x90] =	vst v3;
	v2 =	vmul.f32 v12, v2  }
0x202: {  	v6 =	vld.idx.msk [tilespmem:v11+s13+$0x0], $0xffff;
	[tilespmem:s0+$0xA0] =	vst v5;
	v3 =	vmul.f32 v4, v1  }
0x203: {  	v5 =	vld.idx.msk [tilespmem:v10+s13+$0x0], $0xffff;
	[tilespmem:s0+$0xB0] =	vst v2;
	v2 =	vmul.f32 v18, v1  }
0x204: {  	v4 =	vld.idx.msk [tilespmem:v13+s13+$0x0], $0xffff;
	[tilespmem:s0+$0xC0] =	vst v3;
	v1 =	vmul.f32 v15, v1  }
0x205: {  	v3 =	vld.idx.msk [tilespmem:v16+s13+$0x0], $0xffff;
	[tilespmem:s0+$0xD0] =	vst v2  }
0x206: {  	v2 =	vld.idx.msk [tilespmem:v17+s13+$0x0], $0xffff;
	[tilespmem:s0+$0xE0] =	vst v1  }
0x207: {  	s0 =	sadd.s32 $0x200, s0;
	v1 =	vld.idx.msk [tilespmem:v8+s13+$0x0], $0xffff  }
0x208: {  	v8 =	vld [tilespmem:s0+$0xF0]  }
0x209: {  	v9 =	vld [tilespmem:s0+$0xFFFFFF00]  }
0x20a: {  	v10 =	vld [tilespmem:s0+$0xFFFFFF10]  }
0x20b: {  	v11 =	vld [tilespmem:s0+$0xFFFFFF20]  }
0x20c: {  	v13 =	vld [tilespmem:s0+$0xFFFFFF30]  }
0x20d: {  	v15 =	vld [tilespmem:s0+$0xFFFFFF40];
	v8 =	vmul.f32 v8, v1  }
0x20e: {  	v9 =	vmul.f32 v9, v14;
	v16 =	vld [tilespmem:s0+$0xFFFFFF50]  }
0x20f: {  	v10 =	vmul.f32 v10, v14;
	v17 =	vld [tilespmem:s0+$0xFFFFFF60];
	[tilespmem:s0+$0xF0] =	vst v8  }
.Ltmp4:
0x210: {  	[tilespmem:s0+$0xFFFFFF00] =	vst v9;
	v8 =	vmul.f32 v11, v14;
	v12 =	vld [tilespmem:s0+$0xFFFFFF70];
	(pc) =	sbr.rel @p0 .LBB2_10-.Ltmp4, $4  }
0x211: {  	[tilespmem:s0+$0xFFFFFF10] =	vst v10;
	v9 =	vmul.f32 v13, v14;
	v11 =	vld [tilespmem:s0+$0xFFFFFF80]  }
0x212: {  	[tilespmem:s0+$0xFFFFFF20] =	vst v8;
	v13 =	vmul.f32 v15, v7;
	v10 =	vld [tilespmem:s0+$0xFFFFFF90]  }
0x213: {  	[tilespmem:s0+$0xFFFFFF30] =	vst v9;
	v14 =	vmul.f32 v16, v7;
	v8 =	vld [tilespmem:s0+$0xFFFFFFA0]  }
0x214: {  	[tilespmem:s0+$0xFFFFFF40] =	vst v13;
	v13 =	vmul.f32 v17, v7;
	v9 =	vld [tilespmem:s0+$0xFFFFFFB0]  }
0x215: {  	[tilespmem:s0+$0xFFFFFF50] =	vst v14;
	v7 =	vmul.f32 v12, v7;
	v33 =	vld [tilespmem:s0+$0xFFFFFFC0]  }
0x216: {  	v34 =	vld [tilespmem:s0+$0xFFFFFFD0];
	[tilespmem:s0+$0xFFFFFF60] =	vst v13;
	v11 =	vmul.f32 v11, v6  }
0x217: {  	v36 =	vld [tilespmem:s0+$0xFFFFFFE0];
	[tilespmem:s0+$0xFFFFFF70] =	vst v7;
	v35 =	vmul.f32 v10, v6  }
0x218: {  	v37 =	vld [tilespmem:s0+$0xFFFFFFF0];
	[tilespmem:s0+$0xFFFFFF80] =	vst v11;
	v8 =	vmul.f32 v8, v6  }
0x219: {  	v39 =	vld [tilespmem:s0+$0x0];
	[tilespmem:s0+$0xFFFFFF90] =	vst v35;
	v38 =	vmul.f32 v9, v6  }
0x21a: {  	v41 =	vld [tilespmem:s0+$0x10];
	[tilespmem:s0+$0xFFFFFFA0] =	vst v8;
	v40 =	vmul.f32 v33, v5  }
0x21b: {  	v43 =	vld [tilespmem:s0+$0x20];
	v42 =	vmul.f32 v34, v5;
	[tilespmem:s0+$0xFFFFFFB0] =	vst v38  }
0x21c: {  	v45 =	vld [tilespmem:s0+$0x30];
	v44 =	vmul.f32 v36, v5;
	[tilespmem:s0+$0xFFFFFFC0] =	vst v40  }
0x21d: {  	v47 =	vld [tilespmem:s0+$0x40];
	v46 =	vmul.f32 v37, v5;
	[tilespmem:s0+$0xFFFFFFD0] =	vst v42  }
0x21e: {  	v48 =	vld [tilespmem:s0+$0x50];
	v7 =	vmul.f32 v39, v4;
	[tilespmem:s0+$0xFFFFFFE0] =	vst v44  }
0x21f: {  	v50 =	vld [tilespmem:s0+$0x60];
	v49 =	vmul.f32 v41, v4;
	[tilespmem:s0+$0xFFFFFFF0] =	vst v46  }
0x220: {  	v52 =	vld [tilespmem:s0+$0x70];
	v51 =	vmul.f32 v43, v4;
	[tilespmem:s0+$0x0] =	vst v7  }
0x221: {  	v54 =	vld [tilespmem:s0+$0x80];
	v53 =	vmul.f32 v45, v4;
	[tilespmem:s0+$0x10] =	vst v49  }
0x222: {  	v57 =	vld [tilespmem:s0+$0xA0];
	v6 =	vmul.f32 v47, v3;
	[tilespmem:s0+$0x20] =	vst v51  }
0x223: {  	v55 =	vld [tilespmem:s0+$0x90];
	v56 =	vmul.f32 v48, v3;
	[tilespmem:s0+$0x30] =	vst v53  }
0x224: {  	v59 =	vld [tilespmem:s0+$0xB0];
	v58 =	vmul.f32 v50, v3;
	[tilespmem:s0+$0x40] =	vst v6  }
0x225: {  	v60 =	vld [tilespmem:s0+$0xC0];
	v3 =	vmul.f32 v52, v3;
	[tilespmem:s0+$0x50] =	vst v56  }
0x226: {  	v61 =	vld [tilespmem:s0+$0xD0];
	v5 =	vmul.f32 v54, v2;
	[tilespmem:s0+$0x60] =	vst v58  }
0x227: {  	v62 =	vld [tilespmem:s0+$0xE0];
	v63 =	vmul.f32 v57, v2;
	[tilespmem:s0+$0x70] =	vst v3  }
0x228: {  	v3 =	vmul.f32 v55, v2;
	[tilespmem:s0+$0x80] =	vst v5  }
0x229: {  	v2 =	vmul.f32 v59, v2;
	[tilespmem:s0+$0xA0] =	vst v63  }
0x22a: {  	[tilespmem:s0+$0x90] =	vst v3;
	v3 =	vmul.f32 v60, v1  }
0x22b: {  	[tilespmem:s0+$0xB0] =	vst v2;
	v2 =	vmul.f32 v61, v1  }
0x22c: {  	v1 =	vmul.f32 v62, v1;
	[tilespmem:s0+$0xC0] =	vst v3  }
0x22d: {  	[tilespmem:s0+$0xD0] =	vst v2  }
0x22e: {  	s29 =	simm.s32 $0x4F00;
	[tilespmem:s0+$0xE0] =	vst v1  }
0x22f: {  	[spmem:s3] =	stream.indirect.scatter.add.f32 [tilespmem:s17], [sflag:$0x4], $0x40, s29, s16, $0xb8;
	[tilespmem:$0x1D800] =	vst v63  }
0x230: {  	_ =	swait.ge [sflag:s25], $0x4000  }
0x231: {  	[sflag:s25] =	ssyncset.done $0x0  }
0x232: {  	[sflag:s25] =	ssyncadd.s32 $0xFFFFC000  }
0x233: {  	_ =	swait.ge [sflag:s26], $0x4000  }
0x234: {  	[sflag:s26] =	ssyncset.done $0x0  }
0x235: {  	[sflag:s26] =	ssyncadd.s32 $0xFFFFC000  }
0x236: {  	_ =	swait.ge [sflag:s22], $0x4000  }
0x237: {  	[sflag:s22] =	ssyncset.done $0x0  }
0x238: {  	[sflag:s22] =	ssyncadd.s32 $0xFFFFC000  }
0x239: {  	[bflag:$0x0] =	sbarrier.arrive $0xFFFF  }
0x23a: {  	s30 =	rddreg [dreg:$0x7]  }
0x23b: {  	[hbm:s30], [sflag:s14] =	dma.local [spmem:s15], $0x1400  }
0x23c: {  	_ =	swait.ge [sflag:s11], $0x1400  }
0x23d: {  	s28 =	sadd.s32 $0x1, s28;
	s31 =	rddreg [dreg:$0x8]  }
0x23e: {  	p0 =	sne.s32 s28, s31  }
.Ltmp5:
0x23f: {  	_ = 	snop;
	(pc) =	sbr.rel @p0 .LBB2_1-.Ltmp5, $3  }
0x240: {  	_ =	sdelay $0x1  }
0x241: {  	[sflag:s11] =	ssyncset.done $0x0  }
0x242: {  	[sflag:s11] =	ssyncadd.s32 $0xFFFFEC00  }
0x243: {  	_ =	sfence.sel $0x180000  }
0x244: {  	[bflag:$0x0] =	sbarrier.arrive $0xFFFF  }
0x245: {  	_ =	strace $0x9000004A  }
0x246: {  	s0 =	stileid.u32;
	[bflag:$0x2] =	sbarrier.arrive $0xFFFF  }
0x247: {  	p0 =	sne.s32 s0, $0x0;
	s0 =	rddreg [dreg:$0x3]  }
0x248: {  	s0 =	sadd.s32 @!p0 $0x100000, s0  }
0x249: {  	[sflag:s0] =	ssyncadd.tile.s32 @!p0 $0x1;
	_ =	shalt  }
.Lfunc_end2:
_tile_overlayer_lowered:
.L_overlay_start_2:
0x24a: {  	(tag) =	ssettag $0x2  }
0x24b: {  	s0 =	rddreg [dreg:$0x0];
	s2 =	stileid.u32  }
0x24c: {  	s1 =	rddreg [dreg:$0x1];
	p0 =	sne.s32 s2, $0x0  }
0x24d: {  	s3 =	rddreg [dreg:$0x2];
	[bflag:$0x3] =	sbarrier.arrive $0xFFFF;
	s2 =	simm.s32 @!p0 $0x1C07  }
0x24e: {  	[timem:s3], [sflag:s2] =	dma.local @!p0 [hbm:s0], s1  }
0x24f: {  	s0 =	simm.s32 @!p0 $0x7  }
0x250: {  	_ =	swait.ge @!p0 [sflag:s0], s1  }
0x251: {  	s1 =	ssub.s32 @!p0 $0x0, s1;
	[sflag:s0] =	ssyncset.done @!p0 $0x0  }
0x252: {  	[sflag:s0] =	ssyncadd.s32 @!p0 s1  }
0x253: {  	[bflag:$0x3] =	sbarrier.arrive $0xFFFF  }
0x254: {  	_ =	shalt  }

// kernel: kernel.16.cloned.1.call-start
scs
__scs_entry_jumppad:
0x0: {  	(pc) =	sbr.rel $0x88, $3  }
0x1: {  	(tag) =	ssettag $0x0;
	lr =	simm.s32 $0x1  }
0x2: {  	[smem:$0x3F92] =	sst lr;
	_ =	strace $0xD0000000  }
0x3: {  	_ = 	snop  }
0x4: {  	_ = 	snop  }
0x5: {  	_ = 	snop  }
0x6: {  	_ = 	snop  }
0x7: {  	_ = 	snop  }
__scs_overlays_trampoline_lowered:
0x8: {  	[smem:$0x3FA1] =	sst s0  }
0x9: {  	[smem:$0x3FA2] =	sst s1  }
0xa: {  	[smem:$0x3FA3] =	sst s2  }
0xb: {  	[smem:$0x3FA4] =	sst s3  }
0xc: {  	[smem:$0x3FA5] =	sst s4  }
0xd: {  	[smem:$0x3FA6] =	sst s5  }
0xe: {  	[smem:$0x3FA7] =	sst s6  }
0xf: {  	[smem:$0x3FA8] =	sst s7  }
0x10: {  	[smem:$0x3FA9] =	sst s8  }
0x11: {  	[smem:$0x3FAA] =	sst s9;
	s0 =	simm.s32 @!p0 $0x0  }
0x12: {  	s1 =	sld [smem:$0x3F90];
	s0 =	simm.s32 @p0 $0x1  }
0x13: {  	[smem:$0x3FAB] =	sst s0;
	s0 =	simm.s32 @!p1 $0x0  }
0x14: {  	s2 =	sld [smem:$0x3F8F];
	s0 =	simm.s32 @p1 $0x1  }
0x15: {  	[smem:$0x3FAC] =	sst s0;
	s0 =	simm.s32 @!p2 $0x0  }
0x16: {  	s3 =	sld [smem:$0x3FDB];
	s0 =	simm.s32 @p2 $0x1  }
0x17: {  	s4 =	simm.s32 $0x1BF5;
	[smem:$0x3FAE] =	sst s0  }
0x18: {  	s0 =	sld [smem:$0x3F91];
	_ =	swait.ge [sflag:s4], $0x0  }
0x19: {  	s7 =	sld [smem:$0x3F92]  }
0x1a: {  	s8 =	sadd.s32 $0xFFFFE003, lr  }
0x1b: {  	s9 =	sadd.s32 $0xFFFFFEF7, lr;
	s5 =	simm.s32 $0xFFFFFFFF;
	p2 =	slt.u32 s8, $0xFFFFF086  }
0x1c: {  	p1 =	slt.u32 s9, $0xF7A;
	s5 =	simm.s32 @!p2 $0x0  }
0x1d: {  	s5 =	simm.s32 @p1 $0x1;
	p0 =	seq.s32 s7, s2  }
0x1e: {  	s7 =	smul.u32 @!p0 $0xF7A, s2;
	p2 =	seq.s32 @!p0 s5, $0x0  }
0x1f: {  	s9 =	smul.u32 $0xF7A, s1;
	s8 =	simm.s32 @!p0 $0x1BF5;
	p2 =	por !p2, p0  }
0x20: {  	[sflag:s8] =	ssyncset.s32 @!p0 $0xFFFFF086;
	s6 =	sadd.s32 @!p0 s3, s7;
	s7 =	simm.s32 @!p0 $0x108  }
0x21: {  	s3 =	sadd.s32 s3, s9;
	s6 =	sadd.s32 @!p0 $0x88, s6;
	s7 =	simm.s32 @p2 $0x1082  }
0x22: {  	[simem:s7], [sflag:s8] =	dma.local @!p0 [hbm:s6], $0xF7A  }
0x23: {  	s9 =	sor.u32 $0xD0000000, s2;
	s6 =	simm.s32 $0x108;
	_ =	swait.ge @!p0 [sflag:s8], $0x0  }
0x24: {  	s3 =	sadd.s32 $0x88, s3;
	s6 =	simm.s32 @!p1 $0x1082;
	[sflag:s4] =	ssyncset.s32 $0xFFFFF086  }
0x25: {  	[simem:s6], [sflag:s4] =	dma.local [hbm:s3], $0xF7A  }
0x26: {  	[smem:$0x3F92] =	sst s1;
	(tag) =	ssettag s2;
	_ =	strace s9  }
0x27: {  	s1 =	sld [smem:$0x3FA2]  }
0x28: {  	s2 =	sld [smem:$0x3FA3]  }
0x29: {  	s4 =	sld [smem:$0x3FA5]  }
0x2a: {  	p0 =	seq.s32 s5, $0x0;
	s5 =	sld [smem:$0x3FA6]  }
0x2b: {  	s6 =	sld [smem:$0x3FA7]  }
0x2c: {  	s7 =	sld [smem:$0x3FA8]  }
0x2d: {  	s3 =	simm.s32 $0x108;
	s8 =	sld [smem:$0x3FA9]  }
0x2e: {  	s3 =	simm.s32 @!p0 $0x1082;
	s9 =	sld [smem:$0x3FAA]  }
0x2f: {  	lr =	sadd.s32 s0, s3;
	s0 =	sld [smem:$0x3FA1]  }
0x30: {  	s3 =	sld [smem:$0x3FA4]  }
0x31: {  	[smem:$0x3FAD] =	sst s10  }
0x32: {  	s10 =	sld [smem:$0x3FAB];
	_ =	sdelay $0x3  }
0x33: {  	p0 =	seq.s32 s10, $0x1;
	s10 =	sld [smem:$0x3FAD];
	_ =	sdelay $0x3  }
0x34: {  	[smem:$0x3FAD] =	sst s10  }
0x35: {  	s10 =	sld [smem:$0x3FAC];
	_ =	sdelay $0x3  }
0x36: {  	p1 =	seq.s32 s10, $0x1;
	s10 =	sld [smem:$0x3FAD];
	_ =	sdelay $0x3  }
0x37: {  	[smem:$0x3FAD] =	sst s10  }
0x38: {  	s10 =	sld [smem:$0x3FAE]  }
0x39: {  	_ = 	snop;
	(pc) =	sbr.ind lr, $3  }
0x3a: {  	_ = 	snop  }
0x3b: {  	_ = 	snop  }
0x3c: {  	p2 =	seq.s32 s10, $0x1;
	s10 =	sld [smem:$0x3FAD]  }
0x3d: {  	_ =	shalt  }
0x3e: {  	_ =	shalt  }
0x3f: {  	_ =	shalt  }
0x40: {  	_ =	shalt  }
0x41: {  	_ =	shalt  }
0x42: {  	_ =	shalt  }
0x43: {  	_ =	shalt  }
0x44: {  	_ =	shalt  }
0x45: {  	_ =	shalt  }
0x46: {  	_ =	shalt  }
0x47: {  	_ =	shalt  }
0x48: {  	_ =	shalt  }
0x49: {  	_ =	shalt  }
0x4a: {  	_ =	shalt  }
0x4b: {  	_ =	shalt  }
0x4c: {  	_ =	shalt  }
0x4d: {  	_ =	shalt  }
0x4e: {  	_ =	shalt  }
0x4f: {  	_ =	shalt  }
0x50: {  	_ =	shalt  }
0x51: {  	_ =	shalt  }
0x52: {  	_ =	shalt  }
0x53: {  	_ =	shalt  }
0x54: {  	_ =	shalt  }
0x55: {  	_ =	shalt  }
0x56: {  	_ =	shalt  }
0x57: {  	_ =	shalt  }
0x58: {  	_ =	shalt  }
0x59: {  	_ =	shalt  }
0x5a: {  	_ =	shalt  }
0x5b: {  	_ =	shalt  }
0x5c: {  	_ =	shalt  }
0x5d: {  	_ =	shalt  }
0x5e: {  	_ =	shalt  }
0x5f: {  	_ =	shalt  }
0x60: {  	_ =	shalt  }
0x61: {  	_ =	shalt  }
0x62: {  	_ =	shalt  }
0x63: {  	_ =	shalt  }
0x64: {  	_ =	shalt  }
0x65: {  	_ =	shalt  }
0x66: {  	_ =	shalt  }
0x67: {  	_ =	shalt  }
0x68: {  	_ =	shalt  }
0x69: {  	_ =	shalt  }
0x6a: {  	_ =	shalt  }
0x6b: {  	_ =	shalt  }
0x6c: {  	_ =	shalt  }
0x6d: {  	_ =	shalt  }
0x6e: {  	_ =	shalt  }
0x6f: {  	_ =	shalt  }
0x70: {  	_ =	shalt  }
0x71: {  	_ =	shalt  }
0x72: {  	_ =	shalt  }
0x73: {  	_ =	shalt  }
0x74: {  	_ =	shalt  }
0x75: {  	_ =	shalt  }
0x76: {  	_ =	shalt  }
0x77: {  	_ =	shalt  }
0x78: {  	_ =	shalt  }
0x79: {  	_ =	shalt  }
0x7a: {  	_ =	shalt  }
0x7b: {  	_ =	shalt  }
0x7c: {  	_ =	shalt  }
0x7d: {  	_ =	shalt  }
0x7e: {  	_ =	shalt  }
0x7f: {  	_ =	shalt  }
0x80: {  	_ =	shalt  }
0x81: {  	_ =	shalt  }
0x82: {  	_ =	shalt  }
0x83: {  	_ =	shalt  }
0x84: {  	_ =	shalt  }
0x85: {  	_ =	shalt  }
0x86: {  	_ =	shalt  }
0x87: {  	_ =	shalt  }
.Lfunc_end0:
.L_simem_size_0:
called_computation.2_lowered:
.L_overlay_start_0:
0x88: {  	s2 =	sld [smem:$0x3FD9]  }
0x89: {  	s3 =	sld [smem:$0x3FFE];
	_ =	sdelay $0x1  }
0x8a: {  	s1 =	srdreg.scid  }
0x8b: {  	s0 =	sand.u32 $0x1, s1  }
0x8c: {  	s17 =	sshll.u32 s0, $0xA;
	s2 =	sadd.s32 s3, s2  }
0x8d: {  	s2 =	sadd.s32 s2, s17  }
0x8e: {  	[smem:$0x3FB9] =	sst s2  }
0x8f: {  	_ = 	snop  }
0x90: {  	s2 =	sld [smem:$0x3FD0];
	(tm) =	ssettm $0x1  }
0x91: {  	s18 =	sld [smem:$0x3FFB];
	_ =	sdelay $0x3  }
0x92: {  	_ =	strace s18  }
0x93: {  	s3 =	sld [smem:$0x3FFC];
	_ =	sdelay $0x3  }
0x94: {  	_ =	strace s3  }
0x95: {  	s3 =	sld [smem:$0x3FFD];
	_ =	sdelay $0x3  }
0x96: {  	_ =	strace s3  }
0x97: {  	_ =	strace $0x8FFFFFFF  }
0x98: {  	s19 =	sld [smem:$0x3FDB];
	_ =	sdelay $0x1  }
0x99: {  	s4 =	simm.s32 $_scs_section_size  }
0x9a: {  	s5 =	simm.s32 $_size__tile_overlayer_lowered;
	s6 =	simm.s32 $_tile_overlayer_lowered  }
0x9b: {  	s22 =	simm.s32 $0x1BFF;
	s21 =	sshll.u32 s6, $0x1;
	s3 =	sadd.s32 s4, s19  }
0x9c: {  	s7 =	simm.s32 $0x0;
	s20 =	sshll.u32 s5, $0x1;
	s5 =	sadd.s32 s21, s3  }
0x9d: {  	[timem:s7], [sflag:s22] =	dma.local [hbm:s5], s20  }
0x9e: {  	_ =	swait.ge [sflag:s22], s20  }
0x9f: {  	s4 =	ssub.s32 $0x0, s20;
	[sflag:s22] =	ssyncset.done $0x0  }
0xa0: {  	[sflag:s22] =	ssyncadd.s32 s4;
	_ =	sdelay $0x1  }
0xa1: {  	s23 =	simm.s32 $0x1B8B  }
0xa2: {  	_ =	swait.ge [sflag:s23], $0x1  }
0xa3: {  	[sflag:s23] =	ssyncset.done $0x0  }
0xa4: {  	s25 =	simm.s32 $0x1B8E;
	s24 =	sld [smem:$0x3FFE];
	[sflag:s23] =	ssyncadd.s32 $0xFFFFFFFF  }
0xa5: {  	s26 =	simm.s32 $execute0_lowered;
	[smem:$0x3FD2] =	sst s25  }
0xa6: {  	s5 =	sshll.u32 s26, $0x1;
	_ =	strace $0x8000004C;
	[dreg:$0x1] =	wrdreg $0xFFFFFFFF  }
0xa7: {  	s28 =	simm.s32 $_size_execute0_lowered;
	s3 =	sadd.s32 s3, s5;
	[dreg:$0x0] =	wrdreg $0x0  }
0xa8: {  	s5 =	sshll.u32 s28, $0x1;
	[dreg:$0x2] =	wrdreg s3  }
0xa9: {  	[dreg:$0x3] =	wrdreg s5  }
0xaa: {  	[dreg:$0x4] =	wrdreg $0xC0  }
0xab: {  	_ =	task [dreg:s7], $0x5FFFF  }
0xac: {  	[dreg:$0x1] =	wrdreg $0xFFFFFFFF  }
0xad: {  	[dreg:$0x0] =	wrdreg $0x60  }
0xae: {  	[dreg:$0x2] =	wrdreg s24  }
0xaf: {  	[dreg:$0x3] =	wrdreg s2  }
0xb0: {  	[dreg:$0x4] =	wrdreg $0x138000  }
0xb1: {  	[dreg:$0x5] =	wrdreg $0x9  }
0xb2: {  	_ =	task.clear_ibuf [dreg:s7], $0x6FFFF;
	_ =	strace $0x9000004C  }
0xb3: {  	s29 =	simm.s32 $0x9;
	_ =	strace $0x8000004E  }
0xb4: {  	_ =	swait.ge [sflag:s29], $0x1  }
0xb5: {  	[sflag:s29] =	ssyncadd.s32 $0xFFFFFFFF  }
0xb6: {  	_ =	strace $0x9000004E  }
0xb7: {  	_ =	sfence  }
0xb8: {  	s30 =	sld [smem:$0x0];
	_ =	sdelay $0x2  }
0xb9: {  	s31 =	sshll.u32 s1, $0xD;
	s1 =	sshrl.u32 s1, $0x2  }
0xba: {  	s3 =	sand.u32 $0x4000, s31;
	s1 =	sadd.s32 s1, s30  }
0xbb: {  	s0 =	sor.u32 s3, s0;
	s1 =	sshll.u32 s1, $0x11  }
0xbc: {  	s0 =	sor.u32 s1, s0  }
0xbd: {  	s0 =	sadd.s32 $0x8F2B, s0  }
0xbe: {  	[sflag:s0] =	ssyncadd.remote.s32 $0x1  }
0xbf: {  	_ =	sfence.sel $0xFFFF  }
0xc0: {  	[dreg:$0x0] =	wrdreg $0xFFFFFFFF;
	(pc) =	sbr.abs _section_cstart, $3  }
0xc1: {  	[dreg:$0x1] =	wrdreg $0xFFFFFFFF  }
0xc2: {  	_ =	task.clear_ibuf [dreg:s7], $0x2FFFF;
	_ =	strace $0x9FFFFFFF  }
0xc3: {  	(tm) =	ssettm $0x7FFFFFFF  }
tec
execute0_lowered:
.L_overlay_start_1:
0x0: {  	(tag) =	ssettag $0x1  }
0x1: {  	s0 =	rddreg [dreg:$0x0]  }
0x2: {  	s3 =	rddreg [dreg:$0x2];
	s1 =	srdreg.scid  }
0x3: {  	s10 =	stileid.u32;
	s4 =	simm.s32 $0x0;
	s11 =	simm.s32 $0x7  }
0x4: {  	s13 =	simm.s32 $0x5000;
	s16 =	simm.s32 $0x100;
	s17 =	simm.s32 $0x7800  }
0x5: {  	s18 =	simm.s32 $0xB800;
	s19 =	simm.s32 $0x1;
	s20 =	simm.s32 $0xF800  }
0x6: {  	s21 =	simm.s32 $0x2;
	s22 =	simm.s32 $0x4;
	s23 =	simm.s32 $0x3  }
0x7: {  	s28 =	simm.s32 $0x0;
	s1 =	sand.u32 $0x1, s1;
	s2 =	smul.u32 $0xA000, s10  }
0x8: {  	[smem:$0x7FF] =	sst s4;
	s31 =	sshll.u32 s10, $0x6;
	s5 =	sshll.u32 s1, $0x4  }
0x9: {  	s6 =	smul.u32 $0xA0000, s1;
	s1 =	ssub.s32 $0x2, s1;
	s5 =	sor.u32 s10, s5  }
0xa: {  	_ =	strace $0x8000004D;
	s8 =	sshrl.u32 s1, $0x1;
	s7 =	smul.u32 $0x500, s5  }
0xb: {  	s14 =	sor.u32 $0x1C07, s31;
	s6 =	sadd.s32 s2, s6;
	s1 =	ssub.s32 s1, s8  }
0xc: {  	s5 =	sadd.s32 $0x2AA00, s0;
	s30 =	smax.u32 s1, $0x1;
	s9 =	sadd.s32 s7, s0  }
0xd: {  	s2 =	sadd.s32 s2, s3;
	[dreg:$0x8] =	wrdreg s30;
	s25 =	sadd.s32 $0xC400, s9  }
0xe: {  	s6 =	sshrl.u32 s6, $0x3;
	s26 =	sadd.s32 $0x2400, s9;
	[dreg:$0x4] =	wrdreg s25  }
0xf: {  	s0 =	sadd.s32 s6, s0;
	s29 =	sadd.s32 $0x20A00, s9;
	[dreg:$0x5] =	wrdreg s26  }
0x10: {  	v0 =	vimm.s32 $0x0;
	vm0 =	vcmask $0x300;
	s15 =	sshrl.u32 s2, $0x3;
	s0 =	sadd.s32 $0x3E400, s0;
	[dreg:$0x6] =	wrdreg s29  }
0x11: {  	v0 =	vsel vm0, $0x3, v0;
	[dreg:$0x7] =	wrdreg s0;
	s25 =	simm.s32 $0x5;
	s26 =	simm.s32 $0x6  }
.LBB2_1:
0x12: {  	s0 =	rddreg [dreg:$0x4]  }
0x13: {  	[tilespmem:s4], [sflag:$0x7] =	stream.linear.gather [hbm4b:s0+s4], $0x2800, $0x38;
	[tilespmem:$0x1D800] =	vst v63  }
0x14: {  	_ =	swait.ge [sflag:s11], $0x2800  }
0x15: {  	[sflag:s11] =	ssyncset.done $0x0  }
0x16: {  	s1 =	simm.s32 $0x2800;
	s12 =	rddreg [dreg:$0x5];
	[sflag:s11] =	ssyncadd.s32 $0xFFFFD800  }
0x17: {  	[tilespmem:s1], [sflag:$0x7] =	stream.linear.gather [hbm4b:s12+s4], $0x2800, $0x38;
	[tilespmem:$0x1D800] =	vst v63  }
0x18: {  	_ =	swait.ge [sflag:s11], $0x2800  }
0x19: {  	[sflag:s11] =	ssyncset.done $0x0  }
0x1a: {  	s24 =	rddreg [dreg:$0x6];
	[sflag:s11] =	ssyncadd.s32 $0xFFFFD800  }
0x1b: {  	[tilespmem:s13], [sflag:$0x7] =	stream.linear.gather [hbm4b:s24+s4], $0x2800, $0x38;
	[tilespmem:$0x1D800] =	vst v63  }
0x1c: {  	_ =	swait.ge [sflag:s11], $0x2800  }
0x1d: {  	[sflag:s11] =	ssyncset.done $0x0  }
0x1e: {  	[sflag:s11] =	ssyncadd.s32 $0xFFFFD800  }
0x1f: {  	s31 =	rddreg [dreg:$0x1]  }
0x20: {  	[spmem:s15], [sflag:s14] =	dma.local [hbm:s31], $0x1400  }
0x21: {  	_ =	swait.ge [sflag:s11], $0x1400  }
0x22: {  	[sflag:s11] =	ssyncset.done $0x0  }
0x23: {  	[sflag:s11] =	ssyncadd.s32 $0xFFFFEC00  }
0x24: {  	s29 =	simm.s32 $0x0;
	s30 =	simm.s32 $0x0;
	[bflag:$0x0] =	sbarrier.arrive $0xFFFF  }
0x25: {  	[tilespmem:s17], [sflag:$0x1] =	stream.indirect.gather [hbm4b:s5+s16], $0x40, s4, s16, $0xb8;
	[tilespmem:$0x1D800] =	vst v63  }
.LBB2_2:
0x26: {  	s2 =	sadd.s32 $0xFFFFFFF8, s29;
	p0 =	seq.s32 s30, $0x0  }
0x27: {  	s0 =	sadd.s32 $0xF, s2;
	s1 =	simm.s32 @!p0 $0x5  }
0x28: {  	v1 =	vmov s0;
	_ =	swait.ge @!p0 [sflag:s1], $0x4000;
	s0 =	smul.u32 $0x300, s30  }
0x29: {  	[sflag:s1] =	ssyncset.done @!p0 $0x0  }
0x2a: {  	[sflag:s1] =	ssyncadd.s32 @!p0 $0xFFFFC000;
	s31 =	sadd.s32 $0x100, s0  }
0x2b: {  	[tilespmem:s18], [sflag:$0x2] =	stream.indirect.gather [hbm4b:s5+s16], $0x40, s31, s16, $0xb8;
	[tilespmem:$0x1D800] =	vst v63  }
0x2c: {  	_ =	swait.ge [sflag:s19], $0x4000  }
0x2d: {  	[sflag:s19] =	ssyncset.done $0x0  }
0x2e: {  	s1 =	simm.s32 $0x7900;
	[sflag:s19] =	ssyncadd.s32 $0xFFFFC000  }
0x2f: {  	v9 =	vld [tilespmem:s1+$0xFFFFFF00]  }
0x30: {  	v10 =	vld [tilespmem:s1+$0xFFFFFF10]  }
0x31: {  	v11 =	vld [tilespmem:s1+$0xFFFFFF20]  }
0x32: {  	v13 =	vld [tilespmem:s1+$0xFFFFFF30]  }
0x33: {  	v14 =	vld [tilespmem:s1+$0xFFFFFF40]  }
0x34: {  	s7 =	sadd.s32 $0x9, s2;
	v16 =	vld [tilespmem:s1+$0xFFFFFF70]  }
0x35: {  	s12 =	sadd.s32 $0xA, s2;
	s24 =	sadd.s32 $0xB, s2;
	s8 =	sadd.s32 $0xC, s2;
	v17 =	vld [tilespmem:s1+$0xFFFFFF80]  }
0x36: {  	s9 =	sadd.s32 $0xD, s2;
	s10 =	sadd.s32 $0xE, s2;
	s2 =	sadd.s32 $0x8, s2;
	v18 =	vld [tilespmem:s1+$0xFFFFFF90]  }
0x37: {  	v12 =	vmov s2;
	v19 =	vld [tilespmem:s1+$0xFFFFFFA0]  }
0x38: {  	v1 =	vshrl.u32 v1, $0x3;
	v12 =	vshrl.u32 v12, $0x3;
	v20 =	vld [tilespmem:s1+$0xFFFFFFB0]  }
0x39: {  	v2 =	vmov s7;
	v1 =	vshll.u32 v1, v0;
	v12 =	vshll.u32 v12, v0;
	v21 =	vld [tilespmem:s1+$0xFFFFFFC0]  }
0x3a: {  	v2 =	vshrl.u32 v2, $0x3;
	v1 =	vadd.s32 $0x7, v1;
	v12 =	vbroadcast v12, $0x0;
	v22 =	vld [tilespmem:s1+$0xFFFFFFD0]  }
0x3b: {  	v2 =	vshll.u32 v2, v0;
	v1 =	vbroadcast v1, $0x0;
	v23 =	vld [tilespmem:s1+$0xFFFFFFE0]  }
0x3c: {  	v3 =	vmov s12;
	v2 =	vadd.s32 $0x1, v2;
	v24 =	vld [tilespmem:s1+$0xFFFFFFF0]  }
0x3d: {  	v6 =	vmov s9;
	v3 =	vshrl.u32 v3, $0x3;
	v2 =	vbroadcast v2, $0x0;
	v25 =	vld [tilespmem:s1+$0x0]  }
0x3e: {  	v4 =	vmov s24;
	v6 =	vshrl.u32 v6, $0x3;
	v3 =	vshll.u32 v3, v0;
	v26 =	vld [tilespmem:s1+$0x10]  }
0x3f: {  	v5 =	vmov s8;
	v6 =	vshll.u32 v6, v0;
	v3 =	vadd.s32 $0x2, v3;
	v27 =	vld [tilespmem:s1+$0x20]  }
0x40: {  	v8 =	vshrl.u32 v5, $0x3;
	v6 =	vadd.s32 $0x5, v6;
	v3 =	vbroadcast v3, $0x0;
	v12 =	vld.idx.msk [tilespmem:v12+s13+$0x0], $0xffff  }
0x41: {  	v4 =	vshrl.u32 v4, $0x3;
	v8 =	vshll.u32 v8, v0;
	v6 =	vbroadcast v6, $0x0;
	v5 =	vld.idx.msk [tilespmem:v1+s13+$0x0], $0xffff  }
0x42: {  	v8 =	vadd.s32 $0x4, v8;
	v1 =	vshll.u32 v4, v0;
	v4 =	vld [tilespmem:s1+$0xF0]  }
0x43: {  	v7 =	vmov s10;
	v8 =	vbroadcast v8, $0x0;
	v15 =	vld.idx.msk [tilespmem:v2+s13+$0x0], $0xffff  }
0x44: {  	v7 =	vshrl.u32 v7, $0x3;
	v28 =	vld [tilespmem:s1+$0x30];
	v1 =	vadd.s32 $0x3, v1  }
0x45: {  	v7 =	vshll.u32 v7, v0;
	v50 =	vld [tilespmem:s1+$0x80];
	v1 =	vbroadcast v1, $0x0  }
0x46: {  	v7 =	vadd.s32 $0x6, v7;
	v3 =	vld.idx.msk [tilespmem:v3+s13+$0x0], $0xffff  }
0x47: {  	v7 =	vbroadcast v7, $0x0;
	v2 =	vld.idx.msk [tilespmem:v6+s13+$0x0], $0xffff;
	v4 =	vmul.f32 v4, v5  }
0x48: {  	v9 =	vmul.f32 v9, v12;
	v6 =	vmul.f32 v14, v15;
	v14 =	vld [tilespmem:s1+$0xFFFFFF50]  }
0x49: {  	v8 =	vld.idx.msk [tilespmem:v8+s13+$0x0], $0xffff;
	v10 =	vmul.f32 v10, v12;
	[tilespmem:s1+$0xF0] =	vst v4;
	v4 =	vmul.f32 v11, v12  }
0x4a: {  	[tilespmem:s1+$0xFFFFFF40] =	vst v6;
	v6 =	vld [tilespmem:s1+$0xFFFFFF60];
	v11 =	vmul.f32 v16, v15;
	v12 =	vmul.f32 v13, v12  }
0x4b: {  	s2 =	sadd.s32 $0x0, s29;
	[tilespmem:s1+$0xFFFFFF00] =	vst v9;
	v13 =	vmul.f32 v17, v3;
	v17 =	vmul.f32 v19, v3;
	v1 =	vld.idx.msk [tilespmem:v1+s13+$0x0], $0xffff  }
0x4c: {  	s9 =	sadd.s32 $0xD, s2;
	v53 =	vld [tilespmem:s1+$0xA0];
	[tilespmem:s1+$0xFFFFFF70] =	vst v11  }
0x4d: {  	s7 =	sadd.s32 $0xA, s2;
	v29 =	vmov s9;
	v30 =	vld [tilespmem:s1+$0xB0];
	[tilespmem:s1+$0xFFFFFFA0] =	vst v17;
	v14 =	vmul.f32 v14, v15  }
0x4e: {  	s24 =	sadd.s32 $0xF, s2;
	v52 =	vmov s7;
	v55 =	vshrl.u32 v29, $0x3;
	v31 =	vld [tilespmem:s1+$0xC0];
	v51 =	vmul.f32 v25, v8;
	[tilespmem:s1+$0xFFFFFF20] =	vst v4  }
0x4f: {  	s6 =	sadd.s32 $0x9, s2;
	v56 =	vld [tilespmem:s1+$0xD0];
	v9 =	vshll.u32 v55, v0;
	v6 =	vmul.f32 v6, v15;
	[tilespmem:s1+$0xFFFFFF50] =	vst v14;
	v14 =	vmov s24  }
0x50: {  	s8 =	sadd.s32 $0xB, s2;
	v32 =	vld [tilespmem:s1+$0xE0];
	v17 =	vmov s6;
	[tilespmem:s1+$0xFFFFFF30] =	vst v12;
	v14 =	vshrl.u32 v14, $0x3;
	v11 =	vmul.f32 v21, v1  }
0x51: {  	s10 =	sadd.s32 $0xE, s2;
	v7 =	vld.idx.msk [tilespmem:v7+s13+$0x0], $0xffff;
	s6 =	sadd.s32 $0xC, s2;
	s2 =	sadd.s32 $0x8, s2;
	v4 =	vadd.s32 $0x5, v9;
	[tilespmem:s1+$0xFFFFFF60] =	vst v6;
	v6 =	vmul.f32 v18, v3;
	v14 =	vshll.u32 v14, v0  }
0x52: {  	v16 =	vld [tilespmem:s1+$0x50];
	v54 =	vmov s6;
	v57 =	vmov s2;
	v14 =	vadd.s32 $0x7, v14;
	[tilespmem:s1+$0xFFFFFFC0] =	vst v11  }
0x53: {  	v12 =	vbroadcast v4, $0x0;
	v15 =	vld [tilespmem:s1+$0x40];
	v11 =	vshrl.u32 v17, $0x3;
	[tilespmem:s1+$0xFFFFFF90] =	vst v6;
	v6 =	vbroadcast v14, $0x0  }
0x54: {  	v19 =	vld [tilespmem:s1+$0x70];
	[tilespmem:s1+$0xFFFFFF80] =	vst v13;
	s2 =	simm.s32 $0x7B00;
	v4 =	vmul.f32 v27, v8;
	v13 =	vmul.f32 v22, v1;
	v11 =	vshll.u32 v11, v0  }
0x55: {  	v58 =	vld [tilespmem:s2+$0xF0];
	v49 =	vmul.f32 v23, v1;
	v3 =	vmul.f32 v20, v3;
	v11 =	vadd.s32 $0x1, v11  }
0x56: {  	[tilespmem:s1+$0xFFFFFF10] =	vst v10;
	v59 =	vld [tilespmem:s2+$0xFFFFFF00];
	v1 =	vmul.f32 v24, v1;
	v23 =	vshrl.u32 v52, $0x3;
	v11 =	vbroadcast v11, $0x0  }
0x57: {  	v60 =	vld [tilespmem:s2+$0xFFFFFF20];
	v23 =	vshll.u32 v23, v0;
	v17 =	vmov s10;
	[tilespmem:s1+$0xFFFFFFB0] =	vst v3;
	v3 =	vmov s8  }
0x58: {  	v18 =	vld [tilespmem:s1+$0x60];
	[tilespmem:s1+$0xFFFFFFD0] =	vst v13;
	v13 =	vshrl.u32 v54, $0x3;
	v3 =	vshrl.u32 v3, $0x3;
	v15 =	vmul.f32 v15, v2  }
0x59: {  	[tilespmem:s1+$0xFFFFFFF0] =	vst v1;
	v3 =	vshll.u32 v3, v0;
	v1 =	vld.idx.msk [tilespmem:v6+s13+$0x0], $0xffff;
	v6 =	vshll.u32 v13, v0;
	v13 =	vadd.s32 $0x2, v23  }
0x5a: {  	[tilespmem:s1+$0x0] =	vst v51;
	v61 =	vld [tilespmem:s2+$0xFFFFFF30];
	v3 =	vadd.s32 $0x3, v3;
	v13 =	vbroadcast v13, $0x0;
	v6 =	vadd.s32 $0x4, v6  }
0x5b: {  	v62 =	vld [tilespmem:s2+$0xFFFFFF40];
	[tilespmem:s1+$0x20] =	vst v4;
	v17 =	vshrl.u32 v17, $0x3;
	v3 =	vbroadcast v3, $0x0;
	v9 =	vbroadcast v6, $0x0  }
0x5c: {  	v10 =	vshll.u32 v17, v0;
	v6 =	vmul.f32 v26, v8;
	v8 =	vmul.f32 v28, v8;
	v11 =	vld.idx.msk [tilespmem:v11+s13+$0x0], $0xffff  }
0x5d: {  	v14 =	vld [tilespmem:s1+$0x90];
	v10 =	vadd.s32 $0x6, v10;
	[tilespmem:s1+$0x40] =	vst v15  }
0x5e: {  	v17 =	vld [tilespmem:s2+$0xFFFFFF10];
	v10 =	vbroadcast v10, $0x0;
	[tilespmem:s1+$0x30] =	vst v8;
	v8 =	vmul.f32 v18, v2  }
0x5f: {  	v15 =	vld [tilespmem:s2+$0xFFFFFF80];
	[tilespmem:s1+$0x10] =	vst v6;
	v6 =	vmul.f32 v58, v1  }
0x60: {  	v16 =	vmul.f32 v16, v2;
	[tilespmem:s1+$0x60] =	vst v8;
	v13 =	vld.idx.msk [tilespmem:v13+s13+$0x0], $0xffff  }
0x61: {  	v20 =	vshrl.u32 v57, $0x3;
	[tilespmem:s2+$0xF0] =	vst v6;
	v6 =	vld.idx.msk [tilespmem:v3+s13+$0x0], $0xffff;
	v8 =	vmul.f32 v62, v11  }
0x62: {  	[tilespmem:s1+$0x50] =	vst v16;
	v20 =	vshll.u32 v20, v0;
	v3 =	vld.idx.msk [tilespmem:v12+s13+$0x0], $0xffff;
	v12 =	vmul.f32 v14, v7  }
0x63: {  	v20 =	vbroadcast v20, $0x0;
	v4 =	vld.idx.msk [tilespmem:v9+s13+$0x0], $0xffff;
	v9 =	vmul.f32 v19, v2;
	[tilespmem:s2+$0xFFFFFF40] =	vst v8  }
0x64: {  	v2 =	vld.idx.msk [tilespmem:v10+s13+$0x0], $0xffff;
	v10 =	vmul.f32 v50, v7;
	[tilespmem:s1+$0x90] =	vst v12  }
0x65: {  	v12 =	vmul.f32 v31, v5;
	[tilespmem:s1+$0x70] =	vst v9;
	v9 =	vld [tilespmem:s2+$0xFFFFFF50]  }
0x66: {  	[tilespmem:s1+$0x80] =	vst v10;
	v10 =	vld [tilespmem:s2+$0xFFFFFF60]  }
0x67: {  	v8 =	vmul.f32 v53, v7;
	[tilespmem:s1+$0xC0] =	vst v12;
	v12 =	vld [tilespmem:s2+$0xFFFFFFB0]  }
0x68: {  	[tilespmem:s1+$0xFFFFFFE0] =	vst v49;
	v14 =	vld [tilespmem:s2+$0xFFFFFF70];
	v7 =	vmul.f32 v30, v7  }
0x69: {  	v16 =	vld.idx.msk [tilespmem:v20+s13+$0x0], $0xffff;
	[tilespmem:s1+$0xA0] =	vst v8;
	v8 =	vmul.f32 v56, v5  }
0x6a: {  	v18 =	vld [tilespmem:s2+$0xFFFFFF90];
	[tilespmem:s1+$0xB0] =	vst v7;
	v7 =	vmul.f32 v9, v11  }
0x6b: {  	[tilespmem:s1+$0xD0] =	vst v8;
	v9 =	vld [tilespmem:s2+$0xFFFFFFA0];
	v10 =	vmul.f32 v10, v11  }
0x6c: {  	v8 =	vld [tilespmem:s2+$0xFFFFFFC0];
	v63 =	vmul.f32 v12, v13;
	[tilespmem:s2+$0xFFFFFF50] =	vst v7  }
0x6d: {  	v19 =	vld [tilespmem:s2+$0xFFFFFFD0];
	v7 =	vmul.f32 v14, v11;
	[tilespmem:s2+$0xFFFFFF60] =	vst v10  }
0x6e: {  	v5 =	vmul.f32 v32, v5;
	v11 =	vmul.f32 v15, v13;
	v15 =	vld [tilespmem:s2+$0xFFFFFFE0];
	[tilespmem:s2+$0xFFFFFFB0] =	vst v63  }
0x6f: {  	v12 =	vmul.f32 v60, v16;
	v14 =	vld [tilespmem:s2+$0xFFFFFFF0];
	[tilespmem:s2+$0xFFFFFF70] =	vst v7;
	v7 =	vmul.f32 v18, v13  }
0x70: {  	v10 =	vmul.f32 v59, v16;
	[tilespmem:s2+$0xFFFFFF80] =	vst v11;
	v18 =	vmul.f32 v9, v13;
	v13 =	vld [tilespmem:s2+$0x0]  }
0x71: {  	v11 =	vmul.f32 v17, v16;
	v17 =	vmul.f32 v8, v6;
	v8 =	vld [tilespmem:s2+$0x20];
	[tilespmem:s2+$0xFFFFFF90] =	vst v7  }
0x72: {  	s12 =	simm.s32 $0x8;
	v9 =	vmul.f32 v61, v16;
	v16 =	vmul.f32 v19, v6;
	v7 =	vld [tilespmem:s2+$0x10];
	[tilespmem:s2+$0xFFFFFFA0] =	vst v18  }
.LBB2_3:
0x73: {  	s6 =	sadd.s32 s12, s29;
	s12 =	sadd.s32 $0x8, s12;
	[tilespmem:s2+$0xFFFFFFC0] =	vst v17;
	v15 =	vmul.f32 v15, v6;
	v17 =	vld [tilespmem:s2+$0x30]  }
0x74: {  	s24 =	sadd.s32 $0x9, s6;
	s7 =	sadd.s32 $0xF, s6;
	p1 =	slt.u32 s12, $0xF8;
	[tilespmem:s2+$0xFFFFFFD0] =	vst v16;
	v6 =	vmul.f32 v14, v6;
	v14 =	vld [tilespmem:s2+$0x40]  }
0x75: {  	s8 =	sadd.s32 $0xB, s6;
	s9 =	sadd.s32 $0xC, s6;
	v16 =	vmov s24;
	s24 =	sadd.s32 $0xA, s6;
	v18 =	vmov s7;
	[tilespmem:s2+$0xFFFFFFE0] =	vst v15;
	v13 =	vmul.f32 v13, v4;
	v15 =	vld [tilespmem:s2+$0x50]  }
0x76: {  	s7 =	sadd.s32 $0x8, s6;
	v20 =	vmov s8;
	s8 =	sadd.s32 $0xD, s6;
	s6 =	sadd.s32 $0xE, s6;
	v19 =	vmov s24;
	v18 =	vshrl.u32 v18, $0x3;
	[tilespmem:s2+$0xFFFFFFF0] =	vst v6;
	v6 =	vld [tilespmem:s2+$0x60]  }
0x77: {  	v21 =	vmov s9;
	v22 =	vmov s8;
	v18 =	vshll.u32 v18, v0;
	[tilespmem:s2+$0x0] =	vst v13;
	v13 =	vld [tilespmem:s2+$0x70]  }
0x78: {  	v16 =	vshrl.u32 v16, $0x3;
	v23 =	vmov s6;
	v18 =	vadd.s32 $0x7, v18;
	v24 =	vld [tilespmem:s2+$0x80];
	[tilespmem:s1+$0xE0] =	vst v5;
	s1 =	smov.u32 s2  }
0x79: {  	v5 =	vshrl.u32 v19, $0x3;
	v19 =	vshrl.u32 v20, $0x3;
	v18 =	vbroadcast v18, $0x0;
	[tilespmem:s2+$0xFFFFFF00] =	vst v10;
	v10 =	vld [tilespmem:s2+$0x90]  }
0x7a: {  	v20 =	vshrl.u32 v21, $0x3;
	v21 =	vshrl.u32 v22, $0x3;
	v22 =	vshrl.u32 v23, $0x3;
	[tilespmem:s2+$0xFFFFFF10] =	vst v11;
	v11 =	vld [tilespmem:s2+$0xA0]  }
0x7b: {  	v16 =	vshll.u32 v16, v0;
	v23 =	vmov s7;
	v5 =	vshll.u32 v5, v0;
	[tilespmem:s2+$0xFFFFFF20] =	vst v12;
	v12 =	vld [tilespmem:s2+$0xB0]  }
0x7c: {  	v19 =	vshll.u32 v19, v0;
	v20 =	vshll.u32 v20, v0;
	v21 =	vshll.u32 v21, v0;
	[tilespmem:s2+$0xFFFFFF30] =	vst v9;
	v9 =	vld [tilespmem:s2+$0xC0]  }
0x7d: {  	v16 =	vadd.s32 $0x1, v16;
	v23 =	vshrl.u32 v23, $0x3;
	v22 =	vshll.u32 v22, v0;
	v25 =	vld [tilespmem:s2+$0xD0]  }
0x7e: {  	v5 =	vadd.s32 $0x2, v5;
	v19 =	vadd.s32 $0x3, v19;
	v20 =	vadd.s32 $0x4, v20;
	v26 =	vld [tilespmem:s2+$0xE0]  }
0x7f: {  	v23 =	vshll.u32 v23, v0;
	v21 =	vadd.s32 $0x5, v21;
	v22 =	vadd.s32 $0x6, v22;
	s2 =	sadd.s32 $0x200, s2;
	v18 =	vld.idx.msk [tilespmem:v18+s13+$0x0], $0xffff  }
0x80: {  	v16 =	vbroadcast v16, $0x0;
	v5 =	vbroadcast v5, $0x0;
	v27 =	vld [tilespmem:s2+$0xF0]  }
0x81: {  	v19 =	vbroadcast v19, $0x0;
	v20 =	vbroadcast v20, $0x0;
	v28 =	vld [tilespmem:s2+$0xFFFFFF00]  }
0x82: {  	v21 =	vbroadcast v21, $0x0;
	v22 =	vbroadcast v22, $0x0;
	v29 =	vld [tilespmem:s2+$0xFFFFFF10]  }
0x83: {  	v7 =	vmul.f32 v7, v4;
	v23 =	vbroadcast v23, $0x0;
	v30 =	vld [tilespmem:s2+$0xFFFFFF20]  }
0x84: {  	v8 =	vmul.f32 v8, v4;
	v4 =	vmul.f32 v17, v4;
	v31 =	vld [tilespmem:s2+$0xFFFFFF30]  }
0x85: {  	v17 =	vld [tilespmem:s2+$0xFFFFFF40];
	v27 =	vmul.f32 v27, v18;
	[tilespmem:s1+$0x10] =	vst v7;
	v7 =	vmul.f32 v14, v3  }
0x86: {  	v14 =	vld.idx.msk [tilespmem:v16+s13+$0x0], $0xffff;
	[tilespmem:s1+$0x20] =	vst v8;
	v8 =	vmul.f32 v15, v3;
	v15 =	vmul.f32 v6, v3  }
0x87: {  	v13 =	vmul.f32 v13, v3;
	v24 =	vmul.f32 v24, v2;
	v16 =	vld.idx.msk [tilespmem:v5+s13+$0x0], $0xffff;
	[tilespmem:s2+$0xF0] =	vst v27  }
0x88: {  	v10 =	vmul.f32 v10, v2;
	v11 =	vmul.f32 v11, v2;
	v6 =	vld.idx.msk [tilespmem:v19+s13+$0x0], $0xffff;
	[tilespmem:s1+$0x30] =	vst v4  }
0x89: {  	v9 =	vmul.f32 v9, v1;
	v4 =	vld.idx.msk [tilespmem:v20+s13+$0x0], $0xffff;
	[tilespmem:s1+$0x40] =	vst v7;
	v7 =	vmul.f32 v12, v2  }
0x8a: {  	v5 =	vmul.f32 v26, v1;
	v3 =	vld.idx.msk [tilespmem:v21+s13+$0x0], $0xffff;
	[tilespmem:s1+$0x50] =	vst v8;
	v8 =	vmul.f32 v25, v1;
	v1 =	vmov v18  }
0x8b: {  	v2 =	vld.idx.msk [tilespmem:v22+s13+$0x0], $0xffff;
	[tilespmem:s1+$0x60] =	vst v15  }
0x8c: {  	v12 =	vmul.f32 v17, v14;
	v15 =	vld.idx.msk [tilespmem:v23+s13+$0x0], $0xffff;
	[tilespmem:s1+$0x70] =	vst v13  }
0x8d: {  	v13 =	vld [tilespmem:s2+$0xFFFFFF50];
	[tilespmem:s1+$0x80] =	vst v24  }
0x8e: {  	[tilespmem:s2+$0xFFFFFF40] =	vst v12;
	v12 =	vld [tilespmem:s2+$0xFFFFFF60]  }
0x8f: {  	v17 =	vld [tilespmem:s2+$0xFFFFFF70];
	[tilespmem:s1+$0x90] =	vst v10  }
0x90: {  	v18 =	vld [tilespmem:s2+$0xFFFFFF80];
	[tilespmem:s1+$0xA0] =	vst v11  }
0x91: {  	v19 =	vld [tilespmem:s2+$0xFFFFFF90];
	[tilespmem:s1+$0xB0] =	vst v7  }
0x92: {  	v10 =	vmul.f32 v28, v15;
	v7 =	vmul.f32 v13, v14;
	v13 =	vld [tilespmem:s2+$0xFFFFFFA0];
	[tilespmem:s1+$0xC0] =	vst v9  }
0x93: {  	v11 =	vmul.f32 v29, v15;
	v20 =	vmul.f32 v12, v14;
	v21 =	vld [tilespmem:s2+$0xFFFFFFB0];
	[tilespmem:s1+$0xD0] =	vst v8  }
0x94: {  	v12 =	vmul.f32 v30, v15;
	[tilespmem:s2+$0xFFFFFF50] =	vst v7;
	v7 =	vmul.f32 v17, v14;
	v8 =	vld [tilespmem:s2+$0xFFFFFFC0]  }
0x95: {  	v9 =	vmul.f32 v31, v15;
	[tilespmem:s2+$0xFFFFFF60] =	vst v20;
	v14 =	vmul.f32 v18, v16;
	v18 =	vld [tilespmem:s2+$0xFFFFFFD0]  }
.Ltmp0:
0x96: {  	[tilespmem:s2+$0xFFFFFF70] =	vst v7;
	v7 =	vmul.f32 v19, v16;
	v15 =	vld [tilespmem:s2+$0xFFFFFFE0];
	(pc) =	sbr.rel @p1 .LBB2_3-.Ltmp0, $4  }
0x97: {  	[tilespmem:s2+$0xFFFFFF80] =	vst v14;
	v17 =	vmul.f32 v13, v16;
	v14 =	vld [tilespmem:s2+$0xFFFFFFF0]  }
0x98: {  	[tilespmem:s2+$0xFFFFFF90] =	vst v7;
	v16 =	vmul.f32 v21, v16;
	v13 =	vld [tilespmem:s2+$0x0]  }
0x99: {  	[tilespmem:s2+$0xFFFFFFA0] =	vst v17;
	v17 =	vmul.f32 v8, v6;
	v7 =	vld [tilespmem:s2+$0x10]  }
0x9a: {  	[tilespmem:s2+$0xFFFFFFB0] =	vst v16;
	v16 =	vmul.f32 v18, v6;
	v8 =	vld [tilespmem:s2+$0x20]  }
0x9b: {  	[tilespmem:s2+$0xFFFFFFC0] =	vst v17  }
0x9c: {  	[tilespmem:s1+$0xE0] =	vst v5  }
0x9d: {  	[tilespmem:s2+$0xFFFFFF00] =	vst v10  }
0x9e: {  	[tilespmem:s2+$0xFFFFFF10] =	vst v11  }
0x9f: {  	[tilespmem:s2+$0xFFFFFF20] =	vst v12  }
0xa0: {  	v15 =	vmul.f32 v15, v6;
	v5 =	vld [tilespmem:s2+$0x40];
	[tilespmem:s2+$0xFFFFFF30] =	vst v9  }
0xa1: {  	[tilespmem:s2+$0xFFFFFFD0] =	vst v16;
	v6 =	vmul.f32 v14, v6;
	v14 =	vld [tilespmem:s2+$0x30]  }
0xa2: {  	v10 =	vld [tilespmem:s2+$0x60];
	[tilespmem:s2+$0xFFFFFFE0] =	vst v15;
	v13 =	vmul.f32 v13, v4  }
0xa3: {  	[tilespmem:s2+$0xFFFFFFF0] =	vst v6;
	v6 =	vld [tilespmem:s2+$0x50];
	v7 =	vmul.f32 v7, v4  }
0xa4: {  	v9 =	vld [tilespmem:s2+$0x80];
	[tilespmem:s2+$0x0] =	vst v13;
	v8 =	vmul.f32 v8, v4  }
0xa5: {  	v11 =	vld [tilespmem:s2+$0x70];
	[tilespmem:s2+$0x10] =	vst v7;
	v5 =	vmul.f32 v5, v3  }
0xa6: {  	v7 =	vld [tilespmem:s2+$0x90];
	v4 =	vmul.f32 v14, v4;
	[tilespmem:s2+$0x20] =	vst v8  }
0xa7: {  	v10 =	vmul.f32 v10, v3;
	v8 =	vld [tilespmem:s2+$0xA0];
	[tilespmem:s2+$0x40] =	vst v5  }
0xa8: {  	v6 =	vmul.f32 v6, v3;
	[tilespmem:s2+$0x30] =	vst v4;
	v4 =	vld [tilespmem:s2+$0xB0]  }
0xa9: {  	v9 =	vmul.f32 v9, v2;
	v5 =	vld [tilespmem:s2+$0xC0];
	[tilespmem:s2+$0x60] =	vst v10  }
0xaa: {  	v3 =	vmul.f32 v11, v3;
	[tilespmem:s2+$0x50] =	vst v6;
	v6 =	vld [tilespmem:s2+$0xD0]  }
0xab: {  	v10 =	vld [tilespmem:s2+$0xE0];
	[tilespmem:s2+$0x80] =	vst v9;
	v7 =	vmul.f32 v7, v2  }
0xac: {  	[tilespmem:s2+$0x70] =	vst v3;
	v3 =	vmul.f32 v8, v2  }
0xad: {  	[tilespmem:s2+$0x90] =	vst v7;
	v2 =	vmul.f32 v4, v2  }
0xae: {  	v4 =	vmul.f32 v5, v1;
	[tilespmem:s2+$0xA0] =	vst v3  }
0xaf: {  	s7 =	smul.u32 $0xC00, s30;
	v3 =	vmul.f32 v6, v1;
	[tilespmem:s2+$0xB0] =	vst v2  }
0xb0: {  	v1 =	vmul.f32 v10, v1;
	[tilespmem:s2+$0xC0] =	vst v4  }
0xb1: {  	s1 =	sshra.s32 s7, $0x2;
	[tilespmem:s2+$0xD0] =	vst v3  }
0xb2: {  	s7 =	simm.s32 @!p0 $0x6;
	s8 =	sadd.s32 $0x2800, s1;
	[tilespmem:s2+$0xE0] =	vst v1  }
0xb3: {  	[spmem:s3] =	stream.indirect.scatter.add.f32 [tilespmem:s17], [sflag:$0x4], $0x40, s8, s16, $0xb8;
	[tilespmem:$0x1D800] =	vst v63  }
0xb4: {  	s6 =	sadd.s32 $0xFFFFFFF8, s29;
	_ =	swait.ge @!p0 [sflag:s7], $0x4000  }
0xb5: {  	s10 =	sadd.s32 $0x109, s6;
	[sflag:s7] =	ssyncset.done @!p0 $0x0  }
0xb6: {  	s0 =	sadd.s32 $0x200, s0;
	s24 =	sadd.s32 $0x10C, s6;
	v2 =	vmov s10;
	[sflag:s7] =	ssyncadd.s32 @!p0 $0xFFFFC000  }
0xb7: {  	v5 =	vmov s24;
	v2 =	vshrl.u32 v2, $0x3;
	[tilespmem:s20], [sflag:$0x3] =	stream.indirect.gather [hbm4b:s5+s16], $0x40, s0, s16, $0xb8;
	[tilespmem:$0x1D800] =	vst v63  }
0xb8: {  	v8 =	vshrl.u32 v5, $0x3;
	v2 =	vshll.u32 v2, v0;
	_ =	swait.ge [sflag:s21], $0x4000  }
0xb9: {  	v8 =	vshll.u32 v8, v0;
	v2 =	vadd.s32 $0x1, v2;
	[sflag:s21] =	ssyncset.done $0x0  }
0xba: {  	v8 =	vadd.s32 $0x4, v8;
	s2 =	simm.s32 $0xB900;
	v2 =	vbroadcast v2, $0x0;
	[sflag:s21] =	ssyncadd.s32 $0xFFFFC000  }
0xbb: {  	v8 =	vbroadcast v8, $0x0;
	v9 =	vld [tilespmem:s2+$0xFFFFFF00]  }
0xbc: {  	v10 =	vld [tilespmem:s2+$0xFFFFFF10]  }
0xbd: {  	v11 =	vld [tilespmem:s2+$0xFFFFFF20]  }
0xbe: {  	v13 =	vld [tilespmem:s2+$0xFFFFFF30]  }
0xbf: {  	v14 =	vld [tilespmem:s2+$0xFFFFFF40]  }
0xc0: {  	v15 =	vld.idx.msk [tilespmem:v2+s13+$0x0], $0xffff  }
0xc1: {  	v8 =	vld.idx.msk [tilespmem:v8+s13+$0x0], $0xffff  }
0xc2: {  	v16 =	vld [tilespmem:s2+$0xFFFFFF70]  }
0xc3: {  	s9 =	sadd.s32 $0x10F, s6;
	v17 =	vld [tilespmem:s2+$0xFFFFFF80]  }
0xc4: {  	v1 =	vmov s9;
	v18 =	vld [tilespmem:s2+$0xFFFFFF90]  }
0xc5: {  	s12 =	sadd.s32 $0x10A, s6;
	v1 =	vshrl.u32 v1, $0x3;
	s8 =	sadd.s32 $0x10B, s6;
	v19 =	vld [tilespmem:s2+$0xFFFFFFA0]  }
0xc6: {  	s9 =	sadd.s32 $0x10E, s6;
	v1 =	vshll.u32 v1, v0;
	v4 =	vmov s8;
	s8 =	sadd.s32 $0x10D, s6;
	s6 =	sadd.s32 $0x108, s6;
	v20 =	vld [tilespmem:s2+$0xFFFFFFB0]  }
0xc7: {  	v1 =	vadd.s32 $0x7, v1;
	v12 =	vmov s6;
	v21 =	vld [tilespmem:s2+$0xFFFFFFC0]  }
0xc8: {  	v3 =	vmov s12;
	v1 =	vbroadcast v1, $0x0;
	v12 =	vshrl.u32 v12, $0x3;
	v22 =	vld [tilespmem:s2+$0xFFFFFFD0]  }
0xc9: {  	v3 =	vshrl.u32 v3, $0x3;
	v6 =	vmov s8;
	v12 =	vshll.u32 v12, v0;
	v23 =	vld [tilespmem:s2+$0xFFFFFFE0]  }
0xca: {  	v3 =	vshll.u32 v3, v0;
	v6 =	vshrl.u32 v6, $0x3;
	v12 =	vbroadcast v12, $0x0;
	v24 =	vld [tilespmem:s2+$0xFFFFFFF0]  }
0xcb: {  	v3 =	vadd.s32 $0x2, v3;
	v6 =	vshll.u32 v6, v0;
	v25 =	vld [tilespmem:s2+$0x0]  }
0xcc: {  	v3 =	vbroadcast v3, $0x0;
	v6 =	vadd.s32 $0x5, v6;
	v26 =	vld [tilespmem:s2+$0x10]  }
0xcd: {  	v6 =	vbroadcast v6, $0x0;
	v27 =	vld [tilespmem:s2+$0x20]  }
0xce: {  	v4 =	vshrl.u32 v4, $0x3;
	v5 =	vld.idx.msk [tilespmem:v1+s13+$0x0], $0xffff  }
0xcf: {  	v1 =	vshll.u32 v4, v0;
	v4 =	vld [tilespmem:s2+$0xF0]  }
0xd0: {  	v12 =	vld.idx.msk [tilespmem:v12+s13+$0x0], $0xffff  }
0xd1: {  	v7 =	vmov s9;
	v28 =	vld [tilespmem:s2+$0x30]  }
0xd2: {  	v7 =	vshrl.u32 v7, $0x3;
	v3 =	vld.idx.msk [tilespmem:v3+s13+$0x0], $0xffff;
	v1 =	vadd.s32 $0x3, v1  }
0xd3: {  	v7 =	vshll.u32 v7, v0;
	v1 =	vbroadcast v1, $0x0;
	v2 =	vld.idx.msk [tilespmem:v6+s13+$0x0], $0xffff;
	v6 =	vmul.f32 v14, v15  }
0xd4: {  	v7 =	vadd.s32 $0x6, v7;
	v14 =	vld [tilespmem:s2+$0xFFFFFF50];
	v4 =	vmul.f32 v4, v5  }
0xd5: {  	v7 =	vbroadcast v7, $0x0;
	v50 =	vld [tilespmem:s2+$0x80];
	[tilespmem:s2+$0xFFFFFF40] =	vst v6;
	v9 =	vmul.f32 v9, v12  }
0xd6: {  	v6 =	vld [tilespmem:s2+$0xFFFFFF60];
	v10 =	vmul.f32 v10, v12;
	[tilespmem:s2+$0xF0] =	vst v4;
	v4 =	vmul.f32 v11, v12  }
0xd7: {  	v53 =	vld [tilespmem:s2+$0xA0];
	v11 =	vmul.f32 v16, v15;
	v12 =	vmul.f32 v13, v12  }
0xd8: {  	s6 =	sadd.s32 $0x0, s29;
	v13 =	vmul.f32 v17, v3;
	v16 =	vld [tilespmem:s2+$0x50];
	v17 =	vmul.f32 v19, v3  }
0xd9: {  	s24 =	sadd.s32 $0x10A, s6;
	s9 =	sadd.s32 $0x10C, s6;
	v1 =	vld.idx.msk [tilespmem:v1+s13+$0x0], $0xffff;
	v14 =	vmul.f32 v14, v15;
	[tilespmem:s2+$0xFFFFFF70] =	vst v11  }
0xda: {  	s10 =	sadd.s32 $0x10F, s6;
	s12 =	sadd.s32 $0x109, s6;
	v52 =	vmov s24;
	v54 =	vmov s9;
	v30 =	vld [tilespmem:s2+$0xB0];
	[tilespmem:s2+$0xFFFFFFA0] =	vst v17  }
0xdb: {  	v31 =	vld [tilespmem:s2+$0xC0];
	v17 =	vmov s12;
	s12 =	sadd.s32 $0x10D, s6;
	v6 =	vmul.f32 v6, v15;
	[tilespmem:s2+$0xFFFFFF50] =	vst v14;
	v14 =	vmov s10  }
0xdc: {  	v56 =	vld [tilespmem:s2+$0xD0];
	v51 =	vmul.f32 v25, v8;
	[tilespmem:s2+$0xFFFFFF80] =	vst v13;
	v29 =	vmov s12;
	v14 =	vshrl.u32 v14, $0x3  }
0xdd: {  	v32 =	vld [tilespmem:s2+$0xE0];
	v16 =	vmul.f32 v16, v2;
	[tilespmem:s2+$0xFFFFFF60] =	vst v6;
	v6 =	vmul.f32 v18, v3;
	v14 =	vshll.u32 v14, v0  }
0xde: {  	v7 =	vld.idx.msk [tilespmem:v7+s13+$0x0], $0xffff;
	[tilespmem:s2+$0xFFFFFF00] =	vst v9;
	v3 =	vmul.f32 v20, v3;
	v11 =	vmul.f32 v21, v1;
	v14 =	vadd.s32 $0x7, v14  }
0xdf: {  	v19 =	vld [tilespmem:s2+$0x70];
	v55 =	vshrl.u32 v29, $0x3;
	v13 =	vmul.f32 v22, v1;
	[tilespmem:s2+$0xFFFFFF90] =	vst v6;
	v6 =	vbroadcast v14, $0x0  }
0xe0: {  	[tilespmem:s2+$0xFFFFFF20] =	vst v4;
	s12 =	simm.s32 $0xBB00;
	v15 =	vld [tilespmem:s2+$0x40];
	v9 =	vshll.u32 v55, v0;
	v49 =	vmul.f32 v23, v1;
	v1 =	vmul.f32 v24, v1  }
0xe1: {  	s10 =	sadd.s32 $0x10B, s6;
	v58 =	vld [tilespmem:s12+$0xF0];
	v23 =	vshrl.u32 v52, $0x3;
	v4 =	vadd.s32 $0x5, v9;
	[tilespmem:s2+$0xFFFFFFC0] =	vst v11;
	v11 =	vshrl.u32 v17, $0x3  }
0xe2: {  	v59 =	vld [tilespmem:s12+$0xFFFFFF00];
	v23 =	vshll.u32 v23, v0;
	[tilespmem:s2+$0xFFFFFFB0] =	vst v3;
	v3 =	vmov s10;
	v11 =	vshll.u32 v11, v0  }
0xe3: {  	[tilespmem:s2+$0xFFFFFF30] =	vst v12;
	v60 =	vld [tilespmem:s12+$0xFFFFFF20];
	v12 =	vbroadcast v4, $0x0;
	v3 =	vshrl.u32 v3, $0x3;
	v11 =	vadd.s32 $0x1, v11  }
0xe4: {  	s24 =	sadd.s32 $0x10E, s6;
	v61 =	vld [tilespmem:s12+$0xFFFFFF30];
	v4 =	vmul.f32 v27, v8;
	[tilespmem:s2+$0xFFFFFFD0] =	vst v13;
	v3 =	vshll.u32 v3, v0;
	v11 =	vbroadcast v11, $0x0  }
0xe5: {  	v17 =	vmov s24;
	v13 =	vshrl.u32 v54, $0x3;
	[tilespmem:s2+$0xFFFFFFF0] =	vst v1;
	v3 =	vadd.s32 $0x3, v3;
	v1 =	vld.idx.msk [tilespmem:v6+s13+$0x0], $0xffff  }
0xe6: {  	[tilespmem:s2+$0x0] =	vst v51;
	v62 =	vld [tilespmem:s12+$0xFFFFFF40];
	v17 =	vshrl.u32 v17, $0x3;
	v3 =	vbroadcast v3, $0x0;
	v6 =	vshll.u32 v13, v0  }
0xe7: {  	[tilespmem:s2+$0xFFFFFF10] =	vst v10;
	v18 =	vld [tilespmem:s2+$0x60];
	v15 =	vmul.f32 v15, v2;
	v10 =	vshll.u32 v17, v0;
	v6 =	vadd.s32 $0x4, v6  }
0xe8: {  	[tilespmem:s2+$0x50] =	vst v16;
	v14 =	vld [tilespmem:s2+$0x90];
	v13 =	vadd.s32 $0x2, v23;
	v9 =	vbroadcast v6, $0x0;
	v6 =	vmul.f32 v26, v8  }
0xe9: {  	v17 =	vld [tilespmem:s12+$0xFFFFFF10];
	v10 =	vadd.s32 $0x6, v10;
	[tilespmem:s2+$0x40] =	vst v15;
	v13 =	vbroadcast v13, $0x0;
	v8 =	vmul.f32 v28, v8  }
0xea: {  	v10 =	vbroadcast v10, $0x0;
	v11 =	vld.idx.msk [tilespmem:v11+s13+$0x0], $0xffff;
	[tilespmem:s2+$0x10] =	vst v6;
	v6 =	vmul.f32 v58, v1  }
0xeb: {  	s6 =	sadd.s32 $0x108, s6;
	v15 =	vld [tilespmem:s12+$0xFFFFFF80];
	[tilespmem:s2+$0x30] =	vst v8  }
0xec: {  	v57 =	vmov s6;
	v8 =	vmul.f32 v18, v2;
	[tilespmem:s12+$0xF0] =	vst v6;
	v6 =	vld.idx.msk [tilespmem:v3+s13+$0x0], $0xffff  }
0xed: {  	v20 =	vshrl.u32 v57, $0x3;
	[tilespmem:s2+$0x20] =	vst v4;
	v3 =	vld.idx.msk [tilespmem:v12+s13+$0x0], $0xffff;
	v12 =	vmul.f32 v14, v7  }
0xee: {  	v20 =	vshll.u32 v20, v0;
	[tilespmem:s2+$0x60] =	vst v8;
	v4 =	vld.idx.msk [tilespmem:v9+s13+$0x0], $0xffff;
	v9 =	vmul.f32 v19, v2  }
0xef: {  	v20 =	vbroadcast v20, $0x0;
	v13 =	vld.idx.msk [tilespmem:v13+s13+$0x0], $0xffff;
	v8 =	vmul.f32 v62, v11;
	[tilespmem:s2+$0x90] =	vst v12  }
0xf0: {  	v2 =	vld.idx.msk [tilespmem:v10+s13+$0x0], $0xffff;
	v10 =	vmul.f32 v50, v7;
	[tilespmem:s2+$0x70] =	vst v9  }
0xf1: {  	v12 =	vmul.f32 v31, v5;
	v9 =	vld [tilespmem:s12+$0xFFFFFF50];
	[tilespmem:s12+$0xFFFFFF40] =	vst v8  }
0xf2: {  	[tilespmem:s2+$0x80] =	vst v10;
	v10 =	vld [tilespmem:s12+$0xFFFFFF60]  }
0xf3: {  	v8 =	vmul.f32 v53, v7;
	[tilespmem:s2+$0xC0] =	vst v12;
	v12 =	vld [tilespmem:s12+$0xFFFFFFB0]  }
0xf4: {  	[tilespmem:s2+$0xFFFFFFE0] =	vst v49;
	v14 =	vld [tilespmem:s12+$0xFFFFFF70];
	v7 =	vmul.f32 v30, v7  }
0xf5: {  	v16 =	vld.idx.msk [tilespmem:v20+s13+$0x0], $0xffff;
	[tilespmem:s2+$0xA0] =	vst v8;
	v8 =	vmul.f32 v56, v5  }
0xf6: {  	v18 =	vld [tilespmem:s12+$0xFFFFFF90];
	[tilespmem:s2+$0xB0] =	vst v7;
	v7 =	vmul.f32 v9, v11  }
0xf7: {  	[tilespmem:s2+$0xD0] =	vst v8;
	v9 =	vld [tilespmem:s12+$0xFFFFFFA0];
	v10 =	vmul.f32 v10, v11  }
0xf8: {  	v8 =	vld [tilespmem:s12+$0xFFFFFFC0];
	v63 =	vmul.f32 v12, v13;
	[tilespmem:s12+$0xFFFFFF50] =	vst v7  }
0xf9: {  	v19 =	vld [tilespmem:s12+$0xFFFFFFD0];
	v7 =	vmul.f32 v14, v11;
	[tilespmem:s12+$0xFFFFFF60] =	vst v10  }
0xfa: {  	v5 =	vmul.f32 v32, v5;
	v11 =	vmul.f32 v15, v13;
	v15 =	vld [tilespmem:s12+$0xFFFFFFE0];
	[tilespmem:s12+$0xFFFFFFB0] =	vst v63  }
0xfb: {  	v12 =	vmul.f32 v60, v16;
	v14 =	vld [tilespmem:s12+$0xFFFFFFF0];
	[tilespmem:s12+$0xFFFFFF70] =	vst v7;
	v7 =	vmul.f32 v18, v13  }
0xfc: {  	v10 =	vmul.f32 v59, v16;
	[tilespmem:s12+$0xFFFFFF80] =	vst v11;
	v18 =	vmul.f32 v9, v13;
	v13 =	vld [tilespmem:s12+$0x0]  }
0xfd: {  	v11 =	vmul.f32 v17, v16;
	v17 =	vmul.f32 v8, v6;
	v8 =	vld [tilespmem:s12+$0x20];
	[tilespmem:s12+$0xFFFFFF90] =	vst v7  }
0xfe: {  	s24 =	simm.s32 $0x8;
	v9 =	vmul.f32 v61, v16;
	v16 =	vmul.f32 v19, v6;
	v7 =	vld [tilespmem:s12+$0x10];
	[tilespmem:s12+$0xFFFFFFA0] =	vst v18  }
.LBB2_5:
0xff: {  	s6 =	sadd.s32 s24, s29;
	s24 =	sadd.s32 $0x8, s24;
	[tilespmem:s12+$0xFFFFFFC0] =	vst v17;
	v15 =	vmul.f32 v15, v6;
	v17 =	vld [tilespmem:s12+$0x30]  }
0x100: {  	s7 =	sadd.s32 $0x109, s6;
	s8 =	sadd.s32 $0x10F, s6;
	p0 =	slt.u32 s24, $0xF8;
	[tilespmem:s12+$0xFFFFFFD0] =	vst v16;
	v6 =	vmul.f32 v14, v6;
	v14 =	vld [tilespmem:s12+$0x40]  }
0x101: {  	s9 =	sadd.s32 $0x10B, s6;
	s10 =	sadd.s32 $0x10C, s6;
	v16 =	vmov s7;
	s7 =	sadd.s32 $0x10A, s6;
	v18 =	vmov s8;
	[tilespmem:s12+$0xFFFFFFE0] =	vst v15;
	v13 =	vmul.f32 v13, v4;
	v15 =	vld [tilespmem:s12+$0x50]  }
0x102: {  	s8 =	sadd.s32 $0x108, s6;
	v20 =	vmov s9;
	v19 =	vmov s7;
	s7 =	sadd.s32 $0x10D, s6;
	s6 =	sadd.s32 $0x10E, s6;
	v18 =	vshrl.u32 v18, $0x3;
	[tilespmem:s12+$0xFFFFFFF0] =	vst v6;
	v6 =	vld [tilespmem:s12+$0x60]  }
0x103: {  	v21 =	vmov s10;
	v22 =	vmov s7;
	v18 =	vshll.u32 v18, v0;
	[tilespmem:s12+$0x0] =	vst v13;
	v13 =	vld [tilespmem:s12+$0x70]  }
0x104: {  	v16 =	vshrl.u32 v16, $0x3;
	v23 =	vmov s6;
	v18 =	vadd.s32 $0x7, v18;
	v24 =	vld [tilespmem:s12+$0x80];
	[tilespmem:s2+$0xE0] =	vst v5;
	s2 =	smov.u32 s12  }
0x105: {  	v5 =	vshrl.u32 v19, $0x3;
	v19 =	vshrl.u32 v20, $0x3;
	v18 =	vbroadcast v18, $0x0;
	[tilespmem:s12+$0xFFFFFF00] =	vst v10;
	v10 =	vld [tilespmem:s12+$0x90]  }
0x106: {  	v20 =	vshrl.u32 v21, $0x3;
	v21 =	vshrl.u32 v22, $0x3;
	v22 =	vshrl.u32 v23, $0x3;
	[tilespmem:s12+$0xFFFFFF10] =	vst v11;
	v11 =	vld [tilespmem:s12+$0xA0]  }
0x107: {  	v16 =	vshll.u32 v16, v0;
	v23 =	vmov s8;
	v5 =	vshll.u32 v5, v0;
	[tilespmem:s12+$0xFFFFFF20] =	vst v12;
	v12 =	vld [tilespmem:s12+$0xB0]  }
0x108: {  	v19 =	vshll.u32 v19, v0;
	v20 =	vshll.u32 v20, v0;
	v21 =	vshll.u32 v21, v0;
	[tilespmem:s12+$0xFFFFFF30] =	vst v9;
	v9 =	vld [tilespmem:s12+$0xC0]  }
0x109: {  	v16 =	vadd.s32 $0x1, v16;
	v23 =	vshrl.u32 v23, $0x3;
	v22 =	vshll.u32 v22, v0;
	v25 =	vld [tilespmem:s12+$0xD0]  }
0x10a: {  	v5 =	vadd.s32 $0x2, v5;
	v19 =	vadd.s32 $0x3, v19;
	v20 =	vadd.s32 $0x4, v20;
	v26 =	vld [tilespmem:s12+$0xE0]  }
0x10b: {  	v23 =	vshll.u32 v23, v0;
	v21 =	vadd.s32 $0x5, v21;
	v22 =	vadd.s32 $0x6, v22;
	s12 =	sadd.s32 $0x200, s12;
	v18 =	vld.idx.msk [tilespmem:v18+s13+$0x0], $0xffff  }
0x10c: {  	v16 =	vbroadcast v16, $0x0;
	v5 =	vbroadcast v5, $0x0;
	v27 =	vld [tilespmem:s12+$0xF0]  }
0x10d: {  	v19 =	vbroadcast v19, $0x0;
	v20 =	vbroadcast v20, $0x0;
	v28 =	vld [tilespmem:s12+$0xFFFFFF00]  }
0x10e: {  	v21 =	vbroadcast v21, $0x0;
	v22 =	vbroadcast v22, $0x0;
	v29 =	vld [tilespmem:s12+$0xFFFFFF10]  }
0x10f: {  	v7 =	vmul.f32 v7, v4;
	v23 =	vbroadcast v23, $0x0;
	v30 =	vld [tilespmem:s12+$0xFFFFFF20]  }
0x110: {  	v8 =	vmul.f32 v8, v4;
	v4 =	vmul.f32 v17, v4;
	v31 =	vld [tilespmem:s12+$0xFFFFFF30]  }
0x111: {  	v17 =	vld [tilespmem:s12+$0xFFFFFF40];
	v27 =	vmul.f32 v27, v18;
	[tilespmem:s2+$0x10] =	vst v7;
	v7 =	vmul.f32 v14, v3  }
0x112: {  	v14 =	vld.idx.msk [tilespmem:v16+s13+$0x0], $0xffff;
	[tilespmem:s2+$0x20] =	vst v8;
	v8 =	vmul.f32 v15, v3;
	v15 =	vmul.f32 v6, v3  }
0x113: {  	v13 =	vmul.f32 v13, v3;
	v24 =	vmul.f32 v24, v2;
	v16 =	vld.idx.msk [tilespmem:v5+s13+$0x0], $0xffff;
	[tilespmem:s12+$0xF0] =	vst v27  }
0x114: {  	v10 =	vmul.f32 v10, v2;
	v11 =	vmul.f32 v11, v2;
	v6 =	vld.idx.msk [tilespmem:v19+s13+$0x0], $0xffff;
	[tilespmem:s2+$0x30] =	vst v4  }
0x115: {  	v9 =	vmul.f32 v9, v1;
	v4 =	vld.idx.msk [tilespmem:v20+s13+$0x0], $0xffff;
	[tilespmem:s2+$0x40] =	vst v7;
	v7 =	vmul.f32 v12, v2  }
0x116: {  	v5 =	vmul.f32 v26, v1;
	v3 =	vld.idx.msk [tilespmem:v21+s13+$0x0], $0xffff;
	[tilespmem:s2+$0x50] =	vst v8;
	v8 =	vmul.f32 v25, v1;
	v1 =	vmov v18  }
0x117: {  	v2 =	vld.idx.msk [tilespmem:v22+s13+$0x0], $0xffff;
	[tilespmem:s2+$0x60] =	vst v15  }
0x118: {  	v12 =	vmul.f32 v17, v14;
	v15 =	vld.idx.msk [tilespmem:v23+s13+$0x0], $0xffff;
	[tilespmem:s2+$0x70] =	vst v13  }
0x119: {  	v13 =	vld [tilespmem:s12+$0xFFFFFF50];
	[tilespmem:s2+$0x80] =	vst v24  }
0x11a: {  	[tilespmem:s12+$0xFFFFFF40] =	vst v12;
	v12 =	vld [tilespmem:s12+$0xFFFFFF60]  }
0x11b: {  	v17 =	vld [tilespmem:s12+$0xFFFFFF70];
	[tilespmem:s2+$0x90] =	vst v10  }
0x11c: {  	v18 =	vld [tilespmem:s12+$0xFFFFFF80];
	[tilespmem:s2+$0xA0] =	vst v11  }
0x11d: {  	v19 =	vld [tilespmem:s12+$0xFFFFFF90];
	[tilespmem:s2+$0xB0] =	vst v7  }
0x11e: {  	v10 =	vmul.f32 v28, v15;
	v7 =	vmul.f32 v13, v14;
	v13 =	vld [tilespmem:s12+$0xFFFFFFA0];
	[tilespmem:s2+$0xC0] =	vst v9  }
0x11f: {  	v11 =	vmul.f32 v29, v15;
	v20 =	vmul.f32 v12, v14;
	v21 =	vld [tilespmem:s12+$0xFFFFFFB0];
	[tilespmem:s2+$0xD0] =	vst v8  }
0x120: {  	v12 =	vmul.f32 v30, v15;
	[tilespmem:s12+$0xFFFFFF50] =	vst v7;
	v7 =	vmul.f32 v17, v14;
	v8 =	vld [tilespmem:s12+$0xFFFFFFC0]  }
0x121: {  	v9 =	vmul.f32 v31, v15;
	[tilespmem:s12+$0xFFFFFF60] =	vst v20;
	v14 =	vmul.f32 v18, v16;
	v18 =	vld [tilespmem:s12+$0xFFFFFFD0]  }
.Ltmp1:
0x122: {  	[tilespmem:s12+$0xFFFFFF70] =	vst v7;
	v7 =	vmul.f32 v19, v16;
	v15 =	vld [tilespmem:s12+$0xFFFFFFE0];
	(pc) =	sbr.rel @p0 .LBB2_5-.Ltmp1, $4  }
0x123: {  	[tilespmem:s12+$0xFFFFFF80] =	vst v14;
	v17 =	vmul.f32 v13, v16;
	v14 =	vld [tilespmem:s12+$0xFFFFFFF0]  }
0x124: {  	[tilespmem:s12+$0xFFFFFF90] =	vst v7;
	v16 =	vmul.f32 v21, v16;
	v13 =	vld [tilespmem:s12+$0x0]  }
0x125: {  	[tilespmem:s12+$0xFFFFFFA0] =	vst v17;
	v17 =	vmul.f32 v8, v6;
	v7 =	vld [tilespmem:s12+$0x10]  }
0x126: {  	[tilespmem:s12+$0xFFFFFFB0] =	vst v16;
	v16 =	vmul.f32 v18, v6;
	v8 =	vld [tilespmem:s12+$0x20]  }
0x127: {  	[tilespmem:s12+$0xFFFFFFC0] =	vst v17  }
0x128: {  	[tilespmem:s2+$0xE0] =	vst v5  }
0x129: {  	[tilespmem:s12+$0xFFFFFF00] =	vst v10  }
0x12a: {  	[tilespmem:s12+$0xFFFFFF10] =	vst v11  }
0x12b: {  	[tilespmem:s12+$0xFFFFFF20] =	vst v12  }
0x12c: {  	v15 =	vmul.f32 v15, v6;
	v5 =	vld [tilespmem:s12+$0x40];
	[tilespmem:s12+$0xFFFFFF30] =	vst v9  }
0x12d: {  	[tilespmem:s12+$0xFFFFFFD0] =	vst v16;
	v6 =	vmul.f32 v14, v6;
	v14 =	vld [tilespmem:s12+$0x30]  }
0x12e: {  	v10 =	vld [tilespmem:s12+$0x60];
	[tilespmem:s12+$0xFFFFFFE0] =	vst v15;
	v13 =	vmul.f32 v13, v4  }
0x12f: {  	[tilespmem:s12+$0xFFFFFFF0] =	vst v6;
	v6 =	vld [tilespmem:s12+$0x50];
	v7 =	vmul.f32 v7, v4  }
0x130: {  	v9 =	vld [tilespmem:s12+$0x80];
	[tilespmem:s12+$0x0] =	vst v13;
	v8 =	vmul.f32 v8, v4  }
0x131: {  	v11 =	vld [tilespmem:s12+$0x70];
	[tilespmem:s12+$0x10] =	vst v7;
	v5 =	vmul.f32 v5, v3  }
0x132: {  	v7 =	vld [tilespmem:s12+$0x90];
	v4 =	vmul.f32 v14, v4;
	[tilespmem:s12+$0x20] =	vst v8  }
0x133: {  	v10 =	vmul.f32 v10, v3;
	v8 =	vld [tilespmem:s12+$0xA0];
	[tilespmem:s12+$0x40] =	vst v5  }
0x134: {  	v6 =	vmul.f32 v6, v3;
	[tilespmem:s12+$0x30] =	vst v4;
	v4 =	vld [tilespmem:s12+$0xB0]  }
0x135: {  	v9 =	vmul.f32 v9, v2;
	v5 =	vld [tilespmem:s12+$0xC0];
	[tilespmem:s12+$0x60] =	vst v10  }
0x136: {  	v3 =	vmul.f32 v11, v3;
	[tilespmem:s12+$0x50] =	vst v6;
	v6 =	vld [tilespmem:s12+$0xD0]  }
0x137: {  	v10 =	vld [tilespmem:s12+$0xE0];
	[tilespmem:s12+$0x80] =	vst v9;
	v7 =	vmul.f32 v7, v2  }
0x138: {  	[tilespmem:s12+$0x70] =	vst v3;
	v3 =	vmul.f32 v8, v2  }
0x139: {  	[tilespmem:s12+$0x90] =	vst v7;
	v2 =	vmul.f32 v4, v2  }
0x13a: {  	v4 =	vmul.f32 v5, v1;
	[tilespmem:s12+$0xA0] =	vst v3  }
0x13b: {  	v3 =	vmul.f32 v6, v1;
	[tilespmem:s12+$0xB0] =	vst v2  }
0x13c: {  	v1 =	vmul.f32 v10, v1;
	[tilespmem:s12+$0xC0] =	vst v4  }
0x13d: {  	[tilespmem:s12+$0xD0] =	vst v3  }
0x13e: {  	s6 =	sadd.s32 $0x2800, s31;
	[tilespmem:s12+$0xE0] =	vst v1  }
0x13f: {  	[spmem:s3] =	stream.indirect.scatter.add.f32 [tilespmem:s18], [sflag:$0x5], $0x40, s6, s16, $0xb8;
	[tilespmem:$0x1D800] =	vst v63  }
0x140: {  	s2 =	sadd.s32 $0xFFFFFFF8, s29;
	_ =	swait.ge [sflag:s22], $0x4000  }
0x141: {  	s1 =	sadd.s32 $0x300, s1;
	s8 =	sadd.s32 $0x209, s2;
	[sflag:s22] =	ssyncset.done $0x0  }
0x142: {  	s24 =	sadd.s32 $0x20D, s2;
	s31 =	sadd.s32 $0x20E, s2;
	v2 =	vmov s8;
	[sflag:s22] =	ssyncadd.s32 $0xFFFFC000  }
0x143: {  	v6 =	vmov s24;
	v2 =	vshrl.u32 v2, $0x3;
	[tilespmem:s17], [sflag:$0x1] =	stream.indirect.gather [hbm4b:s5+s16], $0x40, s1, s16, $0xb8;
	[tilespmem:$0x1D800] =	vst v63  }
0x144: {  	v7 =	vmov s31;
	v6 =	vshrl.u32 v6, $0x3;
	v2 =	vshll.u32 v2, v0;
	_ =	swait.ge [sflag:s23], $0x4000  }
0x145: {  	v7 =	vshrl.u32 v7, $0x3;
	v6 =	vshll.u32 v6, v0;
	v2 =	vadd.s32 $0x1, v2;
	[sflag:s23] =	ssyncset.done $0x0  }
0x146: {  	v7 =	vshll.u32 v7, v0;
	v6 =	vadd.s32 $0x5, v6;
	v2 =	vbroadcast v2, $0x0;
	s1 =	simm.s32 $0xF900;
	[sflag:s23] =	ssyncadd.s32 $0xFFFFC000  }
0x147: {  	v7 =	vadd.s32 $0x6, v7;
	v6 =	vbroadcast v6, $0x0;
	v9 =	vld [tilespmem:s1+$0xFFFFFF00]  }
0x148: {  	v7 =	vbroadcast v7, $0x0;
	v10 =	vld [tilespmem:s1+$0xFFFFFF10]  }
0x149: {  	v11 =	vld [tilespmem:s1+$0xFFFFFF20]  }
0x14a: {  	v13 =	vld [tilespmem:s1+$0xFFFFFF30]  }
0x14b: {  	v14 =	vld [tilespmem:s1+$0xFFFFFF40]  }
0x14c: {  	v15 =	vld.idx.msk [tilespmem:v2+s13+$0x0], $0xffff  }
0x14d: {  	v2 =	vld.idx.msk [tilespmem:v6+s13+$0x0], $0xffff  }
0x14e: {  	v7 =	vld.idx.msk [tilespmem:v7+s13+$0x0], $0xffff  }
0x14f: {  	s7 =	sadd.s32 $0x20F, s2;
	v16 =	vld [tilespmem:s1+$0xFFFFFF70]  }
0x150: {  	v1 =	vmov s7;
	v17 =	vld [tilespmem:s1+$0xFFFFFF80]  }
0x151: {  	s9 =	sadd.s32 $0x20A, s2;
	v1 =	vshrl.u32 v1, $0x3;
	v18 =	vld [tilespmem:s1+$0xFFFFFF90]  }
0x152: {  	s10 =	sadd.s32 $0x20B, s2;
	s12 =	sadd.s32 $0x20C, s2;
	s2 =	sadd.s32 $0x208, s2;
	v1 =	vshll.u32 v1, v0;
	v19 =	vld [tilespmem:s1+$0xFFFFFFA0]  }
0x153: {  	v12 =	vmov s2;
	v1 =	vadd.s32 $0x7, v1;
	v20 =	vld [tilespmem:s1+$0xFFFFFFB0]  }
0x154: {  	v12 =	vshrl.u32 v12, $0x3;
	v1 =	vbroadcast v1, $0x0;
	v21 =	vld [tilespmem:s1+$0xFFFFFFC0]  }
0x155: {  	v3 =	vmov s9;
	v12 =	vshll.u32 v12, v0;
	v22 =	vld [tilespmem:s1+$0xFFFFFFD0]  }
0x156: {  	v3 =	vshrl.u32 v3, $0x3;
	v12 =	vbroadcast v12, $0x0;
	v23 =	vld [tilespmem:s1+$0xFFFFFFE0]  }
0x157: {  	v3 =	vshll.u32 v3, v0;
	v24 =	vld [tilespmem:s1+$0xFFFFFFF0]  }
0x158: {  	v3 =	vadd.s32 $0x2, v3;
	v25 =	vld [tilespmem:s1+$0x0]  }
0x159: {  	v4 =	vmov s10;
	v5 =	vmov s12;
	v3 =	vbroadcast v3, $0x0;
	v26 =	vld [tilespmem:s1+$0x10]  }
0x15a: {  	v4 =	vshrl.u32 v4, $0x3;
	v8 =	vshrl.u32 v5, $0x3;
	v5 =	vld.idx.msk [tilespmem:v1+s13+$0x0], $0xffff  }
0x15b: {  	v8 =	vshll.u32 v8, v0;
	v1 =	vshll.u32 v4, v0;
	v4 =	vld [tilespmem:s1+$0xF0]  }
0x15c: {  	v8 =	vadd.s32 $0x4, v8;
	v12 =	vld.idx.msk [tilespmem:v12+s13+$0x0], $0xffff  }
0x15d: {  	v8 =	vbroadcast v8, $0x0;
	v27 =	vld [tilespmem:s1+$0x20]  }
0x15e: {  	v28 =	vld [tilespmem:s1+$0x30]  }
0x15f: {  	v3 =	vld.idx.msk [tilespmem:v3+s13+$0x0], $0xffff;
	v1 =	vadd.s32 $0x3, v1;
	v6 =	vmul.f32 v14, v15  }
0x160: {  	v1 =	vbroadcast v1, $0x0;
	v14 =	vld [tilespmem:s1+$0xFFFFFF50];
	v4 =	vmul.f32 v4, v5  }
0x161: {  	v50 =	vld [tilespmem:s1+$0x80];
	v9 =	vmul.f32 v9, v12;
	[tilespmem:s1+$0xFFFFFF40] =	vst v6  }
0x162: {  	v10 =	vmul.f32 v10, v12;
	v6 =	vld [tilespmem:s1+$0xFFFFFF60];
	[tilespmem:s1+$0xF0] =	vst v4;
	v4 =	vmul.f32 v11, v12  }
0x163: {  	v8 =	vld.idx.msk [tilespmem:v8+s13+$0x0], $0xffff;
	v11 =	vmul.f32 v16, v15;
	v12 =	vmul.f32 v13, v12  }
0x164: {  	s2 =	sadd.s32 $0x0, s29;
	v53 =	vld [tilespmem:s1+$0xA0];
	v13 =	vmul.f32 v17, v3;
	v17 =	vmul.f32 v19, v3;
	[tilespmem:s1+$0xFFFFFF00] =	vst v9  }
0x165: {  	s10 =	sadd.s32 $0x20A, s2;
	s24 =	sadd.s32 $0x20D, s2;
	v30 =	vld [tilespmem:s1+$0xB0];
	v14 =	vmul.f32 v14, v15;
	[tilespmem:s1+$0xFFFFFF70] =	vst v11  }
0x166: {  	s8 =	sadd.s32 $0x20F, s2;
	v52 =	vmov s10;
	v29 =	vmov s24;
	v1 =	vld.idx.msk [tilespmem:v1+s13+$0x0], $0xffff;
	[tilespmem:s1+$0xFFFFFFA0] =	vst v17  }
0x167: {  	v55 =	vshrl.u32 v29, $0x3;
	v31 =	vld [tilespmem:s1+$0xC0];
	v6 =	vmul.f32 v6, v15;
	[tilespmem:s1+$0xFFFFFF50] =	vst v14;
	v14 =	vmov s8  }
0x168: {  	v56 =	vld [tilespmem:s1+$0xD0];
	v51 =	vmul.f32 v25, v8;
	v9 =	vshll.u32 v55, v0;
	[tilespmem:s1+$0xFFFFFF20] =	vst v4;
	v14 =	vshrl.u32 v14, $0x3  }
0x169: {  	v32 =	vld [tilespmem:s1+$0xE0];
	v4 =	vadd.s32 $0x5, v9;
	[tilespmem:s1+$0xFFFFFF60] =	vst v6;
	v6 =	vmul.f32 v18, v3;
	v14 =	vshll.u32 v14, v0  }
0x16a: {  	s9 =	sadd.s32 $0x209, s2;
	s12 =	sadd.s32 $0x20B, s2;
	v16 =	vld [tilespmem:s1+$0x50];
	[tilespmem:s1+$0xFFFFFF30] =	vst v12;
	v12 =	vbroadcast v4, $0x0;
	v4 =	vmul.f32 v27, v8;
	v14 =	vadd.s32 $0x7, v14  }
0x16b: {  	s31 =	sadd.s32 $0x20E, s2;
	v19 =	vld [tilespmem:s1+$0x70];
	v17 =	vmov s9;
	s8 =	sadd.s32 $0x20C, s2;
	s2 =	sadd.s32 $0x208, s2;
	v11 =	vmul.f32 v21, v1;
	[tilespmem:s1+$0xFFFFFF90] =	vst v6;
	v6 =	vbroadcast v14, $0x0  }
0x16c: {  	[tilespmem:s1+$0xFFFFFF80] =	vst v13;
	v15 =	vld [tilespmem:s1+$0x40];
	v54 =	vmov s8;
	v57 =	vmov s2;
	v3 =	vmul.f32 v20, v3  }
0x16d: {  	s2 =	simm.s32 $0xFB00;
	v18 =	vld [tilespmem:s1+$0x60];
	v13 =	vmul.f32 v22, v1;
	v49 =	vmul.f32 v23, v1;
	[tilespmem:s1+$0xFFFFFFC0] =	vst v11;
	v11 =	vshrl.u32 v17, $0x3  }
0x16e: {  	v1 =	vmul.f32 v24, v1;
	v58 =	vld [tilespmem:s2+$0xF0];
	[tilespmem:s1+$0xFFFFFFB0] =	vst v3;
	v3 =	vmov s12;
	v11 =	vshll.u32 v11, v0  }
0x16f: {  	v23 =	vshrl.u32 v52, $0x3;
	v59 =	vld [tilespmem:s2+$0xFFFFFF00];
	v3 =	vshrl.u32 v3, $0x3;
	v11 =	vadd.s32 $0x1, v11  }
0x170: {  	v60 =	vld [tilespmem:s2+$0xFFFFFF20];
	v23 =	vshll.u32 v23, v0;
	[tilespmem:s1+$0xFFFFFFD0] =	vst v13;
	v3 =	vshll.u32 v3, v0;
	v11 =	vbroadcast v11, $0x0  }
0x171: {  	v17 =	vmov s31;
	v13 =	vshrl.u32 v54, $0x3;
	[tilespmem:s1+$0xFFFFFFF0] =	vst v1;
	v3 =	vadd.s32 $0x3, v3;
	v1 =	vld.idx.msk [tilespmem:v6+s13+$0x0], $0xffff  }
0x172: {  	[tilespmem:s1+$0xFFFFFF10] =	vst v10;
	v61 =	vld [tilespmem:s2+$0xFFFFFF30];
	v17 =	vshrl.u32 v17, $0x3;
	v3 =	vbroadcast v3, $0x0;
	v6 =	vshll.u32 v13, v0  }
0x173: {  	[tilespmem:s1+$0x0] =	vst v51;
	v62 =	vld [tilespmem:s2+$0xFFFFFF40];
	v15 =	vmul.f32 v15, v2;
	v10 =	vshll.u32 v17, v0;
	v6 =	vadd.s32 $0x4, v6  }
0x174: {  	[tilespmem:s1+$0x20] =	vst v4;
	v14 =	vld [tilespmem:s1+$0x90];
	v13 =	vadd.s32 $0x2, v23;
	v9 =	vbroadcast v6, $0x0;
	v6 =	vmul.f32 v26, v8  }
0x175: {  	v17 =	vld [tilespmem:s2+$0xFFFFFF10];
	v10 =	vadd.s32 $0x6, v10;
	[tilespmem:s1+$0x40] =	vst v15;
	v13 =	vbroadcast v13, $0x0;
	v8 =	vmul.f32 v28, v8  }
0x176: {  	v10 =	vbroadcast v10, $0x0;
	v11 =	vld.idx.msk [tilespmem:v11+s13+$0x0], $0xffff;
	[tilespmem:s1+$0x10] =	vst v6;
	v6 =	vmul.f32 v58, v1  }
0x177: {  	v16 =	vmul.f32 v16, v2;
	v15 =	vld [tilespmem:s2+$0xFFFFFF80];
	[tilespmem:s1+$0x30] =	vst v8  }
0x178: {  	v8 =	vmul.f32 v18, v2;
	[tilespmem:s2+$0xF0] =	vst v6;
	v6 =	vld.idx.msk [tilespmem:v3+s13+$0x0], $0xffff  }
0x179: {  	v20 =	vshrl.u32 v57, $0x3;
	[tilespmem:s1+$0x50] =	vst v16;
	v3 =	vld.idx.msk [tilespmem:v12+s13+$0x0], $0xffff;
	v12 =	vmul.f32 v14, v7  }
0x17a: {  	v20 =	vshll.u32 v20, v0;
	[tilespmem:s1+$0x60] =	vst v8;
	v4 =	vld.idx.msk [tilespmem:v9+s13+$0x0], $0xffff;
	v9 =	vmul.f32 v19, v2  }
0x17b: {  	v20 =	vbroadcast v20, $0x0;
	v13 =	vld.idx.msk [tilespmem:v13+s13+$0x0], $0xffff;
	v8 =	vmul.f32 v62, v11;
	[tilespmem:s1+$0x90] =	vst v12  }
0x17c: {  	v2 =	vld.idx.msk [tilespmem:v10+s13+$0x0], $0xffff;
	v10 =	vmul.f32 v50, v7;
	[tilespmem:s1+$0x70] =	vst v9  }
0x17d: {  	v12 =	vmul.f32 v31, v5;
	v9 =	vld [tilespmem:s2+$0xFFFFFF50];
	[tilespmem:s2+$0xFFFFFF40] =	vst v8  }
0x17e: {  	[tilespmem:s1+$0x80] =	vst v10;
	v10 =	vld [tilespmem:s2+$0xFFFFFF60]  }
0x17f: {  	v8 =	vmul.f32 v53, v7;
	[tilespmem:s1+$0xC0] =	vst v12;
	v12 =	vld [tilespmem:s2+$0xFFFFFFB0]  }
0x180: {  	[tilespmem:s1+$0xFFFFFFE0] =	vst v49;
	v14 =	vld [tilespmem:s2+$0xFFFFFF70];
	v7 =	vmul.f32 v30, v7  }
0x181: {  	v16 =	vld.idx.msk [tilespmem:v20+s13+$0x0], $0xffff;
	[tilespmem:s1+$0xA0] =	vst v8;
	v8 =	vmul.f32 v56, v5  }
0x182: {  	v18 =	vld [tilespmem:s2+$0xFFFFFF90];
	[tilespmem:s1+$0xB0] =	vst v7;
	v7 =	vmul.f32 v9, v11  }
0x183: {  	[tilespmem:s1+$0xD0] =	vst v8;
	v9 =	vld [tilespmem:s2+$0xFFFFFFA0];
	v10 =	vmul.f32 v10, v11  }
0x184: {  	v8 =	vld [tilespmem:s2+$0xFFFFFFC0];
	v63 =	vmul.f32 v12, v13;
	[tilespmem:s2+$0xFFFFFF50] =	vst v7  }
0x185: {  	v19 =	vld [tilespmem:s2+$0xFFFFFFD0];
	v7 =	vmul.f32 v14, v11;
	[tilespmem:s2+$0xFFFFFF60] =	vst v10  }
0x186: {  	v5 =	vmul.f32 v32, v5;
	v11 =	vmul.f32 v15, v13;
	v15 =	vld [tilespmem:s2+$0xFFFFFFE0];
	[tilespmem:s2+$0xFFFFFFB0] =	vst v63  }
0x187: {  	v12 =	vmul.f32 v60, v16;
	v14 =	vld [tilespmem:s2+$0xFFFFFFF0];
	[tilespmem:s2+$0xFFFFFF70] =	vst v7;
	v7 =	vmul.f32 v18, v13  }
0x188: {  	v10 =	vmul.f32 v59, v16;
	[tilespmem:s2+$0xFFFFFF80] =	vst v11;
	v18 =	vmul.f32 v9, v13;
	v13 =	vld [tilespmem:s2+$0x0]  }
0x189: {  	v11 =	vmul.f32 v17, v16;
	v17 =	vmul.f32 v8, v6;
	v8 =	vld [tilespmem:s2+$0x20];
	[tilespmem:s2+$0xFFFFFF90] =	vst v7  }
0x18a: {  	s12 =	simm.s32 $0x8;
	v9 =	vmul.f32 v61, v16;
	v16 =	vmul.f32 v19, v6;
	v7 =	vld [tilespmem:s2+$0x10];
	[tilespmem:s2+$0xFFFFFFA0] =	vst v18  }
.LBB2_7:
0x18b: {  	s6 =	sadd.s32 s12, s29;
	s12 =	sadd.s32 $0x8, s12;
	[tilespmem:s2+$0xFFFFFFC0] =	vst v17;
	v15 =	vmul.f32 v15, v6;
	v17 =	vld [tilespmem:s2+$0x30]  }
0x18c: {  	s7 =	sadd.s32 $0x209, s6;
	s8 =	sadd.s32 $0x20F, s6;
	p0 =	slt.u32 s12, $0xF8;
	[tilespmem:s2+$0xFFFFFFD0] =	vst v16;
	v6 =	vmul.f32 v14, v6;
	v14 =	vld [tilespmem:s2+$0x40]  }
0x18d: {  	s9 =	sadd.s32 $0x20B, s6;
	s10 =	sadd.s32 $0x20C, s6;
	v16 =	vmov s7;
	s7 =	sadd.s32 $0x20A, s6;
	v18 =	vmov s8;
	[tilespmem:s2+$0xFFFFFFE0] =	vst v15;
	v13 =	vmul.f32 v13, v4;
	v15 =	vld [tilespmem:s2+$0x50]  }
0x18e: {  	s8 =	sadd.s32 $0x208, s6;
	v20 =	vmov s9;
	v19 =	vmov s7;
	s7 =	sadd.s32 $0x20D, s6;
	s6 =	sadd.s32 $0x20E, s6;
	v18 =	vshrl.u32 v18, $0x3;
	[tilespmem:s2+$0xFFFFFFF0] =	vst v6;
	v6 =	vld [tilespmem:s2+$0x60]  }
0x18f: {  	v21 =	vmov s10;
	v22 =	vmov s7;
	v18 =	vshll.u32 v18, v0;
	[tilespmem:s2+$0x0] =	vst v13;
	v13 =	vld [tilespmem:s2+$0x70]  }
0x190: {  	v16 =	vshrl.u32 v16, $0x3;
	v23 =	vmov s6;
	v18 =	vadd.s32 $0x7, v18;
	v24 =	vld [tilespmem:s2+$0x80];
	[tilespmem:s1+$0xE0] =	vst v5;
	s1 =	smov.u32 s2  }
0x191: {  	v5 =	vshrl.u32 v19, $0x3;
	v19 =	vshrl.u32 v20, $0x3;
	v18 =	vbroadcast v18, $0x0;
	[tilespmem:s2+$0xFFFFFF00] =	vst v10;
	v10 =	vld [tilespmem:s2+$0x90]  }
0x192: {  	v20 =	vshrl.u32 v21, $0x3;
	v21 =	vshrl.u32 v22, $0x3;
	v22 =	vshrl.u32 v23, $0x3;
	[tilespmem:s2+$0xFFFFFF10] =	vst v11;
	v11 =	vld [tilespmem:s2+$0xA0]  }
0x193: {  	v16 =	vshll.u32 v16, v0;
	v23 =	vmov s8;
	v5 =	vshll.u32 v5, v0;
	[tilespmem:s2+$0xFFFFFF20] =	vst v12;
	v12 =	vld [tilespmem:s2+$0xB0]  }
0x194: {  	v19 =	vshll.u32 v19, v0;
	v20 =	vshll.u32 v20, v0;
	v21 =	vshll.u32 v21, v0;
	[tilespmem:s2+$0xFFFFFF30] =	vst v9;
	v9 =	vld [tilespmem:s2+$0xC0]  }
0x195: {  	v16 =	vadd.s32 $0x1, v16;
	v23 =	vshrl.u32 v23, $0x3;
	v22 =	vshll.u32 v22, v0;
	v25 =	vld [tilespmem:s2+$0xD0]  }
0x196: {  	v5 =	vadd.s32 $0x2, v5;
	v19 =	vadd.s32 $0x3, v19;
	v20 =	vadd.s32 $0x4, v20;
	v26 =	vld [tilespmem:s2+$0xE0]  }
0x197: {  	v23 =	vshll.u32 v23, v0;
	v21 =	vadd.s32 $0x5, v21;
	v22 =	vadd.s32 $0x6, v22;
	s2 =	sadd.s32 $0x200, s2;
	v18 =	vld.idx.msk [tilespmem:v18+s13+$0x0], $0xffff  }
0x198: {  	v16 =	vbroadcast v16, $0x0;
	v5 =	vbroadcast v5, $0x0;
	v27 =	vld [tilespmem:s2+$0xF0]  }
0x199: {  	v19 =	vbroadcast v19, $0x0;
	v20 =	vbroadcast v20, $0x0;
	v28 =	vld [tilespmem:s2+$0xFFFFFF00]  }
0x19a: {  	v21 =	vbroadcast v21, $0x0;
	v22 =	vbroadcast v22, $0x0;
	v29 =	vld [tilespmem:s2+$0xFFFFFF10]  }
0x19b: {  	v7 =	vmul.f32 v7, v4;
	v23 =	vbroadcast v23, $0x0;
	v30 =	vld [tilespmem:s2+$0xFFFFFF20]  }
0x19c: {  	v8 =	vmul.f32 v8, v4;
	v4 =	vmul.f32 v17, v4;
	v31 =	vld [tilespmem:s2+$0xFFFFFF30]  }
0x19d: {  	v17 =	vld [tilespmem:s2+$0xFFFFFF40];
	v27 =	vmul.f32 v27, v18;
	[tilespmem:s1+$0x10] =	vst v7;
	v7 =	vmul.f32 v14, v3  }
0x19e: {  	v14 =	vld.idx.msk [tilespmem:v16+s13+$0x0], $0xffff;
	[tilespmem:s1+$0x20] =	vst v8;
	v8 =	vmul.f32 v15, v3;
	v15 =	vmul.f32 v6, v3  }
0x19f: {  	v13 =	vmul.f32 v13, v3;
	v24 =	vmul.f32 v24, v2;
	v16 =	vld.idx.msk [tilespmem:v5+s13+$0x0], $0xffff;
	[tilespmem:s2+$0xF0] =	vst v27  }
0x1a0: {  	v10 =	vmul.f32 v10, v2;
	v11 =	vmul.f32 v11, v2;
	v6 =	vld.idx.msk [tilespmem:v19+s13+$0x0], $0xffff;
	[tilespmem:s1+$0x30] =	vst v4  }
0x1a1: {  	v9 =	vmul.f32 v9, v1;
	v4 =	vld.idx.msk [tilespmem:v20+s13+$0x0], $0xffff;
	[tilespmem:s1+$0x40] =	vst v7;
	v7 =	vmul.f32 v12, v2  }
0x1a2: {  	v5 =	vmul.f32 v26, v1;
	v3 =	vld.idx.msk [tilespmem:v21+s13+$0x0], $0xffff;
	[tilespmem:s1+$0x50] =	vst v8;
	v8 =	vmul.f32 v25, v1;
	v1 =	vmov v18  }
0x1a3: {  	v2 =	vld.idx.msk [tilespmem:v22+s13+$0x0], $0xffff;
	[tilespmem:s1+$0x60] =	vst v15  }
0x1a4: {  	v12 =	vmul.f32 v17, v14;
	v15 =	vld.idx.msk [tilespmem:v23+s13+$0x0], $0xffff;
	[tilespmem:s1+$0x70] =	vst v13  }
0x1a5: {  	v13 =	vld [tilespmem:s2+$0xFFFFFF50];
	[tilespmem:s1+$0x80] =	vst v24  }
0x1a6: {  	[tilespmem:s2+$0xFFFFFF40] =	vst v12;
	v12 =	vld [tilespmem:s2+$0xFFFFFF60]  }
0x1a7: {  	v17 =	vld [tilespmem:s2+$0xFFFFFF70];
	[tilespmem:s1+$0x90] =	vst v10  }
0x1a8: {  	v18 =	vld [tilespmem:s2+$0xFFFFFF80];
	[tilespmem:s1+$0xA0] =	vst v11  }
0x1a9: {  	v19 =	vld [tilespmem:s2+$0xFFFFFF90];
	[tilespmem:s1+$0xB0] =	vst v7  }
0x1aa: {  	v10 =	vmul.f32 v28, v15;
	v7 =	vmul.f32 v13, v14;
	v13 =	vld [tilespmem:s2+$0xFFFFFFA0];
	[tilespmem:s1+$0xC0] =	vst v9  }
0x1ab: {  	v11 =	vmul.f32 v29, v15;
	v20 =	vmul.f32 v12, v14;
	v21 =	vld [tilespmem:s2+$0xFFFFFFB0];
	[tilespmem:s1+$0xD0] =	vst v8  }
0x1ac: {  	v12 =	vmul.f32 v30, v15;
	[tilespmem:s2+$0xFFFFFF50] =	vst v7;
	v7 =	vmul.f32 v17, v14;
	v8 =	vld [tilespmem:s2+$0xFFFFFFC0]  }
0x1ad: {  	v9 =	vmul.f32 v31, v15;
	[tilespmem:s2+$0xFFFFFF60] =	vst v20;
	v14 =	vmul.f32 v18, v16;
	v18 =	vld [tilespmem:s2+$0xFFFFFFD0]  }
.Ltmp2:
0x1ae: {  	[tilespmem:s2+$0xFFFFFF70] =	vst v7;
	v7 =	vmul.f32 v19, v16;
	v15 =	vld [tilespmem:s2+$0xFFFFFFE0];
	(pc) =	sbr.rel @p0 .LBB2_7-.Ltmp2, $4  }
0x1af: {  	[tilespmem:s2+$0xFFFFFF80] =	vst v14;
	v17 =	vmul.f32 v13, v16;
	v14 =	vld [tilespmem:s2+$0xFFFFFFF0]  }
0x1b0: {  	[tilespmem:s2+$0xFFFFFF90] =	vst v7;
	v16 =	vmul.f32 v21, v16;
	v13 =	vld [tilespmem:s2+$0x0]  }
0x1b1: {  	[tilespmem:s2+$0xFFFFFFA0] =	vst v17;
	v17 =	vmul.f32 v8, v6;
	v7 =	vld [tilespmem:s2+$0x10]  }
0x1b2: {  	[tilespmem:s2+$0xFFFFFFB0] =	vst v16;
	v16 =	vmul.f32 v18, v6;
	v8 =	vld [tilespmem:s2+$0x20]  }
0x1b3: {  	[tilespmem:s2+$0xFFFFFFC0] =	vst v17  }
0x1b4: {  	[tilespmem:s1+$0xE0] =	vst v5  }
0x1b5: {  	[tilespmem:s2+$0xFFFFFF00] =	vst v10  }
0x1b6: {  	[tilespmem:s2+$0xFFFFFF10] =	vst v11  }
0x1b7: {  	[tilespmem:s2+$0xFFFFFF20] =	vst v12  }
0x1b8: {  	v15 =	vmul.f32 v15, v6;
	v50 =	vld [tilespmem:s2+$0x30];
	[tilespmem:s2+$0xFFFFFF30] =	vst v9  }
0x1b9: {  	v51 =	vld [tilespmem:s2+$0x40];
	[tilespmem:s2+$0xFFFFFFD0] =	vst v16;
	v49 =	vmul.f32 v14, v6  }
0x1ba: {  	v52 =	vld [tilespmem:s2+$0x50];
	[tilespmem:s2+$0xFFFFFFE0] =	vst v15;
	v13 =	vmul.f32 v13, v4  }
0x1bb: {  	v53 =	vld [tilespmem:s2+$0x60];
	[tilespmem:s2+$0xFFFFFFF0] =	vst v49;
	v7 =	vmul.f32 v7, v4  }
0x1bc: {  	v54 =	vld [tilespmem:s2+$0x70];
	[tilespmem:s2+$0x0] =	vst v13;
	v8 =	vmul.f32 v8, v4  }
0x1bd: {  	v55 =	vld [tilespmem:s2+$0x80];
	v56 =	vmul.f32 v50, v4;
	[tilespmem:s2+$0x10] =	vst v7  }
0x1be: {  	v57 =	vld [tilespmem:s2+$0x90];
	v5 =	vmul.f32 v51, v3;
	[tilespmem:s2+$0x20] =	vst v8  }
0x1bf: {  	v60 =	vld [tilespmem:s2+$0xC0];
	v6 =	vmul.f32 v52, v3;
	[tilespmem:s2+$0x30] =	vst v56  }
0x1c0: {  	v58 =	vld [tilespmem:s2+$0xA0];
	v10 =	vmul.f32 v53, v3;
	[tilespmem:s2+$0x40] =	vst v5  }
0x1c1: {  	v59 =	vld [tilespmem:s2+$0xB0];
	v3 =	vmul.f32 v54, v3;
	[tilespmem:s2+$0x50] =	vst v6  }
0x1c2: {  	v61 =	vld [tilespmem:s2+$0xD0];
	v9 =	vmul.f32 v55, v2;
	[tilespmem:s2+$0x60] =	vst v10  }
0x1c3: {  	v62 =	vld [tilespmem:s2+$0xE0];
	v7 =	vmul.f32 v57, v2;
	[tilespmem:s2+$0x70] =	vst v3  }
0x1c4: {  	v63 =	vmul.f32 v60, v1;
	[tilespmem:s2+$0x80] =	vst v9  }
0x1c5: {  	s30 =	sadd.s32 $0x1, s30;
	v3 =	vmul.f32 v58, v2;
	[tilespmem:s2+$0x90] =	vst v7  }
0x1c6: {  	p0 =	sne.s32 s30, $0xD;
	v2 =	vmul.f32 v59, v2;
	[tilespmem:s2+$0xC0] =	vst v63  }
.Ltmp3:
0x1c7: {  	[tilespmem:s2+$0xA0] =	vst v3;
	v3 =	vmul.f32 v61, v1;
	(pc) =	sbr.rel @p0 .LBB2_2-.Ltmp3, $4  }
0x1c8: {  	[tilespmem:s2+$0xB0] =	vst v2;
	v1 =	vmul.f32 v62, v1  }
0x1c9: {  	[tilespmem:s2+$0xD0] =	vst v3  }
0x1ca: {  	s0 =	sadd.s32 $0x2800, s0;
	s29 =	sadd.s32 $0x300, s29;
	[tilespmem:s2+$0xE0] =	vst v1  }
0x1cb: {  	[spmem:s3] =	stream.indirect.scatter.add.f32 [tilespmem:s20], [sflag:$0x6], $0x40, s0, s16, $0xb8;
	[tilespmem:$0x1D800] =	vst v63  }
0x1cc: {  	s0 =	simm.s32 $0x2700  }
0x1cd: {  	s1 =	simm.s32 $0x2701;
	s2 =	simm.s32 $0x2702;
	s12 =	simm.s32 $0x2703;
	v1 =	vmov s0  }
0x1ce: {  	s24 =	simm.s32 $0x2704;
	s29 =	simm.s32 $0x2705;
	s30 =	simm.s32 $0x2706;
	v2 =	vmov s1;
	v3 =	vmov s2;
	v4 =	vmov s12  }
0x1cf: {  	s31 =	simm.s32 $0x2707;
	v5 =	vmov s24;
	v6 =	vmov s29;
	v7 =	vmov s30  }
0x1d0: {  	v8 =	vmov s31;
	v1 =	vshrl.u32 v1, $0x3;
	v2 =	vshrl.u32 v2, $0x3  }
0x1d1: {  	v3 =	vshrl.u32 v3, $0x3;
	v4 =	vshrl.u32 v4, $0x3;
	v5 =	vshrl.u32 v5, $0x3  }
0x1d2: {  	v6 =	vshrl.u32 v6, $0x3;
	v1 =	vshll.u32 v1, v0;
	v2 =	vshll.u32 v2, v0  }
0x1d3: {  	v3 =	vshll.u32 v3, v0;
	v1 =	vbroadcast v1, $0x0;
	v2 =	vadd.s32 $0x1, v2  }
0x1d4: {  	v4 =	vshll.u32 v4, v0;
	v3 =	vadd.s32 $0x2, v3;
	v2 =	vbroadcast v2, $0x0  }
0x1d5: {  	_ =	swait.ge [sflag:s19], $0x4000;
	v5 =	vshll.u32 v5, v0;
	v4 =	vadd.s32 $0x3, v4;
	v3 =	vbroadcast v3, $0x0  }
0x1d6: {  	[sflag:s19] =	ssyncset.done $0x0;
	v6 =	vshll.u32 v6, v0;
	v5 =	vadd.s32 $0x4, v5;
	v4 =	vbroadcast v4, $0x0  }
0x1d7: {  	s0 =	simm.s32 $0x7900;
	v7 =	vshrl.u32 v7, $0x3;
	[sflag:s19] =	ssyncadd.s32 $0xFFFFC000;
	v6 =	vadd.s32 $0x5, v6;
	v9 =	vbroadcast v5, $0x0  }
0x1d8: {  	v7 =	vshll.u32 v7, v0;
	v12 =	vld [tilespmem:s0+$0xFFFFFF20];
	v5 =	vshrl.u32 v8, $0x3;
	v8 =	vbroadcast v6, $0x0  }
0x1d9: {  	v7 =	vadd.s32 $0x6, v7;
	v10 =	vld.idx.msk [tilespmem:v1+s13+$0x0], $0xffff  }
0x1da: {  	v5 =	vshll.u32 v5, v0;
	v1 =	vbroadcast v7, $0x0;
	v7 =	vld.idx.msk [tilespmem:v2+s13+$0x0], $0xffff  }
0x1db: {  	v5 =	vadd.s32 $0x7, v5;
	v6 =	vld.idx.msk [tilespmem:v3+s13+$0x0], $0xffff  }
0x1dc: {  	v11 =	vbroadcast v5, $0x0;
	v5 =	vld.idx.msk [tilespmem:v4+s13+$0x0], $0xffff  }
0x1dd: {  	v4 =	vld.idx.msk [tilespmem:v9+s13+$0x0], $0xffff  }
0x1de: {  	v3 =	vld.idx.msk [tilespmem:v8+s13+$0x0], $0xffff  }
0x1df: {  	v8 =	vld [tilespmem:s0+$0xF0]  }
0x1e0: {  	v9 =	vld [tilespmem:s0+$0xFFFFFF00]  }
0x1e1: {  	v2 =	vld.idx.msk [tilespmem:v1+s13+$0x0], $0xffff  }
0x1e2: {  	v1 =	vld.idx.msk [tilespmem:v11+s13+$0x0], $0xffff  }
0x1e3: {  	v11 =	vld [tilespmem:s0+$0xFFFFFF10]  }
0x1e4: {  	v13 =	vld [tilespmem:s0+$0xFFFFFF30];
	_ =	sdelay $0x1  }
0x1e5: {  	v14 =	vld [tilespmem:s0+$0xFFFFFF40];
	v9 =	vmul.f32 v9, v10  }
0x1e6: {  	v15 =	vld [tilespmem:s0+$0xFFFFFF50];
	v8 =	vmul.f32 v8, v1  }
0x1e7: {  	v16 =	vld [tilespmem:s0+$0xFFFFFF60];
	[tilespmem:s0+$0xFFFFFF00] =	vst v9;
	v11 =	vmul.f32 v11, v10  }
0x1e8: {  	v9 =	vmul.f32 v13, v10;
	[tilespmem:s0+$0xF0] =	vst v8;
	v8 =	vmul.f32 v12, v10;
	v12 =	vld [tilespmem:s0+$0xFFFFFF70]  }
0x1e9: {  	[tilespmem:s0+$0xFFFFFF10] =	vst v11;
	v11 =	vld [tilespmem:s0+$0xFFFFFF80]  }
0x1ea: {  	v13 =	vmul.f32 v14, v7;
	[tilespmem:s0+$0xFFFFFF30] =	vst v9;
	v10 =	vld [tilespmem:s0+$0xFFFFFF90]  }
0x1eb: {  	v14 =	vmul.f32 v15, v7;
	[tilespmem:s0+$0xFFFFFF20] =	vst v8;
	v8 =	vld [tilespmem:s0+$0xFFFFFFA0]  }
0x1ec: {  	s1 =	simm.s32 $0x0;
	[tilespmem:s0+$0xFFFFFF40] =	vst v13;
	v13 =	vmul.f32 v16, v7;
	v9 =	vld [tilespmem:s0+$0xFFFFFFB0]  }
.LBB2_10:
0x1ed: {  	s2 =	sadd.s32 $0x2708, s1;
	s6 =	sadd.s32 $0x2709, s1;
	[tilespmem:s0+$0xFFFFFF50] =	vst v14;
	v7 =	vmul.f32 v12, v7;
	v12 =	vld [tilespmem:s0+$0xFFFFFFC0]  }
0x1ee: {  	v14 =	vmov s2;
	v15 =	vmov s6;
	s2 =	sadd.s32 $0x270A, s1;
	s6 =	sadd.s32 $0x270B, s1;
	[tilespmem:s0+$0xFFFFFF60] =	vst v13;
	v11 =	vmul.f32 v11, v6;
	v13 =	vld [tilespmem:s0+$0xFFFFFFD0]  }
0x1ef: {  	v16 =	vmov s2;
	v17 =	vmov s6;
	s2 =	sadd.s32 $0x270C, s1;
	s6 =	sadd.s32 $0x270D, s1;
	[tilespmem:s0+$0xFFFFFF70] =	vst v7;
	v7 =	vmul.f32 v10, v6;
	v10 =	vld [tilespmem:s0+$0xFFFFFFE0]  }
0x1f0: {  	v18 =	vmov s2;
	v19 =	vmov s6;
	s2 =	sadd.s32 $0x270E, s1;
	[tilespmem:s0+$0xFFFFFF80] =	vst v11;
	v8 =	vmul.f32 v8, v6;
	v11 =	vld [tilespmem:s0+$0xFFFFFFF0]  }
0x1f1: {  	v14 =	vshrl.u32 v14, $0x3;
	v20 =	vmov s2;
	[tilespmem:s0+$0xFFFFFF90] =	vst v7;
	v6 =	vmul.f32 v9, v6;
	v7 =	vld [tilespmem:s0+$0x0]  }
0x1f2: {  	v9 =	vshrl.u32 v15, $0x3;
	v15 =	vshrl.u32 v16, $0x3;
	[tilespmem:s0+$0xFFFFFFA0] =	vst v8;
	v8 =	vmul.f32 v12, v5;
	v12 =	vld [tilespmem:s0+$0x10]  }
0x1f3: {  	v16 =	vshrl.u32 v17, $0x3;
	v17 =	vshrl.u32 v18, $0x3;
	[tilespmem:s0+$0xFFFFFFB0] =	vst v6;
	v6 =	vmul.f32 v13, v5;
	v13 =	vld [tilespmem:s0+$0x20]  }
0x1f4: {  	v18 =	vshrl.u32 v19, $0x3;
	v19 =	vshrl.u32 v20, $0x3;
	[tilespmem:s0+$0xFFFFFFC0] =	vst v8;
	v8 =	vmul.f32 v10, v5;
	v10 =	vld [tilespmem:s0+$0x30]  }
0x1f5: {  	v14 =	vshll.u32 v14, v0;
	v9 =	vshll.u32 v9, v0;
	[tilespmem:s0+$0xFFFFFFD0] =	vst v6;
	v5 =	vmul.f32 v11, v5;
	v6 =	vld [tilespmem:s0+$0x40]  }
0x1f6: {  	v11 =	vshll.u32 v15, v0;
	v15 =	vshll.u32 v16, v0;
	[tilespmem:s0+$0xFFFFFFE0] =	vst v8;
	v7 =	vmul.f32 v7, v4;
	v8 =	vld [tilespmem:s0+$0x50]  }
0x1f7: {  	v16 =	vshll.u32 v17, v0;
	v17 =	vshll.u32 v18, v0;
	[tilespmem:s0+$0xFFFFFFF0] =	vst v5;
	v5 =	vmul.f32 v12, v4;
	v12 =	vld [tilespmem:s0+$0x60]  }
0x1f8: {  	v14 =	vbroadcast v14, $0x0;
	v18 =	vshll.u32 v19, v0;
	[tilespmem:s0+$0x0] =	vst v7;
	v7 =	vmul.f32 v13, v4;
	v13 =	vld [tilespmem:s0+$0x70]  }
0x1f9: {  	v9 =	vadd.s32 $0x1, v9;
	v11 =	vadd.s32 $0x2, v11;
	[tilespmem:s0+$0x10] =	vst v5;
	v4 =	vmul.f32 v10, v4;
	v5 =	vld [tilespmem:s0+$0x80]  }
0x1fa: {  	v10 =	vadd.s32 $0x3, v15;
	v15 =	vadd.s32 $0x4, v16;
	[tilespmem:s0+$0x20] =	vst v7;
	v6 =	vmul.f32 v6, v3;
	v7 =	vld [tilespmem:s0+$0x90]  }
0x1fb: {  	v9 =	vbroadcast v9, $0x0;
	v16 =	vadd.s32 $0x5, v17;
	[tilespmem:s0+$0x30] =	vst v4;
	v4 =	vmul.f32 v8, v3;
	v8 =	vld [tilespmem:s0+$0xA0]  }
0x1fc: {  	s2 =	sadd.s32 $0x270F, s1;
	s1 =	sadd.s32 $0x8, s1;
	v11 =	vbroadcast v11, $0x0;
	v17 =	vadd.s32 $0x6, v18;
	[tilespmem:s0+$0x40] =	vst v6;
	v6 =	vmul.f32 v12, v3;
	v12 =	vld [tilespmem:s0+$0xB0]  }
0x1fd: {  	p0 =	slt.u32 s1, $0xF8;
	v18 =	vmov s2;
	v10 =	vbroadcast v10, $0x0;
	[tilespmem:s0+$0x50] =	vst v4;
	v3 =	vmul.f32 v13, v3;
	v4 =	vld [tilespmem:s0+$0xC0]  }
0x1fe: {  	v13 =	vbroadcast v15, $0x0;
	v15 =	vshrl.u32 v18, $0x3;
	[tilespmem:s0+$0x60] =	vst v6;
	v5 =	vmul.f32 v5, v2;
	v18 =	vld [tilespmem:s0+$0xD0]  }
0x1ff: {  	v16 =	vbroadcast v16, $0x0;
	v6 =	vshll.u32 v15, v0;
	[tilespmem:s0+$0x70] =	vst v3;
	v3 =	vmul.f32 v7, v2;
	v15 =	vld [tilespmem:s0+$0xE0]  }
0x200: {  	v17 =	vbroadcast v17, $0x0;
	v6 =	vadd.s32 $0x7, v6;
	v14 =	vld.idx.msk [tilespmem:v14+s13+$0x0], $0xffff;
	[tilespmem:s0+$0x80] =	vst v5;
	v5 =	vmul.f32 v8, v2  }
0x201: {  	v8 =	vbroadcast v6, $0x0;
	v7 =	vld.idx.msk [tilespmem:v9+s13+$0x0], $0xffff;
	[tilespmem:s0+$0x90] =	vst v3;
	v2 =	vmul.f32 v12, v2  }
0x202: {  	v6 =	vld.idx.msk [tilespmem:v11+s13+$0x0], $0xffff;
	[tilespmem:s0+$0xA0] =	vst v5;
	v3 =	vmul.f32 v4, v1  }
0x203: {  	v5 =	vld.idx.msk [tilespmem:v10+s13+$0x0], $0xffff;
	[tilespmem:s0+$0xB0] =	vst v2;
	v2 =	vmul.f32 v18, v1  }
0x204: {  	v4 =	vld.idx.msk [tilespmem:v13+s13+$0x0], $0xffff;
	[tilespmem:s0+$0xC0] =	vst v3;
	v1 =	vmul.f32 v15, v1  }
0x205: {  	v3 =	vld.idx.msk [tilespmem:v16+s13+$0x0], $0xffff;
	[tilespmem:s0+$0xD0] =	vst v2  }
0x206: {  	v2 =	vld.idx.msk [tilespmem:v17+s13+$0x0], $0xffff;
	[tilespmem:s0+$0xE0] =	vst v1  }
0x207: {  	s0 =	sadd.s32 $0x200, s0;
	v1 =	vld.idx.msk [tilespmem:v8+s13+$0x0], $0xffff  }
0x208: {  	v8 =	vld [tilespmem:s0+$0xF0]  }
0x209: {  	v9 =	vld [tilespmem:s0+$0xFFFFFF00]  }
0x20a: {  	v10 =	vld [tilespmem:s0+$0xFFFFFF10]  }
0x20b: {  	v11 =	vld [tilespmem:s0+$0xFFFFFF20]  }
0x20c: {  	v13 =	vld [tilespmem:s0+$0xFFFFFF30]  }
0x20d: {  	v15 =	vld [tilespmem:s0+$0xFFFFFF40];
	v8 =	vmul.f32 v8, v1  }
0x20e: {  	v9 =	vmul.f32 v9, v14;
	v16 =	vld [tilespmem:s0+$0xFFFFFF50]  }
0x20f: {  	v10 =	vmul.f32 v10, v14;
	v17 =	vld [tilespmem:s0+$0xFFFFFF60];
	[tilespmem:s0+$0xF0] =	vst v8  }
.Ltmp4:
0x210: {  	[tilespmem:s0+$0xFFFFFF00] =	vst v9;
	v8 =	vmul.f32 v11, v14;
	v12 =	vld [tilespmem:s0+$0xFFFFFF70];
	(pc) =	sbr.rel @p0 .LBB2_10-.Ltmp4, $4  }
0x211: {  	[tilespmem:s0+$0xFFFFFF10] =	vst v10;
	v9 =	vmul.f32 v13, v14;
	v11 =	vld [tilespmem:s0+$0xFFFFFF80]  }
0x212: {  	[tilespmem:s0+$0xFFFFFF20] =	vst v8;
	v13 =	vmul.f32 v15, v7;
	v10 =	vld [tilespmem:s0+$0xFFFFFF90]  }
0x213: {  	[tilespmem:s0+$0xFFFFFF30] =	vst v9;
	v14 =	vmul.f32 v16, v7;
	v8 =	vld [tilespmem:s0+$0xFFFFFFA0]  }
0x214: {  	[tilespmem:s0+$0xFFFFFF40] =	vst v13;
	v13 =	vmul.f32 v17, v7;
	v9 =	vld [tilespmem:s0+$0xFFFFFFB0]  }
0x215: {  	[tilespmem:s0+$0xFFFFFF50] =	vst v14;
	v7 =	vmul.f32 v12, v7;
	v33 =	vld [tilespmem:s0+$0xFFFFFFC0]  }
0x216: {  	v34 =	vld [tilespmem:s0+$0xFFFFFFD0];
	[tilespmem:s0+$0xFFFFFF60] =	vst v13;
	v11 =	vmul.f32 v11, v6  }
0x217: {  	v36 =	vld [tilespmem:s0+$0xFFFFFFE0];
	[tilespmem:s0+$0xFFFFFF70] =	vst v7;
	v35 =	vmul.f32 v10, v6  }
0x218: {  	v37 =	vld [tilespmem:s0+$0xFFFFFFF0];
	[tilespmem:s0+$0xFFFFFF80] =	vst v11;
	v8 =	vmul.f32 v8, v6  }
0x219: {  	v39 =	vld [tilespmem:s0+$0x0];
	[tilespmem:s0+$0xFFFFFF90] =	vst v35;
	v38 =	vmul.f32 v9, v6  }
0x21a: {  	v41 =	vld [tilespmem:s0+$0x10];
	[tilespmem:s0+$0xFFFFFFA0] =	vst v8;
	v40 =	vmul.f32 v33, v5  }
0x21b: {  	v43 =	vld [tilespmem:s0+$0x20];
	v42 =	vmul.f32 v34, v5;
	[tilespmem:s0+$0xFFFFFFB0] =	vst v38  }
0x21c: {  	v45 =	vld [tilespmem:s0+$0x30];
	v44 =	vmul.f32 v36, v5;
	[tilespmem:s0+$0xFFFFFFC0] =	vst v40  }
0x21d: {  	v47 =	vld [tilespmem:s0+$0x40];
	v46 =	vmul.f32 v37, v5;
	[tilespmem:s0+$0xFFFFFFD0] =	vst v42  }
0x21e: {  	v48 =	vld [tilespmem:s0+$0x50];
	v7 =	vmul.f32 v39, v4;
	[tilespmem:s0+$0xFFFFFFE0] =	vst v44  }
0x21f: {  	v50 =	vld [tilespmem:s0+$0x60];
	v49 =	vmul.f32 v41, v4;
	[tilespmem:s0+$0xFFFFFFF0] =	vst v46  }
0x220: {  	v52 =	vld [tilespmem:s0+$0x70];
	v51 =	vmul.f32 v43, v4;
	[tilespmem:s0+$0x0] =	vst v7  }
0x221: {  	v54 =	vld [tilespmem:s0+$0x80];
	v53 =	vmul.f32 v45, v4;
	[tilespmem:s0+$0x10] =	vst v49  }
0x222: {  	v57 =	vld [tilespmem:s0+$0xA0];
	v6 =	vmul.f32 v47, v3;
	[tilespmem:s0+$0x20] =	vst v51  }
0x223: {  	v55 =	vld [tilespmem:s0+$0x90];
	v56 =	vmul.f32 v48, v3;
	[tilespmem:s0+$0x30] =	vst v53  }
0x224: {  	v59 =	vld [tilespmem:s0+$0xB0];
	v58 =	vmul.f32 v50, v3;
	[tilespmem:s0+$0x40] =	vst v6  }
0x225: {  	v60 =	vld [tilespmem:s0+$0xC0];
	v3 =	vmul.f32 v52, v3;
	[tilespmem:s0+$0x50] =	vst v56  }
0x226: {  	v61 =	vld [tilespmem:s0+$0xD0];
	v5 =	vmul.f32 v54, v2;
	[tilespmem:s0+$0x60] =	vst v58  }
0x227: {  	v62 =	vld [tilespmem:s0+$0xE0];
	v63 =	vmul.f32 v57, v2;
	[tilespmem:s0+$0x70] =	vst v3  }
0x228: {  	v3 =	vmul.f32 v55, v2;
	[tilespmem:s0+$0x80] =	vst v5  }
0x229: {  	v2 =	vmul.f32 v59, v2;
	[tilespmem:s0+$0xA0] =	vst v63  }
0x22a: {  	[tilespmem:s0+$0x90] =	vst v3;
	v3 =	vmul.f32 v60, v1  }
0x22b: {  	[tilespmem:s0+$0xB0] =	vst v2;
	v2 =	vmul.f32 v61, v1  }
0x22c: {  	v1 =	vmul.f32 v62, v1;
	[tilespmem:s0+$0xC0] =	vst v3  }
0x22d: {  	[tilespmem:s0+$0xD0] =	vst v2  }
0x22e: {  	s29 =	simm.s32 $0x4F00;
	[tilespmem:s0+$0xE0] =	vst v1  }
0x22f: {  	[spmem:s3] =	stream.indirect.scatter.add.f32 [tilespmem:s17], [sflag:$0x4], $0x40, s29, s16, $0xb8;
	[tilespmem:$0x1D800] =	vst v63  }
0x230: {  	_ =	swait.ge [sflag:s25], $0x4000  }
0x231: {  	[sflag:s25] =	ssyncset.done $0x0  }
0x232: {  	[sflag:s25] =	ssyncadd.s32 $0xFFFFC000  }
0x233: {  	_ =	swait.ge [sflag:s26], $0x4000  }
0x234: {  	[sflag:s26] =	ssyncset.done $0x0  }
0x235: {  	[sflag:s26] =	ssyncadd.s32 $0xFFFFC000  }
0x236: {  	_ =	swait.ge [sflag:s22], $0x4000  }
0x237: {  	[sflag:s22] =	ssyncset.done $0x0  }
0x238: {  	[sflag:s22] =	ssyncadd.s32 $0xFFFFC000  }
0x239: {  	[bflag:$0x0] =	sbarrier.arrive $0xFFFF  }
0x23a: {  	s30 =	rddreg [dreg:$0x7]  }
0x23b: {  	[hbm:s30], [sflag:s14] =	dma.local [spmem:s15], $0x1400  }
0x23c: {  	_ =	swait.ge [sflag:s11], $0x1400  }
0x23d: {  	s28 =	sadd.s32 $0x1, s28;
	s31 =	rddreg [dreg:$0x8]  }
0x23e: {  	p0 =	sne.s32 s28, s31  }
.Ltmp5:
0x23f: {  	_ = 	snop;
	(pc) =	sbr.rel @p0 .LBB2_1-.Ltmp5, $3  }
0x240: {  	_ =	sdelay $0x1  }
0x241: {  	[sflag:s11] =	ssyncset.done $0x0  }
0x242: {  	[sflag:s11] =	ssyncadd.s32 $0xFFFFEC00  }
0x243: {  	_ =	sfence.sel $0x180000  }
0x244: {  	[bflag:$0x0] =	sbarrier.arrive $0xFFFF  }
0x245: {  	_ =	strace $0x9000004D  }
0x246: {  	s0 =	stileid.u32;
	[bflag:$0x2] =	sbarrier.arrive $0xFFFF  }
0x247: {  	p0 =	sne.s32 s0, $0x0;
	s0 =	rddreg [dreg:$0x3]  }
0x248: {  	s0 =	sadd.s32 @!p0 $0x100000, s0  }
0x249: {  	[sflag:s0] =	ssyncadd.tile.s32 @!p0 $0x1;
	_ =	shalt  }
.Lfunc_end2:
_tile_overlayer_lowered:
.L_overlay_start_2:
0x24a: {  	(tag) =	ssettag $0x2  }
0x24b: {  	s0 =	rddreg [dreg:$0x0];
	s2 =	stileid.u32  }
0x24c: {  	s1 =	rddreg [dreg:$0x1];
	p0 =	sne.s32 s2, $0x0  }
0x24d: {  	s3 =	rddreg [dreg:$0x2];
	[bflag:$0x3] =	sbarrier.arrive $0xFFFF;
	s2 =	simm.s32 @!p0 $0x1C07  }
0x24e: {  	[timem:s3], [sflag:s2] =	dma.local @!p0 [hbm:s0], s1  }
0x24f: {  	s0 =	simm.s32 @!p0 $0x7  }
0x250: {  	_ =	swait.ge @!p0 [sflag:s0], s1  }
0x251: {  	s1 =	ssub.s32 @!p0 $0x0, s1;
	[sflag:s0] =	ssyncset.done @!p0 $0x0  }
0x252: {  	[sflag:s0] =	ssyncadd.s32 @!p0 s1  }
0x253: {  	[bflag:$0x3] =	sbarrier.arrive $0xFFFF  }
0x254: {  	_ =	shalt  }

// kernel: kernel.19.cloned.1.call-start
scs
__scs_entry_jumppad:
0x0: {  	(pc) =	sbr.rel $0x88, $3  }
0x1: {  	(tag) =	ssettag $0x0;
	lr =	simm.s32 $0x1  }
0x2: {  	[smem:$0x3F92] =	sst lr;
	_ =	strace $0xD0000000  }
0x3: {  	_ = 	snop  }
0x4: {  	_ = 	snop  }
0x5: {  	_ = 	snop  }
0x6: {  	_ = 	snop  }
0x7: {  	_ = 	snop  }
__scs_overlays_trampoline_lowered:
0x8: {  	[smem:$0x3FA1] =	sst s0  }
0x9: {  	[smem:$0x3FA2] =	sst s1  }
0xa: {  	[smem:$0x3FA3] =	sst s2  }
0xb: {  	[smem:$0x3FA4] =	sst s3  }
0xc: {  	[smem:$0x3FA5] =	sst s4  }
0xd: {  	[smem:$0x3FA6] =	sst s5  }
0xe: {  	[smem:$0x3FA7] =	sst s6  }
0xf: {  	[smem:$0x3FA8] =	sst s7  }
0x10: {  	[smem:$0x3FA9] =	sst s8  }
0x11: {  	[smem:$0x3FAA] =	sst s9;
	s0 =	simm.s32 @!p0 $0x0  }
0x12: {  	s1 =	sld [smem:$0x3F90];
	s0 =	simm.s32 @p0 $0x1  }
0x13: {  	[smem:$0x3FAB] =	sst s0;
	s0 =	simm.s32 @!p1 $0x0  }
0x14: {  	s2 =	sld [smem:$0x3F8F];
	s0 =	simm.s32 @p1 $0x1  }
0x15: {  	[smem:$0x3FAC] =	sst s0;
	s0 =	simm.s32 @!p2 $0x0  }
0x16: {  	s3 =	sld [smem:$0x3FDB];
	s0 =	simm.s32 @p2 $0x1  }
0x17: {  	s4 =	simm.s32 $0x1BF5;
	[smem:$0x3FAE] =	sst s0  }
0x18: {  	s0 =	sld [smem:$0x3F91];
	_ =	swait.ge [sflag:s4], $0x0  }
0x19: {  	s7 =	sld [smem:$0x3F92]  }
0x1a: {  	s8 =	sadd.s32 $0xFFFFE003, lr  }
0x1b: {  	s9 =	sadd.s32 $0xFFFFFEF7, lr;
	s5 =	simm.s32 $0xFFFFFFFF;
	p2 =	slt.u32 s8, $0xFFFFF086  }
0x1c: {  	p1 =	slt.u32 s9, $0xF7A;
	s5 =	simm.s32 @!p2 $0x0  }
0x1d: {  	s5 =	simm.s32 @p1 $0x1;
	p0 =	seq.s32 s7, s2  }
0x1e: {  	s7 =	smul.u32 @!p0 $0xF7A, s2;
	p2 =	seq.s32 @!p0 s5, $0x0  }
0x1f: {  	s9 =	smul.u32 $0xF7A, s1;
	s8 =	simm.s32 @!p0 $0x1BF5;
	p2 =	por !p2, p0  }
0x20: {  	[sflag:s8] =	ssyncset.s32 @!p0 $0xFFFFF086;
	s6 =	sadd.s32 @!p0 s3, s7;
	s7 =	simm.s32 @!p0 $0x108  }
0x21: {  	s3 =	sadd.s32 s3, s9;
	s6 =	sadd.s32 @!p0 $0x88, s6;
	s7 =	simm.s32 @p2 $0x1082  }
0x22: {  	[simem:s7], [sflag:s8] =	dma.local @!p0 [hbm:s6], $0xF7A  }
0x23: {  	s9 =	sor.u32 $0xD0000000, s2;
	s6 =	simm.s32 $0x108;
	_ =	swait.ge @!p0 [sflag:s8], $0x0  }
0x24: {  	s3 =	sadd.s32 $0x88, s3;
	s6 =	simm.s32 @!p1 $0x1082;
	[sflag:s4] =	ssyncset.s32 $0xFFFFF086  }
0x25: {  	[simem:s6], [sflag:s4] =	dma.local [hbm:s3], $0xF7A  }
0x26: {  	[smem:$0x3F92] =	sst s1;
	(tag) =	ssettag s2;
	_ =	strace s9  }
0x27: {  	s1 =	sld [smem:$0x3FA2]  }
0x28: {  	s2 =	sld [smem:$0x3FA3]  }
0x29: {  	s4 =	sld [smem:$0x3FA5]  }
0x2a: {  	p0 =	seq.s32 s5, $0x0;
	s5 =	sld [smem:$0x3FA6]  }
0x2b: {  	s6 =	sld [smem:$0x3FA7]  }
0x2c: {  	s7 =	sld [smem:$0x3FA8]  }
0x2d: {  	s3 =	simm.s32 $0x108;
	s8 =	sld [smem:$0x3FA9]  }
0x2e: {  	s3 =	simm.s32 @!p0 $0x1082;
	s9 =	sld [smem:$0x3FAA]  }
0x2f: {  	lr =	sadd.s32 s0, s3;
	s0 =	sld [smem:$0x3FA1]  }
0x30: {  	s3 =	sld [smem:$0x3FA4]  }
0x31: {  	[smem:$0x3FAD] =	sst s10  }
0x32: {  	s10 =	sld [smem:$0x3FAB];
	_ =	sdelay $0x3  }
0x33: {  	p0 =	seq.s32 s10, $0x1;
	s10 =	sld [smem:$0x3FAD];
	_ =	sdelay $0x3  }
0x34: {  	[smem:$0x3FAD] =	sst s10  }
0x35: {  	s10 =	sld [smem:$0x3FAC];
	_ =	sdelay $0x3  }
0x36: {  	p1 =	seq.s32 s10, $0x1;
	s10 =	sld [smem:$0x3FAD];
	_ =	sdelay $0x3  }
0x37: {  	[smem:$0x3FAD] =	sst s10  }
0x38: {  	s10 =	sld [smem:$0x3FAE]  }
0x39: {  	_ = 	snop;
	(pc) =	sbr.ind lr, $3  }
0x3a: {  	_ = 	snop  }
0x3b: {  	_ = 	snop  }
0x3c: {  	p2 =	seq.s32 s10, $0x1;
	s10 =	sld [smem:$0x3FAD]  }
0x3d: {  	_ =	shalt  }
0x3e: {  	_ =	shalt  }
0x3f: {  	_ =	shalt  }
0x40: {  	_ =	shalt  }
0x41: {  	_ =	shalt  }
0x42: {  	_ =	shalt  }
0x43: {  	_ =	shalt  }
0x44: {  	_ =	shalt  }
0x45: {  	_ =	shalt  }
0x46: {  	_ =	shalt  }
0x47: {  	_ =	shalt  }
0x48: {  	_ =	shalt  }
0x49: {  	_ =	shalt  }
0x4a: {  	_ =	shalt  }
0x4b: {  	_ =	shalt  }
0x4c: {  	_ =	shalt  }
0x4d: {  	_ =	shalt  }
0x4e: {  	_ =	shalt  }
0x4f: {  	_ =	shalt  }
0x50: {  	_ =	shalt  }
0x51: {  	_ =	shalt  }
0x52: {  	_ =	shalt  }
0x53: {  	_ =	shalt  }
0x54: {  	_ =	shalt  }
0x55: {  	_ =	shalt  }
0x56: {  	_ =	shalt  }
0x57: {  	_ =	shalt  }
0x58: {  	_ =	shalt  }
0x59: {  	_ =	shalt  }
0x5a: {  	_ =	shalt  }
0x5b: {  	_ =	shalt  }
0x5c: {  	_ =	shalt  }
0x5d: {  	_ =	shalt  }
0x5e: {  	_ =	shalt  }
0x5f: {  	_ =	shalt  }
0x60: {  	_ =	shalt  }
0x61: {  	_ =	shalt  }
0x62: {  	_ =	shalt  }
0x63: {  	_ =	shalt  }
0x64: {  	_ =	shalt  }
0x65: {  	_ =	shalt  }
0x66: {  	_ =	shalt  }
0x67: {  	_ =	shalt  }
0x68: {  	_ =	shalt  }
0x69: {  	_ =	shalt  }
0x6a: {  	_ =	shalt  }
0x6b: {  	_ =	shalt  }
0x6c: {  	_ =	shalt  }
0x6d: {  	_ =	shalt  }
0x6e: {  	_ =	shalt  }
0x6f: {  	_ =	shalt  }
0x70: {  	_ =	shalt  }
0x71: {  	_ =	shalt  }
0x72: {  	_ =	shalt  }
0x73: {  	_ =	shalt  }
0x74: {  	_ =	shalt  }
0x75: {  	_ =	shalt  }
0x76: {  	_ =	shalt  }
0x77: {  	_ =	shalt  }
0x78: {  	_ =	shalt  }
0x79: {  	_ =	shalt  }
0x7a: {  	_ =	shalt  }
0x7b: {  	_ =	shalt  }
0x7c: {  	_ =	shalt  }
0x7d: {  	_ =	shalt  }
0x7e: {  	_ =	shalt  }
0x7f: {  	_ =	shalt  }
0x80: {  	_ =	shalt  }
0x81: {  	_ =	shalt  }
0x82: {  	_ =	shalt  }
0x83: {  	_ =	shalt  }
0x84: {  	_ =	shalt  }
0x85: {  	_ =	shalt  }
0x86: {  	_ =	shalt  }
0x87: {  	_ =	shalt  }
.Lfunc_end0:
.L_simem_size_0:
called_computation.3_lowered:
.L_overlay_start_0:
0x88: {  	s2 =	sld [smem:$0x3FD9]  }
0x89: {  	s3 =	sld [smem:$0x3FFE];
	_ =	sdelay $0x1  }
0x8a: {  	s1 =	srdreg.scid  }
0x8b: {  	s0 =	sand.u32 $0x1, s1  }
0x8c: {  	s16 =	sshll.u32 s0, $0xA;
	s2 =	sadd.s32 s3, s2  }
0x8d: {  	s2 =	sadd.s32 s2, s16  }
0x8e: {  	[smem:$0x3FB9] =	sst s2  }
0x8f: {  	_ = 	snop  }
0x90: {  	(tm) =	ssettm $0x1  }
0x91: {  	s17 =	sld [smem:$0x3FFB];
	_ =	sdelay $0x3  }
0x92: {  	_ =	strace s17  }
0x93: {  	s2 =	sld [smem:$0x3FFC];
	_ =	sdelay $0x3  }
0x94: {  	_ =	strace s2  }
0x95: {  	s2 =	sld [smem:$0x3FFD];
	_ =	sdelay $0x3  }
0x96: {  	_ =	strace s2  }
0x97: {  	_ =	strace $0x8FFFFFFF  }
0x98: {  	s18 =	sld [smem:$0x3FDB];
	_ =	sdelay $0x1  }
0x99: {  	s19 =	simm.s32 $_scs_section_size  }
0x9a: {  	s4 =	simm.s32 $_size__tile_overlayer_lowered;
	s5 =	simm.s32 $_tile_overlayer_lowered  }
0x9b: {  	s22 =	simm.s32 $0x1BFF;
	s21 =	sshll.u32 s5, $0x1;
	s2 =	sadd.s32 s19, s18  }
0x9c: {  	s6 =	simm.s32 $0x0;
	s20 =	sshll.u32 s4, $0x1;
	s4 =	sadd.s32 s21, s2  }
0x9d: {  	[timem:s6], [sflag:s22] =	dma.local [hbm:s4], s20  }
0x9e: {  	_ =	swait.ge [sflag:s22], s20  }
0x9f: {  	s3 =	ssub.s32 $0x0, s20;
	[sflag:s22] =	ssyncset.done $0x0  }
0xa0: {  	[sflag:s22] =	ssyncadd.s32 s3;
	_ =	sdelay $0x1  }
0xa1: {  	s23 =	simm.s32 $0x1B8B  }
0xa2: {  	_ =	swait.ge [sflag:s23], $0x1  }
0xa3: {  	[sflag:s23] =	ssyncset.done $0x0  }
0xa4: {  	s25 =	simm.s32 $0x1B8E;
	s24 =	sld [smem:$0x3FFE];
	[sflag:s23] =	ssyncadd.s32 $0xFFFFFFFF  }
0xa5: {  	s26 =	simm.s32 $execute0_lowered;
	[smem:$0x3FD2] =	sst s25  }
0xa6: {  	s4 =	sshll.u32 s26, $0x1;
	_ =	strace $0x8000004F;
	[dreg:$0x1] =	wrdreg $0xFFFFFFFF  }
0xa7: {  	s28 =	simm.s32 $_size_execute0_lowered;
	s2 =	sadd.s32 s2, s4;
	[dreg:$0x0] =	wrdreg $0x0  }
0xa8: {  	s4 =	sshll.u32 s28, $0x1;
	[dreg:$0x2] =	wrdreg s2  }
0xa9: {  	[dreg:$0x3] =	wrdreg s4  }
0xaa: {  	[dreg:$0x4] =	wrdreg $0xC0  }
0xab: {  	_ =	task [dreg:s6], $0x5FFFF  }
0xac: {  	[dreg:$0x1] =	wrdreg $0xFFFFFFFF  }
0xad: {  	[dreg:$0x0] =	wrdreg $0x60  }
0xae: {  	[dreg:$0x2] =	wrdreg s24  }
0xaf: {  	[dreg:$0x3] =	wrdreg $0x9  }
0xb0: {  	_ =	task.clear_ibuf [dreg:s6], $0x4FFFF;
	_ =	strace $0x9000004F  }
0xb1: {  	s29 =	simm.s32 $0x9;
	_ =	strace $0x80000051  }
0xb2: {  	_ =	swait.ge [sflag:s29], $0x1  }
0xb3: {  	[sflag:s29] =	ssyncadd.s32 $0xFFFFFFFF  }
0xb4: {  	_ =	strace $0x90000051  }
0xb5: {  	_ =	sfence  }
0xb6: {  	s30 =	sld [smem:$0x0];
	_ =	sdelay $0x2  }
0xb7: {  	s31 =	sshll.u32 s1, $0xD;
	s1 =	sshrl.u32 s1, $0x2  }
0xb8: {  	s3 =	sand.u32 $0x4000, s31;
	s1 =	sadd.s32 s1, s30  }
0xb9: {  	s0 =	sor.u32 s3, s0;
	s1 =	sshll.u32 s1, $0x11  }
0xba: {  	s0 =	sor.u32 s1, s0  }
0xbb: {  	s0 =	sadd.s32 $0x8F2B, s0  }
0xbc: {  	[sflag:s0] =	ssyncadd.remote.s32 $0x1  }
0xbd: {  	_ =	sfence.sel $0xFFFF  }
0xbe: {  	[dreg:$0x0] =	wrdreg $0xFFFFFFFF;
	(pc) =	sbr.abs _section_cstart, $3  }
0xbf: {  	[dreg:$0x1] =	wrdreg $0xFFFFFFFF  }
0xc0: {  	_ =	task.clear_ibuf [dreg:s6], $0x2FFFF;
	_ =	strace $0x9FFFFFFF  }
0xc1: {  	(tm) =	ssettm $0x7FFFFFFF  }
tec
execute0_lowered:
.L_overlay_start_1:
0x0: {  	(tag) =	ssettag $0x1  }
0x1: {  	s0 =	rddreg [dreg:$0x0]  }
0x2: {  	s1 =	srdreg.scid;
	s2 =	simm.s32 $0x0;
	s4 =	stileid.u32  }
0x3: {  	s11 =	simm.s32 $0xA;
	s13 =	simm.s32 $0x100;
	s14 =	simm.s32 $0x1A00  }
0x4: {  	s15 =	simm.s32 $0xDA00;
	s16 =	simm.s32 $0x5A00;
	s17 =	simm.s32 $0x11A00  }
0x5: {  	s18 =	simm.s32 $0x1;
	s19 =	simm.s32 $0x4;
	s20 =	simm.s32 $0x9A00  }
0x6: {  	s21 =	simm.s32 $0x15A00;
	s22 =	simm.s32 $0x2;
	s1 =	sand.u32 $0x1, s1  }
0x7: {  	s23 =	simm.s32 $0x5;
	s28 =	simm.s32 $0x8;
	s3 =	sshll.u32 s1, $0x4  }
0x8: {  	s29 =	simm.s32 $0x9;
	[smem:$0x7FF] =	sst s2;
	s6 =	sor.u32 s4, s3  }
0x9: {  	s30 =	simm.s32 $0x0;
	_ =	strace $0x80000050;
	s5 =	smul.u32 $0x1A0, s6  }
0xa: {  	s1 =	ssub.s32 $0x2, s1;
	s3 =	sadd.s32 $0x2200, s0;
	s7 =	smul.u32 $0x34000, s6  }
0xb: {  	s4 =	sadd.s32 $0x1CC00, s0;
	s24 =	sshrl.u32 s1, $0x1;
	s8 =	sadd.s32 s5, s0  }
0xc: {  	s5 =	sadd.s32 $0x30600, s0;
	s0 =	ssub.s32 s1, s24;
	s26 =	sshrl.u32 s7, $0x3  }
0xd: {  	s24 =	simm.s32 $0x7;
	s25 =	sadd.s32 $0x19800, s8;
	s31 =	sadd.s32 $0x16400, s8  }
0xe: {  	s8 =	smul.u32 $0xD, s6;
	s1 =	sadd.s32 s5, s26;
	[dreg:$0x2] =	wrdreg s25  }
0xf: {  	s10 =	smax.u32 s0, $0x1;
	[dreg:$0x3] =	wrdreg s31;
	s1 =	sadd.s32 $0x6000, s1  }
0x10: {  	s26 =	simm.s32 $0x6;
	s25 =	simm.s32 $0x3;
	[dreg:$0x4] =	wrdreg s1  }
.LBB2_1:
0x11: {  	s0 =	rddreg [dreg:$0x2]  }
0x12: {  	[tilespmem:s2], [sflag:$0xA] =	stream.linear.gather [hbm4b:s0+s2], $0xD00, $0x38;
	[tilespmem:$0x19A00] =	vst v63  }
0x13: {  	_ =	swait.ge [sflag:s11], $0xD00  }
0x14: {  	[sflag:s11] =	ssyncset.done $0x0  }
0x15: {  	s1 =	simm.s32 $0xD00;
	s12 =	rddreg [dreg:$0x3];
	[sflag:s11] =	ssyncadd.s32 $0xFFFFF300  }
0x16: {  	[tilespmem:s1], [sflag:$0xA] =	stream.linear.gather [hbm4b:s12+s2], $0xD00, $0x38;
	[tilespmem:$0x19A00] =	vst v63  }
0x17: {  	_ =	swait.ge [sflag:s11], $0xD00  }
0x18: {  	[sflag:s11] =	ssyncset.done $0x0  }
0x19: {  	[sflag:s11] =	ssyncadd.s32 $0xFFFFF300  }
0x1a: {  	[tilespmem:s14], [sflag:$0x1] =	stream.indirect.gather [hbm4b:s3+s13], $0x40, s2, s13, $0xb8;
	[tilespmem:$0x19A00] =	vst v63  }
0x1b: {  	s31 =	simm.s32 $0x0  }
0x1c: {  	[tilespmem:s15], [sflag:$0x4] =	stream.indirect.gather [hbm4b:s4+s13], $0x40, s1, s13, $0xb8;
	[tilespmem:$0x19A00] =	vst v63  }
.LBB2_2:
0x1d: {  	p0 =	seq.s32 s31, $0x0  }
0x1e: {  	s1 =	smul.u32 $0x3, s31;
	s6 =	simm.s32 @!p0 $0x8  }
0x1f: {  	_ =	swait.ge @!p0 [sflag:s6], $0x4000  }
0x20: {  	s0 =	sadd.s32 $0x1, s1;
	[sflag:s6] =	ssyncset.done @!p0 $0x0  }
0x21: {  	s12 =	sshll.u32 s0, $0x8;
	[sflag:s6] =	ssyncadd.s32 @!p0 $0xFFFFC000  }
0x22: {  	[tilespmem:s16], [sflag:$0x2] =	stream.indirect.gather [hbm4b:s3+s13], $0x40, s12, s13, $0xb8;
	[tilespmem:$0x19A00] =	vst v63  }
0x23: {  	s6 =	sadd.s32 $0xD00, s12  }
0x24: {  	[tilespmem:s17], [sflag:$0x5] =	stream.indirect.gather [hbm4b:s4+s13], $0x40, s6, s13, $0xb8;
	[tilespmem:$0x19A00] =	vst v63  }
0x25: {  	_ =	swait.ge [sflag:s18], $0x4000  }
0x26: {  	[sflag:s18] =	ssyncset.done $0x0  }
0x27: {  	[sflag:s18] =	ssyncadd.s32 $0xFFFFC000  }
0x28: {  	_ =	swait.ge [sflag:s19], $0x4000  }
0x29: {  	[sflag:s19] =	ssyncset.done $0x0  }
0x2a: {  	s12 =	simm.s32 $0x1B00;
	[sflag:s19] =	ssyncadd.s32 $0xFFFFC000  }
0x2b: {  	s6 =	simm.s32 $0xDB00;
	v0 =	vld [tilespmem:s12+$0xC0]  }
0x2c: {  	v1 =	vld [tilespmem:s6+$0xC0]  }
0x2d: {  	v2 =	vld [tilespmem:s6+$0xFFFFFF00]  }
0x2e: {  	v3 =	vld [tilespmem:s12+$0xFFFFFF40]  }
0x2f: {  	v4 =	vld [tilespmem:s12+$0xFFFFFF80]  }
0x30: {  	v6 =	vld [tilespmem:s6+$0xFFFFFF80]  }
0x31: {  	v7 =	vld [tilespmem:s12+$0xFFFFFFC0]  }
0x32: {  	v8 =	vld [tilespmem:s6+$0xFFFFFFC0]  }
0x33: {  	v9 =	vld [tilespmem:s12+$0x0]  }
0x34: {  	v10 =	vld [tilespmem:s6+$0x0]  }
0x35: {  	v11 =	vld [tilespmem:s6+$0x40]  }
0x36: {  	v60 =	vld [tilespmem:s12+$0xFFFFFFD0]  }
0x37: {  	v13 =	vld [tilespmem:s12+$0x10]  }
0x38: {  	v61 =	vld [tilespmem:s12+$0xFFFFFFE0]  }
0x39: {  	v62 =	vld [tilespmem:s12+$0x60];
	v0 =	vadd.f32 v1, v0  }
0x3a: {  	v1 =	vld [tilespmem:s6+$0xFFFFFF40]  }
0x3b: {  	[tilespmem:s12+$0xC0] =	vst v0;
	v0 =	vld [tilespmem:s12+$0xD0]  }
0x3c: {  	v5 =	vld [tilespmem:s6+$0xD0]  }
0x3d: {  	v63 =	vld [tilespmem:s12+$0xFFFFFF30];
	v4 =	vadd.f32 v6, v4  }
0x3e: {  	v6 =	vld [tilespmem:s6+$0x80]  }
0x3f: {  	[tilespmem:s12+$0xFFFFFF80] =	vst v4;
	v4 =	vadd.f32 v10, v9;
	v10 =	vld [tilespmem:s12+$0xFFFFFF50];
	v1 =	vadd.f32 v1, v3  }
0x40: {  	v3 =	vld [tilespmem:s12+$0x80]  }
0x41: {  	[tilespmem:s12+$0xFFFFFF40] =	vst v1;
	v0 =	vadd.f32 v5, v0;
	v5 =	vld [tilespmem:s12+$0x40]  }
0x42: {  	v1 =	vadd.f32 v8, v7;
	v8 =	vld [tilespmem:s6+$0xFFFFFF50]  }
0x43: {  	[tilespmem:s12+$0xD0] =	vst v0;
	v0 =	vld [tilespmem:s12+$0xE0]  }
0x44: {  	[tilespmem:s12+$0x0] =	vst v4;
	v12 =	vld [tilespmem:s6+$0xE0]  }
0x45: {  	v9 =	vld [tilespmem:s6+$0x10]  }
0x46: {  	v7 =	vld [tilespmem:s12+$0xFFFFFF00]  }
0x47: {  	[tilespmem:s12+$0xFFFFFFC0] =	vst v1;
	v1 =	vld [tilespmem:s6+$0xFFFFFF90]  }
0x48: {  	v4 =	vld [tilespmem:s6+$0xFFFFFFD0];
	v8 =	vadd.f32 v8, v10  }
0x49: {  	v5 =	vadd.f32 v11, v5;
	v11 =	vld [tilespmem:s12+$0xFFFFFF90];
	v0 =	vadd.f32 v12, v0  }
0x4a: {  	v10 =	vld [tilespmem:s12+$0x90];
	[tilespmem:s12+$0xFFFFFF50] =	vst v8  }
0x4b: {  	v8 =	vld [tilespmem:s6+$0xFFFFFF60];
	[tilespmem:s12+$0xE0] =	vst v0;
	v0 =	vadd.f32 v2, v7  }
0x4c: {  	[tilespmem:s12+$0x40] =	vst v5;
	v7 =	vld [tilespmem:s12+$0xF0];
	v2 =	vadd.f32 v6, v3  }
0x4d: {  	v5 =	vld [tilespmem:s6+$0xF0];
	[tilespmem:s12+$0xFFFFFF00] =	vst v0  }
0x4e: {  	v1 =	vadd.f32 v1, v11;
	[tilespmem:s12+$0x80] =	vst v2;
	v2 =	vld [tilespmem:s12+$0xFFFFFF10]  }
0x4f: {  	v3 =	vld [tilespmem:s6+$0xFFFFFF10]  }
0x50: {  	[tilespmem:s12+$0xFFFFFF90] =	vst v1;
	v1 =	vadd.f32 v9, v13;
	v6 =	vld [tilespmem:s6+$0x90]  }
0x51: {  	v4 =	vadd.f32 v4, v60;
	v0 =	vld [tilespmem:s6+$0x50]  }
0x52: {  	v9 =	vld [tilespmem:s6+$0xFFFFFFA0];
	[tilespmem:s12+$0x10] =	vst v1  }
0x53: {  	[tilespmem:s12+$0xFFFFFFD0] =	vst v4;
	v4 =	vld [tilespmem:s6+$0x20]  }
0x54: {  	v2 =	vadd.f32 v3, v2;
	v3 =	vld [tilespmem:s12+$0x50]  }
0x55: {  	v1 =	vadd.f32 v6, v10;
	v10 =	vld [tilespmem:s12+$0xFFFFFFA0]  }
0x56: {  	[tilespmem:s12+$0xFFFFFF10] =	vst v2;
	v2 =	vld [tilespmem:s12+$0xFFFFFF20]  }
0x57: {  	v11 =	vld [tilespmem:s6+$0xFFFFFF20]  }
0x58: {  	v5 =	vadd.f32 v5, v7;
	[tilespmem:s12+$0x90] =	vst v1;
	v1 =	vld [tilespmem:s12+$0xFFFFFF60]  }
0x59: {  	v7 =	vld [tilespmem:s12+$0x30]  }
0x5a: {  	[tilespmem:s12+$0xF0] =	vst v5;
	v5 =	vld [tilespmem:s12+$0x70]  }
0x5b: {  	v6 =	vld [tilespmem:s6+$0xA0]  }
0x5c: {  	v0 =	vadd.f32 v0, v3;
	v3 =	vld [tilespmem:s6+$0xFFFFFFE0];
	v2 =	vadd.f32 v11, v2  }
0x5d: {  	v1 =	vadd.f32 v8, v1;
	v8 =	vadd.f32 v9, v10;
	v9 =	vld [tilespmem:s12+$0xFFFFFFB0]  }
0x5e: {  	[tilespmem:s12+$0xFFFFFF20] =	vst v2;
	v2 =	vld [tilespmem:s12+$0xA0]  }
0x5f: {  	[tilespmem:s12+$0x50] =	vst v0;
	v11 =	vld [tilespmem:s12+$0x20]  }
0x60: {  	v0 =	vld [tilespmem:s6+$0x60];
	[tilespmem:s12+$0xFFFFFF60] =	vst v1  }
0x61: {  	[tilespmem:s12+$0xFFFFFFA0] =	vst v8;
	v8 =	vld [tilespmem:s12+$0xFFFFFFF0]  }
0x62: {  	v1 =	vadd.f32 v3, v61;
	v14 =	vld [tilespmem:s6+$0xFFFFFF70]  }
0x63: {  	v10 =	vld [tilespmem:s6+$0xFFFFFF30];
	v6 =	vadd.f32 v6, v2  }
0x64: {  	[tilespmem:s12+$0xFFFFFFE0] =	vst v1;
	v3 =	vadd.f32 v4, v11;
	v4 =	vld [tilespmem:s6+$0xFFFFFFB0]  }
0x65: {  	v0 =	vadd.f32 v0, v62;
	[tilespmem:s12+$0xA0] =	vst v6;
	v6 =	vld [tilespmem:s12+$0xFFFFFF70]  }
0x66: {  	v1 =	vld [tilespmem:s6+$0xFFFFFFF0];
	[tilespmem:s12+$0x20] =	vst v3  }
0x67: {  	[tilespmem:s12+$0x60] =	vst v0;
	v2 =	vld [tilespmem:s6+$0x30]  }
0x68: {  	v3 =	vld [tilespmem:s6+$0x70];
	v10 =	vadd.f32 v10, v63  }
0x69: {  	v0 =	vld [tilespmem:s6+$0xB0]  }
0x6a: {  	s7 =	simm.s32 $0x0;
	s9 =	simm.s32 $0x1D00;
	[tilespmem:s12+$0xFFFFFF30] =	vst v10;
	v10 =	vadd.f32 v14, v6;
	v6 =	vld [tilespmem:s12+$0xB0]  }
.LBB2_3:
0x6b: {  	v11 =	vld [tilespmem:s9+$0xC0];
	v4 =	vadd.f32 v4, v9;
	s6 =	sadd.s32 $0x200, s6  }
0x6c: {  	s7 =	sadd.s32 $0x8, s7;
	v9 =	vld [tilespmem:s6+$0xC0];
	[tilespmem:s12+$0xFFFFFF70] =	vst v10;
	v1 =	vadd.f32 v1, v8  }
0x6d: {  	p1 =	slt.u32 s7, $0xF8;
	v8 =	vld [tilespmem:s6+$0xFFFFFF00];
	[tilespmem:s12+$0xFFFFFFB0] =	vst v4;
	v2 =	vadd.f32 v2, v7  }
0x6e: {  	v4 =	vld [tilespmem:s9+$0xFFFFFF40];
	[tilespmem:s12+$0xFFFFFFF0] =	vst v1;
	v1 =	vadd.f32 v3, v5  }
0x6f: {  	v3 =	vld [tilespmem:s6+$0xFFFFFF40];
	[tilespmem:s12+$0x30] =	vst v2;
	v0 =	vadd.f32 v0, v6  }
0x70: {  	v2 =	vld [tilespmem:s9+$0xFFFFFF80];
	[tilespmem:s12+$0x70] =	vst v1  }
0x71: {  	v1 =	vld [tilespmem:s6+$0xFFFFFF80];
	v5 =	vadd.f32 v9, v11;
	[tilespmem:s12+$0xB0] =	vst v0;
	s12 =	smov.u32 s9  }
0x72: {  	v0 =	vld [tilespmem:s9+$0xFFFFFFC0]  }
0x73: {  	[tilespmem:s9+$0xC0] =	vst v5;
	v5 =	vld [tilespmem:s9+$0xD0]  }
0x74: {  	v3 =	vadd.f32 v3, v4;
	v4 =	vld [tilespmem:s6+$0xD0]  }
0x75: {  	v6 =	vld [tilespmem:s6+$0xFFFFFFC0]  }
0x76: {  	[tilespmem:s9+$0xFFFFFF40] =	vst v3;
	v1 =	vadd.f32 v1, v2;
	v2 =	vld [tilespmem:s9+$0x0]  }
0x77: {  	v3 =	vld [tilespmem:s6+$0x0]  }
0x78: {  	[tilespmem:s9+$0xFFFFFF80] =	vst v1;
	v1 =	vld [tilespmem:s9+$0x40]  }
0x79: {  	v7 =	vld [tilespmem:s6+$0x40];
	v4 =	vadd.f32 v4, v5  }
0x7a: {  	v0 =	vadd.f32 v6, v0;
	v5 =	vld [tilespmem:s9+$0x80]  }
0x7b: {  	[tilespmem:s9+$0xD0] =	vst v4;
	v4 =	vld [tilespmem:s9+$0xE0]  }
0x7c: {  	[tilespmem:s9+$0xFFFFFFC0] =	vst v0;
	v0 =	vadd.f32 v3, v2;
	v2 =	vld [tilespmem:s6+$0xE0]  }
0x7d: {  	v3 =	vld [tilespmem:s6+$0x80]  }
0x7e: {  	v6 =	vld [tilespmem:s9+$0xFFFFFF00];
	[tilespmem:s9+$0x0] =	vst v0;
	v0 =	vadd.f32 v7, v1  }
0x7f: {  	v1 =	vld [tilespmem:s6+$0xFFFFFF50]  }
0x80: {  	v7 =	vld [tilespmem:s6+$0xFFFFFF90];
	[tilespmem:s9+$0x40] =	vst v0  }
0x81: {  	v0 =	vld [tilespmem:s6+$0xFFFFFFD0];
	v2 =	vadd.f32 v2, v4  }
0x82: {  	v4 =	vld [tilespmem:s6+$0x10];
	v3 =	vadd.f32 v3, v5  }
0x83: {  	v5 =	vadd.f32 v8, v6;
	[tilespmem:s9+$0xE0] =	vst v2;
	v2 =	vld [tilespmem:s9+$0xF0]  }
0x84: {  	[tilespmem:s9+$0x80] =	vst v3;
	v3 =	vld [tilespmem:s6+$0xF0]  }
0x85: {  	[tilespmem:s9+$0xFFFFFF00] =	vst v5;
	v5 =	vld [tilespmem:s6+$0x50]  }
0x86: {  	v6 =	vld [tilespmem:s6+$0xFFFFFF10]  }
0x87: {  	v8 =	vld [tilespmem:s6+$0x90]  }
0x88: {  	v9 =	vld [tilespmem:s9+$0xFFFFFF10]  }
0x89: {  	v10 =	vld [tilespmem:s9+$0xFFFFFF50];
	v2 =	vadd.f32 v3, v2  }
0x8a: {  	v3 =	vld [tilespmem:s9+$0xFFFFFF90]  }
0x8b: {  	v11 =	vld [tilespmem:s9+$0xFFFFFFD0];
	[tilespmem:s9+$0xF0] =	vst v2  }
0x8c: {  	v2 =	vld [tilespmem:s9+$0x10]  }
0x8d: {  	v6 =	vadd.f32 v6, v9;
	v9 =	vld [tilespmem:s9+$0x50]  }
0x8e: {  	v1 =	vadd.f32 v1, v10;
	v10 =	vld [tilespmem:s9+$0x90]  }
0x8f: {  	[tilespmem:s9+$0xFFFFFF10] =	vst v6;
	v6 =	vld [tilespmem:s9+$0xFFFFFF20];
	v3 =	vadd.f32 v7, v3  }
0x90: {  	v7 =	vld [tilespmem:s6+$0xFFFFFF20];
	[tilespmem:s9+$0xFFFFFF50] =	vst v1;
	v0 =	vadd.f32 v0, v11  }
0x91: {  	v1 =	vld [tilespmem:s6+$0xFFFFFF60];
	[tilespmem:s9+$0xFFFFFF90] =	vst v3;
	v2 =	vadd.f32 v4, v2  }
0x92: {  	v3 =	vld [tilespmem:s6+$0xFFFFFFA0];
	[tilespmem:s9+$0xFFFFFFD0] =	vst v0;
	v0 =	vadd.f32 v5, v9  }
0x93: {  	v4 =	vld [tilespmem:s6+$0xFFFFFFE0];
	[tilespmem:s9+$0x10] =	vst v2;
	v2 =	vadd.f32 v8, v10  }
0x94: {  	v5 =	vld [tilespmem:s6+$0x20];
	[tilespmem:s9+$0x50] =	vst v0  }
0x95: {  	v0 =	vadd.f32 v7, v6;
	v6 =	vld [tilespmem:s6+$0x60];
	[tilespmem:s9+$0x90] =	vst v2  }
0x96: {  	v2 =	vld [tilespmem:s6+$0xA0]  }
0x97: {  	[tilespmem:s9+$0xFFFFFF20] =	vst v0;
	v0 =	vld [tilespmem:s9+$0xFFFFFF60]  }
0x98: {  	v7 =	vld [tilespmem:s9+$0xFFFFFFA0]  }
0x99: {  	v8 =	vld [tilespmem:s9+$0xFFFFFFE0]  }
0x9a: {  	v9 =	vld [tilespmem:s9+$0x20]  }
0x9b: {  	v10 =	vld [tilespmem:s9+$0x60]  }
0x9c: {  	v0 =	vadd.f32 v1, v0;
	v11 =	vld [tilespmem:s9+$0xA0]  }
0x9d: {  	v12 =	vld [tilespmem:s6+$0xFFFFFF30];
	v1 =	vadd.f32 v3, v7  }
0x9e: {  	v3 =	vld [tilespmem:s9+$0xFFFFFF30];
	[tilespmem:s9+$0xFFFFFF60] =	vst v0;
	v0 =	vadd.f32 v4, v8  }
0x9f: {  	v13 =	vld [tilespmem:s6+$0xFFFFFF70];
	[tilespmem:s9+$0xFFFFFFA0] =	vst v1;
	v5 =	vadd.f32 v5, v9  }
0xa0: {  	v4 =	vld [tilespmem:s6+$0xFFFFFFB0];
	[tilespmem:s9+$0xFFFFFFE0] =	vst v0;
	v0 =	vadd.f32 v6, v10  }
0xa1: {  	v1 =	vld [tilespmem:s6+$0xFFFFFFF0];
	[tilespmem:s9+$0x20] =	vst v5;
	v5 =	vadd.f32 v2, v11  }
0xa2: {  	v2 =	vld [tilespmem:s6+$0x30];
	[tilespmem:s9+$0x60] =	vst v0  }
0xa3: {  	v6 =	vadd.f32 v12, v3;
	v3 =	vld [tilespmem:s6+$0x70];
	[tilespmem:s9+$0xA0] =	vst v5  }
0xa4: {  	v0 =	vld [tilespmem:s6+$0xB0]  }
0xa5: {  	[tilespmem:s9+$0xFFFFFF30] =	vst v6;
	v6 =	vld [tilespmem:s9+$0xFFFFFF70]  }
.Ltmp0:
0xa6: {  	v9 =	vld [tilespmem:s9+$0xFFFFFFB0];
	(pc) =	sbr.rel @p1 .LBB2_3-.Ltmp0, $4  }
0xa7: {  	v8 =	vld [tilespmem:s9+$0xFFFFFFF0]  }
0xa8: {  	v7 =	vld [tilespmem:s9+$0x30]  }
0xa9: {  	v5 =	vld [tilespmem:s9+$0x70]  }
0xaa: {  	s9 =	sadd.s32 $0x200, s9;
	v10 =	vadd.f32 v13, v6;
	v6 =	vld [tilespmem:s12+$0xB0]  }
0xab: {  	v4 =	vadd.f32 v4, v9  }
0xac: {  	[tilespmem:s12+$0xFFFFFF70] =	vst v10;
	v1 =	vadd.f32 v1, v8  }
0xad: {  	[tilespmem:s12+$0xFFFFFFB0] =	vst v4;
	v2 =	vadd.f32 v2, v7  }
0xae: {  	[tilespmem:s12+$0xFFFFFFF0] =	vst v1;
	v1 =	vadd.f32 v3, v5  }
0xaf: {  	s6 =	sadd.s32 s8, s1;
	[tilespmem:s12+$0x30] =	vst v2;
	v0 =	vadd.f32 v0, v6  }
0xb0: {  	s6 =	sshll.u32 s6, $0xB;
	[tilespmem:s12+$0x70] =	vst v1  }
0xb1: {  	s6 =	sadd.s32 s5, s6;
	[tilespmem:s12+$0xB0] =	vst v0  }
0xb2: {  	[hbm4b:s6+s2] =	stream.linear.scatter [tilespmem:s14], [sflag:$0x7], $0x4000, $0x38;
	[tilespmem:$0x19A00] =	vst v63  }
0xb3: {  	s6 =	simm.s32 @!p0 $0x9  }
0xb4: {  	_ =	swait.ge @!p0 [sflag:s6], $0x4000  }
0xb5: {  	s1 =	sadd.s32 $0x2, s1;
	[sflag:s6] =	ssyncset.done @!p0 $0x0  }
0xb6: {  	s12 =	sshll.u32 s1, $0x8;
	[sflag:s6] =	ssyncadd.s32 @!p0 $0xFFFFC000  }
0xb7: {  	[tilespmem:s20], [sflag:$0x3] =	stream.indirect.gather [hbm4b:s3+s13], $0x40, s12, s13, $0xb8;
	[tilespmem:$0x19A00] =	vst v63  }
0xb8: {  	s6 =	sadd.s32 $0xD00, s12  }
0xb9: {  	[tilespmem:s21], [sflag:$0x6] =	stream.indirect.gather [hbm4b:s4+s13], $0x40, s6, s13, $0xb8;
	[tilespmem:$0x19A00] =	vst v63  }
0xba: {  	_ =	swait.ge [sflag:s22], $0x4000  }
0xbb: {  	[sflag:s22] =	ssyncset.done $0x0  }
0xbc: {  	[sflag:s22] =	ssyncadd.s32 $0xFFFFC000  }
0xbd: {  	_ =	swait.ge [sflag:s23], $0x4000  }
0xbe: {  	[sflag:s23] =	ssyncset.done $0x0  }
0xbf: {  	s12 =	simm.s32 $0x5B00;
	[sflag:s23] =	ssyncadd.s32 $0xFFFFC000  }
0xc0: {  	s6 =	simm.s32 $0x11B00;
	v0 =	vld [tilespmem:s12+$0xC0]  }
0xc1: {  	v1 =	vld [tilespmem:s6+$0xC0]  }
0xc2: {  	v2 =	vld [tilespmem:s6+$0xFFFFFF00]  }
0xc3: {  	v3 =	vld [tilespmem:s12+$0xFFFFFF40]  }
0xc4: {  	v4 =	vld [tilespmem:s12+$0xFFFFFF80]  }
0xc5: {  	v6 =	vld [tilespmem:s6+$0xFFFFFF80]  }
0xc6: {  	v7 =	vld [tilespmem:s12+$0xFFFFFFC0]  }
0xc7: {  	v8 =	vld [tilespmem:s6+$0xFFFFFFC0]  }
0xc8: {  	v9 =	vld [tilespmem:s12+$0x0]  }
0xc9: {  	v10 =	vld [tilespmem:s6+$0x0]  }
0xca: {  	v11 =	vld [tilespmem:s6+$0x40]  }
0xcb: {  	v60 =	vld [tilespmem:s12+$0xFFFFFFD0]  }
0xcc: {  	v13 =	vld [tilespmem:s12+$0x10]  }
0xcd: {  	v61 =	vld [tilespmem:s12+$0xFFFFFFE0]  }
0xce: {  	v62 =	vld [tilespmem:s12+$0x60];
	v0 =	vadd.f32 v1, v0  }
0xcf: {  	v1 =	vld [tilespmem:s6+$0xFFFFFF40]  }
0xd0: {  	[tilespmem:s12+$0xC0] =	vst v0;
	v0 =	vld [tilespmem:s12+$0xD0]  }
0xd1: {  	v5 =	vld [tilespmem:s6+$0xD0]  }
0xd2: {  	v63 =	vld [tilespmem:s12+$0xFFFFFF30];
	v4 =	vadd.f32 v6, v4  }
0xd3: {  	v6 =	vld [tilespmem:s6+$0x80]  }
0xd4: {  	[tilespmem:s12+$0xFFFFFF80] =	vst v4;
	v4 =	vadd.f32 v10, v9;
	v10 =	vld [tilespmem:s12+$0xFFFFFF50];
	v1 =	vadd.f32 v1, v3  }
0xd5: {  	v3 =	vld [tilespmem:s12+$0x80]  }
0xd6: {  	[tilespmem:s12+$0xFFFFFF40] =	vst v1;
	v0 =	vadd.f32 v5, v0;
	v5 =	vld [tilespmem:s12+$0x40]  }
0xd7: {  	v1 =	vadd.f32 v8, v7;
	v8 =	vld [tilespmem:s6+$0xFFFFFF50]  }
0xd8: {  	[tilespmem:s12+$0xD0] =	vst v0;
	v0 =	vld [tilespmem:s12+$0xE0]  }
0xd9: {  	[tilespmem:s12+$0x0] =	vst v4;
	v12 =	vld [tilespmem:s6+$0xE0]  }
0xda: {  	v9 =	vld [tilespmem:s6+$0x10]  }
0xdb: {  	v7 =	vld [tilespmem:s12+$0xFFFFFF00]  }
0xdc: {  	[tilespmem:s12+$0xFFFFFFC0] =	vst v1;
	v1 =	vld [tilespmem:s6+$0xFFFFFF90]  }
0xdd: {  	v4 =	vld [tilespmem:s6+$0xFFFFFFD0];
	v8 =	vadd.f32 v8, v10  }
0xde: {  	v5 =	vadd.f32 v11, v5;
	v11 =	vld [tilespmem:s12+$0xFFFFFF90];
	v0 =	vadd.f32 v12, v0  }
0xdf: {  	v10 =	vld [tilespmem:s12+$0x90];
	[tilespmem:s12+$0xFFFFFF50] =	vst v8  }
0xe0: {  	v8 =	vld [tilespmem:s6+$0xFFFFFF60];
	[tilespmem:s12+$0xE0] =	vst v0;
	v0 =	vadd.f32 v2, v7  }
0xe1: {  	[tilespmem:s12+$0x40] =	vst v5;
	v7 =	vld [tilespmem:s12+$0xF0];
	v2 =	vadd.f32 v6, v3  }
0xe2: {  	v5 =	vld [tilespmem:s6+$0xF0];
	[tilespmem:s12+$0xFFFFFF00] =	vst v0  }
0xe3: {  	v1 =	vadd.f32 v1, v11;
	[tilespmem:s12+$0x80] =	vst v2;
	v2 =	vld [tilespmem:s12+$0xFFFFFF10]  }
0xe4: {  	v3 =	vld [tilespmem:s6+$0xFFFFFF10]  }
0xe5: {  	[tilespmem:s12+$0xFFFFFF90] =	vst v1;
	v1 =	vadd.f32 v9, v13;
	v6 =	vld [tilespmem:s6+$0x90]  }
0xe6: {  	v4 =	vadd.f32 v4, v60;
	v0 =	vld [tilespmem:s6+$0x50]  }
0xe7: {  	v9 =	vld [tilespmem:s6+$0xFFFFFFA0];
	[tilespmem:s12+$0x10] =	vst v1  }
0xe8: {  	[tilespmem:s12+$0xFFFFFFD0] =	vst v4;
	v4 =	vld [tilespmem:s6+$0x20]  }
0xe9: {  	v2 =	vadd.f32 v3, v2;
	v3 =	vld [tilespmem:s12+$0x50]  }
0xea: {  	v1 =	vadd.f32 v6, v10;
	v10 =	vld [tilespmem:s12+$0xFFFFFFA0]  }
0xeb: {  	[tilespmem:s12+$0xFFFFFF10] =	vst v2;
	v2 =	vld [tilespmem:s12+$0xFFFFFF20]  }
0xec: {  	v11 =	vld [tilespmem:s6+$0xFFFFFF20]  }
0xed: {  	v5 =	vadd.f32 v5, v7;
	[tilespmem:s12+$0x90] =	vst v1;
	v1 =	vld [tilespmem:s12+$0xFFFFFF60]  }
0xee: {  	v7 =	vld [tilespmem:s12+$0x30]  }
0xef: {  	[tilespmem:s12+$0xF0] =	vst v5;
	v5 =	vld [tilespmem:s12+$0x70]  }
0xf0: {  	v6 =	vld [tilespmem:s6+$0xA0]  }
0xf1: {  	v0 =	vadd.f32 v0, v3;
	v3 =	vld [tilespmem:s6+$0xFFFFFFE0];
	v2 =	vadd.f32 v11, v2  }
0xf2: {  	v1 =	vadd.f32 v8, v1;
	v8 =	vadd.f32 v9, v10;
	v9 =	vld [tilespmem:s12+$0xFFFFFFB0]  }
0xf3: {  	[tilespmem:s12+$0xFFFFFF20] =	vst v2;
	v2 =	vld [tilespmem:s12+$0xA0]  }
0xf4: {  	[tilespmem:s12+$0x50] =	vst v0;
	v11 =	vld [tilespmem:s12+$0x20]  }
0xf5: {  	v0 =	vld [tilespmem:s6+$0x60];
	[tilespmem:s12+$0xFFFFFF60] =	vst v1  }
0xf6: {  	[tilespmem:s12+$0xFFFFFFA0] =	vst v8;
	v8 =	vld [tilespmem:s12+$0xFFFFFFF0]  }
0xf7: {  	v1 =	vadd.f32 v3, v61;
	v14 =	vld [tilespmem:s6+$0xFFFFFF70]  }
0xf8: {  	v10 =	vld [tilespmem:s6+$0xFFFFFF30];
	v6 =	vadd.f32 v6, v2  }
0xf9: {  	[tilespmem:s12+$0xFFFFFFE0] =	vst v1;
	v3 =	vadd.f32 v4, v11;
	v4 =	vld [tilespmem:s6+$0xFFFFFFB0]  }
0xfa: {  	v0 =	vadd.f32 v0, v62;
	[tilespmem:s12+$0xA0] =	vst v6;
	v6 =	vld [tilespmem:s12+$0xFFFFFF70]  }
0xfb: {  	v1 =	vld [tilespmem:s6+$0xFFFFFFF0];
	[tilespmem:s12+$0x20] =	vst v3  }
0xfc: {  	[tilespmem:s12+$0x60] =	vst v0;
	v2 =	vld [tilespmem:s6+$0x30]  }
0xfd: {  	v3 =	vld [tilespmem:s6+$0x70];
	v10 =	vadd.f32 v10, v63  }
0xfe: {  	v0 =	vld [tilespmem:s6+$0xB0]  }
0xff: {  	s7 =	simm.s32 $0x0;
	s9 =	simm.s32 $0x5D00;
	[tilespmem:s12+$0xFFFFFF30] =	vst v10;
	v10 =	vadd.f32 v14, v6;
	v6 =	vld [tilespmem:s12+$0xB0]  }
.LBB2_5:
0x100: {  	v11 =	vld [tilespmem:s9+$0xC0];
	v4 =	vadd.f32 v4, v9;
	s6 =	sadd.s32 $0x200, s6  }
0x101: {  	s7 =	sadd.s32 $0x8, s7;
	v9 =	vld [tilespmem:s6+$0xC0];
	[tilespmem:s12+$0xFFFFFF70] =	vst v10;
	v1 =	vadd.f32 v1, v8  }
0x102: {  	p0 =	slt.u32 s7, $0xF8;
	v8 =	vld [tilespmem:s6+$0xFFFFFF00];
	[tilespmem:s12+$0xFFFFFFB0] =	vst v4;
	v2 =	vadd.f32 v2, v7  }
0x103: {  	v4 =	vld [tilespmem:s9+$0xFFFFFF40];
	[tilespmem:s12+$0xFFFFFFF0] =	vst v1;
	v1 =	vadd.f32 v3, v5  }
0x104: {  	v3 =	vld [tilespmem:s6+$0xFFFFFF40];
	[tilespmem:s12+$0x30] =	vst v2;
	v0 =	vadd.f32 v0, v6  }
0x105: {  	v2 =	vld [tilespmem:s9+$0xFFFFFF80];
	[tilespmem:s12+$0x70] =	vst v1  }
0x106: {  	v1 =	vld [tilespmem:s6+$0xFFFFFF80];
	v5 =	vadd.f32 v9, v11;
	[tilespmem:s12+$0xB0] =	vst v0;
	s12 =	smov.u32 s9  }
0x107: {  	v0 =	vld [tilespmem:s9+$0xFFFFFFC0]  }
0x108: {  	[tilespmem:s9+$0xC0] =	vst v5;
	v5 =	vld [tilespmem:s9+$0xD0]  }
0x109: {  	v3 =	vadd.f32 v3, v4;
	v4 =	vld [tilespmem:s6+$0xD0]  }
0x10a: {  	v6 =	vld [tilespmem:s6+$0xFFFFFFC0]  }
0x10b: {  	[tilespmem:s9+$0xFFFFFF40] =	vst v3;
	v1 =	vadd.f32 v1, v2;
	v2 =	vld [tilespmem:s9+$0x0]  }
0x10c: {  	v3 =	vld [tilespmem:s6+$0x0]  }
0x10d: {  	[tilespmem:s9+$0xFFFFFF80] =	vst v1;
	v1 =	vld [tilespmem:s9+$0x40]  }
0x10e: {  	v7 =	vld [tilespmem:s6+$0x40];
	v4 =	vadd.f32 v4, v5  }
0x10f: {  	v0 =	vadd.f32 v6, v0;
	v5 =	vld [tilespmem:s9+$0x80]  }
0x110: {  	[tilespmem:s9+$0xD0] =	vst v4;
	v4 =	vld [tilespmem:s9+$0xE0]  }
0x111: {  	[tilespmem:s9+$0xFFFFFFC0] =	vst v0;
	v0 =	vadd.f32 v3, v2;
	v2 =	vld [tilespmem:s6+$0xE0]  }
0x112: {  	v3 =	vld [tilespmem:s6+$0x80]  }
0x113: {  	v6 =	vld [tilespmem:s9+$0xFFFFFF00];
	[tilespmem:s9+$0x0] =	vst v0;
	v0 =	vadd.f32 v7, v1  }
0x114: {  	v1 =	vld [tilespmem:s6+$0xFFFFFF50]  }
0x115: {  	v7 =	vld [tilespmem:s6+$0xFFFFFF90];
	[tilespmem:s9+$0x40] =	vst v0  }
0x116: {  	v0 =	vld [tilespmem:s6+$0xFFFFFFD0];
	v2 =	vadd.f32 v2, v4  }
0x117: {  	v4 =	vld [tilespmem:s6+$0x10];
	v3 =	vadd.f32 v3, v5  }
0x118: {  	v5 =	vadd.f32 v8, v6;
	[tilespmem:s9+$0xE0] =	vst v2;
	v2 =	vld [tilespmem:s9+$0xF0]  }
0x119: {  	[tilespmem:s9+$0x80] =	vst v3;
	v3 =	vld [tilespmem:s6+$0xF0]  }
0x11a: {  	[tilespmem:s9+$0xFFFFFF00] =	vst v5;
	v5 =	vld [tilespmem:s6+$0x50]  }
0x11b: {  	v6 =	vld [tilespmem:s6+$0xFFFFFF10]  }
0x11c: {  	v8 =	vld [tilespmem:s6+$0x90]  }
0x11d: {  	v9 =	vld [tilespmem:s9+$0xFFFFFF10]  }
0x11e: {  	v10 =	vld [tilespmem:s9+$0xFFFFFF50];
	v2 =	vadd.f32 v3, v2  }
0x11f: {  	v3 =	vld [tilespmem:s9+$0xFFFFFF90]  }
0x120: {  	v11 =	vld [tilespmem:s9+$0xFFFFFFD0];
	[tilespmem:s9+$0xF0] =	vst v2  }
0x121: {  	v2 =	vld [tilespmem:s9+$0x10]  }
0x122: {  	v6 =	vadd.f32 v6, v9;
	v9 =	vld [tilespmem:s9+$0x50]  }
0x123: {  	v1 =	vadd.f32 v1, v10;
	v10 =	vld [tilespmem:s9+$0x90]  }
0x124: {  	[tilespmem:s9+$0xFFFFFF10] =	vst v6;
	v6 =	vld [tilespmem:s9+$0xFFFFFF20];
	v3 =	vadd.f32 v7, v3  }
0x125: {  	v7 =	vld [tilespmem:s6+$0xFFFFFF20];
	[tilespmem:s9+$0xFFFFFF50] =	vst v1;
	v0 =	vadd.f32 v0, v11  }
0x126: {  	v1 =	vld [tilespmem:s6+$0xFFFFFF60];
	[tilespmem:s9+$0xFFFFFF90] =	vst v3;
	v2 =	vadd.f32 v4, v2  }
0x127: {  	v3 =	vld [tilespmem:s6+$0xFFFFFFA0];
	[tilespmem:s9+$0xFFFFFFD0] =	vst v0;
	v0 =	vadd.f32 v5, v9  }
0x128: {  	v4 =	vld [tilespmem:s6+$0xFFFFFFE0];
	[tilespmem:s9+$0x10] =	vst v2;
	v2 =	vadd.f32 v8, v10  }
0x129: {  	v5 =	vld [tilespmem:s6+$0x20];
	[tilespmem:s9+$0x50] =	vst v0  }
0x12a: {  	v0 =	vadd.f32 v7, v6;
	v6 =	vld [tilespmem:s6+$0x60];
	[tilespmem:s9+$0x90] =	vst v2  }
0x12b: {  	v2 =	vld [tilespmem:s6+$0xA0]  }
0x12c: {  	[tilespmem:s9+$0xFFFFFF20] =	vst v0;
	v0 =	vld [tilespmem:s9+$0xFFFFFF60]  }
0x12d: {  	v7 =	vld [tilespmem:s9+$0xFFFFFFA0]  }
0x12e: {  	v8 =	vld [tilespmem:s9+$0xFFFFFFE0]  }
0x12f: {  	v9 =	vld [tilespmem:s9+$0x20]  }
0x130: {  	v10 =	vld [tilespmem:s9+$0x60]  }
0x131: {  	v0 =	vadd.f32 v1, v0;
	v11 =	vld [tilespmem:s9+$0xA0]  }
0x132: {  	v12 =	vld [tilespmem:s6+$0xFFFFFF30];
	v1 =	vadd.f32 v3, v7  }
0x133: {  	v3 =	vld [tilespmem:s9+$0xFFFFFF30];
	[tilespmem:s9+$0xFFFFFF60] =	vst v0;
	v0 =	vadd.f32 v4, v8  }
0x134: {  	v13 =	vld [tilespmem:s6+$0xFFFFFF70];
	[tilespmem:s9+$0xFFFFFFA0] =	vst v1;
	v5 =	vadd.f32 v5, v9  }
0x135: {  	v4 =	vld [tilespmem:s6+$0xFFFFFFB0];
	[tilespmem:s9+$0xFFFFFFE0] =	vst v0;
	v0 =	vadd.f32 v6, v10  }
0x136: {  	v1 =	vld [tilespmem:s6+$0xFFFFFFF0];
	[tilespmem:s9+$0x20] =	vst v5;
	v5 =	vadd.f32 v2, v11  }
0x137: {  	v2 =	vld [tilespmem:s6+$0x30];
	[tilespmem:s9+$0x60] =	vst v0  }
0x138: {  	v6 =	vadd.f32 v12, v3;
	v3 =	vld [tilespmem:s6+$0x70];
	[tilespmem:s9+$0xA0] =	vst v5  }
0x139: {  	v0 =	vld [tilespmem:s6+$0xB0]  }
0x13a: {  	[tilespmem:s9+$0xFFFFFF30] =	vst v6;
	v6 =	vld [tilespmem:s9+$0xFFFFFF70]  }
.Ltmp1:
0x13b: {  	v9 =	vld [tilespmem:s9+$0xFFFFFFB0];
	(pc) =	sbr.rel @p0 .LBB2_5-.Ltmp1, $4  }
0x13c: {  	v8 =	vld [tilespmem:s9+$0xFFFFFFF0]  }
0x13d: {  	v7 =	vld [tilespmem:s9+$0x30]  }
0x13e: {  	v5 =	vld [tilespmem:s9+$0x70]  }
0x13f: {  	s9 =	sadd.s32 $0x200, s9;
	v10 =	vadd.f32 v13, v6;
	v6 =	vld [tilespmem:s12+$0xB0]  }
0x140: {  	v4 =	vadd.f32 v4, v9  }
0x141: {  	[tilespmem:s12+$0xFFFFFF70] =	vst v10;
	v1 =	vadd.f32 v1, v8  }
0x142: {  	[tilespmem:s12+$0xFFFFFFB0] =	vst v4;
	v2 =	vadd.f32 v2, v7  }
0x143: {  	s0 =	sadd.s32 s8, s0;
	[tilespmem:s12+$0xFFFFFFF0] =	vst v1;
	v1 =	vadd.f32 v3, v5  }
0x144: {  	s0 =	sshll.u32 s0, $0xB;
	[tilespmem:s12+$0x30] =	vst v2;
	v0 =	vadd.f32 v0, v6  }
0x145: {  	s0 =	sand.u32 $0x1FFFF800, s0;
	[tilespmem:s12+$0x70] =	vst v1  }
0x146: {  	s0 =	sadd.s32 s5, s0;
	[tilespmem:s12+$0xB0] =	vst v0  }
0x147: {  	[hbm4b:s0+s2] =	stream.linear.scatter [tilespmem:s16], [sflag:$0x8], $0x4000, $0x38;
	[tilespmem:$0x19A00] =	vst v63  }
0x148: {  	s12 =	smul.u32 $0x300, s31;
	_ =	swait.ge [sflag:s24], $0x4000  }
0x149: {  	[sflag:s24] =	ssyncset.done $0x0  }
0x14a: {  	s6 =	sadd.s32 $0x300, s12;
	[sflag:s24] =	ssyncadd.s32 $0xFFFFC000  }
0x14b: {  	[tilespmem:s14], [sflag:$0x1] =	stream.indirect.gather [hbm4b:s3+s13], $0x40, s6, s13, $0xb8;
	[tilespmem:$0x19A00] =	vst v63  }
0x14c: {  	s0 =	sadd.s32 $0x1000, s12  }
0x14d: {  	[tilespmem:s15], [sflag:$0x4] =	stream.indirect.gather [hbm4b:s4+s13], $0x40, s0, s13, $0xb8;
	[tilespmem:$0x19A00] =	vst v63  }
0x14e: {  	_ =	swait.ge [sflag:s25], $0x4000  }
0x14f: {  	[sflag:s25] =	ssyncset.done $0x0  }
0x150: {  	[sflag:s25] =	ssyncadd.s32 $0xFFFFC000  }
0x151: {  	_ =	swait.ge [sflag:s26], $0x4000  }
0x152: {  	[sflag:s26] =	ssyncset.done $0x0  }
0x153: {  	s0 =	simm.s32 $0x9B00;
	[sflag:s26] =	ssyncadd.s32 $0xFFFFC000  }
0x154: {  	s6 =	simm.s32 $0x15B00;
	v0 =	vld [tilespmem:s0+$0xC0]  }
0x155: {  	v1 =	vld [tilespmem:s6+$0xC0]  }
0x156: {  	v2 =	vld [tilespmem:s6+$0xFFFFFF00]  }
0x157: {  	v3 =	vld [tilespmem:s0+$0xFFFFFF40]  }
0x158: {  	v4 =	vld [tilespmem:s0+$0xFFFFFF80]  }
0x159: {  	v6 =	vld [tilespmem:s6+$0xFFFFFF80]  }
0x15a: {  	v7 =	vld [tilespmem:s0+$0xFFFFFFC0]  }
0x15b: {  	v8 =	vld [tilespmem:s6+$0xFFFFFFC0]  }
0x15c: {  	v9 =	vld [tilespmem:s0+$0x0]  }
0x15d: {  	v10 =	vld [tilespmem:s6+$0x0]  }
0x15e: {  	v11 =	vld [tilespmem:s6+$0x40]  }
0x15f: {  	v60 =	vld [tilespmem:s0+$0xFFFFFFD0]  }
0x160: {  	v13 =	vld [tilespmem:s0+$0x10]  }
0x161: {  	v61 =	vld [tilespmem:s0+$0xFFFFFFE0]  }
0x162: {  	v62 =	vld [tilespmem:s0+$0x60];
	v0 =	vadd.f32 v1, v0  }
0x163: {  	v1 =	vld [tilespmem:s6+$0xFFFFFF40]  }
0x164: {  	[tilespmem:s0+$0xC0] =	vst v0;
	v0 =	vld [tilespmem:s0+$0xD0]  }
0x165: {  	v5 =	vld [tilespmem:s6+$0xD0]  }
0x166: {  	v63 =	vld [tilespmem:s0+$0xFFFFFF30];
	v4 =	vadd.f32 v6, v4  }
0x167: {  	v6 =	vld [tilespmem:s6+$0x80]  }
0x168: {  	[tilespmem:s0+$0xFFFFFF80] =	vst v4;
	v4 =	vadd.f32 v10, v9;
	v10 =	vld [tilespmem:s0+$0xFFFFFF50];
	v1 =	vadd.f32 v1, v3  }
0x169: {  	v3 =	vld [tilespmem:s0+$0x80]  }
0x16a: {  	[tilespmem:s0+$0xFFFFFF40] =	vst v1;
	v0 =	vadd.f32 v5, v0;
	v5 =	vld [tilespmem:s0+$0x40]  }
0x16b: {  	v1 =	vadd.f32 v8, v7;
	v8 =	vld [tilespmem:s6+$0xFFFFFF50]  }
0x16c: {  	[tilespmem:s0+$0xD0] =	vst v0;
	v0 =	vld [tilespmem:s0+$0xE0]  }
0x16d: {  	[tilespmem:s0+$0x0] =	vst v4;
	v12 =	vld [tilespmem:s6+$0xE0]  }
0x16e: {  	v9 =	vld [tilespmem:s6+$0x10]  }
0x16f: {  	v7 =	vld [tilespmem:s0+$0xFFFFFF00]  }
0x170: {  	[tilespmem:s0+$0xFFFFFFC0] =	vst v1;
	v1 =	vld [tilespmem:s6+$0xFFFFFF90]  }
0x171: {  	v4 =	vld [tilespmem:s6+$0xFFFFFFD0];
	v8 =	vadd.f32 v8, v10  }
0x172: {  	v5 =	vadd.f32 v11, v5;
	v11 =	vld [tilespmem:s0+$0xFFFFFF90];
	v0 =	vadd.f32 v12, v0  }
0x173: {  	v10 =	vld [tilespmem:s0+$0x90];
	[tilespmem:s0+$0xFFFFFF50] =	vst v8  }
0x174: {  	v8 =	vld [tilespmem:s6+$0xFFFFFF60];
	[tilespmem:s0+$0xE0] =	vst v0;
	v0 =	vadd.f32 v2, v7  }
0x175: {  	[tilespmem:s0+$0x40] =	vst v5;
	v7 =	vld [tilespmem:s0+$0xF0];
	v2 =	vadd.f32 v6, v3  }
0x176: {  	v5 =	vld [tilespmem:s6+$0xF0];
	[tilespmem:s0+$0xFFFFFF00] =	vst v0  }
0x177: {  	v1 =	vadd.f32 v1, v11;
	[tilespmem:s0+$0x80] =	vst v2;
	v2 =	vld [tilespmem:s0+$0xFFFFFF10]  }
0x178: {  	v3 =	vld [tilespmem:s6+$0xFFFFFF10]  }
0x179: {  	[tilespmem:s0+$0xFFFFFF90] =	vst v1;
	v1 =	vadd.f32 v9, v13;
	v6 =	vld [tilespmem:s6+$0x90]  }
0x17a: {  	v4 =	vadd.f32 v4, v60;
	v0 =	vld [tilespmem:s6+$0x50]  }
0x17b: {  	v9 =	vld [tilespmem:s6+$0xFFFFFFA0];
	[tilespmem:s0+$0x10] =	vst v1  }
0x17c: {  	[tilespmem:s0+$0xFFFFFFD0] =	vst v4;
	v4 =	vld [tilespmem:s6+$0x20]  }
0x17d: {  	v2 =	vadd.f32 v3, v2;
	v3 =	vld [tilespmem:s0+$0x50]  }
0x17e: {  	v1 =	vadd.f32 v6, v10;
	v10 =	vld [tilespmem:s0+$0xFFFFFFA0]  }
0x17f: {  	[tilespmem:s0+$0xFFFFFF10] =	vst v2;
	v2 =	vld [tilespmem:s0+$0xFFFFFF20]  }
0x180: {  	v11 =	vld [tilespmem:s6+$0xFFFFFF20]  }
0x181: {  	v5 =	vadd.f32 v5, v7;
	[tilespmem:s0+$0x90] =	vst v1;
	v1 =	vld [tilespmem:s0+$0xFFFFFF60]  }
0x182: {  	v7 =	vld [tilespmem:s0+$0x30]  }
0x183: {  	[tilespmem:s0+$0xF0] =	vst v5;
	v5 =	vld [tilespmem:s0+$0x70]  }
0x184: {  	v6 =	vld [tilespmem:s6+$0xA0]  }
0x185: {  	v0 =	vadd.f32 v0, v3;
	v3 =	vld [tilespmem:s6+$0xFFFFFFE0];
	v2 =	vadd.f32 v11, v2  }
0x186: {  	v1 =	vadd.f32 v8, v1;
	v8 =	vadd.f32 v9, v10;
	v9 =	vld [tilespmem:s0+$0xFFFFFFB0]  }
0x187: {  	[tilespmem:s0+$0xFFFFFF20] =	vst v2;
	v2 =	vld [tilespmem:s0+$0xA0]  }
0x188: {  	[tilespmem:s0+$0x50] =	vst v0;
	v11 =	vld [tilespmem:s0+$0x20]  }
0x189: {  	v0 =	vld [tilespmem:s6+$0x60];
	[tilespmem:s0+$0xFFFFFF60] =	vst v1  }
0x18a: {  	[tilespmem:s0+$0xFFFFFFA0] =	vst v8;
	v8 =	vld [tilespmem:s0+$0xFFFFFFF0]  }
0x18b: {  	v1 =	vadd.f32 v3, v61;
	v14 =	vld [tilespmem:s6+$0xFFFFFF70]  }
0x18c: {  	v10 =	vld [tilespmem:s6+$0xFFFFFF30];
	v6 =	vadd.f32 v6, v2  }
0x18d: {  	[tilespmem:s0+$0xFFFFFFE0] =	vst v1;
	v3 =	vadd.f32 v4, v11;
	v4 =	vld [tilespmem:s6+$0xFFFFFFB0]  }
0x18e: {  	v0 =	vadd.f32 v0, v62;
	[tilespmem:s0+$0xA0] =	vst v6;
	v6 =	vld [tilespmem:s0+$0xFFFFFF70]  }
0x18f: {  	v1 =	vld [tilespmem:s6+$0xFFFFFFF0];
	[tilespmem:s0+$0x20] =	vst v3  }
0x190: {  	[tilespmem:s0+$0x60] =	vst v0;
	v2 =	vld [tilespmem:s6+$0x30]  }
0x191: {  	v3 =	vld [tilespmem:s6+$0x70];
	v10 =	vadd.f32 v10, v63  }
0x192: {  	v0 =	vld [tilespmem:s6+$0xB0]  }
0x193: {  	s7 =	simm.s32 $0x0;
	s9 =	simm.s32 $0x9D00;
	[tilespmem:s0+$0xFFFFFF30] =	vst v10;
	v10 =	vadd.f32 v14, v6;
	v6 =	vld [tilespmem:s0+$0xB0]  }
.LBB2_7:
0x194: {  	v11 =	vld [tilespmem:s9+$0xC0];
	v4 =	vadd.f32 v4, v9;
	s6 =	sadd.s32 $0x200, s6  }
0x195: {  	s7 =	sadd.s32 $0x8, s7;
	v9 =	vld [tilespmem:s6+$0xC0];
	[tilespmem:s0+$0xFFFFFF70] =	vst v10;
	v1 =	vadd.f32 v1, v8  }
0x196: {  	p0 =	slt.u32 s7, $0xF8;
	v8 =	vld [tilespmem:s6+$0xFFFFFF00];
	[tilespmem:s0+$0xFFFFFFB0] =	vst v4;
	v2 =	vadd.f32 v2, v7  }
0x197: {  	v4 =	vld [tilespmem:s9+$0xFFFFFF40];
	[tilespmem:s0+$0xFFFFFFF0] =	vst v1;
	v1 =	vadd.f32 v3, v5  }
0x198: {  	v3 =	vld [tilespmem:s6+$0xFFFFFF40];
	[tilespmem:s0+$0x30] =	vst v2;
	v0 =	vadd.f32 v0, v6  }
0x199: {  	v2 =	vld [tilespmem:s9+$0xFFFFFF80];
	[tilespmem:s0+$0x70] =	vst v1  }
0x19a: {  	v1 =	vld [tilespmem:s6+$0xFFFFFF80];
	v5 =	vadd.f32 v9, v11;
	[tilespmem:s0+$0xB0] =	vst v0;
	s0 =	smov.u32 s9  }
0x19b: {  	v0 =	vld [tilespmem:s9+$0xFFFFFFC0]  }
0x19c: {  	[tilespmem:s9+$0xC0] =	vst v5;
	v5 =	vld [tilespmem:s9+$0xD0]  }
0x19d: {  	v3 =	vadd.f32 v3, v4;
	v4 =	vld [tilespmem:s6+$0xD0]  }
0x19e: {  	v6 =	vld [tilespmem:s6+$0xFFFFFFC0]  }
0x19f: {  	[tilespmem:s9+$0xFFFFFF40] =	vst v3;
	v1 =	vadd.f32 v1, v2;
	v2 =	vld [tilespmem:s9+$0x0]  }
0x1a0: {  	v3 =	vld [tilespmem:s6+$0x0]  }
0x1a1: {  	[tilespmem:s9+$0xFFFFFF80] =	vst v1;
	v1 =	vld [tilespmem:s9+$0x40]  }
0x1a2: {  	v7 =	vld [tilespmem:s6+$0x40];
	v4 =	vadd.f32 v4, v5  }
0x1a3: {  	v0 =	vadd.f32 v6, v0;
	v5 =	vld [tilespmem:s9+$0x80]  }
0x1a4: {  	[tilespmem:s9+$0xD0] =	vst v4;
	v4 =	vld [tilespmem:s9+$0xE0]  }
0x1a5: {  	[tilespmem:s9+$0xFFFFFFC0] =	vst v0;
	v0 =	vadd.f32 v3, v2;
	v2 =	vld [tilespmem:s6+$0xE0]  }
0x1a6: {  	v3 =	vld [tilespmem:s6+$0x80]  }
0x1a7: {  	v6 =	vld [tilespmem:s9+$0xFFFFFF00];
	[tilespmem:s9+$0x0] =	vst v0;
	v0 =	vadd.f32 v7, v1  }
0x1a8: {  	v1 =	vld [tilespmem:s6+$0xFFFFFF50]  }
0x1a9: {  	v7 =	vld [tilespmem:s6+$0xFFFFFF90];
	[tilespmem:s9+$0x40] =	vst v0  }
0x1aa: {  	v0 =	vld [tilespmem:s6+$0xFFFFFFD0];
	v2 =	vadd.f32 v2, v4  }
0x1ab: {  	v4 =	vld [tilespmem:s6+$0x10];
	v3 =	vadd.f32 v3, v5  }
0x1ac: {  	v5 =	vadd.f32 v8, v6;
	[tilespmem:s9+$0xE0] =	vst v2;
	v2 =	vld [tilespmem:s9+$0xF0]  }
0x1ad: {  	[tilespmem:s9+$0x80] =	vst v3;
	v3 =	vld [tilespmem:s6+$0xF0]  }
0x1ae: {  	[tilespmem:s9+$0xFFFFFF00] =	vst v5;
	v5 =	vld [tilespmem:s6+$0x50]  }
0x1af: {  	v6 =	vld [tilespmem:s6+$0xFFFFFF10]  }
0x1b0: {  	v8 =	vld [tilespmem:s6+$0x90]  }
0x1b1: {  	v9 =	vld [tilespmem:s9+$0xFFFFFF10]  }
0x1b2: {  	v10 =	vld [tilespmem:s9+$0xFFFFFF50];
	v2 =	vadd.f32 v3, v2  }
0x1b3: {  	v3 =	vld [tilespmem:s9+$0xFFFFFF90]  }
0x1b4: {  	v11 =	vld [tilespmem:s9+$0xFFFFFFD0];
	[tilespmem:s9+$0xF0] =	vst v2  }
0x1b5: {  	v2 =	vld [tilespmem:s9+$0x10]  }
0x1b6: {  	v6 =	vadd.f32 v6, v9;
	v9 =	vld [tilespmem:s9+$0x50]  }
0x1b7: {  	v1 =	vadd.f32 v1, v10;
	v10 =	vld [tilespmem:s9+$0x90]  }
0x1b8: {  	[tilespmem:s9+$0xFFFFFF10] =	vst v6;
	v6 =	vld [tilespmem:s9+$0xFFFFFF20];
	v3 =	vadd.f32 v7, v3  }
0x1b9: {  	v7 =	vld [tilespmem:s6+$0xFFFFFF20];
	[tilespmem:s9+$0xFFFFFF50] =	vst v1;
	v0 =	vadd.f32 v0, v11  }
0x1ba: {  	v1 =	vld [tilespmem:s6+$0xFFFFFF60];
	[tilespmem:s9+$0xFFFFFF90] =	vst v3;
	v2 =	vadd.f32 v4, v2  }
0x1bb: {  	v3 =	vld [tilespmem:s6+$0xFFFFFFA0];
	[tilespmem:s9+$0xFFFFFFD0] =	vst v0;
	v0 =	vadd.f32 v5, v9  }
0x1bc: {  	v4 =	vld [tilespmem:s6+$0xFFFFFFE0];
	[tilespmem:s9+$0x10] =	vst v2;
	v2 =	vadd.f32 v8, v10  }
0x1bd: {  	v5 =	vld [tilespmem:s6+$0x20];
	[tilespmem:s9+$0x50] =	vst v0  }
0x1be: {  	v0 =	vadd.f32 v7, v6;
	v6 =	vld [tilespmem:s6+$0x60];
	[tilespmem:s9+$0x90] =	vst v2  }
0x1bf: {  	v2 =	vld [tilespmem:s6+$0xA0]  }
0x1c0: {  	[tilespmem:s9+$0xFFFFFF20] =	vst v0;
	v0 =	vld [tilespmem:s9+$0xFFFFFF60]  }
0x1c1: {  	v7 =	vld [tilespmem:s9+$0xFFFFFFA0]  }
0x1c2: {  	v8 =	vld [tilespmem:s9+$0xFFFFFFE0]  }
0x1c3: {  	v9 =	vld [tilespmem:s9+$0x20]  }
0x1c4: {  	v10 =	vld [tilespmem:s9+$0x60]  }
0x1c5: {  	v0 =	vadd.f32 v1, v0;
	v11 =	vld [tilespmem:s9+$0xA0]  }
0x1c6: {  	v12 =	vld [tilespmem:s6+$0xFFFFFF30];
	v1 =	vadd.f32 v3, v7  }
0x1c7: {  	v3 =	vld [tilespmem:s9+$0xFFFFFF30];
	[tilespmem:s9+$0xFFFFFF60] =	vst v0;
	v0 =	vadd.f32 v4, v8  }
0x1c8: {  	v13 =	vld [tilespmem:s6+$0xFFFFFF70];
	[tilespmem:s9+$0xFFFFFFA0] =	vst v1;
	v5 =	vadd.f32 v5, v9  }
0x1c9: {  	v4 =	vld [tilespmem:s6+$0xFFFFFFB0];
	[tilespmem:s9+$0xFFFFFFE0] =	vst v0;
	v0 =	vadd.f32 v6, v10  }
0x1ca: {  	v1 =	vld [tilespmem:s6+$0xFFFFFFF0];
	[tilespmem:s9+$0x20] =	vst v5;
	v5 =	vadd.f32 v2, v11  }
0x1cb: {  	v2 =	vld [tilespmem:s6+$0x30];
	[tilespmem:s9+$0x60] =	vst v0  }
0x1cc: {  	v6 =	vadd.f32 v12, v3;
	v3 =	vld [tilespmem:s6+$0x70];
	[tilespmem:s9+$0xA0] =	vst v5  }
0x1cd: {  	v0 =	vld [tilespmem:s6+$0xB0]  }
0x1ce: {  	[tilespmem:s9+$0xFFFFFF30] =	vst v6;
	v6 =	vld [tilespmem:s9+$0xFFFFFF70]  }
.Ltmp2:
0x1cf: {  	v9 =	vld [tilespmem:s9+$0xFFFFFFB0];
	(pc) =	sbr.rel @p0 .LBB2_7-.Ltmp2, $4  }
0x1d0: {  	v8 =	vld [tilespmem:s9+$0xFFFFFFF0]  }
0x1d1: {  	v7 =	vld [tilespmem:s9+$0x30]  }
0x1d2: {  	v5 =	vld [tilespmem:s9+$0x70]  }
0x1d3: {  	s9 =	sadd.s32 $0x200, s9;
	v10 =	vadd.f32 v13, v6;
	v6 =	vld [tilespmem:s0+$0xB0]  }
0x1d4: {  	v4 =	vadd.f32 v4, v9  }
0x1d5: {  	s31 =	sadd.s32 $0x1, s31;
	[tilespmem:s0+$0xFFFFFF70] =	vst v10;
	v1 =	vadd.f32 v1, v8  }
0x1d6: {  	p0 =	sne.s32 s31, $0x4;
	[tilespmem:s0+$0xFFFFFFB0] =	vst v4;
	v2 =	vadd.f32 v2, v7  }
.Ltmp3:
0x1d7: {  	s1 =	sadd.s32 s8, s1;
	[tilespmem:s0+$0xFFFFFFF0] =	vst v1;
	v63 =	vadd.f32 v3, v5;
	(pc) =	sbr.rel @p0 .LBB2_2-.Ltmp3, $4  }
0x1d8: {  	s1 =	sshll.u32 s1, $0xB;
	[tilespmem:s0+$0x30] =	vst v2;
	v0 =	vadd.f32 v0, v6  }
0x1d9: {  	s1 =	sand.u32 $0x1FFFF800, s1;
	[tilespmem:s0+$0x70] =	vst v63  }
0x1da: {  	s12 =	sadd.s32 s5, s1;
	[tilespmem:s0+$0xB0] =	vst v0  }
0x1db: {  	[hbm4b:s12+s2] =	stream.linear.scatter [tilespmem:s20], [sflag:$0x9], $0x4000, $0x38;
	[tilespmem:$0x19A00] =	vst v63  }
0x1dc: {  	_ =	swait.ge [sflag:s18], $0x4000  }
0x1dd: {  	[sflag:s18] =	ssyncset.done $0x0  }
0x1de: {  	[sflag:s18] =	ssyncadd.s32 $0xFFFFC000  }
0x1df: {  	_ =	swait.ge [sflag:s19], $0x4000  }
0x1e0: {  	[sflag:s19] =	ssyncset.done $0x0  }
0x1e1: {  	s0 =	simm.s32 $0x1B00;
	[sflag:s19] =	ssyncadd.s32 $0xFFFFC000  }
0x1e2: {  	s1 =	simm.s32 $0xDB00;
	v0 =	vld [tilespmem:s0+$0xC0]  }
0x1e3: {  	v1 =	vld [tilespmem:s1+$0xC0]  }
0x1e4: {  	v2 =	vld [tilespmem:s1+$0xFFFFFF00]  }
0x1e5: {  	v3 =	vld [tilespmem:s0+$0xFFFFFF40]  }
0x1e6: {  	v4 =	vld [tilespmem:s0+$0xFFFFFF80]  }
0x1e7: {  	v6 =	vld [tilespmem:s1+$0xFFFFFF80]  }
0x1e8: {  	v7 =	vld [tilespmem:s0+$0xFFFFFFC0]  }
0x1e9: {  	v8 =	vld [tilespmem:s1+$0xFFFFFFC0]  }
0x1ea: {  	v9 =	vld [tilespmem:s0+$0x0]  }
0x1eb: {  	v10 =	vld [tilespmem:s1+$0x0]  }
0x1ec: {  	v11 =	vld [tilespmem:s1+$0x40]  }
0x1ed: {  	v60 =	vld [tilespmem:s0+$0xFFFFFFD0]  }
0x1ee: {  	v13 =	vld [tilespmem:s0+$0x10]  }
0x1ef: {  	v61 =	vld [tilespmem:s0+$0xFFFFFFE0]  }
0x1f0: {  	v62 =	vld [tilespmem:s0+$0x60];
	v0 =	vadd.f32 v1, v0  }
0x1f1: {  	v1 =	vld [tilespmem:s1+$0xFFFFFF40]  }
0x1f2: {  	[tilespmem:s0+$0xC0] =	vst v0;
	v0 =	vld [tilespmem:s0+$0xD0]  }
0x1f3: {  	v5 =	vld [tilespmem:s1+$0xD0]  }
0x1f4: {  	v63 =	vld [tilespmem:s0+$0xFFFFFF30];
	v4 =	vadd.f32 v6, v4  }
0x1f5: {  	v6 =	vld [tilespmem:s1+$0x80]  }
0x1f6: {  	[tilespmem:s0+$0xFFFFFF80] =	vst v4;
	v4 =	vadd.f32 v10, v9;
	v10 =	vld [tilespmem:s0+$0xFFFFFF50];
	v1 =	vadd.f32 v1, v3  }
0x1f7: {  	v3 =	vld [tilespmem:s0+$0x80]  }
0x1f8: {  	[tilespmem:s0+$0xFFFFFF40] =	vst v1;
	v0 =	vadd.f32 v5, v0;
	v5 =	vld [tilespmem:s0+$0x40]  }
0x1f9: {  	v1 =	vadd.f32 v8, v7;
	v8 =	vld [tilespmem:s1+$0xFFFFFF50]  }
0x1fa: {  	[tilespmem:s0+$0xD0] =	vst v0;
	v0 =	vld [tilespmem:s0+$0xE0]  }
0x1fb: {  	[tilespmem:s0+$0x0] =	vst v4;
	v12 =	vld [tilespmem:s1+$0xE0]  }
0x1fc: {  	v9 =	vld [tilespmem:s1+$0x10]  }
0x1fd: {  	v7 =	vld [tilespmem:s0+$0xFFFFFF00]  }
0x1fe: {  	[tilespmem:s0+$0xFFFFFFC0] =	vst v1;
	v1 =	vld [tilespmem:s1+$0xFFFFFF90]  }
0x1ff: {  	v4 =	vld [tilespmem:s1+$0xFFFFFFD0];
	v8 =	vadd.f32 v8, v10  }
0x200: {  	v5 =	vadd.f32 v11, v5;
	v11 =	vld [tilespmem:s0+$0xFFFFFF90];
	v0 =	vadd.f32 v12, v0  }
0x201: {  	v10 =	vld [tilespmem:s0+$0x90];
	[tilespmem:s0+$0xFFFFFF50] =	vst v8  }
0x202: {  	v8 =	vld [tilespmem:s1+$0xFFFFFF60];
	[tilespmem:s0+$0xE0] =	vst v0;
	v0 =	vadd.f32 v2, v7  }
0x203: {  	[tilespmem:s0+$0x40] =	vst v5;
	v7 =	vld [tilespmem:s0+$0xF0];
	v2 =	vadd.f32 v6, v3  }
0x204: {  	v5 =	vld [tilespmem:s1+$0xF0];
	[tilespmem:s0+$0xFFFFFF00] =	vst v0  }
0x205: {  	v1 =	vadd.f32 v1, v11;
	[tilespmem:s0+$0x80] =	vst v2;
	v2 =	vld [tilespmem:s0+$0xFFFFFF10]  }
0x206: {  	v3 =	vld [tilespmem:s1+$0xFFFFFF10]  }
0x207: {  	[tilespmem:s0+$0xFFFFFF90] =	vst v1;
	v1 =	vadd.f32 v9, v13;
	v6 =	vld [tilespmem:s1+$0x90]  }
0x208: {  	v4 =	vadd.f32 v4, v60;
	v0 =	vld [tilespmem:s1+$0x50]  }
0x209: {  	v9 =	vld [tilespmem:s1+$0xFFFFFFA0];
	[tilespmem:s0+$0x10] =	vst v1  }
0x20a: {  	[tilespmem:s0+$0xFFFFFFD0] =	vst v4;
	v4 =	vld [tilespmem:s1+$0x20]  }
0x20b: {  	v2 =	vadd.f32 v3, v2;
	v3 =	vld [tilespmem:s0+$0x50]  }
0x20c: {  	v1 =	vadd.f32 v6, v10;
	v10 =	vld [tilespmem:s0+$0xFFFFFFA0]  }
0x20d: {  	[tilespmem:s0+$0xFFFFFF10] =	vst v2;
	v2 =	vld [tilespmem:s0+$0xFFFFFF20]  }
0x20e: {  	v11 =	vld [tilespmem:s1+$0xFFFFFF20]  }
0x20f: {  	v5 =	vadd.f32 v5, v7;
	[tilespmem:s0+$0x90] =	vst v1;
	v1 =	vld [tilespmem:s0+$0xFFFFFF60]  }
0x210: {  	v7 =	vld [tilespmem:s0+$0x30]  }
0x211: {  	[tilespmem:s0+$0xF0] =	vst v5;
	v5 =	vld [tilespmem:s0+$0x70]  }
0x212: {  	v6 =	vld [tilespmem:s1+$0xA0]  }
0x213: {  	v0 =	vadd.f32 v0, v3;
	v3 =	vld [tilespmem:s1+$0xFFFFFFE0];
	v2 =	vadd.f32 v11, v2  }
0x214: {  	v1 =	vadd.f32 v8, v1;
	v8 =	vadd.f32 v9, v10;
	v9 =	vld [tilespmem:s0+$0xFFFFFFB0]  }
0x215: {  	[tilespmem:s0+$0xFFFFFF20] =	vst v2;
	v2 =	vld [tilespmem:s0+$0xA0]  }
0x216: {  	[tilespmem:s0+$0x50] =	vst v0;
	v11 =	vld [tilespmem:s0+$0x20]  }
0x217: {  	v0 =	vld [tilespmem:s1+$0x60];
	[tilespmem:s0+$0xFFFFFF60] =	vst v1  }
0x218: {  	[tilespmem:s0+$0xFFFFFFA0] =	vst v8;
	v8 =	vld [tilespmem:s0+$0xFFFFFFF0]  }
0x219: {  	v1 =	vadd.f32 v3, v61;
	v14 =	vld [tilespmem:s1+$0xFFFFFF70]  }
0x21a: {  	v10 =	vld [tilespmem:s1+$0xFFFFFF30];
	v6 =	vadd.f32 v6, v2  }
0x21b: {  	[tilespmem:s0+$0xFFFFFFE0] =	vst v1;
	v3 =	vadd.f32 v4, v11;
	v4 =	vld [tilespmem:s1+$0xFFFFFFB0]  }
0x21c: {  	v0 =	vadd.f32 v0, v62;
	[tilespmem:s0+$0xA0] =	vst v6;
	v6 =	vld [tilespmem:s0+$0xFFFFFF70]  }
0x21d: {  	v1 =	vld [tilespmem:s1+$0xFFFFFFF0];
	[tilespmem:s0+$0x20] =	vst v3  }
0x21e: {  	[tilespmem:s0+$0x60] =	vst v0;
	v2 =	vld [tilespmem:s1+$0x30]  }
0x21f: {  	v3 =	vld [tilespmem:s1+$0x70];
	v10 =	vadd.f32 v10, v63  }
0x220: {  	v0 =	vld [tilespmem:s1+$0xB0]  }
0x221: {  	s6 =	simm.s32 $0x0;
	s7 =	simm.s32 $0x1D00;
	[tilespmem:s0+$0xFFFFFF30] =	vst v10;
	v10 =	vadd.f32 v14, v6;
	v6 =	vld [tilespmem:s0+$0xB0]  }
.LBB2_10:
0x222: {  	v11 =	vld [tilespmem:s7+$0xC0];
	v4 =	vadd.f32 v4, v9;
	s1 =	sadd.s32 $0x200, s1  }
0x223: {  	s6 =	sadd.s32 $0x8, s6;
	v9 =	vld [tilespmem:s1+$0xC0];
	[tilespmem:s0+$0xFFFFFF70] =	vst v10;
	v1 =	vadd.f32 v1, v8  }
0x224: {  	p0 =	slt.u32 s6, $0xF8;
	v8 =	vld [tilespmem:s1+$0xFFFFFF00];
	[tilespmem:s0+$0xFFFFFFB0] =	vst v4;
	v2 =	vadd.f32 v2, v7  }
0x225: {  	v4 =	vld [tilespmem:s7+$0xFFFFFF40];
	[tilespmem:s0+$0xFFFFFFF0] =	vst v1;
	v1 =	vadd.f32 v3, v5  }
0x226: {  	v3 =	vld [tilespmem:s1+$0xFFFFFF40];
	[tilespmem:s0+$0x30] =	vst v2;
	v0 =	vadd.f32 v0, v6  }
0x227: {  	v2 =	vld [tilespmem:s7+$0xFFFFFF80];
	[tilespmem:s0+$0x70] =	vst v1  }
0x228: {  	v1 =	vld [tilespmem:s1+$0xFFFFFF80];
	v5 =	vadd.f32 v9, v11;
	[tilespmem:s0+$0xB0] =	vst v0;
	s0 =	smov.u32 s7  }
0x229: {  	v0 =	vld [tilespmem:s7+$0xFFFFFFC0]  }
0x22a: {  	[tilespmem:s7+$0xC0] =	vst v5;
	v5 =	vld [tilespmem:s7+$0xD0]  }
0x22b: {  	v3 =	vadd.f32 v3, v4;
	v4 =	vld [tilespmem:s1+$0xD0]  }
0x22c: {  	v6 =	vld [tilespmem:s1+$0xFFFFFFC0]  }
0x22d: {  	[tilespmem:s7+$0xFFFFFF40] =	vst v3;
	v1 =	vadd.f32 v1, v2;
	v2 =	vld [tilespmem:s7+$0x0]  }
0x22e: {  	v3 =	vld [tilespmem:s1+$0x0]  }
0x22f: {  	[tilespmem:s7+$0xFFFFFF80] =	vst v1;
	v1 =	vld [tilespmem:s7+$0x40]  }
0x230: {  	v7 =	vld [tilespmem:s1+$0x40];
	v4 =	vadd.f32 v4, v5  }
0x231: {  	v0 =	vadd.f32 v6, v0;
	v5 =	vld [tilespmem:s7+$0x80]  }
0x232: {  	[tilespmem:s7+$0xD0] =	vst v4;
	v4 =	vld [tilespmem:s7+$0xE0]  }
0x233: {  	[tilespmem:s7+$0xFFFFFFC0] =	vst v0;
	v0 =	vadd.f32 v3, v2;
	v2 =	vld [tilespmem:s1+$0xE0]  }
0x234: {  	v3 =	vld [tilespmem:s1+$0x80]  }
0x235: {  	v6 =	vld [tilespmem:s7+$0xFFFFFF00];
	[tilespmem:s7+$0x0] =	vst v0;
	v0 =	vadd.f32 v7, v1  }
0x236: {  	v1 =	vld [tilespmem:s1+$0xFFFFFF50]  }
0x237: {  	v7 =	vld [tilespmem:s1+$0xFFFFFF90];
	[tilespmem:s7+$0x40] =	vst v0  }
0x238: {  	v0 =	vld [tilespmem:s1+$0xFFFFFFD0];
	v2 =	vadd.f32 v2, v4  }
0x239: {  	v4 =	vld [tilespmem:s1+$0x10];
	v3 =	vadd.f32 v3, v5  }
0x23a: {  	v5 =	vadd.f32 v8, v6;
	[tilespmem:s7+$0xE0] =	vst v2;
	v2 =	vld [tilespmem:s7+$0xF0]  }
0x23b: {  	[tilespmem:s7+$0x80] =	vst v3;
	v3 =	vld [tilespmem:s1+$0xF0]  }
0x23c: {  	[tilespmem:s7+$0xFFFFFF00] =	vst v5;
	v5 =	vld [tilespmem:s1+$0x50]  }
0x23d: {  	v6 =	vld [tilespmem:s1+$0xFFFFFF10]  }
0x23e: {  	v8 =	vld [tilespmem:s1+$0x90]  }
0x23f: {  	v9 =	vld [tilespmem:s7+$0xFFFFFF10]  }
0x240: {  	v10 =	vld [tilespmem:s7+$0xFFFFFF50];
	v2 =	vadd.f32 v3, v2  }
0x241: {  	v3 =	vld [tilespmem:s7+$0xFFFFFF90]  }
0x242: {  	v11 =	vld [tilespmem:s7+$0xFFFFFFD0];
	[tilespmem:s7+$0xF0] =	vst v2  }
0x243: {  	v2 =	vld [tilespmem:s7+$0x10]  }
0x244: {  	v6 =	vadd.f32 v6, v9;
	v9 =	vld [tilespmem:s7+$0x50]  }
0x245: {  	v1 =	vadd.f32 v1, v10;
	v10 =	vld [tilespmem:s7+$0x90]  }
0x246: {  	[tilespmem:s7+$0xFFFFFF10] =	vst v6;
	v6 =	vld [tilespmem:s7+$0xFFFFFF20];
	v3 =	vadd.f32 v7, v3  }
0x247: {  	v7 =	vld [tilespmem:s1+$0xFFFFFF20];
	[tilespmem:s7+$0xFFFFFF50] =	vst v1;
	v0 =	vadd.f32 v0, v11  }
0x248: {  	v1 =	vld [tilespmem:s1+$0xFFFFFF60];
	[tilespmem:s7+$0xFFFFFF90] =	vst v3;
	v2 =	vadd.f32 v4, v2  }
0x249: {  	v3 =	vld [tilespmem:s1+$0xFFFFFFA0];
	[tilespmem:s7+$0xFFFFFFD0] =	vst v0;
	v0 =	vadd.f32 v5, v9  }
0x24a: {  	v4 =	vld [tilespmem:s1+$0xFFFFFFE0];
	[tilespmem:s7+$0x10] =	vst v2;
	v2 =	vadd.f32 v8, v10  }
0x24b: {  	v5 =	vld [tilespmem:s1+$0x20];
	[tilespmem:s7+$0x50] =	vst v0  }
0x24c: {  	v0 =	vadd.f32 v7, v6;
	v6 =	vld [tilespmem:s1+$0x60];
	[tilespmem:s7+$0x90] =	vst v2  }
0x24d: {  	v2 =	vld [tilespmem:s1+$0xA0]  }
0x24e: {  	[tilespmem:s7+$0xFFFFFF20] =	vst v0;
	v0 =	vld [tilespmem:s7+$0xFFFFFF60]  }
0x24f: {  	v7 =	vld [tilespmem:s7+$0xFFFFFFA0]  }
0x250: {  	v8 =	vld [tilespmem:s7+$0xFFFFFFE0]  }
0x251: {  	v9 =	vld [tilespmem:s7+$0x20]  }
0x252: {  	v10 =	vld [tilespmem:s7+$0x60]  }
0x253: {  	v0 =	vadd.f32 v1, v0;
	v11 =	vld [tilespmem:s7+$0xA0]  }
0x254: {  	v12 =	vld [tilespmem:s1+$0xFFFFFF30];
	v1 =	vadd.f32 v3, v7  }
0x255: {  	v3 =	vld [tilespmem:s7+$0xFFFFFF30];
	[tilespmem:s7+$0xFFFFFF60] =	vst v0;
	v0 =	vadd.f32 v4, v8  }
0x256: {  	v13 =	vld [tilespmem:s1+$0xFFFFFF70];
	[tilespmem:s7+$0xFFFFFFA0] =	vst v1;
	v5 =	vadd.f32 v5, v9  }
0x257: {  	v4 =	vld [tilespmem:s1+$0xFFFFFFB0];
	[tilespmem:s7+$0xFFFFFFE0] =	vst v0;
	v0 =	vadd.f32 v6, v10  }
0x258: {  	v1 =	vld [tilespmem:s1+$0xFFFFFFF0];
	[tilespmem:s7+$0x20] =	vst v5;
	v5 =	vadd.f32 v2, v11  }
0x259: {  	v2 =	vld [tilespmem:s1+$0x30];
	[tilespmem:s7+$0x60] =	vst v0  }
0x25a: {  	v6 =	vadd.f32 v12, v3;
	v3 =	vld [tilespmem:s1+$0x70];
	[tilespmem:s7+$0xA0] =	vst v5  }
0x25b: {  	v0 =	vld [tilespmem:s1+$0xB0]  }
0x25c: {  	[tilespmem:s7+$0xFFFFFF30] =	vst v6;
	v6 =	vld [tilespmem:s7+$0xFFFFFF70]  }
.Ltmp4:
0x25d: {  	v9 =	vld [tilespmem:s7+$0xFFFFFFB0];
	(pc) =	sbr.rel @p0 .LBB2_10-.Ltmp4, $4  }
0x25e: {  	v8 =	vld [tilespmem:s7+$0xFFFFFFF0]  }
0x25f: {  	v7 =	vld [tilespmem:s7+$0x30]  }
0x260: {  	v5 =	vld [tilespmem:s7+$0x70]  }
0x261: {  	s7 =	sadd.s32 $0x200, s7;
	v10 =	vadd.f32 v13, v6;
	v6 =	vld [tilespmem:s0+$0xB0]  }
0x262: {  	v4 =	vadd.f32 v4, v9  }
0x263: {  	[tilespmem:s0+$0xFFFFFF70] =	vst v10;
	v1 =	vadd.f32 v1, v8  }
0x264: {  	[tilespmem:s0+$0xFFFFFFB0] =	vst v4;
	v2 =	vadd.f32 v2, v7  }
0x265: {  	[tilespmem:s0+$0xFFFFFFF0] =	vst v1;
	v63 =	vadd.f32 v3, v5  }
0x266: {  	[tilespmem:s0+$0x30] =	vst v2;
	v0 =	vadd.f32 v0, v6  }
0x267: {  	[tilespmem:s0+$0x70] =	vst v63  }
0x268: {  	[tilespmem:s0+$0xB0] =	vst v0  }
0x269: {  	s0 =	rddreg [dreg:$0x4]  }
0x26a: {  	[hbm4b:s0+s2] =	stream.linear.scatter [tilespmem:s14], [sflag:$0x7], $0x4000, $0x38;
	[tilespmem:$0x19A00] =	vst v63  }
0x26b: {  	_ =	swait.ge [sflag:s28], $0x4000  }
0x26c: {  	[sflag:s28] =	ssyncset.done $0x0  }
0x26d: {  	s30 =	sadd.s32 $0x1, s30;
	[sflag:s28] =	ssyncadd.s32 $0xFFFFC000  }
0x26e: {  	p0 =	sne.s32 s30, s10;
	_ =	swait.ge [sflag:s29], $0x4000  }
.Ltmp5:
0x26f: {  	[sflag:s29] =	ssyncset.done $0x0;
	(pc) =	sbr.rel @p0 .LBB2_1-.Ltmp5, $4  }
0x270: {  	[sflag:s29] =	ssyncadd.s32 $0xFFFFC000  }
0x271: {  	_ =	swait.ge [sflag:s24], $0x4000  }
0x272: {  	[sflag:s24] =	ssyncset.done $0x0  }
0x273: {  	[sflag:s24] =	ssyncadd.s32 $0xFFFFC000  }
0x274: {  	_ =	sfence.sel $0x180000  }
0x275: {  	[bflag:$0x0] =	sbarrier.arrive $0xFFFF  }
0x276: {  	_ =	strace $0x90000050  }
0x277: {  	s0 =	stileid.u32;
	[bflag:$0x2] =	sbarrier.arrive $0xFFFF  }
0x278: {  	p0 =	sne.s32 s0, $0x0;
	s0 =	rddreg [dreg:$0x1]  }
0x279: {  	s0 =	sadd.s32 @!p0 $0x100000, s0  }
0x27a: {  	[sflag:s0] =	ssyncadd.tile.s32 @!p0 $0x1;
	_ =	shalt  }
.Lfunc_end2:
_tile_overlayer_lowered:
.L_overlay_start_2:
0x27b: {  	(tag) =	ssettag $0x2  }
0x27c: {  	s0 =	rddreg [dreg:$0x0];
	s2 =	stileid.u32  }
0x27d: {  	s1 =	rddreg [dreg:$0x1];
	p0 =	sne.s32 s2, $0x0  }
0x27e: {  	s3 =	rddreg [dreg:$0x2];
	[bflag:$0x3] =	sbarrier.arrive $0xFFFF;
	s2 =	simm.s32 @!p0 $0x1C0A  }
0x27f: {  	[timem:s3], [sflag:s2] =	dma.local @!p0 [hbm:s0], s1  }
0x280: {  	s0 =	simm.s32 @!p0 $0xA  }
0x281: {  	_ =	swait.ge @!p0 [sflag:s0], s1  }
0x282: {  	s1 =	ssub.s32 @!p0 $0x0, s1;
	[sflag:s0] =	ssyncset.done @!p0 $0x0  }
0x283: {  	[sflag:s0] =	ssyncadd.s32 @!p0 s1  }
0x284: {  	[bflag:$0x3] =	sbarrier.arrive $0xFFFF  }
0x285: {  	_ =	shalt  }

</sc_bundles>
